<compile_context>
chip_gen: v7x
topology: tpu7x:2x2x1
jax: 0.10.2.dev20260603
libtpu: 0.0.44.dev20260713+nightly
codegen_flags: <defaults>
</compile_context>

<pallas_src>
import functools

import jax
import jax.numpy as jnp
from jax import lax
from jax.experimental import pallas as pl
from jax.experimental.pallas import tpu as pltpu
from jax.experimental.pallas import tpu_sc as plsc

NC = 2
NS = 16
LN = 16
NW = NC * NS
CHUNK = 128
CW = CHUNK // 2


def _pack_body(e_ref, out_ref):
    half = e_ref.shape[1] // 2
    a = e_ref[:, :half]
    b = e_ref[:, half:]
    out_ref[...] = a | (b << 16)


def _proj_body(x_ref, w_ref, b_ref, out_ref):
    out_ref[...] = jnp.maximum(
        jnp.dot(x_ref[...], w_ref[...], preferred_element_type=jnp.float32)
        + b_ref[...], 0.0)


def _tail_body(agg_ref, cnt_ref, x_ref, wl_ref, bl_ref, wr_ref, wfc_ref,
               bfc_ref, out_ref, *, n):
    agg = agg_ref[0, :n, :] + agg_ref[1, :n, :]
    cntv = cnt_ref[0, :n, :] + cnt_ref[1, :n, :]
    cnt = jnp.sum(cntv, axis=1, keepdims=True) * (1.0 / cntv.shape[1])
    mean = agg / jnp.maximum(cnt, 1.0)
    x = x_ref[...]
    out = (jnp.dot(mean, wl_ref[...], preferred_element_type=jnp.float32)
           + bl_ref[...]
           + jnp.dot(x, wr_ref[...], preferred_element_type=jnp.float32))
    nrm = jnp.sqrt(jnp.sum(out * out, axis=1, keepdims=True))
    out = out / jnp.maximum(nrm, 1e-12)
    h = jnp.maximum(out, 0.0)
    out_ref[...] = (jnp.dot(h, wfc_ref[...], preferred_element_type=jnp.float32)
                    + bfc_ref[...])


def _unpack_chunk(word_v, idx_v, shift_mask=True):
    for t in range(CW // LN):
        v = word_v[pl.ds(t * LN, LN)]
        idx_v[pl.ds(2 * t * LN, LN)] = v & 0xFFFF
        idx_v[pl.ds((2 * t + 1) * LN, LN)] = jnp.right_shift(v, 16)


def _make_sc_aggregate(n_sp, d, nchunk, rpt):
    mesh = plsc.VectorSubcoreMesh(core_axis_name="c", subcore_axis_name="s",
                                  num_cores=NC, num_subcores=NS)

    @functools.partial(
        pl.kernel,
        out_type=jax.ShapeDtypeStruct((NC, n_sp, d), jnp.float32),
        mesh=mesh,
        scratch_types=[
            pltpu.VMEM((2, CW), jnp.int32),
            pltpu.VMEM((2, CW), jnp.int32),
            pltpu.VMEM((2, CHUNK), jnp.int32),
            pltpu.VMEM((2, CHUNK), jnp.int32),
            pltpu.VMEM((2, CHUNK, d), jnp.float32),
            pltpu.VMEM_SHARED((n_sp, d), jnp.float32),
            pltpu.SemaphoreType.DMA((2,)),
            pltpu.SemaphoreType.DMA((2,)),
        ],
    )
    def sc_aggregate(eidx_hbm, xp_hbm, dep_hbm, agg_out,
                     srcw_v, dstw_v, srci_v, dsti_v, gbuf, agg_sh, sem,
                     sem_i):
        del dep_hbm
        c = lax.axis_index("c")
        s = lax.axis_index("s")
        w = c * NS + s
        base = s * rpt
        kw = (nchunk - w + NW - 1) // NW

        def fill(i, _):
            def inner(t, __):
                gbuf[0, i, pl.ds(t * LN, LN)] = jnp.zeros((LN,), jnp.float32)
                return 0
            lax.fori_loop(0, d // LN, inner, 0)
            return 0
        lax.fori_loop(0, CHUNK, fill, 0)

        for off in range(0, rpt, CHUNK):
            sz = min(CHUNK, rpt - off)
            pltpu.sync_copy(gbuf.at[0, pl.ds(0, sz)],
                            agg_sh.at[pl.ds(base + off, sz)])
        plsc.subcore_barrier()

        def start_idx(j, b):
            chunk = j * NW + w
            pltpu.async_copy(eidx_hbm.at[0, pl.ds(chunk * CW, CW)],
                             srcw_v.at[b], sem_i.at[b])
            pltpu.async_copy(eidx_hbm.at[1, pl.ds(chunk * CW, CW)],
                             dstw_v.at[b], sem_i.at[b])

        def wait_unpack_idx(j, b):
            chunk = j * NW + w
            pltpu.make_async_copy(eidx_hbm.at[0, pl.ds(chunk * CW, CW)],
                                  srcw_v.at[b], sem_i.at[b]).wait()
            pltpu.make_async_copy(eidx_hbm.at[1, pl.ds(chunk * CW, CW)],
                                  dstw_v.at[b], sem_i.at[b]).wait()
            for t in range(CW // LN):
                sv = srcw_v[b, pl.ds(t * LN, LN)]
                dv = dstw_v[b, pl.ds(t * LN, LN)]
                srci_v[b, pl.ds(2 * t * LN, LN)] = sv & 0xFFFF
                srci_v[b, pl.ds((2 * t + 1) * LN, LN)] = (
                    jnp.right_shift(sv, 16))
                dsti_v[b, pl.ds(2 * t * LN, LN)] = dv & 0xFFFF
                dsti_v[b, pl.ds((2 * t + 1) * LN, LN)] = (
                    jnp.right_shift(dv, 16))

        def start_gather(b):
            pltpu.async_copy(xp_hbm.at[srci_v.at[b]], gbuf.at[b], sem.at[b])

        def finish_scatter(b):
            pltpu.make_async_copy(xp_hbm.at[srci_v.at[b]], gbuf.at[b],
                                  sem.at[b]).wait()
            pltpu.sync_copy(gbuf.at[b], agg_sh.at[dsti_v.at[b]], add=True)

        @pl.when(kw > 0)
        def _prologue():
            start_idx(0, 0)
            wait_unpack_idx(0, 0)
            start_gather(0)

        @pl.when(kw > 1)
        def _prologue2():
            start_idx(1, 1)

        def steps(jj, _):
            j0 = 2 * jj
            j1 = 2 * jj + 1

            @pl.when(j1 < kw)
            def _():
                wait_unpack_idx(j1, 1)
                start_gather(1)

            @pl.when(j0 + 2 < kw)
            def _():
                start_idx(j0 + 2, 0)
            finish_scatter(0)

            @pl.when(j0 + 2 < kw)
            def _():
                wait_unpack_idx(j0 + 2, 0)
                start_gather(0)

            @pl.when(j1 + 2 < kw)
            def _():
                start_idx(j1 + 2, 1)

            @pl.when(j1 < kw)
            def _():
                finish_scatter(1)
            return 0
        lax.fori_loop(0, (kw + 1) // 2, steps, 0)

        plsc.subcore_barrier()

        for off in range(0, rpt, CHUNK):
            sz = min(CHUNK, rpt - off)
            pltpu.sync_copy(agg_sh.at[pl.ds(base + off, sz)],
                            agg_out.at[c, pl.ds(base + off, sz)])

    return sc_aggregate


def _make_sc_count(n_sp, dc, nchunk, rpt):
    mesh = plsc.VectorSubcoreMesh(core_axis_name="c", subcore_axis_name="s",
                                  num_cores=NC, num_subcores=NS)

    @functools.partial(
        pl.kernel,
        out_type=jax.ShapeDtypeStruct((NC, n_sp, dc), jnp.float32),
        mesh=mesh,
        scratch_types=[
            pltpu.VMEM((2, CW), jnp.int32),
            pltpu.VMEM((2, CHUNK), jnp.int32),
            pltpu.VMEM((CHUNK, dc), jnp.float32),
            pltpu.VMEM((CHUNK, dc), jnp.float32),
            pltpu.VMEM_SHARED((n_sp, dc), jnp.float32),
            pltpu.SemaphoreType.DMA((2,)),
        ],
    )
    def sc_count(eidx_hbm, cnt_out, dstw_v, dsti_v, ones_v, zb,
                 cnt_sh, sem_i):
        c = lax.axis_index("c")
        s = lax.axis_index("s")
        w = c * NS + s
        base = s * rpt
        kw = (nchunk - w + NW - 1) // NW

        def fill(i, _):
            def inner(t, __):
                ones_v[i, pl.ds(t * LN, LN)] = jnp.ones((LN,), jnp.float32)
                zb[i, pl.ds(t * LN, LN)] = jnp.zeros((LN,), jnp.float32)
                return 0
            lax.fori_loop(0, dc // LN, inner, 0)
            return 0
        lax.fori_loop(0, CHUNK, fill, 0)

        for off in range(0, rpt, CHUNK):
            sz = min(CHUNK, rpt - off)
            pltpu.sync_copy(zb.at[pl.ds(0, sz)],
                            cnt_sh.at[pl.ds(base + off, sz)])
        plsc.subcore_barrier()

        def start_idx(j, b):
            chunk = j * NW + w
            pltpu.async_copy(eidx_hbm.at[1, pl.ds(chunk * CW, CW)],
                             dstw_v.at[b], sem_i.at[b])

        def wait_unpack_idx(j, b):
            chunk = j * NW + w
            pltpu.make_async_copy(eidx_hbm.at[1, pl.ds(chunk * CW, CW)],
                                  dstw_v.at[b], sem_i.at[b]).wait()
            for t in range(CW // LN):
                dv = dstw_v[b, pl.ds(t * LN, LN)]
                dsti_v[b, pl.ds(2 * t * LN, LN)] = dv & 0xFFFF
                dsti_v[b, pl.ds((2 * t + 1) * LN, LN)] = (
                    jnp.right_shift(dv, 16))

        def scatter_ones(b):
            pltpu.sync_copy(ones_v, cnt_sh.at[dsti_v.at[b]], add=True)

        @pl.when(kw > 0)
        def _prologue():
            start_idx(0, 0)

        def steps(jj, _):
            j0 = 2 * jj
            j1 = 2 * jj + 1
            wait_unpack_idx(j0, 0)

            @pl.when(j1 < kw)
            def _():
                start_idx(j1, 1)
            scatter_ones(0)

            @pl.when(j1 < kw)
            def _():
                wait_unpack_idx(j1, 1)

                @pl.when(j0 + 2 < kw)
                def _():
                    start_idx(j0 + 2, 0)
                scatter_ones(1)
            return 0
        lax.fori_loop(0, (kw + 1) // 2, steps, 0)

        plsc.subcore_barrier()

        for off in range(0, rpt, CHUNK):
            sz = min(CHUNK, rpt - off)
            pltpu.sync_copy(cnt_sh.at[pl.ds(base + off, sz)],
                            cnt_out.at[c, pl.ds(base + off, sz)])

    return sc_count


def kernel(x, edge_index, W_proj, b_proj, W_l, b_l, W_r, W_fc, b_fc):
    n, d = x.shape
    e = edge_index.shape[1]
    c_out = W_fc.shape[1]

    nchunk = e // CHUNK
    assert nchunk * CHUNK == e, "edge count must be a multiple of 128"
    rpt = (-(-n // NS) + 7) // 8 * 8
    n_sp = NS * rpt

    eidx_pk = pl.pallas_call(
        _pack_body,
        out_shape=jax.ShapeDtypeStruct((2, e // 2), jnp.int32),
    )(edge_index)

    xp = pl.pallas_call(
        _proj_body,
        out_shape=jax.ShapeDtypeStruct((n, d), jnp.float32),
    )(x, W_proj, b_proj.reshape(1, d))

    cnt2 = _make_sc_count(n_sp, d, nchunk, rpt)(eidx_pk)
    agg2 = _make_sc_aggregate(n_sp, d, nchunk, rpt)(eidx_pk, xp, cnt2)

    logits = pl.pallas_call(
        functools.partial(_tail_body, n=n),
        out_shape=jax.ShapeDtypeStruct((n, c_out), jnp.float32),
    )(agg2, cnt2, x, W_l, b_l.reshape(1, -1), W_r, W_fc,
      b_fc.reshape(1, -1))
    return logits

# --- scband reference (transcript-rebuilt; emitter-appended) ---
"""Pipeline reference for scband-graph-sageclassifier-3324304687696 (READ-ONLY COPY).

The authoritative reference and input builder live on the scoring server;
editing this copy changes nothing except your own understanding.
"""

import jax, jax.numpy as jnp
import numpy as np

N = 10000
E = 320000
D = 128
H = 128
C = 6


def setup_inputs(seed: int = 0) -> dict:
    key = jax.random.key(seed)
    ks = jax.random.split(key, 10)
    x = jax.random.normal(ks[0], (N, D), dtype=jnp.float32)
    edge_index = jax.random.randint(ks[1], (2, E), 0, N, dtype=jnp.int32)
    s = 1.0 / np.sqrt(D)
    W_proj = jax.random.uniform(ks[2], (D, D), dtype=jnp.float32, minval=-s, maxval=s)
    b_proj = jax.random.uniform(ks[3], (D,), dtype=jnp.float32, minval=-s, maxval=s)
    W_l = jax.random.uniform(ks[4], (D, H), dtype=jnp.float32, minval=-s, maxval=s)
    b_l = jax.random.uniform(ks[5], (H,), dtype=jnp.float32, minval=-s, maxval=s)
    W_r = jax.random.uniform(ks[6], (D, H), dtype=jnp.float32, minval=-s, maxval=s)
    sh = 1.0 / np.sqrt(H)
    W_fc = jax.random.uniform(ks[7], (H, C), dtype=jnp.float32, minval=-sh, maxval=sh)
    b_fc = jax.random.uniform(ks[8], (C,), dtype=jnp.float32, minval=-sh, maxval=sh)
    return {"x": x, "edge_index": edge_index, "W_proj": W_proj, "b_proj": b_proj,
            "W_l": W_l, "b_l": b_l, "W_r": W_r, "W_fc": W_fc, "b_fc": b_fc}


def reference(x, edge_index, W_proj, b_proj, W_l, b_l, W_r, W_fc, b_fc):
    # SAGEConv(project=True, aggr='mean', normalize=True) in eval mode
    # (dropout and drop_edge are identity in eval).
    src = edge_index[0]
    dst = edge_index[1]
    # project=True: messages come from relu(lin(x)); root term uses original x
    xp = jax.nn.relu(x @ W_proj + b_proj)
    msgs = jnp.take(xp, src, axis=0)                      # gather source features
    agg = jax.ops.segment_sum(msgs, dst, num_segments=N)  # scatter-add by dst
    cnt = jax.ops.segment_sum(jnp.ones((E,), dtype=jnp.float32), dst, num_segments=N)
    mean = agg / jnp.maximum(cnt, 1.0)[:, None]           # mean aggregation
    out = mean @ W_l + b_l + x @ W_r                      # lin_l(aggr) + lin_r(x_root)
    # normalize=True: L2 normalize per node (F.normalize, eps=1e-12)
    nrm = jnp.linalg.norm(out, axis=-1, keepdims=True)
    out = out / jnp.maximum(nrm, 1e-12)
    h = jax.nn.relu(out)
    logits = h @ W_fc + b_fc
    return logits

if __name__ == "__main__":
    import jax
    _d = setup_inputs()
    print(jax.jit(kernel)(*tuple(_d.values())))

</pallas_src>

<mosaic_0001>
#map = affine_map<(d0, d1) -> (0, 0)>
#map1 = affine_map<(d0, d1) -> (0, 0, 0)>
module attributes {stable_mosaic.version = 14 : i64} {
  func.func @sc_count(%arg0: i32, %arg1: i32, %arg2: memref<2x160000xi32, #tpu.memory_space<hbm>>, %arg3: memref<2x10112x128xf32, #tpu.memory_space<hbm>>, %arg4: memref<2x64xi32, #tpu.memory_space<vmem>>, %arg5: memref<2x128xi32, #tpu.memory_space<vmem>>, %arg6: memref<128x128xf32, #tpu.memory_space<vmem>>, %arg7: memref<128x128xf32, #tpu.memory_space<vmem>>, %arg8: memref<10112x128xf32, #tpu.memory_space<vmem_shared>>, %arg9: memref<2x!tpu.dma_semaphore, #tpu.memory_space<semaphore_mem>>) attributes {dimension_semantics = [#tpu.dimension_semantics<core_parallel>, #tpu.dimension_semantics<subcore_parallel>], iteration_bounds = array<i64: 2, 16>, scalar_prefetch = 0 : i64, scratch_operands = 6 : i64, tpu.core_type = #tpu.core_type<sc_vector_subcore>, window_params = [{transform_indices = #map}, {transform_indices = #map1}]} {
    %mul3A = arith.constant 16 : i32
    %mul3A_0 = arith.muli %arg0, %mul3A : i32
    %add3A = arith.addi %mul3A_0, %arg1 : i32
    %mul3A_1 = arith.constant 632 : i32
    %mul3A_2 = arith.muli %arg1, %mul3A_1 : i32
    %sub3A = arith.constant 2500 : i32
    %sub3A_3 = arith.subi %sub3A, %add3A : i32
    %add3A_4 = arith.constant 32 : i32
    %add3A_5 = arith.addi %sub3A_3, %add3A_4 : i32
    %sub3A_6 = arith.constant 1 : i32
    %sub3A_7 = arith.subi %add3A_5, %sub3A_6 : i32
    %jit3A = arith.constant 32 : i32
    %div3A = arith.divsi %sub3A_7, %jit3A : i32
    %sign3A = arith.constant 0 : i32
    %sign3A_8 = arith.cmpi sgt, %sub3A_7, %sign3A : i32
    %sign3A_9 = arith.extui %sign3A_8 : i1 to i32
    %sign3A_10 = arith.constant 0 : i32
    %sign3A_11 = arith.cmpi slt, %sub3A_7, %sign3A_10 : i32
    %sign3A_12 = arith.extui %sign3A_11 : i1 to i32
    %sign3A_13 = arith.subi %sign3A_9, %sign3A_12 : i32
    %sign3A_14 = arith.constant 0 : i32
    %sign3A_15 = arith.cmpi sgt, %jit3A, %sign3A_14 : i32
    %sign3A_16 = arith.extui %sign3A_15 : i1 to i32
    %sign3A_17 = arith.constant 0 : i32
    %sign3A_18 = arith.cmpi slt, %jit3A, %sign3A_17 : i32
    %sign3A_19 = arith.extui %sign3A_18 : i1 to i32
    %sign3A_20 = arith.subi %sign3A_16, %sign3A_19 : i32
    %ne3A = arith.cmpi ne, %sign3A_13, %sign3A_20 : i32
    %rem3A = arith.remsi %sub3A_7, %jit3A : i32
    %ne3A_21 = arith.constant 0 : i32
    %ne3A_22 = arith.cmpi ne, %rem3A, %ne3A_21 : i32
    %and3A = arith.andi %ne3A, %ne3A_22 : i1
    %sub3A_23 = arith.constant 1 : i32
    %sub3A_24 = arith.subi %div3A, %sub3A_23 : i32
    %select_n3A = arith.select %and3A, %sub3A_24, %div3A : i32
    %scan3A = arith.constant 0 : i32
    %scan3A_25 = arith.constant 0 : i32
    %scan3A_26 = arith.constant 128 : i32
    %scan3A_27 = arith.addi %scan3A_25, %scan3A_26 : i32
    %scan3A_28 = arith.constant 1 : i32
    %scan3A_29 = scf.for %scan3A_101 = %scan3A_25 to %scan3A_27 step %scan3A_28 iter_args(%scan3A_102 = %scan3A) -> (i32)  : i32 {
      %scan3A_103 = arith.constant 0 : i32
      %scan3A_104 = arith.constant 0 : i32
      %scan3A_105 = arith.constant 8 : i32
      %scan3A_106 = arith.addi %scan3A_104, %scan3A_105 : i32
      %scan3A_107 = arith.constant 1 : i32
      %scan3A_108 = scf.for %scan3A_111 = %scan3A_104 to %scan3A_106 step %scan3A_107 iter_args(%scan3A_112 = %scan3A_103) -> (i32)  : i32 {
        %broadcast_in_dim3A = arith.constant 1.000000e+00 : f32
        %broadcast_in_dim3A_113 = vector.broadcast %broadcast_in_dim3A : f32 to vector<16xf32>
        %mul3A_114 = arith.constant 16 : i32
        %mul3A_115 = arith.muli %scan3A_111, %mul3A_114 : i32
        %swap3A = arith.index_cast %scan3A_101 : i32 to index
        %swap3A_116 = arith.index_cast %mul3A_115 : i32 to index
        %swap3A_117 = tpu.vector_load %arg6[%swap3A, %swap3A_116] {strides = array<i32>} : memref<128x128xf32, #tpu.memory_space<vmem>>, vector<1x16xf32>,
        %swap3A_118 = vector.shape_cast %swap3A_117 : vector<1x16xf32> to vector<16xf32>
        %swap3A_119 = vector.shape_cast %broadcast_in_dim3A_113 : vector<16xf32> to vector<1x16xf32>
        tpu.vector_store %arg6[%swap3A, %swap3A_116], %swap3A_119 {strides = array<i32>} : memref<128x128xf32, #tpu.memory_space<vmem>>, vector<1x16xf32>,
        %broadcast_in_dim3A_120 = arith.constant 0.000000e+00 : f32
        %broadcast_in_dim3A_121 = vector.broadcast %broadcast_in_dim3A_120 : f32 to vector<16xf32>
        %mul3A_122 = arith.constant 16 : i32
        %mul3A_123 = arith.muli %scan3A_111, %mul3A_122 : i32
        %swap3A_124 = arith.index_cast %scan3A_101 : i32 to index
        %swap3A_125 = arith.index_cast %mul3A_123 : i32 to index
        %swap3A_126 = tpu.vector_load %arg7[%swap3A_124, %swap3A_125] {strides = array<i32>} : memref<128x128xf32, #tpu.memory_space<vmem>>, vector<1x16xf32>,
        %swap3A_127 = vector.shape_cast %swap3A_126 : vector<1x16xf32> to vector<16xf32>
        %swap3A_128 = vector.shape_cast %broadcast_in_dim3A_121 : vector<16xf32> to vector<1x16xf32>
        tpu.vector_store %arg7[%swap3A_124, %swap3A_125], %swap3A_128 {strides = array<i32>} : memref<128x128xf32, #tpu.memory_space<vmem>>, vector<1x16xf32>,
        %scan3A_129 = arith.constant 0 : i32
        scf.yield %scan3A_129 : i32
      }
      %scan3A_109 = arith.constant 8 : i32
      %scan3A_110 = arith.constant 0 : i32
      scf.yield %scan3A_110 : i32
    }
    %scan3A_30 = arith.constant 128 : i32
    %add3A_31 = arith.constant 0 : i32
    %add3A_32 = arith.addi %mul3A_2, %add3A_31 : i32
    "tpu.region"() ({
      %run_scoped3A = tpu.sem_alloc : memref<!tpu.dma_semaphore, #tpu.memory_space<semaphore_mem>>
      %dma_start3A = arith.constant 0 : i32
      %dma_start3A_101 = arith.constant 0 : i32
      %dma_start3A_102 = tpu.memref_slice %arg7[%dma_start3A, %dma_start3A_101] : memref<128x128xf32, #tpu.memory_space<vmem>> -> memref<128x128xf32, #tpu.memory_space<vmem>>
      %dma_start3A_103 = arith.constant 0 : i32
      %dma_start3A_104 = tpu.memref_slice %arg8[%add3A_32, %dma_start3A_103] : memref<10112x128xf32, #tpu.memory_space<vmem_shared>> -> memref<128x128xf32, #tpu.memory_space<vmem_shared>>
      %dma_start3A_105 = arith.constant 0 : i32
      %dma_start3A_106 = tpu.memref_slice %arg8[%add3A_32, %dma_start3A_105] : memref<10112x128xf32, #tpu.memory_space<vmem_shared>> -> memref<128x128xf32, #tpu.memory_space<vmem_shared>>
      %dma_start3A_107 = arith.constant 0 : i32
      %dma_start3A_108 = arith.constant 0 : i32
      %dma_start3A_109 = tpu.memref_slice %arg7[%dma_start3A_107, %dma_start3A_108] : memref<128x128xf32, #tpu.memory_space<vmem>> -> memref<128x128xf32, #tpu.memory_space<vmem>>
      tpu.enqueue_dma source(%dma_start3A_109 : memref<128x128xf32, #tpu.memory_space<vmem>>) target(%dma_start3A_106 : memref<128x128xf32, #tpu.memory_space<vmem_shared>>) target_semaphore(%run_scoped3A : memref<!tpu.dma_semaphore, #tpu.memory_space<semaphore_mem>>)
      %dma_wait3A = arith.constant 0 : i32
      %dma_wait3A_110 = arith.constant 0 : i32
      %dma_wait3A_111 = tpu.memref_slice %arg7[%dma_wait3A, %dma_wait3A_110] : memref<128x128xf32, #tpu.memory_space<vmem>> -> memref<128x128xf32, #tpu.memory_space<vmem>>
      %dma_wait3A_112 = arith.constant 0 : i32
      %dma_wait3A_113 = tpu.memref_slice %arg8[%add3A_32, %dma_wait3A_112] : memref<10112x128xf32, #tpu.memory_space<vmem_shared>> -> memref<128x128xf32, #tpu.memory_space<vmem_shared>>
      %dma_wait3A_114 = arith.constant 0 : i32
      %dma_wait3A_115 = tpu.memref_slice %arg8[%add3A_32, %dma_wait3A_114] : memref<10112x128xf32, #tpu.memory_space<vmem_shared>> -> memref<128x128xf32, #tpu.memory_space<vmem_shared>>
      %dma_wait3A_116 = arith.constant 0 : i32
      %dma_wait3A_117 = arith.constant 0 : i32
      %dma_wait3A_118 = tpu.memref_slice %arg7[%dma_wait3A_116, %dma_wait3A_117] : memref<128x128xf32, #tpu.memory_space<vmem>> -> memref<128x128xf32, #tpu.memory_space<vmem>>
      tpu.wait_dma2 semaphore(%run_scoped3A : memref<!tpu.dma_semaphore, #tpu.memory_space<semaphore_mem>>) src(%dma_wait3A_118 : memref<128x128xf32, #tpu.memory_space<vmem>>) dst(%dma_wait3A_115 : memref<128x128xf32, #tpu.memory_space<vmem_shared>>)
      tpu.yield
    }) : () -> ()
    %add3A_33 = arith.constant 128 : i32
    %add3A_34 = arith.addi %mul3A_2, %add3A_33 : i32
    "tpu.region"() ({
      %run_scoped3A = tpu.sem_alloc : memref<!tpu.dma_semaphore, #tpu.memory_space<semaphore_mem>>
      %dma_start3A = arith.constant 0 : i32
      %dma_start3A_101 = arith.constant 0 : i32
      %dma_start3A_102 = tpu.memref_slice %arg7[%dma_start3A, %dma_start3A_101] : memref<128x128xf32, #tpu.memory_space<vmem>> -> memref<128x128xf32, #tpu.memory_space<vmem>>
      %dma_start3A_103 = arith.constant 0 : i32
      %dma_start3A_104 = tpu.memref_slice %arg8[%add3A_34, %dma_start3A_103] : memref<10112x128xf32, #tpu.memory_space<vmem_shared>> -> memref<128x128xf32, #tpu.memory_space<vmem_shared>>
      %dma_start3A_105 = arith.constant 0 : i32
      %dma_start3A_106 = tpu.memref_slice %arg8[%add3A_34, %dma_start3A_105] : memref<10112x128xf32, #tpu.memory_space<vmem_shared>> -> memref<128x128xf32, #tpu.memory_space<vmem_shared>>
      %dma_start3A_107 = arith.constant 0 : i32
      %dma_start3A_108 = arith.constant 0 : i32
      %dma_start3A_109 = tpu.memref_slice %arg7[%dma_start3A_107, %dma_start3A_108] : memref<128x128xf32, #tpu.memory_space<vmem>> -> memref<128x128xf32, #tpu.memory_space<vmem>>
      tpu.enqueue_dma source(%dma_start3A_109 : memref<128x128xf32, #tpu.memory_space<vmem>>) target(%dma_start3A_106 : memref<128x128xf32, #tpu.memory_space<vmem_shared>>) target_semaphore(%run_scoped3A : memref<!tpu.dma_semaphore, #tpu.memory_space<semaphore_mem>>)
      %dma_wait3A = arith.constant 0 : i32
      %dma_wait3A_110 = arith.constant 0 : i32
      %dma_wait3A_111 = tpu.memref_slice %arg7[%dma_wait3A, %dma_wait3A_110] : memref<128x128xf32, #tpu.memory_space<vmem>> -> memref<128x128xf32, #tpu.memory_space<vmem>>
      %dma_wait3A_112 = arith.constant 0 : i32
      %dma_wait3A_113 = tpu.memref_slice %arg8[%add3A_34, %dma_wait3A_112] : memref<10112x128xf32, #tpu.memory_space<vmem_shared>> -> memref<128x128xf32, #tpu.memory_space<vmem_shared>>
      %dma_wait3A_114 = arith.constant 0 : i32
      %dma_wait3A_115 = tpu.memref_slice %arg8[%add3A_34, %dma_wait3A_114] : memref<10112x128xf32, #tpu.memory_space<vmem_shared>> -> memref<128x128xf32, #tpu.memory_space<vmem_shared>>
      %dma_wait3A_116 = arith.constant 0 : i32
      %dma_wait3A_117 = arith.constant 0 : i32
      %dma_wait3A_118 = tpu.memref_slice %arg7[%dma_wait3A_116, %dma_wait3A_117] : memref<128x128xf32, #tpu.memory_space<vmem>> -> memref<128x128xf32, #tpu.memory_space<vmem>>
      tpu.wait_dma2 semaphore(%run_scoped3A : memref<!tpu.dma_semaphore, #tpu.memory_space<semaphore_mem>>) src(%dma_wait3A_118 : memref<128x128xf32, #tpu.memory_space<vmem>>) dst(%dma_wait3A_115 : memref<128x128xf32, #tpu.memory_space<vmem_shared>>)
      tpu.yield
    }) : () -> ()
    %add3A_35 = arith.constant 256 : i32
    %add3A_36 = arith.addi %mul3A_2, %add3A_35 : i32
    "tpu.region"() ({
      %run_scoped3A = tpu.sem_alloc : memref<!tpu.dma_semaphore, #tpu.memory_space<semaphore_mem>>
      %dma_start3A = arith.constant 0 : i32
      %dma_start3A_101 = arith.constant 0 : i32
      %dma_start3A_102 = tpu.memref_slice %arg7[%dma_start3A, %dma_start3A_101] : memref<128x128xf32, #tpu.memory_space<vmem>> -> memref<128x128xf32, #tpu.memory_space<vmem>>
      %dma_start3A_103 = arith.constant 0 : i32
      %dma_start3A_104 = tpu.memref_slice %arg8[%add3A_36, %dma_start3A_103] : memref<10112x128xf32, #tpu.memory_space<vmem_shared>> -> memref<128x128xf32, #tpu.memory_space<vmem_shared>>
      %dma_start3A_105 = arith.constant 0 : i32
      %dma_start3A_106 = tpu.memref_slice %arg8[%add3A_36, %dma_start3A_105] : memref<10112x128xf32, #tpu.memory_space<vmem_shared>> -> memref<128x128xf32, #tpu.memory_space<vmem_shared>>
      %dma_start3A_107 = arith.constant 0 : i32
      %dma_start3A_108 = arith.constant 0 : i32
      %dma_start3A_109 = tpu.memref_slice %arg7[%dma_start3A_107, %dma_start3A_108] : memref<128x128xf32, #tpu.memory_space<vmem>> -> memref<128x128xf32, #tpu.memory_space<vmem>>
      tpu.enqueue_dma source(%dma_start3A_109 : memref<128x128xf32, #tpu.memory_space<vmem>>) target(%dma_start3A_106 : memref<128x128xf32, #tpu.memory_space<vmem_shared>>) target_semaphore(%run_scoped3A : memref<!tpu.dma_semaphore, #tpu.memory_space<semaphore_mem>>)
      %dma_wait3A = arith.constant 0 : i32
      %dma_wait3A_110 = arith.constant 0 : i32
      %dma_wait3A_111 = tpu.memref_slice %arg7[%dma_wait3A, %dma_wait3A_110] : memref<128x128xf32, #tpu.memory_space<vmem>> -> memref<128x128xf32, #tpu.memory_space<vmem>>
      %dma_wait3A_112 = arith.constant 0 : i32
      %dma_wait3A_113 = tpu.memref_slice %arg8[%add3A_36, %dma_wait3A_112] : memref<10112x128xf32, #tpu.memory_space<vmem_shared>> -> memref<128x128xf32, #tpu.memory_space<vmem_shared>>
      %dma_wait3A_114 = arith.constant 0 : i32
      %dma_wait3A_115 = tpu.memref_slice %arg8[%add3A_36, %dma_wait3A_114] : memref<10112x128xf32, #tpu.memory_space<vmem_shared>> -> memref<128x128xf32, #tpu.memory_space<vmem_shared>>
      %dma_wait3A_116 = arith.constant 0 : i32
      %dma_wait3A_117 = arith.constant 0 : i32
      %dma_wait3A_118 = tpu.memref_slice %arg7[%dma_wait3A_116, %dma_wait3A_117] : memref<128x128xf32, #tpu.memory_space<vmem>> -> memref<128x128xf32, #tpu.memory_space<vmem>>
      tpu.wait_dma2 semaphore(%run_scoped3A : memref<!tpu.dma_semaphore, #tpu.memory_space<semaphore_mem>>) src(%dma_wait3A_118 : memref<128x128xf32, #tpu.memory_space<vmem>>) dst(%dma_wait3A_115 : memref<128x128xf32, #tpu.memory_space<vmem_shared>>)
      tpu.yield
    }) : () -> ()
    %add3A_37 = arith.constant 384 : i32
    %add3A_38 = arith.addi %mul3A_2, %add3A_37 : i32
    "tpu.region"() ({
      %run_scoped3A = tpu.sem_alloc : memref<!tpu.dma_semaphore, #tpu.memory_space<semaphore_mem>>
      %dma_start3A = arith.constant 0 : i32
      %dma_start3A_101 = arith.constant 0 : i32
      %dma_start3A_102 = tpu.memref_slice %arg7[%dma_start3A, %dma_start3A_101] : memref<128x128xf32, #tpu.memory_space<vmem>> -> memref<128x128xf32, #tpu.memory_space<vmem>>
      %dma_start3A_103 = arith.constant 0 : i32
      %dma_start3A_104 = tpu.memref_slice %arg8[%add3A_38, %dma_start3A_103] : memref<10112x128xf32, #tpu.memory_space<vmem_shared>> -> memref<128x128xf32, #tpu.memory_space<vmem_shared>>
      %dma_start3A_105 = arith.constant 0 : i32
      %dma_start3A_106 = tpu.memref_slice %arg8[%add3A_38, %dma_start3A_105] : memref<10112x128xf32, #tpu.memory_space<vmem_shared>> -> memref<128x128xf32, #tpu.memory_space<vmem_shared>>
      %dma_start3A_107 = arith.constant 0 : i32
      %dma_start3A_108 = arith.constant 0 : i32
      %dma_start3A_109 = tpu.memref_slice %arg7[%dma_start3A_107, %dma_start3A_108] : memref<128x128xf32, #tpu.memory_space<vmem>> -> memref<128x128xf32, #tpu.memory_space<vmem>>
      tpu.enqueue_dma source(%dma_start3A_109 : memref<128x128xf32, #tpu.memory_space<vmem>>) target(%dma_start3A_106 : memref<128x128xf32, #tpu.memory_space<vmem_shared>>) target_semaphore(%run_scoped3A : memref<!tpu.dma_semaphore, #tpu.memory_space<semaphore_mem>>)
      %dma_wait3A = arith.constant 0 : i32
      %dma_wait3A_110 = arith.constant 0 : i32
      %dma_wait3A_111 = tpu.memref_slice %arg7[%dma_wait3A, %dma_wait3A_110] : memref<128x128xf32, #tpu.memory_space<vmem>> -> memref<128x128xf32, #tpu.memory_space<vmem>>
      %dma_wait3A_112 = arith.constant 0 : i32
      %dma_wait3A_113 = tpu.memref_slice %arg8[%add3A_38, %dma_wait3A_112] : memref<10112x128xf32, #tpu.memory_space<vmem_shared>> -> memref<128x128xf32, #tpu.memory_space<vmem_shared>>
      %dma_wait3A_114 = arith.constant 0 : i32
      %dma_wait3A_115 = tpu.memref_slice %arg8[%add3A_38, %dma_wait3A_114] : memref<10112x128xf32, #tpu.memory_space<vmem_shared>> -> memref<128x128xf32, #tpu.memory_space<vmem_shared>>
      %dma_wait3A_116 = arith.constant 0 : i32
      %dma_wait3A_117 = arith.constant 0 : i32
      %dma_wait3A_118 = tpu.memref_slice %arg7[%dma_wait3A_116, %dma_wait3A_117] : memref<128x128xf32, #tpu.memory_space<vmem>> -> memref<128x128xf32, #tpu.memory_space<vmem>>
      tpu.wait_dma2 semaphore(%run_scoped3A : memref<!tpu.dma_semaphore, #tpu.memory_space<semaphore_mem>>) src(%dma_wait3A_118 : memref<128x128xf32, #tpu.memory_space<vmem>>) dst(%dma_wait3A_115 : memref<128x128xf32, #tpu.memory_space<vmem_shared>>)
      tpu.yield
    }) : () -> ()
    %add3A_39 = arith.constant 512 : i32
    %add3A_40 = arith.addi %mul3A_2, %add3A_39 : i32
    "tpu.region"() ({
      %run_scoped3A = tpu.sem_alloc : memref<!tpu.dma_semaphore, #tpu.memory_space<semaphore_mem>>
      %dma_start3A = arith.constant 0 : i32
      %dma_start3A_101 = arith.constant 0 : i32
      %dma_start3A_102 = tpu.memref_slice %arg7[%dma_start3A, %dma_start3A_101] : memref<128x128xf32, #tpu.memory_space<vmem>> -> memref<120x128xf32, #tpu.memory_space<vmem>>
      %dma_start3A_103 = arith.constant 0 : i32
      %dma_start3A_104 = tpu.memref_slice %arg8[%add3A_40, %dma_start3A_103] : memref<10112x128xf32, #tpu.memory_space<vmem_shared>> -> memref<120x128xf32, #tpu.memory_space<vmem_shared>>
      %dma_start3A_105 = arith.constant 0 : i32
      %dma_start3A_106 = tpu.memref_slice %arg8[%add3A_40, %dma_start3A_105] : memref<10112x128xf32, #tpu.memory_space<vmem_shared>> -> memref<120x128xf32, #tpu.memory_space<vmem_shared>>
      %dma_start3A_107 = arith.constant 0 : i32
      %dma_start3A_108 = arith.constant 0 : i32
      %dma_start3A_109 = tpu.memref_slice %arg7[%dma_start3A_107, %dma_start3A_108] : memref<128x128xf32, #tpu.memory_space<vmem>> -> memref<120x128xf32, #tpu.memory_space<vmem>>
      tpu.enqueue_dma source(%dma_start3A_109 : memref<120x128xf32, #tpu.memory_space<vmem>>) target(%dma_start3A_106 : memref<120x128xf32, #tpu.memory_space<vmem_shared>>) target_semaphore(%run_scoped3A : memref<!tpu.dma_semaphore, #tpu.memory_space<semaphore_mem>>)
      %dma_wait3A = arith.constant 0 : i32
      %dma_wait3A_110 = arith.constant 0 : i32
      %dma_wait3A_111 = tpu.memref_slice %arg7[%dma_wait3A, %dma_wait3A_110] : memref<128x128xf32, #tpu.memory_space<vmem>> -> memref<120x128xf32, #tpu.memory_space<vmem>>
      %dma_wait3A_112 = arith.constant 0 : i32
      %dma_wait3A_113 = tpu.memref_slice %arg8[%add3A_40, %dma_wait3A_112] : memref<10112x128xf32, #tpu.memory_space<vmem_shared>> -> memref<120x128xf32, #tpu.memory_space<vmem_shared>>
      %dma_wait3A_114 = arith.constant 0 : i32
      %dma_wait3A_115 = tpu.memref_slice %arg8[%add3A_40, %dma_wait3A_114] : memref<10112x128xf32, #tpu.memory_space<vmem_shared>> -> memref<120x128xf32, #tpu.memory_space<vmem_shared>>
      %dma_wait3A_116 = arith.constant 0 : i32
      %dma_wait3A_117 = arith.constant 0 : i32
      %dma_wait3A_118 = tpu.memref_slice %arg7[%dma_wait3A_116, %dma_wait3A_117] : memref<128x128xf32, #tpu.memory_space<vmem>> -> memref<120x128xf32, #tpu.memory_space<vmem>>
      tpu.wait_dma2 semaphore(%run_scoped3A : memref<!tpu.dma_semaphore, #tpu.memory_space<semaphore_mem>>) src(%dma_wait3A_118 : memref<120x128xf32, #tpu.memory_space<vmem>>) dst(%dma_wait3A_115 : memref<120x128xf32, #tpu.memory_space<vmem_shared>>)
      tpu.yield
    }) : () -> ()
    %barrier3A = arith.constant 0 : index
    tpu.barrier barrier_id(%barrier3A)
    %gt3A = arith.constant 0 : i32
    %gt3A_41 = arith.cmpi sgt, %select_n3A, %gt3A : i32
    %convert_element_type3A = arith.extui %gt3A_41 : i1 to i32
    %cond3A = arith.constant 0 : i32
    %cond3A_42 = arith.cmpi ne, %convert_element_type3A, %cond3A : i32
    scf.if %cond3A_42 {
      %add3A_101 = arith.constant 0 : i32
      %add3A_102 = arith.addi %add3A_101, %add3A : i32
      %mul3A_103 = arith.constant 64 : i32
      %mul3A_104 = arith.muli %add3A_102, %mul3A_103 : i32
      %dma_start3A = arith.constant 1 : i32
      %dma_start3A_105 = arith.constant 0 : i32
      %dma_start3A_106 = arith.constant 0 : i32
      %dma_start3A_107 = arith.constant 0 : i32
      %dma_start3A_108 = tpu.memref_slice %arg4[%dma_start3A_105, %dma_start3A_107] : memref<2x64xi32, #tpu.memory_space<vmem>> -> memref<1x64xi32, #tpu.memory_space<vmem>>
      %dma_start3A_109 = tpu.memref_squeeze %dma_start3A_108 : memref<1x64xi32, #tpu.memory_space<vmem>> -> memref<64xi32, #tpu.memory_space<vmem>>
      %dma_start3A_110 = tpu.memref_slice %arg2[%dma_start3A, %mul3A_104] : memref<2x160000xi32, #tpu.memory_space<hbm>> -> memref<1x64xi32, #tpu.memory_space<hbm>>
      %dma_start3A_111 = tpu.memref_squeeze %dma_start3A_110 : memref<1x64xi32, #tpu.memory_space<hbm>> -> memref<64xi32, #tpu.memory_space<hbm>>
      %dma_start3A_112 = tpu.memref_slice %arg9[%dma_start3A_106] : memref<2x!tpu.dma_semaphore, #tpu.memory_space<semaphore_mem>> -> memref<1x!tpu.dma_semaphore, #tpu.memory_space<semaphore_mem>>
      %dma_start3A_113 = tpu.memref_squeeze %dma_start3A_112 : memref<1x!tpu.dma_semaphore, #tpu.memory_space<semaphore_mem>> -> memref<!tpu.dma_semaphore, #tpu.memory_space<semaphore_mem>>
      %dma_start3A_114 = arith.constant 0 : i32
      %dma_start3A_115 = tpu.memref_slice %arg4[%dma_start3A_105, %dma_start3A_114] : memref<2x64xi32, #tpu.memory_space<vmem>> -> memref<1x64xi32, #tpu.memory_space<vmem>>
      %dma_start3A_116 = tpu.memref_squeeze %dma_start3A_115 : memref<1x64xi32, #tpu.memory_space<vmem>> -> memref<64xi32, #tpu.memory_space<vmem>>
      %dma_start3A_117 = tpu.memref_slice %arg2[%dma_start3A, %mul3A_104] : memref<2x160000xi32, #tpu.memory_space<hbm>> -> memref<1x64xi32, #tpu.memory_space<hbm>>
      %dma_start3A_118 = tpu.memref_squeeze %dma_start3A_117 : memref<1x64xi32, #tpu.memory_space<hbm>> -> memref<64xi32, #tpu.memory_space<hbm>>
      tpu.enqueue_dma source(%dma_start3A_118 : memref<64xi32, #tpu.memory_space<hbm>>) target(%dma_start3A_116 : memref<64xi32, #tpu.memory_space<vmem>>) target_semaphore(%dma_start3A_113 : memref<!tpu.dma_semaphore, #tpu.memory_space<semaphore_mem>>)
    } else {
    }
    %add3A_43 = arith.constant 1 : i32
    %add3A_44 = arith.addi %select_n3A, %add3A_43 : i32
    %jit3A_45 = arith.constant 2 : i32
    %div3A_46 = arith.divsi %add3A_44, %jit3A_45 : i32
    %sign3A_47 = arith.constant 0 : i32
    %sign3A_48 = arith.cmpi sgt, %add3A_44, %sign3A_47 : i32
    %sign3A_49 = arith.extui %sign3A_48 : i1 to i32
    %sign3A_50 = arith.constant 0 : i32
    %sign3A_51 = arith.cmpi slt, %add3A_44, %sign3A_50 : i32
    %sign3A_52 = arith.extui %sign3A_51 : i1 to i32
    %sign3A_53 = arith.subi %sign3A_49, %sign3A_52 : i32
    %sign3A_54 = arith.constant 0 : i32
    %sign3A_55 = arith.cmpi sgt, %jit3A_45, %sign3A_54 : i32
    %sign3A_56 = arith.extui %sign3A_55 : i1 to i32
    %sign3A_57 = arith.constant 0 : i32
    %sign3A_58 = arith.cmpi slt, %jit3A_45, %sign3A_57 : i32
    %sign3A_59 = arith.extui %sign3A_58 : i1 to i32
    %sign3A_60 = arith.subi %sign3A_56, %sign3A_59 : i32
    %ne3A_61 = arith.cmpi ne, %sign3A_53, %sign3A_60 : i32
    %rem3A_62 = arith.remsi %add3A_44, %jit3A_45 : i32
    %ne3A_63 = arith.constant 0 : i32
    %ne3A_64 = arith.cmpi ne, %rem3A_62, %ne3A_63 : i32
    %and3A_65 = arith.andi %ne3A_61, %ne3A_64 : i1
    %sub3A_66 = arith.constant 1 : i32
    %sub3A_67 = arith.subi %div3A_46, %sub3A_66 : i32
    %select_n3A_68 = arith.select %and3A_65, %sub3A_67, %div3A_46 : i32
    %while3A = arith.constant 0 : i32
    %while3A_69 = arith.constant 0 : i32
    %while3A_70 = arith.subi %select_n3A_68, %while3A : i32
    %while3A_71 = arith.addi %while3A, %while3A_70 : i32
    %while3A_72 = arith.constant 1 : i32
    %while3A_73 = arith.divsi %while3A_70, %while3A_72 : i32
    %while3A_74 = arith.muli %while3A_73, %while3A_72 : i32
    %while3A_75 = arith.addi %while3A, %while3A_74 : i32
    %while3A_76 = arith.constant 1 : i32
    %while3A_77 = scf.for %while3A_101 = %while3A to %while3A_75 step %while3A_76 iter_args(%while3A_102 = %while3A_69) -> (i32)  : i32 {
      %mul3A_103 = arith.constant 2 : i32
      %mul3A_104 = arith.muli %mul3A_103, %while3A_101 : i32
      %mul3A_105 = arith.constant 2 : i32
      %mul3A_106 = arith.muli %mul3A_105, %while3A_101 : i32
      %add3A_107 = arith.constant 1 : i32
      %add3A_108 = arith.addi %mul3A_106, %add3A_107 : i32
      %mul3A_109 = arith.constant 32 : i32
      %mul3A_110 = arith.muli %mul3A_104, %mul3A_109 : i32
      %add3A_111 = arith.addi %mul3A_110, %add3A : i32
      %mul3A_112 = arith.constant 64 : i32
      %mul3A_113 = arith.muli %add3A_111, %mul3A_112 : i32
      %dma_wait3A = arith.constant 1 : i32
      %dma_wait3A_114 = arith.constant 0 : i32
      %dma_wait3A_115 = arith.constant 0 : i32
      %dma_wait3A_116 = arith.constant 0 : i32
      %dma_wait3A_117 = tpu.memref_slice %arg4[%dma_wait3A_114, %dma_wait3A_116] : memref<2x64xi32, #tpu.memory_space<vmem>> -> memref<1x64xi32, #tpu.memory_space<vmem>>
      %dma_wait3A_118 = tpu.memref_squeeze %dma_wait3A_117 : memref<1x64xi32, #tpu.memory_space<vmem>> -> memref<64xi32, #tpu.memory_space<vmem>>
      %dma_wait3A_119 = tpu.memref_slice %arg2[%dma_wait3A, %mul3A_113] : memref<2x160000xi32, #tpu.memory_space<hbm>> -> memref<1x64xi32, #tpu.memory_space<hbm>>
      %dma_wait3A_120 = tpu.memref_squeeze %dma_wait3A_119 : memref<1x64xi32, #tpu.memory_space<hbm>> -> memref<64xi32, #tpu.memory_space<hbm>>
      %dma_wait3A_121 = tpu.memref_slice %arg9[%dma_wait3A_115] : memref<2x!tpu.dma_semaphore, #tpu.memory_space<semaphore_mem>> -> memref<1x!tpu.dma_semaphore, #tpu.memory_space<semaphore_mem>>
      %dma_wait3A_122 = tpu.memref_squeeze %dma_wait3A_121 : memref<1x!tpu.dma_semaphore, #tpu.memory_space<semaphore_mem>> -> memref<!tpu.dma_semaphore, #tpu.memory_space<semaphore_mem>>
      %dma_wait3A_123 = arith.constant 0 : i32
      %dma_wait3A_124 = tpu.memref_slice %arg4[%dma_wait3A_114, %dma_wait3A_123] : memref<2x64xi32, #tpu.memory_space<vmem>> -> memref<1x64xi32, #tpu.memory_space<vmem>>
      %dma_wait3A_125 = tpu.memref_squeeze %dma_wait3A_124 : memref<1x64xi32, #tpu.memory_space<vmem>> -> memref<64xi32, #tpu.memory_space<vmem>>
      %dma_wait3A_126 = tpu.memref_slice %arg2[%dma_wait3A, %mul3A_113] : memref<2x160000xi32, #tpu.memory_space<hbm>> -> memref<1x64xi32, #tpu.memory_space<hbm>>
      %dma_wait3A_127 = tpu.memref_squeeze %dma_wait3A_126 : memref<1x64xi32, #tpu.memory_space<hbm>> -> memref<64xi32, #tpu.memory_space<hbm>>
      tpu.wait_dma2 semaphore(%dma_wait3A_122 : memref<!tpu.dma_semaphore, #tpu.memory_space<semaphore_mem>>) src(%dma_wait3A_127 : memref<64xi32, #tpu.memory_space<hbm>>) dst(%dma_wait3A_125 : memref<64xi32, #tpu.memory_space<vmem>>)
      %get3A = arith.constant 0 : i32
      %get3A_128 = arith.index_cast %get3A : i32 to index
      %get3A_129 = arith.constant 0 : index
      %get3A_130 = tpu.vector_load %arg4[%get3A_128, %get3A_129] {strides = array<i32>} : memref<2x64xi32, #tpu.memory_space<vmem>>, vector<1x16xi32>,
      %get3A_131 = vector.shape_cast %get3A_130 : vector<1x16xi32> to vector<16xi32>
      %and3A_132 = arith.constant 65535 : i32
      %and3A_133 = vector.broadcast %and3A_132 : i32 to vector<16xi32>
      %and3A_134 = arith.andi %get3A_131, %and3A_133 : vector<16xi32>
      %swap3A = arith.constant 0 : i32
      %swap3A_135 = arith.index_cast %swap3A : i32 to index
      %swap3A_136 = arith.constant 0 : index
      %swap3A_137 = tpu.vector_load %arg5[%swap3A_135, %swap3A_136] {strides = array<i32>} : memref<2x128xi32, #tpu.memory_space<vmem>>, vector<1x16xi32>,
      %swap3A_138 = vector.shape_cast %swap3A_137 : vector<1x16xi32> to vector<16xi32>
      %swap3A_139 = vector.shape_cast %and3A_134 : vector<16xi32> to vector<1x16xi32>
      tpu.vector_store %arg5[%swap3A_135, %swap3A_136], %swap3A_139 {strides = array<i32>} : memref<2x128xi32, #tpu.memory_space<vmem>>, vector<1x16xi32>,
      %shift_right_arithmetic3A = arith.constant 16 : i32
      %shift_right_arithmetic3A_140 = vector.broadcast %shift_right_arithmetic3A : i32 to vector<16xi32>
      %shift_right_arithmetic3A_141 = arith.shrsi %get3A_131, %shift_right_arithmetic3A_140 : vector<16xi32>
      %swap3A_142 = arith.constant 0 : i32
      %swap3A_143 = arith.index_cast %swap3A_142 : i32 to index
      %swap3A_144 = arith.constant 16 : index
      %swap3A_145 = tpu.vector_load %arg5[%swap3A_143, %swap3A_144] {strides = array<i32>} : memref<2x128xi32, #tpu.memory_space<vmem>>, vector<1x16xi32>,
      %swap3A_146 = vector.shape_cast %swap3A_145 : vector<1x16xi32> to vector<16xi32>
      %swap3A_147 = vector.shape_cast %shift_right_arithmetic3A_141 : vector<16xi32> to vector<1x16xi32>
      tpu.vector_store %arg5[%swap3A_143, %swap3A_144], %swap3A_147 {strides = array<i32>} : memref<2x128xi32, #tpu.memory_space<vmem>>, vector<1x16xi32>,
      %get3A_148 = arith.constant 0 : i32
      %get3A_149 = arith.index_cast %get3A_148 : i32 to index
      %get3A_150 = arith.constant 16 : index
      %get3A_151 = tpu.vector_load %arg4[%get3A_149, %get3A_150] {strides = array<i32>} : memref<2x64xi32, #tpu.memory_space<vmem>>, vector<1x16xi32>,
      %get3A_152 = vector.shape_cast %get3A_151 : vector<1x16xi32> to vector<16xi32>
      %and3A_153 = arith.constant 65535 : i32
      %and3A_154 = vector.broadcast %and3A_153 : i32 to vector<16xi32>
      %and3A_155 = arith.andi %get3A_152, %and3A_154 : vector<16xi32>
      %swap3A_156 = arith.constant 0 : i32
      %swap3A_157 = arith.index_cast %swap3A_156 : i32 to index
      %swap3A_158 = arith.constant 32 : index
      %swap3A_159 = tpu.vector_load %arg5[%swap3A_157, %swap3A_158] {strides = array<i32>} : memref<2x128xi32, #tpu.memory_space<vmem>>, vector<1x16xi32>,
      %swap3A_160 = vector.shape_cast %swap3A_159 : vector<1x16xi32> to vector<16xi32>
      %swap3A_161 = vector.shape_cast %and3A_155 : vector<16xi32> to vector<1x16xi32>
      tpu.vector_store %arg5[%swap3A_157, %swap3A_158], %swap3A_161 {strides = array<i32>} : memref<2x128xi32, #tpu.memory_space<vmem>>, vector<1x16xi32>,
      %shift_right_arithmetic3A_162 = arith.constant 16 : i32
      %shift_right_arithmetic3A_163 = vector.broadcast %shift_right_arithmetic3A_162 : i32 to vector<16xi32>
      %shift_right_arithmetic3A_164 = arith.shrsi %get3A_152, %shift_right_arithmetic3A_163 : vector<16xi32>
      %swap3A_165 = arith.constant 0 : i32
      %swap3A_166 = arith.index_cast %swap3A_165 : i32 to index
      %swap3A_167 = arith.constant 48 : index
      %swap3A_168 = tpu.vector_load %arg5[%swap3A_166, %swap3A_167] {strides = array<i32>} : memref<2x128xi32, #tpu.memory_space<vmem>>, vector<1x16xi32>,
      %swap3A_169 = vector.shape_cast %swap3A_168 : vector<1x16xi32> to vector<16xi32>
      %swap3A_170 = vector.shape_cast %shift_right_arithmetic3A_164 : vector<16xi32> to vector<1x16xi32>
      tpu.vector_store %arg5[%swap3A_166, %swap3A_167], %swap3A_170 {strides = array<i32>} : memref<2x128xi32, #tpu.memory_space<vmem>>, vector<1x16xi32>,
      %get3A_171 = arith.constant 0 : i32
      %get3A_172 = arith.index_cast %get3A_171 : i32 to index
      %get3A_173 = arith.constant 32 : index
      %get3A_174 = tpu.vector_load %arg4[%get3A_172, %get3A_173] {strides = array<i32>} : memref<2x64xi32, #tpu.memory_space<vmem>>, vector<1x16xi32>,
      %get3A_175 = vector.shape_cast %get3A_174 : vector<1x16xi32> to vector<16xi32>
      %and3A_176 = arith.constant 65535 : i32
      %and3A_177 = vector.broadcast %and3A_176 : i32 to vector<16xi32>
      %and3A_178 = arith.andi %get3A_175, %and3A_177 : vector<16xi32>
      %swap3A_179 = arith.constant 0 : i32
      %swap3A_180 = arith.index_cast %swap3A_179 : i32 to index
      %swap3A_181 = arith.constant 64 : index
      %swap3A_182 = tpu.vector_load %arg5[%swap3A_180, %swap3A_181] {strides = array<i32>} : memref<2x128xi32, #tpu.memory_space<vmem>>, vector<1x16xi32>,
      %swap3A_183 = vector.shape_cast %swap3A_182 : vector<1x16xi32> to vector<16xi32>
      %swap3A_184 = vector.shape_cast %and3A_178 : vector<16xi32> to vector<1x16xi32>
      tpu.vector_store %arg5[%swap3A_180, %swap3A_181], %swap3A_184 {strides = array<i32>} : memref<2x128xi32, #tpu.memory_space<vmem>>, vector<1x16xi32>,
      %shift_right_arithmetic3A_185 = arith.constant 16 : i32
      %shift_right_arithmetic3A_186 = vector.broadcast %shift_right_arithmetic3A_185 : i32 to vector<16xi32>
      %shift_right_arithmetic3A_187 = arith.shrsi %get3A_175, %shift_right_arithmetic3A_186 : vector<16xi32>
      %swap3A_188 = arith.constant 0 : i32
      %swap3A_189 = arith.index_cast %swap3A_188 : i32 to index
      %swap3A_190 = arith.constant 80 : index
      %swap3A_191 = tpu.vector_load %arg5[%swap3A_189, %swap3A_190] {strides = array<i32>} : memref<2x128xi32, #tpu.memory_space<vmem>>, vector<1x16xi32>,
      %swap3A_192 = vector.shape_cast %swap3A_191 : vector<1x16xi32> to vector<16xi32>
      %swap3A_193 = vector.shape_cast %shift_right_arithmetic3A_187 : vector<16xi32> to vector<1x16xi32>
      tpu.vector_store %arg5[%swap3A_189, %swap3A_190], %swap3A_193 {strides = array<i32>} : memref<2x128xi32, #tpu.memory_space<vmem>>, vector<1x16xi32>,
      %get3A_194 = arith.constant 0 : i32
      %get3A_195 = arith.index_cast %get3A_194 : i32 to index
      %get3A_196 = arith.constant 48 : index
      %get3A_197 = tpu.vector_load %arg4[%get3A_195, %get3A_196] {strides = array<i32>} : memref<2x64xi32, #tpu.memory_space<vmem>>, vector<1x16xi32>,
      %get3A_198 = vector.shape_cast %get3A_197 : vector<1x16xi32> to vector<16xi32>
      %and3A_199 = arith.constant 65535 : i32
      %and3A_200 = vector.broadcast %and3A_199 : i32 to vector<16xi32>
      %and3A_201 = arith.andi %get3A_198, %and3A_200 : vector<16xi32>
      %swap3A_202 = arith.constant 0 : i32
      %swap3A_203 = arith.index_cast %swap3A_202 : i32 to index
      %swap3A_204 = arith.constant 96 : index
      %swap3A_205 = tpu.vector_load %arg5[%swap3A_203, %swap3A_204] {strides = array<i32>} : memref<2x128xi32, #tpu.memory_space<vmem>>, vector<1x16xi32>,
      %swap3A_206 = vector.shape_cast %swap3A_205 : vector<1x16xi32> to vector<16xi32>
      %swap3A_207 = vector.shape_cast %and3A_201 : vector<16xi32> to vector<1x16xi32>
      tpu.vector_store %arg5[%swap3A_203, %swap3A_204], %swap3A_207 {strides = array<i32>} : memref<2x128xi32, #tpu.memory_space<vmem>>, vector<1x16xi32>,
      %shift_right_arithmetic3A_208 = arith.constant 16 : i32
      %shift_right_arithmetic3A_209 = vector.broadcast %shift_right_arithmetic3A_208 : i32 to vector<16xi32>
      %shift_right_arithmetic3A_210 = arith.shrsi %get3A_198, %shift_right_arithmetic3A_209 : vector<16xi32>
      %swap3A_211 = arith.constant 0 : i32
      %swap3A_212 = arith.index_cast %swap3A_211 : i32 to index
      %swap3A_213 = arith.constant 112 : index
      %swap3A_214 = tpu.vector_load %arg5[%swap3A_212, %swap3A_213] {strides = array<i32>} : memref<2x128xi32, #tpu.memory_space<vmem>>, vector<1x16xi32>,
      %swap3A_215 = vector.shape_cast %swap3A_214 : vector<1x16xi32> to vector<16xi32>
      %swap3A_216 = vector.shape_cast %shift_right_arithmetic3A_210 : vector<16xi32> to vector<1x16xi32>
      tpu.vector_store %arg5[%swap3A_212, %swap3A_213], %swap3A_216 {strides = array<i32>} : memref<2x128xi32, #tpu.memory_space<vmem>>, vector<1x16xi32>,
      %lt3A = arith.cmpi slt, %add3A_108, %select_n3A : i32
      %convert_element_type3A_217 = arith.extui %lt3A : i1 to i32
      %cond3A_218 = arith.constant 0 : i32
      %cond3A_219 = arith.cmpi ne, %convert_element_type3A_217, %cond3A_218 : i32
      scf.if %cond3A_219 {
        %mul3A_225 = arith.constant 32 : i32
        %mul3A_226 = arith.muli %add3A_108, %mul3A_225 : i32
        %add3A_227 = arith.addi %mul3A_226, %add3A : i32
        %mul3A_228 = arith.constant 64 : i32
        %mul3A_229 = arith.muli %add3A_227, %mul3A_228 : i32
        %dma_start3A = arith.constant 1 : i32
        %dma_start3A_230 = arith.constant 1 : i32
        %dma_start3A_231 = arith.constant 1 : i32
        %dma_start3A_232 = arith.constant 0 : i32
        %dma_start3A_233 = tpu.memref_slice %arg4[%dma_start3A_230, %dma_start3A_232] : memref<2x64xi32, #tpu.memory_space<vmem>> -> memref<1x64xi32, #tpu.memory_space<vmem>>
        %dma_start3A_234 = tpu.memref_squeeze %dma_start3A_233 : memref<1x64xi32, #tpu.memory_space<vmem>> -> memref<64xi32, #tpu.memory_space<vmem>>
        %dma_start3A_235 = tpu.memref_slice %arg2[%dma_start3A, %mul3A_229] : memref<2x160000xi32, #tpu.memory_space<hbm>> -> memref<1x64xi32, #tpu.memory_space<hbm>>
        %dma_start3A_236 = tpu.memref_squeeze %dma_start3A_235 : memref<1x64xi32, #tpu.memory_space<hbm>> -> memref<64xi32, #tpu.memory_space<hbm>>
        %dma_start3A_237 = tpu.memref_slice %arg9[%dma_start3A_231] : memref<2x!tpu.dma_semaphore, #tpu.memory_space<semaphore_mem>> -> memref<1x!tpu.dma_semaphore, #tpu.memory_space<semaphore_mem>>
        %dma_start3A_238 = tpu.memref_squeeze %dma_start3A_237 : memref<1x!tpu.dma_semaphore, #tpu.memory_space<semaphore_mem>> -> memref<!tpu.dma_semaphore, #tpu.memory_space<semaphore_mem>>
        %dma_start3A_239 = arith.constant 0 : i32
        %dma_start3A_240 = tpu.memref_slice %arg4[%dma_start3A_230, %dma_start3A_239] : memref<2x64xi32, #tpu.memory_space<vmem>> -> memref<1x64xi32, #tpu.memory_space<vmem>>
        %dma_start3A_241 = tpu.memref_squeeze %dma_start3A_240 : memref<1x64xi32, #tpu.memory_space<vmem>> -> memref<64xi32, #tpu.memory_space<vmem>>
        %dma_start3A_242 = tpu.memref_slice %arg2[%dma_start3A, %mul3A_229] : memref<2x160000xi32, #tpu.memory_space<hbm>> -> memref<1x64xi32, #tpu.memory_space<hbm>>
        %dma_start3A_243 = tpu.memref_squeeze %dma_start3A_242 : memref<1x64xi32, #tpu.memory_space<hbm>> -> memref<64xi32, #tpu.memory_space<hbm>>
        tpu.enqueue_dma source(%dma_start3A_243 : memref<64xi32, #tpu.memory_space<hbm>>) target(%dma_start3A_241 : memref<64xi32, #tpu.memory_space<vmem>>) target_semaphore(%dma_start3A_238 : memref<!tpu.dma_semaphore, #tpu.memory_space<semaphore_mem>>)
      } else {
      }
      %run_scoped3A = arith.constant 0 : i32
      "tpu.region"() ({
        %run_scoped3A_225 = tpu.sem_alloc : memref<!tpu.dma_semaphore, #tpu.memory_space<semaphore_mem>>
        %dma_start3A = arith.constant 0 : i32
        %dma_start3A_226 = tpu.memref_slice %arg5[%run_scoped3A, %dma_start3A] : memref<2x128xi32, #tpu.memory_space<vmem>> -> memref<1x128xi32, #tpu.memory_space<vmem>>
        %dma_start3A_227 = tpu.memref_squeeze %dma_start3A_226 : memref<1x128xi32, #tpu.memory_space<vmem>> -> memref<128xi32, #tpu.memory_space<vmem>>
        %dma_start3A_228 = arith.constant 0 : i32
        %dma_start3A_229 = arith.constant 0 : i32
        %dma_start3A_230 = tpu.memref_slice %arg8[%dma_start3A_228, %dma_start3A_229] : memref<10112x128xf32, #tpu.memory_space<vmem_shared>> -> memref<10112x128xf32, #tpu.memory_space<vmem_shared>>
        tpu.enqueue_indirect_dma source(%arg6 : memref<128x128xf32, #tpu.memory_space<vmem>>) target(%dma_start3A_230 : memref<10112x128xf32, #tpu.memory_space<vmem_shared>>) offsets(%dma_start3A_227 : memref<128xi32, #tpu.memory_space<vmem>>) semaphore(%run_scoped3A_225 : memref<!tpu.dma_semaphore, #tpu.memory_space<semaphore_mem>>) {add = true}
        %dma_wait3A_231 = arith.constant 0 : i32
        %dma_wait3A_232 = tpu.memref_slice %arg5[%run_scoped3A, %dma_wait3A_231] : memref<2x128xi32, #tpu.memory_space<vmem>> -> memref<1x128xi32, #tpu.memory_space<vmem>>
        %dma_wait3A_233 = tpu.memref_squeeze %dma_wait3A_232 : memref<1x128xi32, #tpu.memory_space<vmem>> -> memref<128xi32, #tpu.memory_space<vmem>>
        %dma_wait3A_234 = arith.constant 0 : i32
        %dma_wait3A_235 = arith.constant 0 : i32
        %dma_wait3A_236 = tpu.memref_slice %arg8[%dma_wait3A_234, %dma_wait3A_235] : memref<10112x128xf32, #tpu.memory_space<vmem_shared>> -> memref<10112x128xf32, #tpu.memory_space<vmem_shared>>
        tpu.wait_indirect_dma semaphore(%run_scoped3A_225 : memref<!tpu.dma_semaphore, #tpu.memory_space<semaphore_mem>>) src(%arg6 : memref<128x128xf32, #tpu.memory_space<vmem>>) dst(%dma_wait3A_236 : memref<10112x128xf32, #tpu.memory_space<vmem_shared>>)
        tpu.yield
      }) : () -> ()
      %lt3A_220 = arith.cmpi slt, %add3A_108, %select_n3A : i32
      %convert_element_type3A_221 = arith.extui %lt3A_220 : i1 to i32
      %cond3A_222 = arith.constant 0 : i32
      %cond3A_223 = arith.cmpi ne, %convert_element_type3A_221, %cond3A_222 : i32
      scf.if %cond3A_223 {
        %mul3A_225 = arith.constant 32 : i32
        %mul3A_226 = arith.muli %add3A_108, %mul3A_225 : i32
        %add3A_227 = arith.addi %mul3A_226, %add3A : i32
        %mul3A_228 = arith.constant 64 : i32
        %mul3A_229 = arith.muli %add3A_227, %mul3A_228 : i32
        %dma_wait3A_230 = arith.constant 1 : i32
        %dma_wait3A_231 = arith.constant 1 : i32
        %dma_wait3A_232 = arith.constant 1 : i32
        %dma_wait3A_233 = arith.constant 0 : i32
        %dma_wait3A_234 = tpu.memref_slice %arg4[%dma_wait3A_231, %dma_wait3A_233] : memref<2x64xi32, #tpu.memory_space<vmem>> -> memref<1x64xi32, #tpu.memory_space<vmem>>
        %dma_wait3A_235 = tpu.memref_squeeze %dma_wait3A_234 : memref<1x64xi32, #tpu.memory_space<vmem>> -> memref<64xi32, #tpu.memory_space<vmem>>
        %dma_wait3A_236 = tpu.memref_slice %arg2[%dma_wait3A_230, %mul3A_229] : memref<2x160000xi32, #tpu.memory_space<hbm>> -> memref<1x64xi32, #tpu.memory_space<hbm>>
        %dma_wait3A_237 = tpu.memref_squeeze %dma_wait3A_236 : memref<1x64xi32, #tpu.memory_space<hbm>> -> memref<64xi32, #tpu.memory_space<hbm>>
        %dma_wait3A_238 = tpu.memref_slice %arg9[%dma_wait3A_232] : memref<2x!tpu.dma_semaphore, #tpu.memory_space<semaphore_mem>> -> memref<1x!tpu.dma_semaphore, #tpu.memory_space<semaphore_mem>>
        %dma_wait3A_239 = tpu.memref_squeeze %dma_wait3A_238 : memref<1x!tpu.dma_semaphore, #tpu.memory_space<semaphore_mem>> -> memref<!tpu.dma_semaphore, #tpu.memory_space<semaphore_mem>>
        %dma_wait3A_240 = arith.constant 0 : i32
        %dma_wait3A_241 = tpu.memref_slice %arg4[%dma_wait3A_231, %dma_wait3A_240] : memref<2x64xi32, #tpu.memory_space<vmem>> -> memref<1x64xi32, #tpu.memory_space<vmem>>
        %dma_wait3A_242 = tpu.memref_squeeze %dma_wait3A_241 : memref<1x64xi32, #tpu.memory_space<vmem>> -> memref<64xi32, #tpu.memory_space<vmem>>
        %dma_wait3A_243 = tpu.memref_slice %arg2[%dma_wait3A_230, %mul3A_229] : memref<2x160000xi32, #tpu.memory_space<hbm>> -> memref<1x64xi32, #tpu.memory_space<hbm>>
        %dma_wait3A_244 = tpu.memref_squeeze %dma_wait3A_243 : memref<1x64xi32, #tpu.memory_space<hbm>> -> memref<64xi32, #tpu.memory_space<hbm>>
        tpu.wait_dma2 semaphore(%dma_wait3A_239 : memref<!tpu.dma_semaphore, #tpu.memory_space<semaphore_mem>>) src(%dma_wait3A_244 : memref<64xi32, #tpu.memory_space<hbm>>) dst(%dma_wait3A_242 : memref<64xi32, #tpu.memory_space<vmem>>)
        %get3A_245 = arith.constant 1 : i32
        %get3A_246 = arith.index_cast %get3A_245 : i32 to index
        %get3A_247 = arith.constant 0 : index
        %get3A_248 = tpu.vector_load %arg4[%get3A_246, %get3A_247] {strides = array<i32>} : memref<2x64xi32, #tpu.memory_space<vmem>>, vector<1x16xi32>,
        %get3A_249 = vector.shape_cast %get3A_248 : vector<1x16xi32> to vector<16xi32>
        %and3A_250 = arith.constant 65535 : i32
        %and3A_251 = vector.broadcast %and3A_250 : i32 to vector<16xi32>
        %and3A_252 = arith.andi %get3A_249, %and3A_251 : vector<16xi32>
        %swap3A_253 = arith.constant 1 : i32
        %swap3A_254 = arith.index_cast %swap3A_253 : i32 to index
        %swap3A_255 = arith.constant 0 : index
        %swap3A_256 = tpu.vector_load %arg5[%swap3A_254, %swap3A_255] {strides = array<i32>} : memref<2x128xi32, #tpu.memory_space<vmem>>, vector<1x16xi32>,
        %swap3A_257 = vector.shape_cast %swap3A_256 : vector<1x16xi32> to vector<16xi32>
        %swap3A_258 = vector.shape_cast %and3A_252 : vector<16xi32> to vector<1x16xi32>
        tpu.vector_store %arg5[%swap3A_254, %swap3A_255], %swap3A_258 {strides = array<i32>} : memref<2x128xi32, #tpu.memory_space<vmem>>, vector<1x16xi32>,
        %shift_right_arithmetic3A_259 = arith.constant 16 : i32
        %shift_right_arithmetic3A_260 = vector.broadcast %shift_right_arithmetic3A_259 : i32 to vector<16xi32>
        %shift_right_arithmetic3A_261 = arith.shrsi %get3A_249, %shift_right_arithmetic3A_260 : vector<16xi32>
        %swap3A_262 = arith.constant 1 : i32
        %swap3A_263 = arith.index_cast %swap3A_262 : i32 to index
        %swap3A_264 = arith.constant 16 : index
        %swap3A_265 = tpu.vector_load %arg5[%swap3A_263, %swap3A_264] {strides = array<i32>} : memref<2x128xi32, #tpu.memory_space<vmem>>, vector<1x16xi32>,
        %swap3A_266 = vector.shape_cast %swap3A_265 : vector<1x16xi32> to vector<16xi32>
        %swap3A_267 = vector.shape_cast %shift_right_arithmetic3A_261 : vector<16xi32> to vector<1x16xi32>
        tpu.vector_store %arg5[%swap3A_263, %swap3A_264], %swap3A_267 {strides = array<i32>} : memref<2x128xi32, #tpu.memory_space<vmem>>, vector<1x16xi32>,
        %get3A_268 = arith.constant 1 : i32
        %get3A_269 = arith.index_cast %get3A_268 : i32 to index
        %get3A_270 = arith.constant 16 : index
        %get3A_271 = tpu.vector_load %arg4[%get3A_269, %get3A_270] {strides = array<i32>} : memref<2x64xi32, #tpu.memory_space<vmem>>, vector<1x16xi32>,
        %get3A_272 = vector.shape_cast %get3A_271 : vector<1x16xi32> to vector<16xi32>
        %and3A_273 = arith.constant 65535 : i32
        %and3A_274 = vector.broadcast %and3A_273 : i32 to vector<16xi32>
        %and3A_275 = arith.andi %get3A_272, %and3A_274 : vector<16xi32>
        %swap3A_276 = arith.constant 1 : i32
        %swap3A_277 = arith.index_cast %swap3A_276 : i32 to index
        %swap3A_278 = arith.constant 32 : index
        %swap3A_279 = tpu.vector_load %arg5[%swap3A_277, %swap3A_278] {strides = array<i32>} : memref<2x128xi32, #tpu.memory_space<vmem>>, vector<1x16xi32>,
        %swap3A_280 = vector.shape_cast %swap3A_279 : vector<1x16xi32> to vector<16xi32>
        %swap3A_281 = vector.shape_cast %and3A_275 : vector<16xi32> to vector<1x16xi32>
        tpu.vector_store %arg5[%swap3A_277, %swap3A_278], %swap3A_281 {strides = array<i32>} : memref<2x128xi32, #tpu.memory_space<vmem>>, vector<1x16xi32>,
        %shift_right_arithmetic3A_282 = arith.constant 16 : i32
        %shift_right_arithmetic3A_283 = vector.broadcast %shift_right_arithmetic3A_282 : i32 to vector<16xi32>
        %shift_right_arithmetic3A_284 = arith.shrsi %get3A_272, %shift_right_arithmetic3A_283 : vector<16xi32>
        %swap3A_285 = arith.constant 1 : i32
        %swap3A_286 = arith.index_cast %swap3A_285 : i32 to index
        %swap3A_287 = arith.constant 48 : index
        %swap3A_288 = tpu.vector_load %arg5[%swap3A_286, %swap3A_287] {strides = array<i32>} : memref<2x128xi32, #tpu.memory_space<vmem>>, vector<1x16xi32>,
        %swap3A_289 = vector.shape_cast %swap3A_288 : vector<1x16xi32> to vector<16xi32>
        %swap3A_290 = vector.shape_cast %shift_right_arithmetic3A_284 : vector<16xi32> to vector<1x16xi32>
        tpu.vector_store %arg5[%swap3A_286, %swap3A_287], %swap3A_290 {strides = array<i32>} : memref<2x128xi32, #tpu.memory_space<vmem>>, vector<1x16xi32>,
        %get3A_291 = arith.constant 1 : i32
        %get3A_292 = arith.index_cast %get3A_291 : i32 to index
        %get3A_293 = arith.constant 32 : index
        %get3A_294 = tpu.vector_load %arg4[%get3A_292, %get3A_293] {strides = array<i32>} : memref<2x64xi32, #tpu.memory_space<vmem>>, vector<1x16xi32>,
        %get3A_295 = vector.shape_cast %get3A_294 : vector<1x16xi32> to vector<16xi32>
        %and3A_296 = arith.constant 65535 : i32
        %and3A_297 = vector.broadcast %and3A_296 : i32 to vector<16xi32>
        %and3A_298 = arith.andi %get3A_295, %and3A_297 : vector<16xi32>
        %swap3A_299 = arith.constant 1 : i32
        %swap3A_300 = arith.index_cast %swap3A_299 : i32 to index
        %swap3A_301 = arith.constant 64 : index
        %swap3A_302 = tpu.vector_load %arg5[%swap3A_300, %swap3A_301] {strides = array<i32>} : memref<2x128xi32, #tpu.memory_space<vmem>>, vector<1x16xi32>,
        %swap3A_303 = vector.shape_cast %swap3A_302 : vector<1x16xi32> to vector<16xi32>
        %swap3A_304 = vector.shape_cast %and3A_298 : vector<16xi32> to vector<1x16xi32>
        tpu.vector_store %arg5[%swap3A_300, %swap3A_301], %swap3A_304 {strides = array<i32>} : memref<2x128xi32, #tpu.memory_space<vmem>>, vector<1x16xi32>,
        %shift_right_arithmetic3A_305 = arith.constant 16 : i32
        %shift_right_arithmetic3A_306 = vector.broadcast %shift_right_arithmetic3A_305 : i32 to vector<16xi32>
        %shift_right_arithmetic3A_307 = arith.shrsi %get3A_295, %shift_right_arithmetic3A_306 : vector<16xi32>
        %swap3A_308 = arith.constant 1 : i32
        %swap3A_309 = arith.index_cast %swap3A_308 : i32 to index
        %swap3A_310 = arith.constant 80 : index
        %swap3A_311 = tpu.vector_load %arg5[%swap3A_309, %swap3A_310] {strides = array<i32>} : memref<2x128xi32, #tpu.memory_space<vmem>>, vector<1x16xi32>,
        %swap3A_312 = vector.shape_cast %swap3A_311 : vector<1x16xi32> to vector<16xi32>
        %swap3A_313 = vector.shape_cast %shift_right_arithmetic3A_307 : vector<16xi32> to vector<1x16xi32>
        tpu.vector_store %arg5[%swap3A_309, %swap3A_310], %swap3A_313 {strides = array<i32>} : memref<2x128xi32, #tpu.memory_space<vmem>>, vector<1x16xi32>,
        %get3A_314 = arith.constant 1 : i32
        %get3A_315 = arith.index_cast %get3A_314 : i32 to index
        %get3A_316 = arith.constant 48 : index
        %get3A_317 = tpu.vector_load %arg4[%get3A_315, %get3A_316] {strides = array<i32>} : memref<2x64xi32, #tpu.memory_space<vmem>>, vector<1x16xi32>,
        %get3A_318 = vector.shape_cast %get3A_317 : vector<1x16xi32> to vector<16xi32>
        %and3A_319 = arith.constant 65535 : i32
        %and3A_320 = vector.broadcast %and3A_319 : i32 to vector<16xi32>
        %and3A_321 = arith.andi %get3A_318, %and3A_320 : vector<16xi32>
        %swap3A_322 = arith.constant 1 : i32
        %swap3A_323 = arith.index_cast %swap3A_322 : i32 to index
        %swap3A_324 = arith.constant 96 : index
        %swap3A_325 = tpu.vector_load %arg5[%swap3A_323, %swap3A_324] {strides = array<i32>} : memref<2x128xi32, #tpu.memory_space<vmem>>, vector<1x16xi32>,
        %swap3A_326 = vector.shape_cast %swap3A_325 : vector<1x16xi32> to vector<16xi32>
        %swap3A_327 = vector.shape_cast %and3A_321 : vector<16xi32> to vector<1x16xi32>
        tpu.vector_store %arg5[%swap3A_323, %swap3A_324], %swap3A_327 {strides = array<i32>} : memref<2x128xi32, #tpu.memory_space<vmem>>, vector<1x16xi32>,
        %shift_right_arithmetic3A_328 = arith.constant 16 : i32
        %shift_right_arithmetic3A_329 = vector.broadcast %shift_right_arithmetic3A_328 : i32 to vector<16xi32>
        %shift_right_arithmetic3A_330 = arith.shrsi %get3A_318, %shift_right_arithmetic3A_329 : vector<16xi32>
        %swap3A_331 = arith.constant 1 : i32
        %swap3A_332 = arith.index_cast %swap3A_331 : i32 to index
        %swap3A_333 = arith.constant 112 : index
        %swap3A_334 = tpu.vector_load %arg5[%swap3A_332, %swap3A_333] {strides = array<i32>} : memref<2x128xi32, #tpu.memory_space<vmem>>, vector<1x16xi32>,
        %swap3A_335 = vector.shape_cast %swap3A_334 : vector<1x16xi32> to vector<16xi32>
        %swap3A_336 = vector.shape_cast %shift_right_arithmetic3A_330 : vector<16xi32> to vector<1x16xi32>
        tpu.vector_store %arg5[%swap3A_332, %swap3A_333], %swap3A_336 {strides = array<i32>} : memref<2x128xi32, #tpu.memory_space<vmem>>, vector<1x16xi32>,
        %add3A_337 = arith.constant 2 : i32
        %add3A_338 = arith.addi %mul3A_104, %add3A_337 : i32
        %lt3A_339 = arith.cmpi slt, %add3A_338, %select_n3A : i32
        %convert_element_type3A_340 = arith.extui %lt3A_339 : i1 to i32
        %cond3A_341 = arith.constant 0 : i32
        %cond3A_342 = arith.cmpi ne, %convert_element_type3A_340, %cond3A_341 : i32
        scf.if %cond3A_342 {
          %add3A_344 = arith.constant 2 : i32
          %add3A_345 = arith.addi %mul3A_104, %add3A_344 : i32
          %mul3A_346 = arith.constant 32 : i32
          %mul3A_347 = arith.muli %add3A_345, %mul3A_346 : i32
          %add3A_348 = arith.addi %mul3A_347, %add3A : i32
          %mul3A_349 = arith.constant 64 : i32
          %mul3A_350 = arith.muli %add3A_348, %mul3A_349 : i32
          %dma_start3A = arith.constant 1 : i32
          %dma_start3A_351 = arith.constant 0 : i32
          %dma_start3A_352 = arith.constant 0 : i32
          %dma_start3A_353 = arith.constant 0 : i32
          %dma_start3A_354 = tpu.memref_slice %arg4[%dma_start3A_351, %dma_start3A_353] : memref<2x64xi32, #tpu.memory_space<vmem>> -> memref<1x64xi32, #tpu.memory_space<vmem>>
          %dma_start3A_355 = tpu.memref_squeeze %dma_start3A_354 : memref<1x64xi32, #tpu.memory_space<vmem>> -> memref<64xi32, #tpu.memory_space<vmem>>
          %dma_start3A_356 = tpu.memref_slice %arg2[%dma_start3A, %mul3A_350] : memref<2x160000xi32, #tpu.memory_space<hbm>> -> memref<1x64xi32, #tpu.memory_space<hbm>>
          %dma_start3A_357 = tpu.memref_squeeze %dma_start3A_356 : memref<1x64xi32, #tpu.memory_space<hbm>> -> memref<64xi32, #tpu.memory_space<hbm>>
          %dma_start3A_358 = tpu.memref_slice %arg9[%dma_start3A_352] : memref<2x!tpu.dma_semaphore, #tpu.memory_space<semaphore_mem>> -> memref<1x!tpu.dma_semaphore, #tpu.memory_space<semaphore_mem>>
          %dma_start3A_359 = tpu.memref_squeeze %dma_start3A_358 : memref<1x!tpu.dma_semaphore, #tpu.memory_space<semaphore_mem>> -> memref<!tpu.dma_semaphore, #tpu.memory_space<semaphore_mem>>
          %dma_start3A_360 = arith.constant 0 : i32
          %dma_start3A_361 = tpu.memref_slice %arg4[%dma_start3A_351, %dma_start3A_360] : memref<2x64xi32, #tpu.memory_space<vmem>> -> memref<1x64xi32, #tpu.memory_space<vmem>>
          %dma_start3A_362 = tpu.memref_squeeze %dma_start3A_361 : memref<1x64xi32, #tpu.memory_space<vmem>> -> memref<64xi32, #tpu.memory_space<vmem>>
          %dma_start3A_363 = tpu.memref_slice %arg2[%dma_start3A, %mul3A_350] : memref<2x160000xi32, #tpu.memory_space<hbm>> -> memref<1x64xi32, #tpu.memory_space<hbm>>
          %dma_start3A_364 = tpu.memref_squeeze %dma_start3A_363 : memref<1x64xi32, #tpu.memory_space<hbm>> -> memref<64xi32, #tpu.memory_space<hbm>>
          tpu.enqueue_dma source(%dma_start3A_364 : memref<64xi32, #tpu.memory_space<hbm>>) target(%dma_start3A_362 : memref<64xi32, #tpu.memory_space<vmem>>) target_semaphore(%dma_start3A_359 : memref<!tpu.dma_semaphore, #tpu.memory_space<semaphore_mem>>)
        } else {
        }
        %run_scoped3A_343 = arith.constant 1 : i32
        "tpu.region"() ({
          %run_scoped3A_344 = tpu.sem_alloc : memref<!tpu.dma_semaphore, #tpu.memory_space<semaphore_mem>>
          %dma_start3A = arith.constant 0 : i32
          %dma_start3A_345 = tpu.memref_slice %arg5[%run_scoped3A_343, %dma_start3A] : memref<2x128xi32, #tpu.memory_space<vmem>> -> memref<1x128xi32, #tpu.memory_space<vmem>>
          %dma_start3A_346 = tpu.memref_squeeze %dma_start3A_345 : memref<1x128xi32, #tpu.memory_space<vmem>> -> memref<128xi32, #tpu.memory_space<vmem>>
          %dma_start3A_347 = arith.constant 0 : i32
          %dma_start3A_348 = arith.constant 0 : i32
          %dma_start3A_349 = tpu.memref_slice %arg8[%dma_start3A_347, %dma_start3A_348] : memref<10112x128xf32, #tpu.memory_space<vmem_shared>> -> memref<10112x128xf32, #tpu.memory_space<vmem_shared>>
          tpu.enqueue_indirect_dma source(%arg6 : memref<128x128xf32, #tpu.memory_space<vmem>>) target(%dma_start3A_349 : memref<10112x128xf32, #tpu.memory_space<vmem_shared>>) offsets(%dma_start3A_346 : memref<128xi32, #tpu.memory_space<vmem>>) semaphore(%run_scoped3A_344 : memref<!tpu.dma_semaphore, #tpu.memory_space<semaphore_mem>>) {add = true}
          %dma_wait3A_350 = arith.constant 0 : i32
          %dma_wait3A_351 = tpu.memref_slice %arg5[%run_scoped3A_343, %dma_wait3A_350] : memref<2x128xi32, #tpu.memory_space<vmem>> -> memref<1x128xi32, #tpu.memory_space<vmem>>
          %dma_wait3A_352 = tpu.memref_squeeze %dma_wait3A_351 : memref<1x128xi32, #tpu.memory_space<vmem>> -> memref<128xi32, #tpu.memory_space<vmem>>
          %dma_wait3A_353 = arith.constant 0 : i32
          %dma_wait3A_354 = arith.constant 0 : i32
          %dma_wait3A_355 = tpu.memref_slice %arg8[%dma_wait3A_353, %dma_wait3A_354] : memref<10112x128xf32, #tpu.memory_space<vmem_shared>> -> memref<10112x128xf32, #tpu.memory_space<vmem_shared>>
          tpu.wait_indirect_dma semaphore(%run_scoped3A_344 : memref<!tpu.dma_semaphore, #tpu.memory_space<semaphore_mem>>) src(%arg6 : memref<128x128xf32, #tpu.memory_space<vmem>>) dst(%dma_wait3A_355 : memref<10112x128xf32, #tpu.memory_space<vmem_shared>>)
          tpu.yield
        }) : () -> ()
      } else {
      }
      %while3A_224 = arith.constant 0 : i32
      scf.yield %while3A_224 : i32
    }
    %while3A_78 = arith.constant 1 : i32
    %while3A_79 = scf.for %while3A_101 = %while3A_75 to %while3A_71 step %while3A_78 iter_args(%while3A_102 = %while3A_77) -> (i32)  : i32 {
      %mul3A_103 = arith.constant 2 : i32
      %mul3A_104 = arith.muli %mul3A_103, %while3A_101 : i32
      %mul3A_105 = arith.constant 2 : i32
      %mul3A_106 = arith.muli %mul3A_105, %while3A_101 : i32
      %add3A_107 = arith.constant 1 : i32
      %add3A_108 = arith.addi %mul3A_106, %add3A_107 : i32
      %mul3A_109 = arith.constant 32 : i32
      %mul3A_110 = arith.muli %mul3A_104, %mul3A_109 : i32
      %add3A_111 = arith.addi %mul3A_110, %add3A : i32
      %mul3A_112 = arith.constant 64 : i32
      %mul3A_113 = arith.muli %add3A_111, %mul3A_112 : i32
      %dma_wait3A = arith.constant 1 : i32
      %dma_wait3A_114 = arith.constant 0 : i32
      %dma_wait3A_115 = arith.constant 0 : i32
      %dma_wait3A_116 = arith.constant 0 : i32
      %dma_wait3A_117 = tpu.memref_slice %arg4[%dma_wait3A_114, %dma_wait3A_116] : memref<2x64xi32, #tpu.memory_space<vmem>> -> memref<1x64xi32, #tpu.memory_space<vmem>>
      %dma_wait3A_118 = tpu.memref_squeeze %dma_wait3A_117 : memref<1x64xi32, #tpu.memory_space<vmem>> -> memref<64xi32, #tpu.memory_space<vmem>>
      %dma_wait3A_119 = tpu.memref_slice %arg2[%dma_wait3A, %mul3A_113] : memref<2x160000xi32, #tpu.memory_space<hbm>> -> memref<1x64xi32, #tpu.memory_space<hbm>>
      %dma_wait3A_120 = tpu.memref_squeeze %dma_wait3A_119 : memref<1x64xi32, #tpu.memory_space<hbm>> -> memref<64xi32, #tpu.memory_space<hbm>>
      %dma_wait3A_121 = tpu.memref_slice %arg9[%dma_wait3A_115] : memref<2x!tpu.dma_semaphore, #tpu.memory_space<semaphore_mem>> -> memref<1x!tpu.dma_semaphore, #tpu.memory_space<semaphore_mem>>
      %dma_wait3A_122 = tpu.memref_squeeze %dma_wait3A_121 : memref<1x!tpu.dma_semaphore, #tpu.memory_space<semaphore_mem>> -> memref<!tpu.dma_semaphore, #tpu.memory_space<semaphore_mem>>
      %dma_wait3A_123 = arith.constant 0 : i32
      %dma_wait3A_124 = tpu.memref_slice %arg4[%dma_wait3A_114, %dma_wait3A_123] : memref<2x64xi32, #tpu.memory_space<vmem>> -> memref<1x64xi32, #tpu.memory_space<vmem>>
      %dma_wait3A_125 = tpu.memref_squeeze %dma_wait3A_124 : memref<1x64xi32, #tpu.memory_space<vmem>> -> memref<64xi32, #tpu.memory_space<vmem>>
      %dma_wait3A_126 = tpu.memref_slice %arg2[%dma_wait3A, %mul3A_113] : memref<2x160000xi32, #tpu.memory_space<hbm>> -> memref<1x64xi32, #tpu.memory_space<hbm>>
      %dma_wait3A_127 = tpu.memref_squeeze %dma_wait3A_126 : memref<1x64xi32, #tpu.memory_space<hbm>> -> memref<64xi32, #tpu.memory_space<hbm>>
      tpu.wait_dma2 semaphore(%dma_wait3A_122 : memref<!tpu.dma_semaphore, #tpu.memory_space<semaphore_mem>>) src(%dma_wait3A_127 : memref<64xi32, #tpu.memory_space<hbm>>) dst(%dma_wait3A_125 : memref<64xi32, #tpu.memory_space<vmem>>)
      %get3A = arith.constant 0 : i32
      %get3A_128 = arith.index_cast %get3A : i32 to index
      %get3A_129 = arith.constant 0 : index
      %get3A_130 = tpu.vector_load %arg4[%get3A_128, %get3A_129] {strides = array<i32>} : memref<2x64xi32, #tpu.memory_space<vmem>>, vector<1x16xi32>,
      %get3A_131 = vector.shape_cast %get3A_130 : vector<1x16xi32> to vector<16xi32>
      %and3A_132 = arith.constant 65535 : i32
      %and3A_133 = vector.broadcast %and3A_132 : i32 to vector<16xi32>
      %and3A_134 = arith.andi %get3A_131, %and3A_133 : vector<16xi32>
      %swap3A = arith.constant 0 : i32
      %swap3A_135 = arith.index_cast %swap3A : i32 to index
      %swap3A_136 = arith.constant 0 : index
      %swap3A_137 = tpu.vector_load %arg5[%swap3A_135, %swap3A_136] {strides = array<i32>} : memref<2x128xi32, #tpu.memory_space<vmem>>, vector<1x16xi32>,
      %swap3A_138 = vector.shape_cast %swap3A_137 : vector<1x16xi32> to vector<16xi32>
      %swap3A_139 = vector.shape_cast %and3A_134 : vector<16xi32> to vector<1x16xi32>
      tpu.vector_store %arg5[%swap3A_135, %swap3A_136], %swap3A_139 {strides = array<i32>} : memref<2x128xi32, #tpu.memory_space<vmem>>, vector<1x16xi32>,
      %shift_right_arithmetic3A = arith.constant 16 : i32
      %shift_right_arithmetic3A_140 = vector.broadcast %shift_right_arithmetic3A : i32 to vector<16xi32>
      %shift_right_arithmetic3A_141 = arith.shrsi %get3A_131, %shift_right_arithmetic3A_140 : vector<16xi32>
      %swap3A_142 = arith.constant 0 : i32
      %swap3A_143 = arith.index_cast %swap3A_142 : i32 to index
      %swap3A_144 = arith.constant 16 : index
      %swap3A_145 = tpu.vector_load %arg5[%swap3A_143, %swap3A_144] {strides = array<i32>} : memref<2x128xi32, #tpu.memory_space<vmem>>, vector<1x16xi32>,
      %swap3A_146 = vector.shape_cast %swap3A_145 : vector<1x16xi32> to vector<16xi32>
      %swap3A_147 = vector.shape_cast %shift_right_arithmetic3A_141 : vector<16xi32> to vector<1x16xi32>
      tpu.vector_store %arg5[%swap3A_143, %swap3A_144], %swap3A_147 {strides = array<i32>} : memref<2x128xi32, #tpu.memory_space<vmem>>, vector<1x16xi32>,
      %get3A_148 = arith.constant 0 : i32
      %get3A_149 = arith.index_cast %get3A_148 : i32 to index
      %get3A_150 = arith.constant 16 : index
      %get3A_151 = tpu.vector_load %arg4[%get3A_149, %get3A_150] {strides = array<i32>} : memref<2x64xi32, #tpu.memory_space<vmem>>, vector<1x16xi32>,
      %get3A_152 = vector.shape_cast %get3A_151 : vector<1x16xi32> to vector<16xi32>
      %and3A_153 = arith.constant 65535 : i32
      %and3A_154 = vector.broadcast %and3A_153 : i32 to vector<16xi32>
      %and3A_155 = arith.andi %get3A_152, %and3A_154 : vector<16xi32>
      %swap3A_156 = arith.constant 0 : i32
      %swap3A_157 = arith.index_cast %swap3A_156 : i32 to index
      %swap3A_158 = arith.constant 32 : index
      %swap3A_159 = tpu.vector_load %arg5[%swap3A_157, %swap3A_158] {strides = array<i32>} : memref<2x128xi32, #tpu.memory_space<vmem>>, vector<1x16xi32>,
      %swap3A_160 = vector.shape_cast %swap3A_159 : vector<1x16xi32> to vector<16xi32>
      %swap3A_161 = vector.shape_cast %and3A_155 : vector<16xi32> to vector<1x16xi32>
      tpu.vector_store %arg5[%swap3A_157, %swap3A_158], %swap3A_161 {strides = array<i32>} : memref<2x128xi32, #tpu.memory_space<vmem>>, vector<1x16xi32>,
      %shift_right_arithmetic3A_162 = arith.constant 16 : i32
      %shift_right_arithmetic3A_163 = vector.broadcast %shift_right_arithmetic3A_162 : i32 to vector<16xi32>
      %shift_right_arithmetic3A_164 = arith.shrsi %get3A_152, %shift_right_arithmetic3A_163 : vector<16xi32>
      %swap3A_165 = arith.constant 0 : i32
      %swap3A_166 = arith.index_cast %swap3A_165 : i32 to index
      %swap3A_167 = arith.constant 48 : index
      %swap3A_168 = tpu.vector_load %arg5[%swap3A_166, %swap3A_167] {strides = array<i32>} : memref<2x128xi32, #tpu.memory_space<vmem>>, vector<1x16xi32>,
      %swap3A_169 = vector.shape_cast %swap3A_168 : vector<1x16xi32> to vector<16xi32>
      %swap3A_170 = vector.shape_cast %shift_right_arithmetic3A_164 : vector<16xi32> to vector<1x16xi32>
      tpu.vector_store %arg5[%swap3A_166, %swap3A_167], %swap3A_170 {strides = array<i32>} : memref<2x128xi32, #tpu.memory_space<vmem>>, vector<1x16xi32>,
      %get3A_171 = arith.constant 0 : i32
      %get3A_172 = arith.index_cast %get3A_171 : i32 to index
      %get3A_173 = arith.constant 32 : index
      %get3A_174 = tpu.vector_load %arg4[%get3A_172, %get3A_173] {strides = array<i32>} : memref<2x64xi32, #tpu.memory_space<vmem>>, vector<1x16xi32>,
      %get3A_175 = vector.shape_cast %get3A_174 : vector<1x16xi32> to vector<16xi32>
      %and3A_176 = arith.constant 65535 : i32
      %and3A_177 = vector.broadcast %and3A_176 : i32 to vector<16xi32>
      %and3A_178 = arith.andi %get3A_175, %and3A_177 : vector<16xi32>
      %swap3A_179 = arith.constant 0 : i32
      %swap3A_180 = arith.index_cast %swap3A_179 : i32 to index
      %swap3A_181 = arith.constant 64 : index
      %swap3A_182 = tpu.vector_load %arg5[%swap3A_180, %swap3A_181] {strides = array<i32>} : memref<2x128xi32, #tpu.memory_space<vmem>>, vector<1x16xi32>,
      %swap3A_183 = vector.shape_cast %swap3A_182 : vector<1x16xi32> to vector<16xi32>
      %swap3A_184 = vector.shape_cast %and3A_178 : vector<16xi32> to vector<1x16xi32>
      tpu.vector_store %arg5[%swap3A_180, %swap3A_181], %swap3A_184 {strides = array<i32>} : memref<2x128xi32, #tpu.memory_space<vmem>>, vector<1x16xi32>,
      %shift_right_arithmetic3A_185 = arith.constant 16 : i32
      %shift_right_arithmetic3A_186 = vector.broadcast %shift_right_arithmetic3A_185 : i32 to vector<16xi32>
      %shift_right_arithmetic3A_187 = arith.shrsi %get3A_175, %shift_right_arithmetic3A_186 : vector<16xi32>
      %swap3A_188 = arith.constant 0 : i32
      %swap3A_189 = arith.index_cast %swap3A_188 : i32 to index
      %swap3A_190 = arith.constant 80 : index
      %swap3A_191 = tpu.vector_load %arg5[%swap3A_189, %swap3A_190] {strides = array<i32>} : memref<2x128xi32, #tpu.memory_space<vmem>>, vector<1x16xi32>,
      %swap3A_192 = vector.shape_cast %swap3A_191 : vector<1x16xi32> to vector<16xi32>
      %swap3A_193 = vector.shape_cast %shift_right_arithmetic3A_187 : vector<16xi32> to vector<1x16xi32>
      tpu.vector_store %arg5[%swap3A_189, %swap3A_190], %swap3A_193 {strides = array<i32>} : memref<2x128xi32, #tpu.memory_space<vmem>>, vector<1x16xi32>,
      %get3A_194 = arith.constant 0 : i32
      %get3A_195 = arith.index_cast %get3A_194 : i32 to index
      %get3A_196 = arith.constant 48 : index
      %get3A_197 = tpu.vector_load %arg4[%get3A_195, %get3A_196] {strides = array<i32>} : memref<2x64xi32, #tpu.memory_space<vmem>>, vector<1x16xi32>,
      %get3A_198 = vector.shape_cast %get3A_197 : vector<1x16xi32> to vector<16xi32>
      %and3A_199 = arith.constant 65535 : i32
      %and3A_200 = vector.broadcast %and3A_199 : i32 to vector<16xi32>
      %and3A_201 = arith.andi %get3A_198, %and3A_200 : vector<16xi32>
      %swap3A_202 = arith.constant 0 : i32
      %swap3A_203 = arith.index_cast %swap3A_202 : i32 to index
      %swap3A_204 = arith.constant 96 : index
      %swap3A_205 = tpu.vector_load %arg5[%swap3A_203, %swap3A_204] {strides = array<i32>} : memref<2x128xi32, #tpu.memory_space<vmem>>, vector<1x16xi32>,
      %swap3A_206 = vector.shape_cast %swap3A_205 : vector<1x16xi32> to vector<16xi32>
      %swap3A_207 = vector.shape_cast %and3A_201 : vector<16xi32> to vector<1x16xi32>
      tpu.vector_store %arg5[%swap3A_203, %swap3A_204], %swap3A_207 {strides = array<i32>} : memref<2x128xi32, #tpu.memory_space<vmem>>, vector<1x16xi32>,
      %shift_right_arithmetic3A_208 = arith.constant 16 : i32
      %shift_right_arithmetic3A_209 = vector.broadcast %shift_right_arithmetic3A_208 : i32 to vector<16xi32>
      %shift_right_arithmetic3A_210 = arith.shrsi %get3A_198, %shift_right_arithmetic3A_209 : vector<16xi32>
      %swap3A_211 = arith.constant 0 : i32
      %swap3A_212 = arith.index_cast %swap3A_211 : i32 to index
      %swap3A_213 = arith.constant 112 : index
      %swap3A_214 = tpu.vector_load %arg5[%swap3A_212, %swap3A_213] {strides = array<i32>} : memref<2x128xi32, #tpu.memory_space<vmem>>, vector<1x16xi32>,
      %swap3A_215 = vector.shape_cast %swap3A_214 : vector<1x16xi32> to vector<16xi32>
      %swap3A_216 = vector.shape_cast %shift_right_arithmetic3A_210 : vector<16xi32> to vector<1x16xi32>
      tpu.vector_store %arg5[%swap3A_212, %swap3A_213], %swap3A_216 {strides = array<i32>} : memref<2x128xi32, #tpu.memory_space<vmem>>, vector<1x16xi32>,
      %lt3A = arith.cmpi slt, %add3A_108, %select_n3A : i32
      %convert_element_type3A_217 = arith.extui %lt3A : i1 to i32
      %cond3A_218 = arith.constant 0 : i32
      %cond3A_219 = arith.cmpi ne, %convert_element_type3A_217, %cond3A_218 : i32
      scf.if %cond3A_219 {
        %mul3A_225 = arith.constant 32 : i32
        %mul3A_226 = arith.muli %add3A_108, %mul3A_225 : i32
        %add3A_227 = arith.addi %mul3A_226, %add3A : i32
        %mul3A_228 = arith.constant 64 : i32
        %mul3A_229 = arith.muli %add3A_227, %mul3A_228 : i32
        %dma_start3A = arith.constant 1 : i32
        %dma_start3A_230 = arith.constant 1 : i32
        %dma_start3A_231 = arith.constant 1 : i32
        %dma_start3A_232 = arith.constant 0 : i32
        %dma_start3A_233 = tpu.memref_slice %arg4[%dma_start3A_230, %dma_start3A_232] : memref<2x64xi32, #tpu.memory_space<vmem>> -> memref<1x64xi32, #tpu.memory_space<vmem>>
        %dma_start3A_234 = tpu.memref_squeeze %dma_start3A_233 : memref<1x64xi32, #tpu.memory_space<vmem>> -> memref<64xi32, #tpu.memory_space<vmem>>
        %dma_start3A_235 = tpu.memref_slice %arg2[%dma_start3A, %mul3A_229] : memref<2x160000xi32, #tpu.memory_space<hbm>> -> memref<1x64xi32, #tpu.memory_space<hbm>>
        %dma_start3A_236 = tpu.memref_squeeze %dma_start3A_235 : memref<1x64xi32, #tpu.memory_space<hbm>> -> memref<64xi32, #tpu.memory_space<hbm>>
        %dma_start3A_237 = tpu.memref_slice %arg9[%dma_start3A_231] : memref<2x!tpu.dma_semaphore, #tpu.memory_space<semaphore_mem>> -> memref<1x!tpu.dma_semaphore, #tpu.memory_space<semaphore_mem>>
        %dma_start3A_238 = tpu.memref_squeeze %dma_start3A_237 : memref<1x!tpu.dma_semaphore, #tpu.memory_space<semaphore_mem>> -> memref<!tpu.dma_semaphore, #tpu.memory_space<semaphore_mem>>
        %dma_start3A_239 = arith.constant 0 : i32
        %dma_start3A_240 = tpu.memref_slice %arg4[%dma_start3A_230, %dma_start3A_239] : memref<2x64xi32, #tpu.memory_space<vmem>> -> memref<1x64xi32, #tpu.memory_space<vmem>>
        %dma_start3A_241 = tpu.memref_squeeze %dma_start3A_240 : memref<1x64xi32, #tpu.memory_space<vmem>> -> memref<64xi32, #tpu.memory_space<vmem>>
        %dma_start3A_242 = tpu.memref_slice %arg2[%dma_start3A, %mul3A_229] : memref<2x160000xi32, #tpu.memory_space<hbm>> -> memref<1x64xi32, #tpu.memory_space<hbm>>
        %dma_start3A_243 = tpu.memref_squeeze %dma_start3A_242 : memref<1x64xi32, #tpu.memory_space<hbm>> -> memref<64xi32, #tpu.memory_space<hbm>>
        tpu.enqueue_dma source(%dma_start3A_243 : memref<64xi32, #tpu.memory_space<hbm>>) target(%dma_start3A_241 : memref<64xi32, #tpu.memory_space<vmem>>) target_semaphore(%dma_start3A_238 : memref<!tpu.dma_semaphore, #tpu.memory_space<semaphore_mem>>)
      } else {
      }
      %run_scoped3A = arith.constant 0 : i32
      "tpu.region"() ({
        %run_scoped3A_225 = tpu.sem_alloc : memref<!tpu.dma_semaphore, #tpu.memory_space<semaphore_mem>>
        %dma_start3A = arith.constant 0 : i32
        %dma_start3A_226 = tpu.memref_slice %arg5[%run_scoped3A, %dma_start3A] : memref<2x128xi32, #tpu.memory_space<vmem>> -> memref<1x128xi32, #tpu.memory_space<vmem>>
        %dma_start3A_227 = tpu.memref_squeeze %dma_start3A_226 : memref<1x128xi32, #tpu.memory_space<vmem>> -> memref<128xi32, #tpu.memory_space<vmem>>
        %dma_start3A_228 = arith.constant 0 : i32
        %dma_start3A_229 = arith.constant 0 : i32
        %dma_start3A_230 = tpu.memref_slice %arg8[%dma_start3A_228, %dma_start3A_229] : memref<10112x128xf32, #tpu.memory_space<vmem_shared>> -> memref<10112x128xf32, #tpu.memory_space<vmem_shared>>
        tpu.enqueue_indirect_dma source(%arg6 : memref<128x128xf32, #tpu.memory_space<vmem>>) target(%dma_start3A_230 : memref<10112x128xf32, #tpu.memory_space<vmem_shared>>) offsets(%dma_start3A_227 : memref<128xi32, #tpu.memory_space<vmem>>) semaphore(%run_scoped3A_225 : memref<!tpu.dma_semaphore, #tpu.memory_space<semaphore_mem>>) {add = true}
        %dma_wait3A_231 = arith.constant 0 : i32
        %dma_wait3A_232 = tpu.memref_slice %arg5[%run_scoped3A, %dma_wait3A_231] : memref<2x128xi32, #tpu.memory_space<vmem>> -> memref<1x128xi32, #tpu.memory_space<vmem>>
        %dma_wait3A_233 = tpu.memref_squeeze %dma_wait3A_232 : memref<1x128xi32, #tpu.memory_space<vmem>> -> memref<128xi32, #tpu.memory_space<vmem>>
        %dma_wait3A_234 = arith.constant 0 : i32
        %dma_wait3A_235 = arith.constant 0 : i32
        %dma_wait3A_236 = tpu.memref_slice %arg8[%dma_wait3A_234, %dma_wait3A_235] : memref<10112x128xf32, #tpu.memory_space<vmem_shared>> -> memref<10112x128xf32, #tpu.memory_space<vmem_shared>>
        tpu.wait_indirect_dma semaphore(%run_scoped3A_225 : memref<!tpu.dma_semaphore, #tpu.memory_space<semaphore_mem>>) src(%arg6 : memref<128x128xf32, #tpu.memory_space<vmem>>) dst(%dma_wait3A_236 : memref<10112x128xf32, #tpu.memory_space<vmem_shared>>)
        tpu.yield
      }) : () -> ()
      %lt3A_220 = arith.cmpi slt, %add3A_108, %select_n3A : i32
      %convert_element_type3A_221 = arith.extui %lt3A_220 : i1 to i32
      %cond3A_222 = arith.constant 0 : i32
      %cond3A_223 = arith.cmpi ne, %convert_element_type3A_221, %cond3A_222 : i32
      scf.if %cond3A_223 {
        %mul3A_225 = arith.constant 32 : i32
        %mul3A_226 = arith.muli %add3A_108, %mul3A_225 : i32
        %add3A_227 = arith.addi %mul3A_226, %add3A : i32
        %mul3A_228 = arith.constant 64 : i32
        %mul3A_229 = arith.muli %add3A_227, %mul3A_228 : i32
        %dma_wait3A_230 = arith.constant 1 : i32
        %dma_wait3A_231 = arith.constant 1 : i32
        %dma_wait3A_232 = arith.constant 1 : i32
        %dma_wait3A_233 = arith.constant 0 : i32
        %dma_wait3A_234 = tpu.memref_slice %arg4[%dma_wait3A_231, %dma_wait3A_233] : memref<2x64xi32, #tpu.memory_space<vmem>> -> memref<1x64xi32, #tpu.memory_space<vmem>>
        %dma_wait3A_235 = tpu.memref_squeeze %dma_wait3A_234 : memref<1x64xi32, #tpu.memory_space<vmem>> -> memref<64xi32, #tpu.memory_space<vmem>>
        %dma_wait3A_236 = tpu.memref_slice %arg2[%dma_wait3A_230, %mul3A_229] : memref<2x160000xi32, #tpu.memory_space<hbm>> -> memref<1x64xi32, #tpu.memory_space<hbm>>
        %dma_wait3A_237 = tpu.memref_squeeze %dma_wait3A_236 : memref<1x64xi32, #tpu.memory_space<hbm>> -> memref<64xi32, #tpu.memory_space<hbm>>
        %dma_wait3A_238 = tpu.memref_slice %arg9[%dma_wait3A_232] : memref<2x!tpu.dma_semaphore, #tpu.memory_space<semaphore_mem>> -> memref<1x!tpu.dma_semaphore, #tpu.memory_space<semaphore_mem>>
        %dma_wait3A_239 = tpu.memref_squeeze %dma_wait3A_238 : memref<1x!tpu.dma_semaphore, #tpu.memory_space<semaphore_mem>> -> memref<!tpu.dma_semaphore, #tpu.memory_space<semaphore_mem>>
        %dma_wait3A_240 = arith.constant 0 : i32
        %dma_wait3A_241 = tpu.memref_slice %arg4[%dma_wait3A_231, %dma_wait3A_240] : memref<2x64xi32, #tpu.memory_space<vmem>> -> memref<1x64xi32, #tpu.memory_space<vmem>>
        %dma_wait3A_242 = tpu.memref_squeeze %dma_wait3A_241 : memref<1x64xi32, #tpu.memory_space<vmem>> -> memref<64xi32, #tpu.memory_space<vmem>>
        %dma_wait3A_243 = tpu.memref_slice %arg2[%dma_wait3A_230, %mul3A_229] : memref<2x160000xi32, #tpu.memory_space<hbm>> -> memref<1x64xi32, #tpu.memory_space<hbm>>
        %dma_wait3A_244 = tpu.memref_squeeze %dma_wait3A_243 : memref<1x64xi32, #tpu.memory_space<hbm>> -> memref<64xi32, #tpu.memory_space<hbm>>
        tpu.wait_dma2 semaphore(%dma_wait3A_239 : memref<!tpu.dma_semaphore, #tpu.memory_space<semaphore_mem>>) src(%dma_wait3A_244 : memref<64xi32, #tpu.memory_space<hbm>>) dst(%dma_wait3A_242 : memref<64xi32, #tpu.memory_space<vmem>>)
        %get3A_245 = arith.constant 1 : i32
        %get3A_246 = arith.index_cast %get3A_245 : i32 to index
        %get3A_247 = arith.constant 0 : index
        %get3A_248 = tpu.vector_load %arg4[%get3A_246, %get3A_247] {strides = array<i32>} : memref<2x64xi32, #tpu.memory_space<vmem>>, vector<1x16xi32>,
        %get3A_249 = vector.shape_cast %get3A_248 : vector<1x16xi32> to vector<16xi32>
        %and3A_250 = arith.constant 65535 : i32
        %and3A_251 = vector.broadcast %and3A_250 : i32 to vector<16xi32>
        %and3A_252 = arith.andi %get3A_249, %and3A_251 : vector<16xi32>
        %swap3A_253 = arith.constant 1 : i32
        %swap3A_254 = arith.index_cast %swap3A_253 : i32 to index
        %swap3A_255 = arith.constant 0 : index
        %swap3A_256 = tpu.vector_load %arg5[%swap3A_254, %swap3A_255] {strides = array<i32>} : memref<2x128xi32, #tpu.memory_space<vmem>>, vector<1x16xi32>,
        %swap3A_257 = vector.shape_cast %swap3A_256 : vector<1x16xi32> to vector<16xi32>
        %swap3A_258 = vector.shape_cast %and3A_252 : vector<16xi32> to vector<1x16xi32>
        tpu.vector_store %arg5[%swap3A_254, %swap3A_255], %swap3A_258 {strides = array<i32>} : memref<2x128xi32, #tpu.memory_space<vmem>>, vector<1x16xi32>,
        %shift_right_arithmetic3A_259 = arith.constant 16 : i32
        %shift_right_arithmetic3A_260 = vector.broadcast %shift_right_arithmetic3A_259 : i32 to vector<16xi32>
        %shift_right_arithmetic3A_261 = arith.shrsi %get3A_249, %shift_right_arithmetic3A_260 : vector<16xi32>
        %swap3A_262 = arith.constant 1 : i32
        %swap3A_263 = arith.index_cast %swap3A_262 : i32 to index
        %swap3A_264 = arith.constant 16 : index
        %swap3A_265 = tpu.vector_load %arg5[%swap3A_263, %swap3A_264] {strides = array<i32>} : memref<2x128xi32, #tpu.memory_space<vmem>>, vector<1x16xi32>,
        %swap3A_266 = vector.shape_cast %swap3A_265 : vector<1x16xi32> to vector<16xi32>
        %swap3A_267 = vector.shape_cast %shift_right_arithmetic3A_261 : vector<16xi32> to vector<1x16xi32>
        tpu.vector_store %arg5[%swap3A_263, %swap3A_264], %swap3A_267 {strides = array<i32>} : memref<2x128xi32, #tpu.memory_space<vmem>>, vector<1x16xi32>,
        %get3A_268 = arith.constant 1 : i32
        %get3A_269 = arith.index_cast %get3A_268 : i32 to index
        %get3A_270 = arith.constant 16 : index
        %get3A_271 = tpu.vector_load %arg4[%get3A_269, %get3A_270] {strides = array<i32>} : memref<2x64xi32, #tpu.memory_space<vmem>>, vector<1x16xi32>,
        %get3A_272 = vector.shape_cast %get3A_271 : vector<1x16xi32> to vector<16xi32>
        %and3A_273 = arith.constant 65535 : i32
        %and3A_274 = vector.broadcast %and3A_273 : i32 to vector<16xi32>
        %and3A_275 = arith.andi %get3A_272, %and3A_274 : vector<16xi32>
        %swap3A_276 = arith.constant 1 : i32
        %swap3A_277 = arith.index_cast %swap3A_276 : i32 to index
        %swap3A_278 = arith.constant 32 : index
        %swap3A_279 = tpu.vector_load %arg5[%swap3A_277, %swap3A_278] {strides = array<i32>} : memref<2x128xi32, #tpu.memory_space<vmem>>, vector<1x16xi32>,
        %swap3A_280 = vector.shape_cast %swap3A_279 : vector<1x16xi32> to vector<16xi32>
        %swap3A_281 = vector.shape_cast %and3A_275 : vector<16xi32> to vector<1x16xi32>
        tpu.vector_store %arg5[%swap3A_277, %swap3A_278], %swap3A_281 {strides = array<i32>} : memref<2x128xi32, #tpu.memory_space<vmem>>, vector<1x16xi32>,
        %shift_right_arithmetic3A_282 = arith.constant 16 : i32
        %shift_right_arithmetic3A_283 = vector.broadcast %shift_right_arithmetic3A_282 : i32 to vector<16xi32>
        %shift_right_arithmetic3A_284 = arith.shrsi %get3A_272, %shift_right_arithmetic3A_283 : vector<16xi32>
        %swap3A_285 = arith.constant 1 : i32
        %swap3A_286 = arith.index_cast %swap3A_285 : i32 to index
        %swap3A_287 = arith.constant 48 : index
        %swap3A_288 = tpu.vector_load %arg5[%swap3A_286, %swap3A_287] {strides = array<i32>} : memref<2x128xi32, #tpu.memory_space<vmem>>, vector<1x16xi32>,
        %swap3A_289 = vector.shape_cast %swap3A_288 : vector<1x16xi32> to vector<16xi32>
        %swap3A_290 = vector.shape_cast %shift_right_arithmetic3A_284 : vector<16xi32> to vector<1x16xi32>
        tpu.vector_store %arg5[%swap3A_286, %swap3A_287], %swap3A_290 {strides = array<i32>} : memref<2x128xi32, #tpu.memory_space<vmem>>, vector<1x16xi32>,
        %get3A_291 = arith.constant 1 : i32
        %get3A_292 = arith.index_cast %get3A_291 : i32 to index
        %get3A_293 = arith.constant 32 : index
        %get3A_294 = tpu.vector_load %arg4[%get3A_292, %get3A_293] {strides = array<i32>} : memref<2x64xi32, #tpu.memory_space<vmem>>, vector<1x16xi32>,
        %get3A_295 = vector.shape_cast %get3A_294 : vector<1x16xi32> to vector<16xi32>
        %and3A_296 = arith.constant 65535 : i32
        %and3A_297 = vector.broadcast %and3A_296 : i32 to vector<16xi32>
        %and3A_298 = arith.andi %get3A_295, %and3A_297 : vector<16xi32>
        %swap3A_299 = arith.constant 1 : i32
        %swap3A_300 = arith.index_cast %swap3A_299 : i32 to index
        %swap3A_301 = arith.constant 64 : index
        %swap3A_302 = tpu.vector_load %arg5[%swap3A_300, %swap3A_301] {strides = array<i32>} : memref<2x128xi32, #tpu.memory_space<vmem>>, vector<1x16xi32>,
        %swap3A_303 = vector.shape_cast %swap3A_302 : vector<1x16xi32> to vector<16xi32>
        %swap3A_304 = vector.shape_cast %and3A_298 : vector<16xi32> to vector<1x16xi32>
        tpu.vector_store %arg5[%swap3A_300, %swap3A_301], %swap3A_304 {strides = array<i32>} : memref<2x128xi32, #tpu.memory_space<vmem>>, vector<1x16xi32>,
        %shift_right_arithmetic3A_305 = arith.constant 16 : i32
        %shift_right_arithmetic3A_306 = vector.broadcast %shift_right_arithmetic3A_305 : i32 to vector<16xi32>
        %shift_right_arithmetic3A_307 = arith.shrsi %get3A_295, %shift_right_arithmetic3A_306 : vector<16xi32>
        %swap3A_308 = arith.constant 1 : i32
        %swap3A_309 = arith.index_cast %swap3A_308 : i32 to index
        %swap3A_310 = arith.constant 80 : index
        %swap3A_311 = tpu.vector_load %arg5[%swap3A_309, %swap3A_310] {strides = array<i32>} : memref<2x128xi32, #tpu.memory_space<vmem>>, vector<1x16xi32>,
        %swap3A_312 = vector.shape_cast %swap3A_311 : vector<1x16xi32> to vector<16xi32>
        %swap3A_313 = vector.shape_cast %shift_right_arithmetic3A_307 : vector<16xi32> to vector<1x16xi32>
        tpu.vector_store %arg5[%swap3A_309, %swap3A_310], %swap3A_313 {strides = array<i32>} : memref<2x128xi32, #tpu.memory_space<vmem>>, vector<1x16xi32>,
        %get3A_314 = arith.constant 1 : i32
        %get3A_315 = arith.index_cast %get3A_314 : i32 to index
        %get3A_316 = arith.constant 48 : index
        %get3A_317 = tpu.vector_load %arg4[%get3A_315, %get3A_316] {strides = array<i32>} : memref<2x64xi32, #tpu.memory_space<vmem>>, vector<1x16xi32>,
        %get3A_318 = vector.shape_cast %get3A_317 : vector<1x16xi32> to vector<16xi32>
        %and3A_319 = arith.constant 65535 : i32
        %and3A_320 = vector.broadcast %and3A_319 : i32 to vector<16xi32>
        %and3A_321 = arith.andi %get3A_318, %and3A_320 : vector<16xi32>
        %swap3A_322 = arith.constant 1 : i32
        %swap3A_323 = arith.index_cast %swap3A_322 : i32 to index
        %swap3A_324 = arith.constant 96 : index
        %swap3A_325 = tpu.vector_load %arg5[%swap3A_323, %swap3A_324] {strides = array<i32>} : memref<2x128xi32, #tpu.memory_space<vmem>>, vector<1x16xi32>,
        %swap3A_326 = vector.shape_cast %swap3A_325 : vector<1x16xi32> to vector<16xi32>
        %swap3A_327 = vector.shape_cast %and3A_321 : vector<16xi32> to vector<1x16xi32>
        tpu.vector_store %arg5[%swap3A_323, %swap3A_324], %swap3A_327 {strides = array<i32>} : memref<2x128xi32, #tpu.memory_space<vmem>>, vector<1x16xi32>,
        %shift_right_arithmetic3A_328 = arith.constant 16 : i32
        %shift_right_arithmetic3A_329 = vector.broadcast %shift_right_arithmetic3A_328 : i32 to vector<16xi32>
        %shift_right_arithmetic3A_330 = arith.shrsi %get3A_318, %shift_right_arithmetic3A_329 : vector<16xi32>
        %swap3A_331 = arith.constant 1 : i32
        %swap3A_332 = arith.index_cast %swap3A_331 : i32 to index
        %swap3A_333 = arith.constant 112 : index
        %swap3A_334 = tpu.vector_load %arg5[%swap3A_332, %swap3A_333] {strides = array<i32>} : memref<2x128xi32, #tpu.memory_space<vmem>>, vector<1x16xi32>,
        %swap3A_335 = vector.shape_cast %swap3A_334 : vector<1x16xi32> to vector<16xi32>
        %swap3A_336 = vector.shape_cast %shift_right_arithmetic3A_330 : vector<16xi32> to vector<1x16xi32>
        tpu.vector_store %arg5[%swap3A_332, %swap3A_333], %swap3A_336 {strides = array<i32>} : memref<2x128xi32, #tpu.memory_space<vmem>>, vector<1x16xi32>,
        %add3A_337 = arith.constant 2 : i32
        %add3A_338 = arith.addi %mul3A_104, %add3A_337 : i32
        %lt3A_339 = arith.cmpi slt, %add3A_338, %select_n3A : i32
        %convert_element_type3A_340 = arith.extui %lt3A_339 : i1 to i32
        %cond3A_341 = arith.constant 0 : i32
        %cond3A_342 = arith.cmpi ne, %convert_element_type3A_340, %cond3A_341 : i32
        scf.if %cond3A_342 {
          %add3A_344 = arith.constant 2 : i32
          %add3A_345 = arith.addi %mul3A_104, %add3A_344 : i32
          %mul3A_346 = arith.constant 32 : i32
          %mul3A_347 = arith.muli %add3A_345, %mul3A_346 : i32
          %add3A_348 = arith.addi %mul3A_347, %add3A : i32
          %mul3A_349 = arith.constant 64 : i32
          %mul3A_350 = arith.muli %add3A_348, %mul3A_349 : i32
          %dma_start3A = arith.constant 1 : i32
          %dma_start3A_351 = arith.constant 0 : i32
          %dma_start3A_352 = arith.constant 0 : i32
          %dma_start3A_353 = arith.constant 0 : i32
          %dma_start3A_354 = tpu.memref_slice %arg4[%dma_start3A_351, %dma_start3A_353] : memref<2x64xi32, #tpu.memory_space<vmem>> -> memref<1x64xi32, #tpu.memory_space<vmem>>
          %dma_start3A_355 = tpu.memref_squeeze %dma_start3A_354 : memref<1x64xi32, #tpu.memory_space<vmem>> -> memref<64xi32, #tpu.memory_space<vmem>>
          %dma_start3A_356 = tpu.memref_slice %arg2[%dma_start3A, %mul3A_350] : memref<2x160000xi32, #tpu.memory_space<hbm>> -> memref<1x64xi32, #tpu.memory_space<hbm>>
          %dma_start3A_357 = tpu.memref_squeeze %dma_start3A_356 : memref<1x64xi32, #tpu.memory_space<hbm>> -> memref<64xi32, #tpu.memory_space<hbm>>
          %dma_start3A_358 = tpu.memref_slice %arg9[%dma_start3A_352] : memref<2x!tpu.dma_semaphore, #tpu.memory_space<semaphore_mem>> -> memref<1x!tpu.dma_semaphore, #tpu.memory_space<semaphore_mem>>
          %dma_start3A_359 = tpu.memref_squeeze %dma_start3A_358 : memref<1x!tpu.dma_semaphore, #tpu.memory_space<semaphore_mem>> -> memref<!tpu.dma_semaphore, #tpu.memory_space<semaphore_mem>>
          %dma_start3A_360 = arith.constant 0 : i32
          %dma_start3A_361 = tpu.memref_slice %arg4[%dma_start3A_351, %dma_start3A_360] : memref<2x64xi32, #tpu.memory_space<vmem>> -> memref<1x64xi32, #tpu.memory_space<vmem>>
          %dma_start3A_362 = tpu.memref_squeeze %dma_start3A_361 : memref<1x64xi32, #tpu.memory_space<vmem>> -> memref<64xi32, #tpu.memory_space<vmem>>
          %dma_start3A_363 = tpu.memref_slice %arg2[%dma_start3A, %mul3A_350] : memref<2x160000xi32, #tpu.memory_space<hbm>> -> memref<1x64xi32, #tpu.memory_space<hbm>>
          %dma_start3A_364 = tpu.memref_squeeze %dma_start3A_363 : memref<1x64xi32, #tpu.memory_space<hbm>> -> memref<64xi32, #tpu.memory_space<hbm>>
          tpu.enqueue_dma source(%dma_start3A_364 : memref<64xi32, #tpu.memory_space<hbm>>) target(%dma_start3A_362 : memref<64xi32, #tpu.memory_space<vmem>>) target_semaphore(%dma_start3A_359 : memref<!tpu.dma_semaphore, #tpu.memory_space<semaphore_mem>>)
        } else {
        }
        %run_scoped3A_343 = arith.constant 1 : i32
        "tpu.region"() ({
          %run_scoped3A_344 = tpu.sem_alloc : memref<!tpu.dma_semaphore, #tpu.memory_space<semaphore_mem>>
          %dma_start3A = arith.constant 0 : i32
          %dma_start3A_345 = tpu.memref_slice %arg5[%run_scoped3A_343, %dma_start3A] : memref<2x128xi32, #tpu.memory_space<vmem>> -> memref<1x128xi32, #tpu.memory_space<vmem>>
          %dma_start3A_346 = tpu.memref_squeeze %dma_start3A_345 : memref<1x128xi32, #tpu.memory_space<vmem>> -> memref<128xi32, #tpu.memory_space<vmem>>
          %dma_start3A_347 = arith.constant 0 : i32
          %dma_start3A_348 = arith.constant 0 : i32
          %dma_start3A_349 = tpu.memref_slice %arg8[%dma_start3A_347, %dma_start3A_348] : memref<10112x128xf32, #tpu.memory_space<vmem_shared>> -> memref<10112x128xf32, #tpu.memory_space<vmem_shared>>
          tpu.enqueue_indirect_dma source(%arg6 : memref<128x128xf32, #tpu.memory_space<vmem>>) target(%dma_start3A_349 : memref<10112x128xf32, #tpu.memory_space<vmem_shared>>) offsets(%dma_start3A_346 : memref<128xi32, #tpu.memory_space<vmem>>) semaphore(%run_scoped3A_344 : memref<!tpu.dma_semaphore, #tpu.memory_space<semaphore_mem>>) {add = true}
          %dma_wait3A_350 = arith.constant 0 : i32
          %dma_wait3A_351 = tpu.memref_slice %arg5[%run_scoped3A_343, %dma_wait3A_350] : memref<2x128xi32, #tpu.memory_space<vmem>> -> memref<1x128xi32, #tpu.memory_space<vmem>>
          %dma_wait3A_352 = tpu.memref_squeeze %dma_wait3A_351 : memref<1x128xi32, #tpu.memory_space<vmem>> -> memref<128xi32, #tpu.memory_space<vmem>>
          %dma_wait3A_353 = arith.constant 0 : i32
          %dma_wait3A_354 = arith.constant 0 : i32
          %dma_wait3A_355 = tpu.memref_slice %arg8[%dma_wait3A_353, %dma_wait3A_354] : memref<10112x128xf32, #tpu.memory_space<vmem_shared>> -> memref<10112x128xf32, #tpu.memory_space<vmem_shared>>
          tpu.wait_indirect_dma semaphore(%run_scoped3A_344 : memref<!tpu.dma_semaphore, #tpu.memory_space<semaphore_mem>>) src(%arg6 : memref<128x128xf32, #tpu.memory_space<vmem>>) dst(%dma_wait3A_355 : memref<10112x128xf32, #tpu.memory_space<vmem_shared>>)
          tpu.yield
        }) : () -> ()
      } else {
      }
      %while3A_224 = arith.constant 0 : i32
      scf.yield %while3A_224 : i32
    }
    %barrier3A_80 = arith.constant 0 : index
    tpu.barrier barrier_id(%barrier3A_80)
    %add3A_81 = arith.constant 0 : i32
    %add3A_82 = arith.addi %mul3A_2, %add3A_81 : i32
    %add3A_83 = arith.constant 0 : i32
    %add3A_84 = arith.addi %mul3A_2, %add3A_83 : i32
    "tpu.region"() ({
      %run_scoped3A = tpu.sem_alloc : memref<!tpu.dma_semaphore, #tpu.memory_space<semaphore_mem>>
      %dma_start3A = arith.constant 0 : i32
      %dma_start3A_101 = tpu.memref_slice %arg3[%arg0, %add3A_84, %dma_start3A] : memref<2x10112x128xf32, #tpu.memory_space<hbm>> -> memref<1x128x128xf32, #tpu.memory_space<hbm>>
      %dma_start3A_102 = tpu.memref_squeeze %dma_start3A_101 : memref<1x128x128xf32, #tpu.memory_space<hbm>> -> memref<128x128xf32, #tpu.memory_space<hbm>>
      %dma_start3A_103 = arith.constant 0 : i32
      %dma_start3A_104 = tpu.memref_slice %arg8[%add3A_82, %dma_start3A_103] : memref<10112x128xf32, #tpu.memory_space<vmem_shared>> -> memref<128x128xf32, #tpu.memory_space<vmem_shared>>
      tpu.enqueue_dma source(%dma_start3A_104 : memref<128x128xf32, #tpu.memory_space<vmem_shared>>) target(%dma_start3A_102 : memref<128x128xf32, #tpu.memory_space<hbm>>) target_semaphore(%run_scoped3A : memref<!tpu.dma_semaphore, #tpu.memory_space<semaphore_mem>>)
      %dma_wait3A = arith.constant 0 : i32
      %dma_wait3A_105 = tpu.memref_slice %arg3[%arg0, %add3A_84, %dma_wait3A] : memref<2x10112x128xf32, #tpu.memory_space<hbm>> -> memref<1x128x128xf32, #tpu.memory_space<hbm>>
      %dma_wait3A_106 = tpu.memref_squeeze %dma_wait3A_105 : memref<1x128x128xf32, #tpu.memory_space<hbm>> -> memref<128x128xf32, #tpu.memory_space<hbm>>
      %dma_wait3A_107 = arith.constant 0 : i32
      %dma_wait3A_108 = tpu.memref_slice %arg8[%add3A_82, %dma_wait3A_107] : memref<10112x128xf32, #tpu.memory_space<vmem_shared>> -> memref<128x128xf32, #tpu.memory_space<vmem_shared>>
      tpu.wait_dma2 semaphore(%run_scoped3A : memref<!tpu.dma_semaphore, #tpu.memory_space<semaphore_mem>>) src(%dma_wait3A_108 : memref<128x128xf32, #tpu.memory_space<vmem_shared>>) dst(%dma_wait3A_106 : memref<128x128xf32, #tpu.memory_space<hbm>>)
      tpu.yield
    }) : () -> ()
    %add3A_85 = arith.constant 128 : i32
    %add3A_86 = arith.addi %mul3A_2, %add3A_85 : i32
    %add3A_87 = arith.constant 128 : i32
    %add3A_88 = arith.addi %mul3A_2, %add3A_87 : i32
    "tpu.region"() ({
      %run_scoped3A = tpu.sem_alloc : memref<!tpu.dma_semaphore, #tpu.memory_space<semaphore_mem>>
      %dma_start3A = arith.constant 0 : i32
      %dma_start3A_101 = tpu.memref_slice %arg3[%arg0, %add3A_88, %dma_start3A] : memref<2x10112x128xf32, #tpu.memory_space<hbm>> -> memref<1x128x128xf32, #tpu.memory_space<hbm>>
      %dma_start3A_102 = tpu.memref_squeeze %dma_start3A_101 : memref<1x128x128xf32, #tpu.memory_space<hbm>> -> memref<128x128xf32, #tpu.memory_space<hbm>>
      %dma_start3A_103 = arith.constant 0 : i32
      %dma_start3A_104 = tpu.memref_slice %arg8[%add3A_86, %dma_start3A_103] : memref<10112x128xf32, #tpu.memory_space<vmem_shared>> -> memref<128x128xf32, #tpu.memory_space<vmem_shared>>
      tpu.enqueue_dma source(%dma_start3A_104 : memref<128x128xf32, #tpu.memory_space<vmem_shared>>) target(%dma_start3A_102 : memref<128x128xf32, #tpu.memory_space<hbm>>) target_semaphore(%run_scoped3A : memref<!tpu.dma_semaphore, #tpu.memory_space<semaphore_mem>>)
      %dma_wait3A = arith.constant 0 : i32
      %dma_wait3A_105 = tpu.memref_slice %arg3[%arg0, %add3A_88, %dma_wait3A] : memref<2x10112x128xf32, #tpu.memory_space<hbm>> -> memref<1x128x128xf32, #tpu.memory_space<hbm>>
      %dma_wait3A_106 = tpu.memref_squeeze %dma_wait3A_105 : memref<1x128x128xf32, #tpu.memory_space<hbm>> -> memref<128x128xf32, #tpu.memory_space<hbm>>
      %dma_wait3A_107 = arith.constant 0 : i32
      %dma_wait3A_108 = tpu.memref_slice %arg8[%add3A_86, %dma_wait3A_107] : memref<10112x128xf32, #tpu.memory_space<vmem_shared>> -> memref<128x128xf32, #tpu.memory_space<vmem_shared>>
      tpu.wait_dma2 semaphore(%run_scoped3A : memref<!tpu.dma_semaphore, #tpu.memory_space<semaphore_mem>>) src(%dma_wait3A_108 : memref<128x128xf32, #tpu.memory_space<vmem_shared>>) dst(%dma_wait3A_106 : memref<128x128xf32, #tpu.memory_space<hbm>>)
      tpu.yield
    }) : () -> ()
    %add3A_89 = arith.constant 256 : i32
    %add3A_90 = arith.addi %mul3A_2, %add3A_89 : i32
    %add3A_91 = arith.constant 256 : i32
    %add3A_92 = arith.addi %mul3A_2, %add3A_91 : i32
    "tpu.region"() ({
      %run_scoped3A = tpu.sem_alloc : memref<!tpu.dma_semaphore, #tpu.memory_space<semaphore_mem>>
      %dma_start3A = arith.constant 0 : i32
      %dma_start3A_101 = tpu.memref_slice %arg3[%arg0, %add3A_92, %dma_start3A] : memref<2x10112x128xf32, #tpu.memory_space<hbm>> -> memref<1x128x128xf32, #tpu.memory_space<hbm>>
      %dma_start3A_102 = tpu.memref_squeeze %dma_start3A_101 : memref<1x128x128xf32, #tpu.memory_space<hbm>> -> memref<128x128xf32, #tpu.memory_space<hbm>>
      %dma_start3A_103 = arith.constant 0 : i32
      %dma_start3A_104 = tpu.memref_slice %arg8[%add3A_90, %dma_start3A_103] : memref<10112x128xf32, #tpu.memory_space<vmem_shared>> -> memref<128x128xf32, #tpu.memory_space<vmem_shared>>
      tpu.enqueue_dma source(%dma_start3A_104 : memref<128x128xf32, #tpu.memory_space<vmem_shared>>) target(%dma_start3A_102 : memref<128x128xf32, #tpu.memory_space<hbm>>) target_semaphore(%run_scoped3A : memref<!tpu.dma_semaphore, #tpu.memory_space<semaphore_mem>>)
      %dma_wait3A = arith.constant 0 : i32
      %dma_wait3A_105 = tpu.memref_slice %arg3[%arg0, %add3A_92, %dma_wait3A] : memref<2x10112x128xf32, #tpu.memory_space<hbm>> -> memref<1x128x128xf32, #tpu.memory_space<hbm>>
      %dma_wait3A_106 = tpu.memref_squeeze %dma_wait3A_105 : memref<1x128x128xf32, #tpu.memory_space<hbm>> -> memref<128x128xf32, #tpu.memory_space<hbm>>
      %dma_wait3A_107 = arith.constant 0 : i32
      %dma_wait3A_108 = tpu.memref_slice %arg8[%add3A_90, %dma_wait3A_107] : memref<10112x128xf32, #tpu.memory_space<vmem_shared>> -> memref<128x128xf32, #tpu.memory_space<vmem_shared>>
      tpu.wait_dma2 semaphore(%run_scoped3A : memref<!tpu.dma_semaphore, #tpu.memory_space<semaphore_mem>>) src(%dma_wait3A_108 : memref<128x128xf32, #tpu.memory_space<vmem_shared>>) dst(%dma_wait3A_106 : memref<128x128xf32, #tpu.memory_space<hbm>>)
      tpu.yield
    }) : () -> ()
    %add3A_93 = arith.constant 384 : i32
    %add3A_94 = arith.addi %mul3A_2, %add3A_93 : i32
    %add3A_95 = arith.constant 384 : i32
    %add3A_96 = arith.addi %mul3A_2, %add3A_95 : i32
    "tpu.region"() ({
      %run_scoped3A = tpu.sem_alloc : memref<!tpu.dma_semaphore, #tpu.memory_space<semaphore_mem>>
      %dma_start3A = arith.constant 0 : i32
      %dma_start3A_101 = tpu.memref_slice %arg3[%arg0, %add3A_96, %dma_start3A] : memref<2x10112x128xf32, #tpu.memory_space<hbm>> -> memref<1x128x128xf32, #tpu.memory_space<hbm>>
      %dma_start3A_102 = tpu.memref_squeeze %dma_start3A_101 : memref<1x128x128xf32, #tpu.memory_space<hbm>> -> memref<128x128xf32, #tpu.memory_space<hbm>>
      %dma_start3A_103 = arith.constant 0 : i32
      %dma_start3A_104 = tpu.memref_slice %arg8[%add3A_94, %dma_start3A_103] : memref<10112x128xf32, #tpu.memory_space<vmem_shared>> -> memref<128x128xf32, #tpu.memory_space<vmem_shared>>
      tpu.enqueue_dma source(%dma_start3A_104 : memref<128x128xf32, #tpu.memory_space<vmem_shared>>) target(%dma_start3A_102 : memref<128x128xf32, #tpu.memory_space<hbm>>) target_semaphore(%run_scoped3A : memref<!tpu.dma_semaphore, #tpu.memory_space<semaphore_mem>>)
      %dma_wait3A = arith.constant 0 : i32
      %dma_wait3A_105 = tpu.memref_slice %arg3[%arg0, %add3A_96, %dma_wait3A] : memref<2x10112x128xf32, #tpu.memory_space<hbm>> -> memref<1x128x128xf32, #tpu.memory_space<hbm>>
      %dma_wait3A_106 = tpu.memref_squeeze %dma_wait3A_105 : memref<1x128x128xf32, #tpu.memory_space<hbm>> -> memref<128x128xf32, #tpu.memory_space<hbm>>
      %dma_wait3A_107 = arith.constant 0 : i32
      %dma_wait3A_108 = tpu.memref_slice %arg8[%add3A_94, %dma_wait3A_107] : memref<10112x128xf32, #tpu.memory_space<vmem_shared>> -> memref<128x128xf32, #tpu.memory_space<vmem_shared>>
      tpu.wait_dma2 semaphore(%run_scoped3A : memref<!tpu.dma_semaphore, #tpu.memory_space<semaphore_mem>>) src(%dma_wait3A_108 : memref<128x128xf32, #tpu.memory_space<vmem_shared>>) dst(%dma_wait3A_106 : memref<128x128xf32, #tpu.memory_space<hbm>>)
      tpu.yield
    }) : () -> ()
    %add3A_97 = arith.constant 512 : i32
    %add3A_98 = arith.addi %mul3A_2, %add3A_97 : i32
    %add3A_99 = arith.constant 512 : i32
    %add3A_100 = arith.addi %mul3A_2, %add3A_99 : i32
    "tpu.region"() ({
      %run_scoped3A = tpu.sem_alloc : memref<!tpu.dma_semaphore, #tpu.memory_space<semaphore_mem>>
      %dma_start3A = arith.constant 0 : i32
      %dma_start3A_101 = tpu.memref_slice %arg3[%arg0, %add3A_100, %dma_start3A] : memref<2x10112x128xf32, #tpu.memory_space<hbm>> -> memref<1x120x128xf32, #tpu.memory_space<hbm>>
      %dma_start3A_102 = tpu.memref_squeeze %dma_start3A_101 : memref<1x120x128xf32, #tpu.memory_space<hbm>> -> memref<120x128xf32, #tpu.memory_space<hbm>>
      %dma_start3A_103 = arith.constant 0 : i32
      %dma_start3A_104 = tpu.memref_slice %arg8[%add3A_98, %dma_start3A_103] : memref<10112x128xf32, #tpu.memory_space<vmem_shared>> -> memref<120x128xf32, #tpu.memory_space<vmem_shared>>
      tpu.enqueue_dma source(%dma_start3A_104 : memref<120x128xf32, #tpu.memory_space<vmem_shared>>) target(%dma_start3A_102 : memref<120x128xf32, #tpu.memory_space<hbm>>) target_semaphore(%run_scoped3A : memref<!tpu.dma_semaphore, #tpu.memory_space<semaphore_mem>>)
      %dma_wait3A = arith.constant 0 : i32
      %dma_wait3A_105 = tpu.memref_slice %arg3[%arg0, %add3A_100, %dma_wait3A] : memref<2x10112x128xf32, #tpu.memory_space<hbm>> -> memref<1x120x128xf32, #tpu.memory_space<hbm>>
      %dma_wait3A_106 = tpu.memref_squeeze %dma_wait3A_105 : memref<1x120x128xf32, #tpu.memory_space<hbm>> -> memref<120x128xf32, #tpu.memory_space<hbm>>
      %dma_wait3A_107 = arith.constant 0 : i32
      %dma_wait3A_108 = tpu.memref_slice %arg8[%add3A_98, %dma_wait3A_107] : memref<10112x128xf32, #tpu.memory_space<vmem_shared>> -> memref<120x128xf32, #tpu.memory_space<vmem_shared>>
      tpu.wait_dma2 semaphore(%run_scoped3A : memref<!tpu.dma_semaphore, #tpu.memory_space<semaphore_mem>>) src(%dma_wait3A_108 : memref<120x128xf32, #tpu.memory_space<vmem_shared>>) dst(%dma_wait3A_106 : memref<120x128xf32, #tpu.memory_space<hbm>>)
      tpu.yield
    }) : () -> ()
    return
  }
}

#map = affine_map<(d0, d1) -> (0, 0)>
#map1 = affine_map<(d0, d1) -> (0, 0, 0)>
module attributes {stable_mosaic.version = 14 : i64} {
  func.func @sc_aggregate(%arg0: i32, %arg1: i32, %arg2: memref<2x160000xi32, #tpu.memory_space<hbm>>, %arg3: memref<10000x128xf32, #tpu.memory_space<hbm>>, %arg4: memref<2x10112x128xf32, #tpu.memory_space<hbm>>, %arg5: memref<2x10112x128xf32, #tpu.memory_space<hbm>>, %arg6: memref<2x64xi32, #tpu.memory_space<vmem>>, %arg7: memref<2x64xi32, #tpu.memory_space<vmem>>, %arg8: memref<2x128xi32, #tpu.memory_space<vmem>>, %arg9: memref<2x128xi32, #tpu.memory_space<vmem>>, %arg10: memref<2x128x128xf32, #tpu.memory_space<vmem>>, %arg11: memref<10112x128xf32, #tpu.memory_space<vmem_shared>>, %arg12: memref<2x!tpu.dma_semaphore, #tpu.memory_space<semaphore_mem>>, %arg13: memref<2x!tpu.dma_semaphore, #tpu.memory_space<semaphore_mem>>) attributes {dimension_semantics = [#tpu.dimension_semantics<core_parallel>, #tpu.dimension_semantics<subcore_parallel>], iteration_bounds = array<i64: 2, 16>, scalar_prefetch = 0 : i64, scratch_operands = 8 : i64, tpu.core_type = #tpu.core_type<sc_vector_subcore>, window_params = [{transform_indices = #map}, {transform_indices = #map}, {transform_indices = #map1}, {transform_indices = #map1}]} {
    %mul3A = arith.constant 16 : i32
    %mul3A_0 = arith.muli %arg0, %mul3A : i32
    %add3A = arith.addi %mul3A_0, %arg1 : i32
    %mul3A_1 = arith.constant 632 : i32
    %mul3A_2 = arith.muli %arg1, %mul3A_1 : i32
    %sub3A = arith.constant 2500 : i32
    %sub3A_3 = arith.subi %sub3A, %add3A : i32
    %add3A_4 = arith.constant 32 : i32
    %add3A_5 = arith.addi %sub3A_3, %add3A_4 : i32
    %sub3A_6 = arith.constant 1 : i32
    %sub3A_7 = arith.subi %add3A_5, %sub3A_6 : i32
    %jit3A = arith.constant 32 : i32
    %div3A = arith.divsi %sub3A_7, %jit3A : i32
    %sign3A = arith.constant 0 : i32
    %sign3A_8 = arith.cmpi sgt, %sub3A_7, %sign3A : i32
    %sign3A_9 = arith.extui %sign3A_8 : i1 to i32
    %sign3A_10 = arith.constant 0 : i32
    %sign3A_11 = arith.cmpi slt, %sub3A_7, %sign3A_10 : i32
    %sign3A_12 = arith.extui %sign3A_11 : i1 to i32
    %sign3A_13 = arith.subi %sign3A_9, %sign3A_12 : i32
    %sign3A_14 = arith.constant 0 : i32
    %sign3A_15 = arith.cmpi sgt, %jit3A, %sign3A_14 : i32
    %sign3A_16 = arith.extui %sign3A_15 : i1 to i32
    %sign3A_17 = arith.constant 0 : i32
    %sign3A_18 = arith.cmpi slt, %jit3A, %sign3A_17 : i32
    %sign3A_19 = arith.extui %sign3A_18 : i1 to i32
    %sign3A_20 = arith.subi %sign3A_16, %sign3A_19 : i32
    %ne3A = arith.cmpi ne, %sign3A_13, %sign3A_20 : i32
    %rem3A = arith.remsi %sub3A_7, %jit3A : i32
    %ne3A_21 = arith.constant 0 : i32
    %ne3A_22 = arith.cmpi ne, %rem3A, %ne3A_21 : i32
    %and3A = arith.andi %ne3A, %ne3A_22 : i1
    %sub3A_23 = arith.constant 1 : i32
    %sub3A_24 = arith.subi %div3A, %sub3A_23 : i32
    %select_n3A = arith.select %and3A, %sub3A_24, %div3A : i32
    %scan3A = arith.constant 0 : i32
    %scan3A_25 = arith.constant 0 : i32
    %scan3A_26 = arith.constant 128 : i32
    %scan3A_27 = arith.addi %scan3A_25, %scan3A_26 : i32
    %scan3A_28 = arith.constant 1 : i32
    %scan3A_29 = scf.for %scan3A_110 = %scan3A_25 to %scan3A_27 step %scan3A_28 iter_args(%scan3A_111 = %scan3A) -> (i32)  : i32 {
      %scan3A_112 = arith.constant 0 : i32
      %scan3A_113 = arith.constant 0 : i32
      %scan3A_114 = arith.constant 8 : i32
      %scan3A_115 = arith.addi %scan3A_113, %scan3A_114 : i32
      %scan3A_116 = arith.constant 1 : i32
      %scan3A_117 = scf.for %scan3A_120 = %scan3A_113 to %scan3A_115 step %scan3A_116 iter_args(%scan3A_121 = %scan3A_112) -> (i32)  : i32 {
        %broadcast_in_dim3A = arith.constant 0.000000e+00 : f32
        %broadcast_in_dim3A_122 = vector.broadcast %broadcast_in_dim3A : f32 to vector<16xf32>
        %mul3A_123 = arith.constant 16 : i32
        %mul3A_124 = arith.muli %scan3A_120, %mul3A_123 : i32
        %swap3A = arith.constant 0 : i32
        %swap3A_125 = arith.index_cast %swap3A : i32 to index
        %swap3A_126 = arith.index_cast %scan3A_110 : i32 to index
        %swap3A_127 = arith.index_cast %mul3A_124 : i32 to index
        %swap3A_128 = tpu.vector_load %arg10[%swap3A_125, %swap3A_126, %swap3A_127] {strides = array<i32>} : memref<2x128x128xf32, #tpu.memory_space<vmem>>, vector<1x1x16xf32>,
        %swap3A_129 = vector.shape_cast %swap3A_128 : vector<1x1x16xf32> to vector<16xf32>
        %swap3A_130 = vector.shape_cast %broadcast_in_dim3A_122 : vector<16xf32> to vector<1x1x16xf32>
        tpu.vector_store %arg10[%swap3A_125, %swap3A_126, %swap3A_127], %swap3A_130 {strides = array<i32>} : memref<2x128x128xf32, #tpu.memory_space<vmem>>, vector<1x1x16xf32>,
        %scan3A_131 = arith.constant 0 : i32
        scf.yield %scan3A_131 : i32
      }
      %scan3A_118 = arith.constant 8 : i32
      %scan3A_119 = arith.constant 0 : i32
      scf.yield %scan3A_119 : i32
    }
    %scan3A_30 = arith.constant 128 : i32
    %add3A_31 = arith.constant 0 : i32
    %add3A_32 = arith.addi %mul3A_2, %add3A_31 : i32
    %run_scoped3A = arith.constant 0 : i32
    "tpu.region"() ({
      %run_scoped3A_110 = tpu.sem_alloc : memref<!tpu.dma_semaphore, #tpu.memory_space<semaphore_mem>>
      %dma_start3A = arith.constant 0 : i32
      %dma_start3A_111 = arith.constant 0 : i32
      %dma_start3A_112 = tpu.memref_slice %arg10[%run_scoped3A, %dma_start3A, %dma_start3A_111] : memref<2x128x128xf32, #tpu.memory_space<vmem>> -> memref<1x128x128xf32, #tpu.memory_space<vmem>>
      %dma_start3A_113 = tpu.memref_squeeze %dma_start3A_112 : memref<1x128x128xf32, #tpu.memory_space<vmem>> -> memref<128x128xf32, #tpu.memory_space<vmem>>
      %dma_start3A_114 = arith.constant 0 : i32
      %dma_start3A_115 = tpu.memref_slice %arg11[%add3A_32, %dma_start3A_114] : memref<10112x128xf32, #tpu.memory_space<vmem_shared>> -> memref<128x128xf32, #tpu.memory_space<vmem_shared>>
      %dma_start3A_116 = arith.constant 0 : i32
      %dma_start3A_117 = tpu.memref_slice %arg11[%add3A_32, %dma_start3A_116] : memref<10112x128xf32, #tpu.memory_space<vmem_shared>> -> memref<128x128xf32, #tpu.memory_space<vmem_shared>>
      %dma_start3A_118 = arith.constant 0 : i32
      %dma_start3A_119 = arith.constant 0 : i32
      %dma_start3A_120 = tpu.memref_slice %arg10[%run_scoped3A, %dma_start3A_118, %dma_start3A_119] : memref<2x128x128xf32, #tpu.memory_space<vmem>> -> memref<1x128x128xf32, #tpu.memory_space<vmem>>
      %dma_start3A_121 = tpu.memref_squeeze %dma_start3A_120 : memref<1x128x128xf32, #tpu.memory_space<vmem>> -> memref<128x128xf32, #tpu.memory_space<vmem>>
      tpu.enqueue_dma source(%dma_start3A_121 : memref<128x128xf32, #tpu.memory_space<vmem>>) target(%dma_start3A_117 : memref<128x128xf32, #tpu.memory_space<vmem_shared>>) target_semaphore(%run_scoped3A_110 : memref<!tpu.dma_semaphore, #tpu.memory_space<semaphore_mem>>)
      %dma_wait3A = arith.constant 0 : i32
      %dma_wait3A_122 = arith.constant 0 : i32
      %dma_wait3A_123 = tpu.memref_slice %arg10[%run_scoped3A, %dma_wait3A, %dma_wait3A_122] : memref<2x128x128xf32, #tpu.memory_space<vmem>> -> memref<1x128x128xf32, #tpu.memory_space<vmem>>
      %dma_wait3A_124 = tpu.memref_squeeze %dma_wait3A_123 : memref<1x128x128xf32, #tpu.memory_space<vmem>> -> memref<128x128xf32, #tpu.memory_space<vmem>>
      %dma_wait3A_125 = arith.constant 0 : i32
      %dma_wait3A_126 = tpu.memref_slice %arg11[%add3A_32, %dma_wait3A_125] : memref<10112x128xf32, #tpu.memory_space<vmem_shared>> -> memref<128x128xf32, #tpu.memory_space<vmem_shared>>
      %dma_wait3A_127 = arith.constant 0 : i32
      %dma_wait3A_128 = tpu.memref_slice %arg11[%add3A_32, %dma_wait3A_127] : memref<10112x128xf32, #tpu.memory_space<vmem_shared>> -> memref<128x128xf32, #tpu.memory_space<vmem_shared>>
      %dma_wait3A_129 = arith.constant 0 : i32
      %dma_wait3A_130 = arith.constant 0 : i32
      %dma_wait3A_131 = tpu.memref_slice %arg10[%run_scoped3A, %dma_wait3A_129, %dma_wait3A_130] : memref<2x128x128xf32, #tpu.memory_space<vmem>> -> memref<1x128x128xf32, #tpu.memory_space<vmem>>
      %dma_wait3A_132 = tpu.memref_squeeze %dma_wait3A_131 : memref<1x128x128xf32, #tpu.memory_space<vmem>> -> memref<128x128xf32, #tpu.memory_space<vmem>>
      tpu.wait_dma2 semaphore(%run_scoped3A_110 : memref<!tpu.dma_semaphore, #tpu.memory_space<semaphore_mem>>) src(%dma_wait3A_132 : memref<128x128xf32, #tpu.memory_space<vmem>>) dst(%dma_wait3A_128 : memref<128x128xf32, #tpu.memory_space<vmem_shared>>)
      tpu.yield
    }) : () -> ()
    %add3A_33 = arith.constant 128 : i32
    %add3A_34 = arith.addi %mul3A_2, %add3A_33 : i32
    %run_scoped3A_35 = arith.constant 0 : i32
    "tpu.region"() ({
      %run_scoped3A_110 = tpu.sem_alloc : memref<!tpu.dma_semaphore, #tpu.memory_space<semaphore_mem>>
      %dma_start3A = arith.constant 0 : i32
      %dma_start3A_111 = arith.constant 0 : i32
      %dma_start3A_112 = tpu.memref_slice %arg10[%run_scoped3A_35, %dma_start3A, %dma_start3A_111] : memref<2x128x128xf32, #tpu.memory_space<vmem>> -> memref<1x128x128xf32, #tpu.memory_space<vmem>>
      %dma_start3A_113 = tpu.memref_squeeze %dma_start3A_112 : memref<1x128x128xf32, #tpu.memory_space<vmem>> -> memref<128x128xf32, #tpu.memory_space<vmem>>
      %dma_start3A_114 = arith.constant 0 : i32
      %dma_start3A_115 = tpu.memref_slice %arg11[%add3A_34, %dma_start3A_114] : memref<10112x128xf32, #tpu.memory_space<vmem_shared>> -> memref<128x128xf32, #tpu.memory_space<vmem_shared>>
      %dma_start3A_116 = arith.constant 0 : i32
      %dma_start3A_117 = tpu.memref_slice %arg11[%add3A_34, %dma_start3A_116] : memref<10112x128xf32, #tpu.memory_space<vmem_shared>> -> memref<128x128xf32, #tpu.memory_space<vmem_shared>>
      %dma_start3A_118 = arith.constant 0 : i32
      %dma_start3A_119 = arith.constant 0 : i32
      %dma_start3A_120 = tpu.memref_slice %arg10[%run_scoped3A_35, %dma_start3A_118, %dma_start3A_119] : memref<2x128x128xf32, #tpu.memory_space<vmem>> -> memref<1x128x128xf32, #tpu.memory_space<vmem>>
      %dma_start3A_121 = tpu.memref_squeeze %dma_start3A_120 : memref<1x128x128xf32, #tpu.memory_space<vmem>> -> memref<128x128xf32, #tpu.memory_space<vmem>>
      tpu.enqueue_dma source(%dma_start3A_121 : memref<128x128xf32, #tpu.memory_space<vmem>>) target(%dma_start3A_117 : memref<128x128xf32, #tpu.memory_space<vmem_shared>>) target_semaphore(%run_scoped3A_110 : memref<!tpu.dma_semaphore, #tpu.memory_space<semaphore_mem>>)
      %dma_wait3A = arith.constant 0 : i32
      %dma_wait3A_122 = arith.constant 0 : i32
      %dma_wait3A_123 = tpu.memref_slice %arg10[%run_scoped3A_35, %dma_wait3A, %dma_wait3A_122] : memref<2x128x128xf32, #tpu.memory_space<vmem>> -> memref<1x128x128xf32, #tpu.memory_space<vmem>>
      %dma_wait3A_124 = tpu.memref_squeeze %dma_wait3A_123 : memref<1x128x128xf32, #tpu.memory_space<vmem>> -> memref<128x128xf32, #tpu.memory_space<vmem>>
      %dma_wait3A_125 = arith.constant 0 : i32
      %dma_wait3A_126 = tpu.memref_slice %arg11[%add3A_34, %dma_wait3A_125] : memref<10112x128xf32, #tpu.memory_space<vmem_shared>> -> memref<128x128xf32, #tpu.memory_space<vmem_shared>>
      %dma_wait3A_127 = arith.constant 0 : i32
      %dma_wait3A_128 = tpu.memref_slice %arg11[%add3A_34, %dma_wait3A_127] : memref<10112x128xf32, #tpu.memory_space<vmem_shared>> -> memref<128x128xf32, #tpu.memory_space<vmem_shared>>
      %dma_wait3A_129 = arith.constant 0 : i32
      %dma_wait3A_130 = arith.constant 0 : i32
      %dma_wait3A_131 = tpu.memref_slice %arg10[%run_scoped3A_35, %dma_wait3A_129, %dma_wait3A_130] : memref<2x128x128xf32, #tpu.memory_space<vmem>> -> memref<1x128x128xf32, #tpu.memory_space<vmem>>
      %dma_wait3A_132 = tpu.memref_squeeze %dma_wait3A_131 : memref<1x128x128xf32, #tpu.memory_space<vmem>> -> memref<128x128xf32, #tpu.memory_space<vmem>>
      tpu.wait_dma2 semaphore(%run_scoped3A_110 : memref<!tpu.dma_semaphore, #tpu.memory_space<semaphore_mem>>) src(%dma_wait3A_132 : memref<128x128xf32, #tpu.memory_space<vmem>>) dst(%dma_wait3A_128 : memref<128x128xf32, #tpu.memory_space<vmem_shared>>)
      tpu.yield
    }) : () -> ()
    %add3A_36 = arith.constant 256 : i32
    %add3A_37 = arith.addi %mul3A_2, %add3A_36 : i32
    %run_scoped3A_38 = arith.constant 0 : i32
    "tpu.region"() ({
      %run_scoped3A_110 = tpu.sem_alloc : memref<!tpu.dma_semaphore, #tpu.memory_space<semaphore_mem>>
      %dma_start3A = arith.constant 0 : i32
      %dma_start3A_111 = arith.constant 0 : i32
      %dma_start3A_112 = tpu.memref_slice %arg10[%run_scoped3A_38, %dma_start3A, %dma_start3A_111] : memref<2x128x128xf32, #tpu.memory_space<vmem>> -> memref<1x128x128xf32, #tpu.memory_space<vmem>>
      %dma_start3A_113 = tpu.memref_squeeze %dma_start3A_112 : memref<1x128x128xf32, #tpu.memory_space<vmem>> -> memref<128x128xf32, #tpu.memory_space<vmem>>
      %dma_start3A_114 = arith.constant 0 : i32
      %dma_start3A_115 = tpu.memref_slice %arg11[%add3A_37, %dma_start3A_114] : memref<10112x128xf32, #tpu.memory_space<vmem_shared>> -> memref<128x128xf32, #tpu.memory_space<vmem_shared>>
      %dma_start3A_116 = arith.constant 0 : i32
      %dma_start3A_117 = tpu.memref_slice %arg11[%add3A_37, %dma_start3A_116] : memref<10112x128xf32, #tpu.memory_space<vmem_shared>> -> memref<128x128xf32, #tpu.memory_space<vmem_shared>>
      %dma_start3A_118 = arith.constant 0 : i32
      %dma_start3A_119 = arith.constant 0 : i32
      %dma_start3A_120 = tpu.memref_slice %arg10[%run_scoped3A_38, %dma_start3A_118, %dma_start3A_119] : memref<2x128x128xf32, #tpu.memory_space<vmem>> -> memref<1x128x128xf32, #tpu.memory_space<vmem>>
      %dma_start3A_121 = tpu.memref_squeeze %dma_start3A_120 : memref<1x128x128xf32, #tpu.memory_space<vmem>> -> memref<128x128xf32, #tpu.memory_space<vmem>>
      tpu.enqueue_dma source(%dma_start3A_121 : memref<128x128xf32, #tpu.memory_space<vmem>>) target(%dma_start3A_117 : memref<128x128xf32, #tpu.memory_space<vmem_shared>>) target_semaphore(%run_scoped3A_110 : memref<!tpu.dma_semaphore, #tpu.memory_space<semaphore_mem>>)
      %dma_wait3A = arith.constant 0 : i32
      %dma_wait3A_122 = arith.constant 0 : i32
      %dma_wait3A_123 = tpu.memref_slice %arg10[%run_scoped3A_38, %dma_wait3A, %dma_wait3A_122] : memref<2x128x128xf32, #tpu.memory_space<vmem>> -> memref<1x128x128xf32, #tpu.memory_space<vmem>>
      %dma_wait3A_124 = tpu.memref_squeeze %dma_wait3A_123 : memref<1x128x128xf32, #tpu.memory_space<vmem>> -> memref<128x128xf32, #tpu.memory_space<vmem>>
      %dma_wait3A_125 = arith.constant 0 : i32
      %dma_wait3A_126 = tpu.memref_slice %arg11[%add3A_37, %dma_wait3A_125] : memref<10112x128xf32, #tpu.memory_space<vmem_shared>> -> memref<128x128xf32, #tpu.memory_space<vmem_shared>>
      %dma_wait3A_127 = arith.constant 0 : i32
      %dma_wait3A_128 = tpu.memref_slice %arg11[%add3A_37, %dma_wait3A_127] : memref<10112x128xf32, #tpu.memory_space<vmem_shared>> -> memref<128x128xf32, #tpu.memory_space<vmem_shared>>
      %dma_wait3A_129 = arith.constant 0 : i32
      %dma_wait3A_130 = arith.constant 0 : i32
      %dma_wait3A_131 = tpu.memref_slice %arg10[%run_scoped3A_38, %dma_wait3A_129, %dma_wait3A_130] : memref<2x128x128xf32, #tpu.memory_space<vmem>> -> memref<1x128x128xf32, #tpu.memory_space<vmem>>
      %dma_wait3A_132 = tpu.memref_squeeze %dma_wait3A_131 : memref<1x128x128xf32, #tpu.memory_space<vmem>> -> memref<128x128xf32, #tpu.memory_space<vmem>>
      tpu.wait_dma2 semaphore(%run_scoped3A_110 : memref<!tpu.dma_semaphore, #tpu.memory_space<semaphore_mem>>) src(%dma_wait3A_132 : memref<128x128xf32, #tpu.memory_space<vmem>>) dst(%dma_wait3A_128 : memref<128x128xf32, #tpu.memory_space<vmem_shared>>)
      tpu.yield
    }) : () -> ()
    %add3A_39 = arith.constant 384 : i32
    %add3A_40 = arith.addi %mul3A_2, %add3A_39 : i32
    %run_scoped3A_41 = arith.constant 0 : i32
    "tpu.region"() ({
      %run_scoped3A_110 = tpu.sem_alloc : memref<!tpu.dma_semaphore, #tpu.memory_space<semaphore_mem>>
      %dma_start3A = arith.constant 0 : i32
      %dma_start3A_111 = arith.constant 0 : i32
      %dma_start3A_112 = tpu.memref_slice %arg10[%run_scoped3A_41, %dma_start3A, %dma_start3A_111] : memref<2x128x128xf32, #tpu.memory_space<vmem>> -> memref<1x128x128xf32, #tpu.memory_space<vmem>>
      %dma_start3A_113 = tpu.memref_squeeze %dma_start3A_112 : memref<1x128x128xf32, #tpu.memory_space<vmem>> -> memref<128x128xf32, #tpu.memory_space<vmem>>
      %dma_start3A_114 = arith.constant 0 : i32
      %dma_start3A_115 = tpu.memref_slice %arg11[%add3A_40, %dma_start3A_114] : memref<10112x128xf32, #tpu.memory_space<vmem_shared>> -> memref<128x128xf32, #tpu.memory_space<vmem_shared>>
      %dma_start3A_116 = arith.constant 0 : i32
      %dma_start3A_117 = tpu.memref_slice %arg11[%add3A_40, %dma_start3A_116] : memref<10112x128xf32, #tpu.memory_space<vmem_shared>> -> memref<128x128xf32, #tpu.memory_space<vmem_shared>>
      %dma_start3A_118 = arith.constant 0 : i32
      %dma_start3A_119 = arith.constant 0 : i32
      %dma_start3A_120 = tpu.memref_slice %arg10[%run_scoped3A_41, %dma_start3A_118, %dma_start3A_119] : memref<2x128x128xf32, #tpu.memory_space<vmem>> -> memref<1x128x128xf32, #tpu.memory_space<vmem>>
      %dma_start3A_121 = tpu.memref_squeeze %dma_start3A_120 : memref<1x128x128xf32, #tpu.memory_space<vmem>> -> memref<128x128xf32, #tpu.memory_space<vmem>>
      tpu.enqueue_dma source(%dma_start3A_121 : memref<128x128xf32, #tpu.memory_space<vmem>>) target(%dma_start3A_117 : memref<128x128xf32, #tpu.memory_space<vmem_shared>>) target_semaphore(%run_scoped3A_110 : memref<!tpu.dma_semaphore, #tpu.memory_space<semaphore_mem>>)
      %dma_wait3A = arith.constant 0 : i32
      %dma_wait3A_122 = arith.constant 0 : i32
      %dma_wait3A_123 = tpu.memref_slice %arg10[%run_scoped3A_41, %dma_wait3A, %dma_wait3A_122] : memref<2x128x128xf32, #tpu.memory_space<vmem>> -> memref<1x128x128xf32, #tpu.memory_space<vmem>>
      %dma_wait3A_124 = tpu.memref_squeeze %dma_wait3A_123 : memref<1x128x128xf32, #tpu.memory_space<vmem>> -> memref<128x128xf32, #tpu.memory_space<vmem>>
      %dma_wait3A_125 = arith.constant 0 : i32
      %dma_wait3A_126 = tpu.memref_slice %arg11[%add3A_40, %dma_wait3A_125] : memref<10112x128xf32, #tpu.memory_space<vmem_shared>> -> memref<128x128xf32, #tpu.memory_space<vmem_shared>>
      %dma_wait3A_127 = arith.constant 0 : i32
      %dma_wait3A_128 = tpu.memref_slice %arg11[%add3A_40, %dma_wait3A_127] : memref<10112x128xf32, #tpu.memory_space<vmem_shared>> -> memref<128x128xf32, #tpu.memory_space<vmem_shared>>
      %dma_wait3A_129 = arith.constant 0 : i32
      %dma_wait3A_130 = arith.constant 0 : i32
      %dma_wait3A_131 = tpu.memref_slice %arg10[%run_scoped3A_41, %dma_wait3A_129, %dma_wait3A_130] : memref<2x128x128xf32, #tpu.memory_space<vmem>> -> memref<1x128x128xf32, #tpu.memory_space<vmem>>
      %dma_wait3A_132 = tpu.memref_squeeze %dma_wait3A_131 : memref<1x128x128xf32, #tpu.memory_space<vmem>> -> memref<128x128xf32, #tpu.memory_space<vmem>>
      tpu.wait_dma2 semaphore(%run_scoped3A_110 : memref<!tpu.dma_semaphore, #tpu.memory_space<semaphore_mem>>) src(%dma_wait3A_132 : memref<128x128xf32, #tpu.memory_space<vmem>>) dst(%dma_wait3A_128 : memref<128x128xf32, #tpu.memory_space<vmem_shared>>)
      tpu.yield
    }) : () -> ()
    %add3A_42 = arith.constant 512 : i32
    %add3A_43 = arith.addi %mul3A_2, %add3A_42 : i32
    %run_scoped3A_44 = arith.constant 0 : i32
    "tpu.region"() ({
      %run_scoped3A_110 = tpu.sem_alloc : memref<!tpu.dma_semaphore, #tpu.memory_space<semaphore_mem>>
      %dma_start3A = arith.constant 0 : i32
      %dma_start3A_111 = arith.constant 0 : i32
      %dma_start3A_112 = tpu.memref_slice %arg10[%run_scoped3A_44, %dma_start3A, %dma_start3A_111] : memref<2x128x128xf32, #tpu.memory_space<vmem>> -> memref<1x120x128xf32, #tpu.memory_space<vmem>>
      %dma_start3A_113 = tpu.memref_squeeze %dma_start3A_112 : memref<1x120x128xf32, #tpu.memory_space<vmem>> -> memref<120x128xf32, #tpu.memory_space<vmem>>
      %dma_start3A_114 = arith.constant 0 : i32
      %dma_start3A_115 = tpu.memref_slice %arg11[%add3A_43, %dma_start3A_114] : memref<10112x128xf32, #tpu.memory_space<vmem_shared>> -> memref<120x128xf32, #tpu.memory_space<vmem_shared>>
      %dma_start3A_116 = arith.constant 0 : i32
      %dma_start3A_117 = tpu.memref_slice %arg11[%add3A_43, %dma_start3A_116] : memref<10112x128xf32, #tpu.memory_space<vmem_shared>> -> memref<120x128xf32, #tpu.memory_space<vmem_shared>>
      %dma_start3A_118 = arith.constant 0 : i32
      %dma_start3A_119 = arith.constant 0 : i32
      %dma_start3A_120 = tpu.memref_slice %arg10[%run_scoped3A_44, %dma_start3A_118, %dma_start3A_119] : memref<2x128x128xf32, #tpu.memory_space<vmem>> -> memref<1x120x128xf32, #tpu.memory_space<vmem>>
      %dma_start3A_121 = tpu.memref_squeeze %dma_start3A_120 : memref<1x120x128xf32, #tpu.memory_space<vmem>> -> memref<120x128xf32, #tpu.memory_space<vmem>>
      tpu.enqueue_dma source(%dma_start3A_121 : memref<120x128xf32, #tpu.memory_space<vmem>>) target(%dma_start3A_117 : memref<120x128xf32, #tpu.memory_space<vmem_shared>>) target_semaphore(%run_scoped3A_110 : memref<!tpu.dma_semaphore, #tpu.memory_space<semaphore_mem>>)
      %dma_wait3A = arith.constant 0 : i32
      %dma_wait3A_122 = arith.constant 0 : i32
      %dma_wait3A_123 = tpu.memref_slice %arg10[%run_scoped3A_44, %dma_wait3A, %dma_wait3A_122] : memref<2x128x128xf32, #tpu.memory_space<vmem>> -> memref<1x120x128xf32, #tpu.memory_space<vmem>>
      %dma_wait3A_124 = tpu.memref_squeeze %dma_wait3A_123 : memref<1x120x128xf32, #tpu.memory_space<vmem>> -> memref<120x128xf32, #tpu.memory_space<vmem>>
      %dma_wait3A_125 = arith.constant 0 : i32
      %dma_wait3A_126 = tpu.memref_slice %arg11[%add3A_43, %dma_wait3A_125] : memref<10112x128xf32, #tpu.memory_space<vmem_shared>> -> memref<120x128xf32, #tpu.memory_space<vmem_shared>>
      %dma_wait3A_127 = arith.constant 0 : i32
      %dma_wait3A_128 = tpu.memref_slice %arg11[%add3A_43, %dma_wait3A_127] : memref<10112x128xf32, #tpu.memory_space<vmem_shared>> -> memref<120x128xf32, #tpu.memory_space<vmem_shared>>
      %dma_wait3A_129 = arith.constant 0 : i32
      %dma_wait3A_130 = arith.constant 0 : i32
      %dma_wait3A_131 = tpu.memref_slice %arg10[%run_scoped3A_44, %dma_wait3A_129, %dma_wait3A_130] : memref<2x128x128xf32, #tpu.memory_space<vmem>> -> memref<1x120x128xf32, #tpu.memory_space<vmem>>
      %dma_wait3A_132 = tpu.memref_squeeze %dma_wait3A_131 : memref<1x120x128xf32, #tpu.memory_space<vmem>> -> memref<120x128xf32, #tpu.memory_space<vmem>>
      tpu.wait_dma2 semaphore(%run_scoped3A_110 : memref<!tpu.dma_semaphore, #tpu.memory_space<semaphore_mem>>) src(%dma_wait3A_132 : memref<120x128xf32, #tpu.memory_space<vmem>>) dst(%dma_wait3A_128 : memref<120x128xf32, #tpu.memory_space<vmem_shared>>)
      tpu.yield
    }) : () -> ()
    %barrier3A = arith.constant 0 : index
    tpu.barrier barrier_id(%barrier3A)
    %gt3A = arith.constant 0 : i32
    %gt3A_45 = arith.cmpi sgt, %select_n3A, %gt3A : i32
    %convert_element_type3A = arith.extui %gt3A_45 : i1 to i32
    %cond3A = arith.constant 0 : i32
    %cond3A_46 = arith.cmpi ne, %convert_element_type3A, %cond3A : i32
    scf.if %cond3A_46 {
      %add3A_110 = arith.constant 0 : i32
      %add3A_111 = arith.addi %add3A_110, %add3A : i32
      %mul3A_112 = arith.constant 64 : i32
      %mul3A_113 = arith.muli %add3A_111, %mul3A_112 : i32
      %dma_start3A = arith.constant 0 : i32
      %dma_start3A_114 = arith.constant 0 : i32
      %dma_start3A_115 = arith.constant 0 : i32
      %dma_start3A_116 = arith.constant 0 : i32
      %dma_start3A_117 = tpu.memref_slice %arg6[%dma_start3A_114, %dma_start3A_116] : memref<2x64xi32, #tpu.memory_space<vmem>> -> memref<1x64xi32, #tpu.memory_space<vmem>>
      %dma_start3A_118 = tpu.memref_squeeze %dma_start3A_117 : memref<1x64xi32, #tpu.memory_space<vmem>> -> memref<64xi32, #tpu.memory_space<vmem>>
      %dma_start3A_119 = tpu.memref_slice %arg2[%dma_start3A, %mul3A_113] : memref<2x160000xi32, #tpu.memory_space<hbm>> -> memref<1x64xi32, #tpu.memory_space<hbm>>
      %dma_start3A_120 = tpu.memref_squeeze %dma_start3A_119 : memref<1x64xi32, #tpu.memory_space<hbm>> -> memref<64xi32, #tpu.memory_space<hbm>>
      %dma_start3A_121 = tpu.memref_slice %arg13[%dma_start3A_115] : memref<2x!tpu.dma_semaphore, #tpu.memory_space<semaphore_mem>> -> memref<1x!tpu.dma_semaphore, #tpu.memory_space<semaphore_mem>>
      %dma_start3A_122 = tpu.memref_squeeze %dma_start3A_121 : memref<1x!tpu.dma_semaphore, #tpu.memory_space<semaphore_mem>> -> memref<!tpu.dma_semaphore, #tpu.memory_space<semaphore_mem>>
      %dma_start3A_123 = arith.constant 0 : i32
      %dma_start3A_124 = tpu.memref_slice %arg6[%dma_start3A_114, %dma_start3A_123] : memref<2x64xi32, #tpu.memory_space<vmem>> -> memref<1x64xi32, #tpu.memory_space<vmem>>
      %dma_start3A_125 = tpu.memref_squeeze %dma_start3A_124 : memref<1x64xi32, #tpu.memory_space<vmem>> -> memref<64xi32, #tpu.memory_space<vmem>>
      %dma_start3A_126 = tpu.memref_slice %arg2[%dma_start3A, %mul3A_113] : memref<2x160000xi32, #tpu.memory_space<hbm>> -> memref<1x64xi32, #tpu.memory_space<hbm>>
      %dma_start3A_127 = tpu.memref_squeeze %dma_start3A_126 : memref<1x64xi32, #tpu.memory_space<hbm>> -> memref<64xi32, #tpu.memory_space<hbm>>
      tpu.enqueue_dma source(%dma_start3A_127 : memref<64xi32, #tpu.memory_space<hbm>>) target(%dma_start3A_125 : memref<64xi32, #tpu.memory_space<vmem>>) target_semaphore(%dma_start3A_122 : memref<!tpu.dma_semaphore, #tpu.memory_space<semaphore_mem>>)
      %mul3A_128 = arith.constant 64 : i32
      %mul3A_129 = arith.muli %add3A_111, %mul3A_128 : i32
      %dma_start3A_130 = arith.constant 1 : i32
      %dma_start3A_131 = arith.constant 0 : i32
      %dma_start3A_132 = arith.constant 0 : i32
      %dma_start3A_133 = arith.constant 0 : i32
      %dma_start3A_134 = tpu.memref_slice %arg7[%dma_start3A_131, %dma_start3A_133] : memref<2x64xi32, #tpu.memory_space<vmem>> -> memref<1x64xi32, #tpu.memory_space<vmem>>
      %dma_start3A_135 = tpu.memref_squeeze %dma_start3A_134 : memref<1x64xi32, #tpu.memory_space<vmem>> -> memref<64xi32, #tpu.memory_space<vmem>>
      %dma_start3A_136 = tpu.memref_slice %arg2[%dma_start3A_130, %mul3A_129] : memref<2x160000xi32, #tpu.memory_space<hbm>> -> memref<1x64xi32, #tpu.memory_space<hbm>>
      %dma_start3A_137 = tpu.memref_squeeze %dma_start3A_136 : memref<1x64xi32, #tpu.memory_space<hbm>> -> memref<64xi32, #tpu.memory_space<hbm>>
      %dma_start3A_138 = tpu.memref_slice %arg13[%dma_start3A_132] : memref<2x!tpu.dma_semaphore, #tpu.memory_space<semaphore_mem>> -> memref<1x!tpu.dma_semaphore, #tpu.memory_space<semaphore_mem>>
      %dma_start3A_139 = tpu.memref_squeeze %dma_start3A_138 : memref<1x!tpu.dma_semaphore, #tpu.memory_space<semaphore_mem>> -> memref<!tpu.dma_semaphore, #tpu.memory_space<semaphore_mem>>
      %dma_start3A_140 = arith.constant 0 : i32
      %dma_start3A_141 = tpu.memref_slice %arg7[%dma_start3A_131, %dma_start3A_140] : memref<2x64xi32, #tpu.memory_space<vmem>> -> memref<1x64xi32, #tpu.memory_space<vmem>>
      %dma_start3A_142 = tpu.memref_squeeze %dma_start3A_141 : memref<1x64xi32, #tpu.memory_space<vmem>> -> memref<64xi32, #tpu.memory_space<vmem>>
      %dma_start3A_143 = tpu.memref_slice %arg2[%dma_start3A_130, %mul3A_129] : memref<2x160000xi32, #tpu.memory_space<hbm>> -> memref<1x64xi32, #tpu.memory_space<hbm>>
      %dma_start3A_144 = tpu.memref_squeeze %dma_start3A_143 : memref<1x64xi32, #tpu.memory_space<hbm>> -> memref<64xi32, #tpu.memory_space<hbm>>
      tpu.enqueue_dma source(%dma_start3A_144 : memref<64xi32, #tpu.memory_space<hbm>>) target(%dma_start3A_142 : memref<64xi32, #tpu.memory_space<vmem>>) target_semaphore(%dma_start3A_139 : memref<!tpu.dma_semaphore, #tpu.memory_space<semaphore_mem>>)
      %add3A_145 = arith.constant 0 : i32
      %add3A_146 = arith.addi %add3A_145, %add3A : i32
      %mul3A_147 = arith.constant 64 : i32
      %mul3A_148 = arith.muli %add3A_146, %mul3A_147 : i32
      %dma_wait3A = arith.constant 0 : i32
      %dma_wait3A_149 = arith.constant 0 : i32
      %dma_wait3A_150 = arith.constant 0 : i32
      %dma_wait3A_151 = arith.constant 0 : i32
      %dma_wait3A_152 = tpu.memref_slice %arg6[%dma_wait3A_149, %dma_wait3A_151] : memref<2x64xi32, #tpu.memory_space<vmem>> -> memref<1x64xi32, #tpu.memory_space<vmem>>
      %dma_wait3A_153 = tpu.memref_squeeze %dma_wait3A_152 : memref<1x64xi32, #tpu.memory_space<vmem>> -> memref<64xi32, #tpu.memory_space<vmem>>
      %dma_wait3A_154 = tpu.memref_slice %arg2[%dma_wait3A, %mul3A_148] : memref<2x160000xi32, #tpu.memory_space<hbm>> -> memref<1x64xi32, #tpu.memory_space<hbm>>
      %dma_wait3A_155 = tpu.memref_squeeze %dma_wait3A_154 : memref<1x64xi32, #tpu.memory_space<hbm>> -> memref<64xi32, #tpu.memory_space<hbm>>
      %dma_wait3A_156 = tpu.memref_slice %arg13[%dma_wait3A_150] : memref<2x!tpu.dma_semaphore, #tpu.memory_space<semaphore_mem>> -> memref<1x!tpu.dma_semaphore, #tpu.memory_space<semaphore_mem>>
      %dma_wait3A_157 = tpu.memref_squeeze %dma_wait3A_156 : memref<1x!tpu.dma_semaphore, #tpu.memory_space<semaphore_mem>> -> memref<!tpu.dma_semaphore, #tpu.memory_space<semaphore_mem>>
      %dma_wait3A_158 = arith.constant 0 : i32
      %dma_wait3A_159 = tpu.memref_slice %arg6[%dma_wait3A_149, %dma_wait3A_158] : memref<2x64xi32, #tpu.memory_space<vmem>> -> memref<1x64xi32, #tpu.memory_space<vmem>>
      %dma_wait3A_160 = tpu.memref_squeeze %dma_wait3A_159 : memref<1x64xi32, #tpu.memory_space<vmem>> -> memref<64xi32, #tpu.memory_space<vmem>>
      %dma_wait3A_161 = tpu.memref_slice %arg2[%dma_wait3A, %mul3A_148] : memref<2x160000xi32, #tpu.memory_space<hbm>> -> memref<1x64xi32, #tpu.memory_space<hbm>>
      %dma_wait3A_162 = tpu.memref_squeeze %dma_wait3A_161 : memref<1x64xi32, #tpu.memory_space<hbm>> -> memref<64xi32, #tpu.memory_space<hbm>>
      tpu.wait_dma2 semaphore(%dma_wait3A_157 : memref<!tpu.dma_semaphore, #tpu.memory_space<semaphore_mem>>) src(%dma_wait3A_162 : memref<64xi32, #tpu.memory_space<hbm>>) dst(%dma_wait3A_160 : memref<64xi32, #tpu.memory_space<vmem>>)
      %mul3A_163 = arith.constant 64 : i32
      %mul3A_164 = arith.muli %add3A_146, %mul3A_163 : i32
      %dma_wait3A_165 = arith.constant 1 : i32
      %dma_wait3A_166 = arith.constant 0 : i32
      %dma_wait3A_167 = arith.constant 0 : i32
      %dma_wait3A_168 = arith.constant 0 : i32
      %dma_wait3A_169 = tpu.memref_slice %arg7[%dma_wait3A_166, %dma_wait3A_168] : memref<2x64xi32, #tpu.memory_space<vmem>> -> memref<1x64xi32, #tpu.memory_space<vmem>>
      %dma_wait3A_170 = tpu.memref_squeeze %dma_wait3A_169 : memref<1x64xi32, #tpu.memory_space<vmem>> -> memref<64xi32, #tpu.memory_space<vmem>>
      %dma_wait3A_171 = tpu.memref_slice %arg2[%dma_wait3A_165, %mul3A_164] : memref<2x160000xi32, #tpu.memory_space<hbm>> -> memref<1x64xi32, #tpu.memory_space<hbm>>
      %dma_wait3A_172 = tpu.memref_squeeze %dma_wait3A_171 : memref<1x64xi32, #tpu.memory_space<hbm>> -> memref<64xi32, #tpu.memory_space<hbm>>
      %dma_wait3A_173 = tpu.memref_slice %arg13[%dma_wait3A_167] : memref<2x!tpu.dma_semaphore, #tpu.memory_space<semaphore_mem>> -> memref<1x!tpu.dma_semaphore, #tpu.memory_space<semaphore_mem>>
      %dma_wait3A_174 = tpu.memref_squeeze %dma_wait3A_173 : memref<1x!tpu.dma_semaphore, #tpu.memory_space<semaphore_mem>> -> memref<!tpu.dma_semaphore, #tpu.memory_space<semaphore_mem>>
      %dma_wait3A_175 = arith.constant 0 : i32
      %dma_wait3A_176 = tpu.memref_slice %arg7[%dma_wait3A_166, %dma_wait3A_175] : memref<2x64xi32, #tpu.memory_space<vmem>> -> memref<1x64xi32, #tpu.memory_space<vmem>>
      %dma_wait3A_177 = tpu.memref_squeeze %dma_wait3A_176 : memref<1x64xi32, #tpu.memory_space<vmem>> -> memref<64xi32, #tpu.memory_space<vmem>>
      %dma_wait3A_178 = tpu.memref_slice %arg2[%dma_wait3A_165, %mul3A_164] : memref<2x160000xi32, #tpu.memory_space<hbm>> -> memref<1x64xi32, #tpu.memory_space<hbm>>
      %dma_wait3A_179 = tpu.memref_squeeze %dma_wait3A_178 : memref<1x64xi32, #tpu.memory_space<hbm>> -> memref<64xi32, #tpu.memory_space<hbm>>
      tpu.wait_dma2 semaphore(%dma_wait3A_174 : memref<!tpu.dma_semaphore, #tpu.memory_space<semaphore_mem>>) src(%dma_wait3A_179 : memref<64xi32, #tpu.memory_space<hbm>>) dst(%dma_wait3A_177 : memref<64xi32, #tpu.memory_space<vmem>>)
      %get3A = arith.constant 0 : i32
      %get3A_180 = arith.index_cast %get3A : i32 to index
      %get3A_181 = arith.constant 0 : index
      %get3A_182 = tpu.vector_load %arg6[%get3A_180, %get3A_181] {strides = array<i32>} : memref<2x64xi32, #tpu.memory_space<vmem>>, vector<1x16xi32>,
      %get3A_183 = vector.shape_cast %get3A_182 : vector<1x16xi32> to vector<16xi32>
      %get3A_184 = arith.constant 0 : i32
      %get3A_185 = arith.index_cast %get3A_184 : i32 to index
      %get3A_186 = arith.constant 0 : index
      %get3A_187 = tpu.vector_load %arg7[%get3A_185, %get3A_186] {strides = array<i32>} : memref<2x64xi32, #tpu.memory_space<vmem>>, vector<1x16xi32>,
      %get3A_188 = vector.shape_cast %get3A_187 : vector<1x16xi32> to vector<16xi32>
      %and3A_189 = arith.constant 65535 : i32
      %and3A_190 = vector.broadcast %and3A_189 : i32 to vector<16xi32>
      %and3A_191 = arith.andi %get3A_183, %and3A_190 : vector<16xi32>
      %swap3A = arith.constant 0 : i32
      %swap3A_192 = arith.index_cast %swap3A : i32 to index
      %swap3A_193 = arith.constant 0 : index
      %swap3A_194 = tpu.vector_load %arg8[%swap3A_192, %swap3A_193] {strides = array<i32>} : memref<2x128xi32, #tpu.memory_space<vmem>>, vector<1x16xi32>,
      %swap3A_195 = vector.shape_cast %swap3A_194 : vector<1x16xi32> to vector<16xi32>
      %swap3A_196 = vector.shape_cast %and3A_191 : vector<16xi32> to vector<1x16xi32>
      tpu.vector_store %arg8[%swap3A_192, %swap3A_193], %swap3A_196 {strides = array<i32>} : memref<2x128xi32, #tpu.memory_space<vmem>>, vector<1x16xi32>,
      %shift_right_arithmetic3A = arith.constant 16 : i32
      %shift_right_arithmetic3A_197 = vector.broadcast %shift_right_arithmetic3A : i32 to vector<16xi32>
      %shift_right_arithmetic3A_198 = arith.shrsi %get3A_183, %shift_right_arithmetic3A_197 : vector<16xi32>
      %swap3A_199 = arith.constant 0 : i32
      %swap3A_200 = arith.index_cast %swap3A_199 : i32 to index
      %swap3A_201 = arith.constant 16 : index
      %swap3A_202 = tpu.vector_load %arg8[%swap3A_200, %swap3A_201] {strides = array<i32>} : memref<2x128xi32, #tpu.memory_space<vmem>>, vector<1x16xi32>,
      %swap3A_203 = vector.shape_cast %swap3A_202 : vector<1x16xi32> to vector<16xi32>
      %swap3A_204 = vector.shape_cast %shift_right_arithmetic3A_198 : vector<16xi32> to vector<1x16xi32>
      tpu.vector_store %arg8[%swap3A_200, %swap3A_201], %swap3A_204 {strides = array<i32>} : memref<2x128xi32, #tpu.memory_space<vmem>>, vector<1x16xi32>,
      %and3A_205 = arith.constant 65535 : i32
      %and3A_206 = vector.broadcast %and3A_205 : i32 to vector<16xi32>
      %and3A_207 = arith.andi %get3A_188, %and3A_206 : vector<16xi32>
      %swap3A_208 = arith.constant 0 : i32
      %swap3A_209 = arith.index_cast %swap3A_208 : i32 to index
      %swap3A_210 = arith.constant 0 : index
      %swap3A_211 = tpu.vector_load %arg9[%swap3A_209, %swap3A_210] {strides = array<i32>} : memref<2x128xi32, #tpu.memory_space<vmem>>, vector<1x16xi32>,
      %swap3A_212 = vector.shape_cast %swap3A_211 : vector<1x16xi32> to vector<16xi32>
      %swap3A_213 = vector.shape_cast %and3A_207 : vector<16xi32> to vector<1x16xi32>
      tpu.vector_store %arg9[%swap3A_209, %swap3A_210], %swap3A_213 {strides = array<i32>} : memref<2x128xi32, #tpu.memory_space<vmem>>, vector<1x16xi32>,
      %shift_right_arithmetic3A_214 = arith.constant 16 : i32
      %shift_right_arithmetic3A_215 = vector.broadcast %shift_right_arithmetic3A_214 : i32 to vector<16xi32>
      %shift_right_arithmetic3A_216 = arith.shrsi %get3A_188, %shift_right_arithmetic3A_215 : vector<16xi32>
      %swap3A_217 = arith.constant 0 : i32
      %swap3A_218 = arith.index_cast %swap3A_217 : i32 to index
      %swap3A_219 = arith.constant 16 : index
      %swap3A_220 = tpu.vector_load %arg9[%swap3A_218, %swap3A_219] {strides = array<i32>} : memref<2x128xi32, #tpu.memory_space<vmem>>, vector<1x16xi32>,
      %swap3A_221 = vector.shape_cast %swap3A_220 : vector<1x16xi32> to vector<16xi32>
      %swap3A_222 = vector.shape_cast %shift_right_arithmetic3A_216 : vector<16xi32> to vector<1x16xi32>
      tpu.vector_store %arg9[%swap3A_218, %swap3A_219], %swap3A_222 {strides = array<i32>} : memref<2x128xi32, #tpu.memory_space<vmem>>, vector<1x16xi32>,
      %get3A_223 = arith.constant 0 : i32
      %get3A_224 = arith.index_cast %get3A_223 : i32 to index
      %get3A_225 = arith.constant 16 : index
      %get3A_226 = tpu.vector_load %arg6[%get3A_224, %get3A_225] {strides = array<i32>} : memref<2x64xi32, #tpu.memory_space<vmem>>, vector<1x16xi32>,
      %get3A_227 = vector.shape_cast %get3A_226 : vector<1x16xi32> to vector<16xi32>
      %get3A_228 = arith.constant 0 : i32
      %get3A_229 = arith.index_cast %get3A_228 : i32 to index
      %get3A_230 = arith.constant 16 : index
      %get3A_231 = tpu.vector_load %arg7[%get3A_229, %get3A_230] {strides = array<i32>} : memref<2x64xi32, #tpu.memory_space<vmem>>, vector<1x16xi32>,
      %get3A_232 = vector.shape_cast %get3A_231 : vector<1x16xi32> to vector<16xi32>
      %and3A_233 = arith.constant 65535 : i32
      %and3A_234 = vector.broadcast %and3A_233 : i32 to vector<16xi32>
      %and3A_235 = arith.andi %get3A_227, %and3A_234 : vector<16xi32>
      %swap3A_236 = arith.constant 0 : i32
      %swap3A_237 = arith.index_cast %swap3A_236 : i32 to index
      %swap3A_238 = arith.constant 32 : index
      %swap3A_239 = tpu.vector_load %arg8[%swap3A_237, %swap3A_238] {strides = array<i32>} : memref<2x128xi32, #tpu.memory_space<vmem>>, vector<1x16xi32>,
      %swap3A_240 = vector.shape_cast %swap3A_239 : vector<1x16xi32> to vector<16xi32>
      %swap3A_241 = vector.shape_cast %and3A_235 : vector<16xi32> to vector<1x16xi32>
      tpu.vector_store %arg8[%swap3A_237, %swap3A_238], %swap3A_241 {strides = array<i32>} : memref<2x128xi32, #tpu.memory_space<vmem>>, vector<1x16xi32>,
      %shift_right_arithmetic3A_242 = arith.constant 16 : i32
      %shift_right_arithmetic3A_243 = vector.broadcast %shift_right_arithmetic3A_242 : i32 to vector<16xi32>
      %shift_right_arithmetic3A_244 = arith.shrsi %get3A_227, %shift_right_arithmetic3A_243 : vector<16xi32>
      %swap3A_245 = arith.constant 0 : i32
      %swap3A_246 = arith.index_cast %swap3A_245 : i32 to index
      %swap3A_247 = arith.constant 48 : index
      %swap3A_248 = tpu.vector_load %arg8[%swap3A_246, %swap3A_247] {strides = array<i32>} : memref<2x128xi32, #tpu.memory_space<vmem>>, vector<1x16xi32>,
      %swap3A_249 = vector.shape_cast %swap3A_248 : vector<1x16xi32> to vector<16xi32>
      %swap3A_250 = vector.shape_cast %shift_right_arithmetic3A_244 : vector<16xi32> to vector<1x16xi32>
      tpu.vector_store %arg8[%swap3A_246, %swap3A_247], %swap3A_250 {strides = array<i32>} : memref<2x128xi32, #tpu.memory_space<vmem>>, vector<1x16xi32>,
      %and3A_251 = arith.constant 65535 : i32
      %and3A_252 = vector.broadcast %and3A_251 : i32 to vector<16xi32>
      %and3A_253 = arith.andi %get3A_232, %and3A_252 : vector<16xi32>
      %swap3A_254 = arith.constant 0 : i32
      %swap3A_255 = arith.index_cast %swap3A_254 : i32 to index
      %swap3A_256 = arith.constant 32 : index
      %swap3A_257 = tpu.vector_load %arg9[%swap3A_255, %swap3A_256] {strides = array<i32>} : memref<2x128xi32, #tpu.memory_space<vmem>>, vector<1x16xi32>,
      %swap3A_258 = vector.shape_cast %swap3A_257 : vector<1x16xi32> to vector<16xi32>
      %swap3A_259 = vector.shape_cast %and3A_253 : vector<16xi32> to vector<1x16xi32>
      tpu.vector_store %arg9[%swap3A_255, %swap3A_256], %swap3A_259 {strides = array<i32>} : memref<2x128xi32, #tpu.memory_space<vmem>>, vector<1x16xi32>,
      %shift_right_arithmetic3A_260 = arith.constant 16 : i32
      %shift_right_arithmetic3A_261 = vector.broadcast %shift_right_arithmetic3A_260 : i32 to vector<16xi32>
      %shift_right_arithmetic3A_262 = arith.shrsi %get3A_232, %shift_right_arithmetic3A_261 : vector<16xi32>
      %swap3A_263 = arith.constant 0 : i32
      %swap3A_264 = arith.index_cast %swap3A_263 : i32 to index
      %swap3A_265 = arith.constant 48 : index
      %swap3A_266 = tpu.vector_load %arg9[%swap3A_264, %swap3A_265] {strides = array<i32>} : memref<2x128xi32, #tpu.memory_space<vmem>>, vector<1x16xi32>,
      %swap3A_267 = vector.shape_cast %swap3A_266 : vector<1x16xi32> to vector<16xi32>
      %swap3A_268 = vector.shape_cast %shift_right_arithmetic3A_262 : vector<16xi32> to vector<1x16xi32>
      tpu.vector_store %arg9[%swap3A_264, %swap3A_265], %swap3A_268 {strides = array<i32>} : memref<2x128xi32, #tpu.memory_space<vmem>>, vector<1x16xi32>,
      %get3A_269 = arith.constant 0 : i32
      %get3A_270 = arith.index_cast %get3A_269 : i32 to index
      %get3A_271 = arith.constant 32 : index
      %get3A_272 = tpu.vector_load %arg6[%get3A_270, %get3A_271] {strides = array<i32>} : memref<2x64xi32, #tpu.memory_space<vmem>>, vector<1x16xi32>,
      %get3A_273 = vector.shape_cast %get3A_272 : vector<1x16xi32> to vector<16xi32>
      %get3A_274 = arith.constant 0 : i32
      %get3A_275 = arith.index_cast %get3A_274 : i32 to index
      %get3A_276 = arith.constant 32 : index
      %get3A_277 = tpu.vector_load %arg7[%get3A_275, %get3A_276] {strides = array<i32>} : memref<2x64xi32, #tpu.memory_space<vmem>>, vector<1x16xi32>,
      %get3A_278 = vector.shape_cast %get3A_277 : vector<1x16xi32> to vector<16xi32>
      %and3A_279 = arith.constant 65535 : i32
      %and3A_280 = vector.broadcast %and3A_279 : i32 to vector<16xi32>
      %and3A_281 = arith.andi %get3A_273, %and3A_280 : vector<16xi32>
      %swap3A_282 = arith.constant 0 : i32
      %swap3A_283 = arith.index_cast %swap3A_282 : i32 to index
      %swap3A_284 = arith.constant 64 : index
      %swap3A_285 = tpu.vector_load %arg8[%swap3A_283, %swap3A_284] {strides = array<i32>} : memref<2x128xi32, #tpu.memory_space<vmem>>, vector<1x16xi32>,
      %swap3A_286 = vector.shape_cast %swap3A_285 : vector<1x16xi32> to vector<16xi32>
      %swap3A_287 = vector.shape_cast %and3A_281 : vector<16xi32> to vector<1x16xi32>
      tpu.vector_store %arg8[%swap3A_283, %swap3A_284], %swap3A_287 {strides = array<i32>} : memref<2x128xi32, #tpu.memory_space<vmem>>, vector<1x16xi32>,
      %shift_right_arithmetic3A_288 = arith.constant 16 : i32
      %shift_right_arithmetic3A_289 = vector.broadcast %shift_right_arithmetic3A_288 : i32 to vector<16xi32>
      %shift_right_arithmetic3A_290 = arith.shrsi %get3A_273, %shift_right_arithmetic3A_289 : vector<16xi32>
      %swap3A_291 = arith.constant 0 : i32
      %swap3A_292 = arith.index_cast %swap3A_291 : i32 to index
      %swap3A_293 = arith.constant 80 : index
      %swap3A_294 = tpu.vector_load %arg8[%swap3A_292, %swap3A_293] {strides = array<i32>} : memref<2x128xi32, #tpu.memory_space<vmem>>, vector<1x16xi32>,
      %swap3A_295 = vector.shape_cast %swap3A_294 : vector<1x16xi32> to vector<16xi32>
      %swap3A_296 = vector.shape_cast %shift_right_arithmetic3A_290 : vector<16xi32> to vector<1x16xi32>
      tpu.vector_store %arg8[%swap3A_292, %swap3A_293], %swap3A_296 {strides = array<i32>} : memref<2x128xi32, #tpu.memory_space<vmem>>, vector<1x16xi32>,
      %and3A_297 = arith.constant 65535 : i32
      %and3A_298 = vector.broadcast %and3A_297 : i32 to vector<16xi32>
      %and3A_299 = arith.andi %get3A_278, %and3A_298 : vector<16xi32>
      %swap3A_300 = arith.constant 0 : i32
      %swap3A_301 = arith.index_cast %swap3A_300 : i32 to index
      %swap3A_302 = arith.constant 64 : index
      %swap3A_303 = tpu.vector_load %arg9[%swap3A_301, %swap3A_302] {strides = array<i32>} : memref<2x128xi32, #tpu.memory_space<vmem>>, vector<1x16xi32>,
      %swap3A_304 = vector.shape_cast %swap3A_303 : vector<1x16xi32> to vector<16xi32>
      %swap3A_305 = vector.shape_cast %and3A_299 : vector<16xi32> to vector<1x16xi32>
      tpu.vector_store %arg9[%swap3A_301, %swap3A_302], %swap3A_305 {strides = array<i32>} : memref<2x128xi32, #tpu.memory_space<vmem>>, vector<1x16xi32>,
      %shift_right_arithmetic3A_306 = arith.constant 16 : i32
      %shift_right_arithmetic3A_307 = vector.broadcast %shift_right_arithmetic3A_306 : i32 to vector<16xi32>
      %shift_right_arithmetic3A_308 = arith.shrsi %get3A_278, %shift_right_arithmetic3A_307 : vector<16xi32>
      %swap3A_309 = arith.constant 0 : i32
      %swap3A_310 = arith.index_cast %swap3A_309 : i32 to index
      %swap3A_311 = arith.constant 80 : index
      %swap3A_312 = tpu.vector_load %arg9[%swap3A_310, %swap3A_311] {strides = array<i32>} : memref<2x128xi32, #tpu.memory_space<vmem>>, vector<1x16xi32>,
      %swap3A_313 = vector.shape_cast %swap3A_312 : vector<1x16xi32> to vector<16xi32>
      %swap3A_314 = vector.shape_cast %shift_right_arithmetic3A_308 : vector<16xi32> to vector<1x16xi32>
      tpu.vector_store %arg9[%swap3A_310, %swap3A_311], %swap3A_314 {strides = array<i32>} : memref<2x128xi32, #tpu.memory_space<vmem>>, vector<1x16xi32>,
      %get3A_315 = arith.constant 0 : i32
      %get3A_316 = arith.index_cast %get3A_315 : i32 to index
      %get3A_317 = arith.constant 48 : index
      %get3A_318 = tpu.vector_load %arg6[%get3A_316, %get3A_317] {strides = array<i32>} : memref<2x64xi32, #tpu.memory_space<vmem>>, vector<1x16xi32>,
      %get3A_319 = vector.shape_cast %get3A_318 : vector<1x16xi32> to vector<16xi32>
      %get3A_320 = arith.constant 0 : i32
      %get3A_321 = arith.index_cast %get3A_320 : i32 to index
      %get3A_322 = arith.constant 48 : index
      %get3A_323 = tpu.vector_load %arg7[%get3A_321, %get3A_322] {strides = array<i32>} : memref<2x64xi32, #tpu.memory_space<vmem>>, vector<1x16xi32>,
      %get3A_324 = vector.shape_cast %get3A_323 : vector<1x16xi32> to vector<16xi32>
      %and3A_325 = arith.constant 65535 : i32
      %and3A_326 = vector.broadcast %and3A_325 : i32 to vector<16xi32>
      %and3A_327 = arith.andi %get3A_319, %and3A_326 : vector<16xi32>
      %swap3A_328 = arith.constant 0 : i32
      %swap3A_329 = arith.index_cast %swap3A_328 : i32 to index
      %swap3A_330 = arith.constant 96 : index
      %swap3A_331 = tpu.vector_load %arg8[%swap3A_329, %swap3A_330] {strides = array<i32>} : memref<2x128xi32, #tpu.memory_space<vmem>>, vector<1x16xi32>,
      %swap3A_332 = vector.shape_cast %swap3A_331 : vector<1x16xi32> to vector<16xi32>
      %swap3A_333 = vector.shape_cast %and3A_327 : vector<16xi32> to vector<1x16xi32>
      tpu.vector_store %arg8[%swap3A_329, %swap3A_330], %swap3A_333 {strides = array<i32>} : memref<2x128xi32, #tpu.memory_space<vmem>>, vector<1x16xi32>,
      %shift_right_arithmetic3A_334 = arith.constant 16 : i32
      %shift_right_arithmetic3A_335 = vector.broadcast %shift_right_arithmetic3A_334 : i32 to vector<16xi32>
      %shift_right_arithmetic3A_336 = arith.shrsi %get3A_319, %shift_right_arithmetic3A_335 : vector<16xi32>
      %swap3A_337 = arith.constant 0 : i32
      %swap3A_338 = arith.index_cast %swap3A_337 : i32 to index
      %swap3A_339 = arith.constant 112 : index
      %swap3A_340 = tpu.vector_load %arg8[%swap3A_338, %swap3A_339] {strides = array<i32>} : memref<2x128xi32, #tpu.memory_space<vmem>>, vector<1x16xi32>,
      %swap3A_341 = vector.shape_cast %swap3A_340 : vector<1x16xi32> to vector<16xi32>
      %swap3A_342 = vector.shape_cast %shift_right_arithmetic3A_336 : vector<16xi32> to vector<1x16xi32>
      tpu.vector_store %arg8[%swap3A_338, %swap3A_339], %swap3A_342 {strides = array<i32>} : memref<2x128xi32, #tpu.memory_space<vmem>>, vector<1x16xi32>,
      %and3A_343 = arith.constant 65535 : i32
      %and3A_344 = vector.broadcast %and3A_343 : i32 to vector<16xi32>
      %and3A_345 = arith.andi %get3A_324, %and3A_344 : vector<16xi32>
      %swap3A_346 = arith.constant 0 : i32
      %swap3A_347 = arith.index_cast %swap3A_346 : i32 to index
      %swap3A_348 = arith.constant 96 : index
      %swap3A_349 = tpu.vector_load %arg9[%swap3A_347, %swap3A_348] {strides = array<i32>} : memref<2x128xi32, #tpu.memory_space<vmem>>, vector<1x16xi32>,
      %swap3A_350 = vector.shape_cast %swap3A_349 : vector<1x16xi32> to vector<16xi32>
      %swap3A_351 = vector.shape_cast %and3A_345 : vector<16xi32> to vector<1x16xi32>
      tpu.vector_store %arg9[%swap3A_347, %swap3A_348], %swap3A_351 {strides = array<i32>} : memref<2x128xi32, #tpu.memory_space<vmem>>, vector<1x16xi32>,
      %shift_right_arithmetic3A_352 = arith.constant 16 : i32
      %shift_right_arithmetic3A_353 = vector.broadcast %shift_right_arithmetic3A_352 : i32 to vector<16xi32>
      %shift_right_arithmetic3A_354 = arith.shrsi %get3A_324, %shift_right_arithmetic3A_353 : vector<16xi32>
      %swap3A_355 = arith.constant 0 : i32
      %swap3A_356 = arith.index_cast %swap3A_355 : i32 to index
      %swap3A_357 = arith.constant 112 : index
      %swap3A_358 = tpu.vector_load %arg9[%swap3A_356, %swap3A_357] {strides = array<i32>} : memref<2x128xi32, #tpu.memory_space<vmem>>, vector<1x16xi32>,
      %swap3A_359 = vector.shape_cast %swap3A_358 : vector<1x16xi32> to vector<16xi32>
      %swap3A_360 = vector.shape_cast %shift_right_arithmetic3A_354 : vector<16xi32> to vector<1x16xi32>
      tpu.vector_store %arg9[%swap3A_356, %swap3A_357], %swap3A_360 {strides = array<i32>} : memref<2x128xi32, #tpu.memory_space<vmem>>, vector<1x16xi32>,
      %dma_start3A_361 = arith.constant 0 : i32
      %dma_start3A_362 = arith.constant 0 : i32
      %dma_start3A_363 = arith.constant 0 : i32
      %dma_start3A_364 = arith.constant 0 : i32
      %dma_start3A_365 = arith.constant 0 : i32
      %dma_start3A_366 = tpu.memref_slice %arg10[%dma_start3A_362, %dma_start3A_364, %dma_start3A_365] : memref<2x128x128xf32, #tpu.memory_space<vmem>> -> memref<1x128x128xf32, #tpu.memory_space<vmem>>
      %dma_start3A_367 = tpu.memref_squeeze %dma_start3A_366 : memref<1x128x128xf32, #tpu.memory_space<vmem>> -> memref<128x128xf32, #tpu.memory_space<vmem>>
      %dma_start3A_368 = arith.constant 0 : i32
      %dma_start3A_369 = tpu.memref_slice %arg8[%dma_start3A_361, %dma_start3A_368] : memref<2x128xi32, #tpu.memory_space<vmem>> -> memref<1x128xi32, #tpu.memory_space<vmem>>
      %dma_start3A_370 = tpu.memref_squeeze %dma_start3A_369 : memref<1x128xi32, #tpu.memory_space<vmem>> -> memref<128xi32, #tpu.memory_space<vmem>>
      %dma_start3A_371 = arith.constant 0 : i32
      %dma_start3A_372 = arith.constant 0 : i32
      %dma_start3A_373 = tpu.memref_slice %arg3[%dma_start3A_371, %dma_start3A_372] : memref<10000x128xf32, #tpu.memory_space<hbm>> -> memref<10000x128xf32, #tpu.memory_space<hbm>>
      %dma_start3A_374 = tpu.memref_slice %arg12[%dma_start3A_363] : memref<2x!tpu.dma_semaphore, #tpu.memory_space<semaphore_mem>> -> memref<1x!tpu.dma_semaphore, #tpu.memory_space<semaphore_mem>>
      %dma_start3A_375 = tpu.memref_squeeze %dma_start3A_374 : memref<1x!tpu.dma_semaphore, #tpu.memory_space<semaphore_mem>> -> memref<!tpu.dma_semaphore, #tpu.memory_space<semaphore_mem>>
      tpu.enqueue_indirect_dma source(%dma_start3A_373 : memref<10000x128xf32, #tpu.memory_space<hbm>>) target(%dma_start3A_367 : memref<128x128xf32, #tpu.memory_space<vmem>>) offsets(%dma_start3A_370 : memref<128xi32, #tpu.memory_space<vmem>>) semaphore(%dma_start3A_375 : memref<!tpu.dma_semaphore, #tpu.memory_space<semaphore_mem>>)
    } else {
    }
    %gt3A_47 = arith.constant 1 : i32
    %gt3A_48 = arith.cmpi sgt, %select_n3A, %gt3A_47 : i32
    %convert_element_type3A_49 = arith.extui %gt3A_48 : i1 to i32
    %cond3A_50 = arith.constant 0 : i32
    %cond3A_51 = arith.cmpi ne, %convert_element_type3A_49, %cond3A_50 : i32
    scf.if %cond3A_51 {
      %add3A_110 = arith.constant 32 : i32
      %add3A_111 = arith.addi %add3A_110, %add3A : i32
      %mul3A_112 = arith.constant 64 : i32
      %mul3A_113 = arith.muli %add3A_111, %mul3A_112 : i32
      %dma_start3A = arith.constant 0 : i32
      %dma_start3A_114 = arith.constant 1 : i32
      %dma_start3A_115 = arith.constant 1 : i32
      %dma_start3A_116 = arith.constant 0 : i32
      %dma_start3A_117 = tpu.memref_slice %arg6[%dma_start3A_114, %dma_start3A_116] : memref<2x64xi32, #tpu.memory_space<vmem>> -> memref<1x64xi32, #tpu.memory_space<vmem>>
      %dma_start3A_118 = tpu.memref_squeeze %dma_start3A_117 : memref<1x64xi32, #tpu.memory_space<vmem>> -> memref<64xi32, #tpu.memory_space<vmem>>
      %dma_start3A_119 = tpu.memref_slice %arg2[%dma_start3A, %mul3A_113] : memref<2x160000xi32, #tpu.memory_space<hbm>> -> memref<1x64xi32, #tpu.memory_space<hbm>>
      %dma_start3A_120 = tpu.memref_squeeze %dma_start3A_119 : memref<1x64xi32, #tpu.memory_space<hbm>> -> memref<64xi32, #tpu.memory_space<hbm>>
      %dma_start3A_121 = tpu.memref_slice %arg13[%dma_start3A_115] : memref<2x!tpu.dma_semaphore, #tpu.memory_space<semaphore_mem>> -> memref<1x!tpu.dma_semaphore, #tpu.memory_space<semaphore_mem>>
      %dma_start3A_122 = tpu.memref_squeeze %dma_start3A_121 : memref<1x!tpu.dma_semaphore, #tpu.memory_space<semaphore_mem>> -> memref<!tpu.dma_semaphore, #tpu.memory_space<semaphore_mem>>
      %dma_start3A_123 = arith.constant 0 : i32
      %dma_start3A_124 = tpu.memref_slice %arg6[%dma_start3A_114, %dma_start3A_123] : memref<2x64xi32, #tpu.memory_space<vmem>> -> memref<1x64xi32, #tpu.memory_space<vmem>>
      %dma_start3A_125 = tpu.memref_squeeze %dma_start3A_124 : memref<1x64xi32, #tpu.memory_space<vmem>> -> memref<64xi32, #tpu.memory_space<vmem>>
      %dma_start3A_126 = tpu.memref_slice %arg2[%dma_start3A, %mul3A_113] : memref<2x160000xi32, #tpu.memory_space<hbm>> -> memref<1x64xi32, #tpu.memory_space<hbm>>
      %dma_start3A_127 = tpu.memref_squeeze %dma_start3A_126 : memref<1x64xi32, #tpu.memory_space<hbm>> -> memref<64xi32, #tpu.memory_space<hbm>>
      tpu.enqueue_dma source(%dma_start3A_127 : memref<64xi32, #tpu.memory_space<hbm>>) target(%dma_start3A_125 : memref<64xi32, #tpu.memory_space<vmem>>) target_semaphore(%dma_start3A_122 : memref<!tpu.dma_semaphore, #tpu.memory_space<semaphore_mem>>)
      %mul3A_128 = arith.constant 64 : i32
      %mul3A_129 = arith.muli %add3A_111, %mul3A_128 : i32
      %dma_start3A_130 = arith.constant 1 : i32
      %dma_start3A_131 = arith.constant 1 : i32
      %dma_start3A_132 = arith.constant 1 : i32
      %dma_start3A_133 = arith.constant 0 : i32
      %dma_start3A_134 = tpu.memref_slice %arg7[%dma_start3A_131, %dma_start3A_133] : memref<2x64xi32, #tpu.memory_space<vmem>> -> memref<1x64xi32, #tpu.memory_space<vmem>>
      %dma_start3A_135 = tpu.memref_squeeze %dma_start3A_134 : memref<1x64xi32, #tpu.memory_space<vmem>> -> memref<64xi32, #tpu.memory_space<vmem>>
      %dma_start3A_136 = tpu.memref_slice %arg2[%dma_start3A_130, %mul3A_129] : memref<2x160000xi32, #tpu.memory_space<hbm>> -> memref<1x64xi32, #tpu.memory_space<hbm>>
      %dma_start3A_137 = tpu.memref_squeeze %dma_start3A_136 : memref<1x64xi32, #tpu.memory_space<hbm>> -> memref<64xi32, #tpu.memory_space<hbm>>
      %dma_start3A_138 = tpu.memref_slice %arg13[%dma_start3A_132] : memref<2x!tpu.dma_semaphore, #tpu.memory_space<semaphore_mem>> -> memref<1x!tpu.dma_semaphore, #tpu.memory_space<semaphore_mem>>
      %dma_start3A_139 = tpu.memref_squeeze %dma_start3A_138 : memref<1x!tpu.dma_semaphore, #tpu.memory_space<semaphore_mem>> -> memref<!tpu.dma_semaphore, #tpu.memory_space<semaphore_mem>>
      %dma_start3A_140 = arith.constant 0 : i32
      %dma_start3A_141 = tpu.memref_slice %arg7[%dma_start3A_131, %dma_start3A_140] : memref<2x64xi32, #tpu.memory_space<vmem>> -> memref<1x64xi32, #tpu.memory_space<vmem>>
      %dma_start3A_142 = tpu.memref_squeeze %dma_start3A_141 : memref<1x64xi32, #tpu.memory_space<vmem>> -> memref<64xi32, #tpu.memory_space<vmem>>
      %dma_start3A_143 = tpu.memref_slice %arg2[%dma_start3A_130, %mul3A_129] : memref<2x160000xi32, #tpu.memory_space<hbm>> -> memref<1x64xi32, #tpu.memory_space<hbm>>
      %dma_start3A_144 = tpu.memref_squeeze %dma_start3A_143 : memref<1x64xi32, #tpu.memory_space<hbm>> -> memref<64xi32, #tpu.memory_space<hbm>>
      tpu.enqueue_dma source(%dma_start3A_144 : memref<64xi32, #tpu.memory_space<hbm>>) target(%dma_start3A_142 : memref<64xi32, #tpu.memory_space<vmem>>) target_semaphore(%dma_start3A_139 : memref<!tpu.dma_semaphore, #tpu.memory_space<semaphore_mem>>)
    } else {
    }
    %add3A_52 = arith.constant 1 : i32
    %add3A_53 = arith.addi %select_n3A, %add3A_52 : i32
    %jit3A_54 = arith.constant 2 : i32
    %div3A_55 = arith.divsi %add3A_53, %jit3A_54 : i32
    %sign3A_56 = arith.constant 0 : i32
    %sign3A_57 = arith.cmpi sgt, %add3A_53, %sign3A_56 : i32
    %sign3A_58 = arith.extui %sign3A_57 : i1 to i32
    %sign3A_59 = arith.constant 0 : i32
    %sign3A_60 = arith.cmpi slt, %add3A_53, %sign3A_59 : i32
    %sign3A_61 = arith.extui %sign3A_60 : i1 to i32
    %sign3A_62 = arith.subi %sign3A_58, %sign3A_61 : i32
    %sign3A_63 = arith.constant 0 : i32
    %sign3A_64 = arith.cmpi sgt, %jit3A_54, %sign3A_63 : i32
    %sign3A_65 = arith.extui %sign3A_64 : i1 to i32
    %sign3A_66 = arith.constant 0 : i32
    %sign3A_67 = arith.cmpi slt, %jit3A_54, %sign3A_66 : i32
    %sign3A_68 = arith.extui %sign3A_67 : i1 to i32
    %sign3A_69 = arith.subi %sign3A_65, %sign3A_68 : i32
    %ne3A_70 = arith.cmpi ne, %sign3A_62, %sign3A_69 : i32
    %rem3A_71 = arith.remsi %add3A_53, %jit3A_54 : i32
    %ne3A_72 = arith.constant 0 : i32
    %ne3A_73 = arith.cmpi ne, %rem3A_71, %ne3A_72 : i32
    %and3A_74 = arith.andi %ne3A_70, %ne3A_73 : i1
    %sub3A_75 = arith.constant 1 : i32
    %sub3A_76 = arith.subi %div3A_55, %sub3A_75 : i32
    %select_n3A_77 = arith.select %and3A_74, %sub3A_76, %div3A_55 : i32
    %while3A = arith.constant 0 : i32
    %while3A_78 = arith.constant 0 : i32
    %while3A_79 = arith.subi %select_n3A_77, %while3A : i32
    %while3A_80 = arith.addi %while3A, %while3A_79 : i32
    %while3A_81 = arith.constant 1 : i32
    %while3A_82 = arith.divsi %while3A_79, %while3A_81 : i32
    %while3A_83 = arith.muli %while3A_82, %while3A_81 : i32
    %while3A_84 = arith.addi %while3A, %while3A_83 : i32
    %while3A_85 = arith.constant 1 : i32
    %while3A_86 = scf.for %while3A_110 = %while3A to %while3A_84 step %while3A_85 iter_args(%while3A_111 = %while3A_78) -> (i32)  : i32 {
      %mul3A_112 = arith.constant 2 : i32
      %mul3A_113 = arith.muli %mul3A_112, %while3A_110 : i32
      %mul3A_114 = arith.constant 2 : i32
      %mul3A_115 = arith.muli %mul3A_114, %while3A_110 : i32
      %add3A_116 = arith.constant 1 : i32
      %add3A_117 = arith.addi %mul3A_115, %add3A_116 : i32
      %lt3A = arith.cmpi slt, %add3A_117, %select_n3A : i32
      %convert_element_type3A_118 = arith.extui %lt3A : i1 to i32
      %cond3A_119 = arith.constant 0 : i32
      %cond3A_120 = arith.cmpi ne, %convert_element_type3A_118, %cond3A_119 : i32
      scf.if %cond3A_120 {
        %mul3A_160 = arith.constant 32 : i32
        %mul3A_161 = arith.muli %add3A_117, %mul3A_160 : i32
        %add3A_162 = arith.addi %mul3A_161, %add3A : i32
        %mul3A_163 = arith.constant 64 : i32
        %mul3A_164 = arith.muli %add3A_162, %mul3A_163 : i32
        %dma_wait3A_165 = arith.constant 0 : i32
        %dma_wait3A_166 = arith.constant 1 : i32
        %dma_wait3A_167 = arith.constant 1 : i32
        %dma_wait3A_168 = arith.constant 0 : i32
        %dma_wait3A_169 = tpu.memref_slice %arg6[%dma_wait3A_166, %dma_wait3A_168] : memref<2x64xi32, #tpu.memory_space<vmem>> -> memref<1x64xi32, #tpu.memory_space<vmem>>
        %dma_wait3A_170 = tpu.memref_squeeze %dma_wait3A_169 : memref<1x64xi32, #tpu.memory_space<vmem>> -> memref<64xi32, #tpu.memory_space<vmem>>
        %dma_wait3A_171 = tpu.memref_slice %arg2[%dma_wait3A_165, %mul3A_164] : memref<2x160000xi32, #tpu.memory_space<hbm>> -> memref<1x64xi32, #tpu.memory_space<hbm>>
        %dma_wait3A_172 = tpu.memref_squeeze %dma_wait3A_171 : memref<1x64xi32, #tpu.memory_space<hbm>> -> memref<64xi32, #tpu.memory_space<hbm>>
        %dma_wait3A_173 = tpu.memref_slice %arg13[%dma_wait3A_167] : memref<2x!tpu.dma_semaphore, #tpu.memory_space<semaphore_mem>> -> memref<1x!tpu.dma_semaphore, #tpu.memory_space<semaphore_mem>>
        %dma_wait3A_174 = tpu.memref_squeeze %dma_wait3A_173 : memref<1x!tpu.dma_semaphore, #tpu.memory_space<semaphore_mem>> -> memref<!tpu.dma_semaphore, #tpu.memory_space<semaphore_mem>>
        %dma_wait3A_175 = arith.constant 0 : i32
        %dma_wait3A_176 = tpu.memref_slice %arg6[%dma_wait3A_166, %dma_wait3A_175] : memref<2x64xi32, #tpu.memory_space<vmem>> -> memref<1x64xi32, #tpu.memory_space<vmem>>
        %dma_wait3A_177 = tpu.memref_squeeze %dma_wait3A_176 : memref<1x64xi32, #tpu.memory_space<vmem>> -> memref<64xi32, #tpu.memory_space<vmem>>
        %dma_wait3A_178 = tpu.memref_slice %arg2[%dma_wait3A_165, %mul3A_164] : memref<2x160000xi32, #tpu.memory_space<hbm>> -> memref<1x64xi32, #tpu.memory_space<hbm>>
        %dma_wait3A_179 = tpu.memref_squeeze %dma_wait3A_178 : memref<1x64xi32, #tpu.memory_space<hbm>> -> memref<64xi32, #tpu.memory_space<hbm>>
        tpu.wait_dma2 semaphore(%dma_wait3A_174 : memref<!tpu.dma_semaphore, #tpu.memory_space<semaphore_mem>>) src(%dma_wait3A_179 : memref<64xi32, #tpu.memory_space<hbm>>) dst(%dma_wait3A_177 : memref<64xi32, #tpu.memory_space<vmem>>)
        %mul3A_180 = arith.constant 64 : i32
        %mul3A_181 = arith.muli %add3A_162, %mul3A_180 : i32
        %dma_wait3A_182 = arith.constant 1 : i32
        %dma_wait3A_183 = arith.constant 1 : i32
        %dma_wait3A_184 = arith.constant 1 : i32
        %dma_wait3A_185 = arith.constant 0 : i32
        %dma_wait3A_186 = tpu.memref_slice %arg7[%dma_wait3A_183, %dma_wait3A_185] : memref<2x64xi32, #tpu.memory_space<vmem>> -> memref<1x64xi32, #tpu.memory_space<vmem>>
        %dma_wait3A_187 = tpu.memref_squeeze %dma_wait3A_186 : memref<1x64xi32, #tpu.memory_space<vmem>> -> memref<64xi32, #tpu.memory_space<vmem>>
        %dma_wait3A_188 = tpu.memref_slice %arg2[%dma_wait3A_182, %mul3A_181] : memref<2x160000xi32, #tpu.memory_space<hbm>> -> memref<1x64xi32, #tpu.memory_space<hbm>>
        %dma_wait3A_189 = tpu.memref_squeeze %dma_wait3A_188 : memref<1x64xi32, #tpu.memory_space<hbm>> -> memref<64xi32, #tpu.memory_space<hbm>>
        %dma_wait3A_190 = tpu.memref_slice %arg13[%dma_wait3A_184] : memref<2x!tpu.dma_semaphore, #tpu.memory_space<semaphore_mem>> -> memref<1x!tpu.dma_semaphore, #tpu.memory_space<semaphore_mem>>
        %dma_wait3A_191 = tpu.memref_squeeze %dma_wait3A_190 : memref<1x!tpu.dma_semaphore, #tpu.memory_space<semaphore_mem>> -> memref<!tpu.dma_semaphore, #tpu.memory_space<semaphore_mem>>
        %dma_wait3A_192 = arith.constant 0 : i32
        %dma_wait3A_193 = tpu.memref_slice %arg7[%dma_wait3A_183, %dma_wait3A_192] : memref<2x64xi32, #tpu.memory_space<vmem>> -> memref<1x64xi32, #tpu.memory_space<vmem>>
        %dma_wait3A_194 = tpu.memref_squeeze %dma_wait3A_193 : memref<1x64xi32, #tpu.memory_space<vmem>> -> memref<64xi32, #tpu.memory_space<vmem>>
        %dma_wait3A_195 = tpu.memref_slice %arg2[%dma_wait3A_182, %mul3A_181] : memref<2x160000xi32, #tpu.memory_space<hbm>> -> memref<1x64xi32, #tpu.memory_space<hbm>>
        %dma_wait3A_196 = tpu.memref_squeeze %dma_wait3A_195 : memref<1x64xi32, #tpu.memory_space<hbm>> -> memref<64xi32, #tpu.memory_space<hbm>>
        tpu.wait_dma2 semaphore(%dma_wait3A_191 : memref<!tpu.dma_semaphore, #tpu.memory_space<semaphore_mem>>) src(%dma_wait3A_196 : memref<64xi32, #tpu.memory_space<hbm>>) dst(%dma_wait3A_194 : memref<64xi32, #tpu.memory_space<vmem>>)
        %get3A = arith.constant 1 : i32
        %get3A_197 = arith.index_cast %get3A : i32 to index
        %get3A_198 = arith.constant 0 : index
        %get3A_199 = tpu.vector_load %arg6[%get3A_197, %get3A_198] {strides = array<i32>} : memref<2x64xi32, #tpu.memory_space<vmem>>, vector<1x16xi32>,
        %get3A_200 = vector.shape_cast %get3A_199 : vector<1x16xi32> to vector<16xi32>
        %get3A_201 = arith.constant 1 : i32
        %get3A_202 = arith.index_cast %get3A_201 : i32 to index
        %get3A_203 = arith.constant 0 : index
        %get3A_204 = tpu.vector_load %arg7[%get3A_202, %get3A_203] {strides = array<i32>} : memref<2x64xi32, #tpu.memory_space<vmem>>, vector<1x16xi32>,
        %get3A_205 = vector.shape_cast %get3A_204 : vector<1x16xi32> to vector<16xi32>
        %and3A_206 = arith.constant 65535 : i32
        %and3A_207 = vector.broadcast %and3A_206 : i32 to vector<16xi32>
        %and3A_208 = arith.andi %get3A_200, %and3A_207 : vector<16xi32>
        %swap3A = arith.constant 1 : i32
        %swap3A_209 = arith.index_cast %swap3A : i32 to index
        %swap3A_210 = arith.constant 0 : index
        %swap3A_211 = tpu.vector_load %arg8[%swap3A_209, %swap3A_210] {strides = array<i32>} : memref<2x128xi32, #tpu.memory_space<vmem>>, vector<1x16xi32>,
        %swap3A_212 = vector.shape_cast %swap3A_211 : vector<1x16xi32> to vector<16xi32>
        %swap3A_213 = vector.shape_cast %and3A_208 : vector<16xi32> to vector<1x16xi32>
        tpu.vector_store %arg8[%swap3A_209, %swap3A_210], %swap3A_213 {strides = array<i32>} : memref<2x128xi32, #tpu.memory_space<vmem>>, vector<1x16xi32>,
        %shift_right_arithmetic3A = arith.constant 16 : i32
        %shift_right_arithmetic3A_214 = vector.broadcast %shift_right_arithmetic3A : i32 to vector<16xi32>
        %shift_right_arithmetic3A_215 = arith.shrsi %get3A_200, %shift_right_arithmetic3A_214 : vector<16xi32>
        %swap3A_216 = arith.constant 1 : i32
        %swap3A_217 = arith.index_cast %swap3A_216 : i32 to index
        %swap3A_218 = arith.constant 16 : index
        %swap3A_219 = tpu.vector_load %arg8[%swap3A_217, %swap3A_218] {strides = array<i32>} : memref<2x128xi32, #tpu.memory_space<vmem>>, vector<1x16xi32>,
        %swap3A_220 = vector.shape_cast %swap3A_219 : vector<1x16xi32> to vector<16xi32>
        %swap3A_221 = vector.shape_cast %shift_right_arithmetic3A_215 : vector<16xi32> to vector<1x16xi32>
        tpu.vector_store %arg8[%swap3A_217, %swap3A_218], %swap3A_221 {strides = array<i32>} : memref<2x128xi32, #tpu.memory_space<vmem>>, vector<1x16xi32>,
        %and3A_222 = arith.constant 65535 : i32
        %and3A_223 = vector.broadcast %and3A_222 : i32 to vector<16xi32>
        %and3A_224 = arith.andi %get3A_205, %and3A_223 : vector<16xi32>
        %swap3A_225 = arith.constant 1 : i32
        %swap3A_226 = arith.index_cast %swap3A_225 : i32 to index
        %swap3A_227 = arith.constant 0 : index
        %swap3A_228 = tpu.vector_load %arg9[%swap3A_226, %swap3A_227] {strides = array<i32>} : memref<2x128xi32, #tpu.memory_space<vmem>>, vector<1x16xi32>,
        %swap3A_229 = vector.shape_cast %swap3A_228 : vector<1x16xi32> to vector<16xi32>
        %swap3A_230 = vector.shape_cast %and3A_224 : vector<16xi32> to vector<1x16xi32>
        tpu.vector_store %arg9[%swap3A_226, %swap3A_227], %swap3A_230 {strides = array<i32>} : memref<2x128xi32, #tpu.memory_space<vmem>>, vector<1x16xi32>,
        %shift_right_arithmetic3A_231 = arith.constant 16 : i32
        %shift_right_arithmetic3A_232 = vector.broadcast %shift_right_arithmetic3A_231 : i32 to vector<16xi32>
        %shift_right_arithmetic3A_233 = arith.shrsi %get3A_205, %shift_right_arithmetic3A_232 : vector<16xi32>
        %swap3A_234 = arith.constant 1 : i32
        %swap3A_235 = arith.index_cast %swap3A_234 : i32 to index
        %swap3A_236 = arith.constant 16 : index
        %swap3A_237 = tpu.vector_load %arg9[%swap3A_235, %swap3A_236] {strides = array<i32>} : memref<2x128xi32, #tpu.memory_space<vmem>>, vector<1x16xi32>,
        %swap3A_238 = vector.shape_cast %swap3A_237 : vector<1x16xi32> to vector<16xi32>
        %swap3A_239 = vector.shape_cast %shift_right_arithmetic3A_233 : vector<16xi32> to vector<1x16xi32>
        tpu.vector_store %arg9[%swap3A_235, %swap3A_236], %swap3A_239 {strides = array<i32>} : memref<2x128xi32, #tpu.memory_space<vmem>>, vector<1x16xi32>,
        %get3A_240 = arith.constant 1 : i32
        %get3A_241 = arith.index_cast %get3A_240 : i32 to index
        %get3A_242 = arith.constant 16 : index
        %get3A_243 = tpu.vector_load %arg6[%get3A_241, %get3A_242] {strides = array<i32>} : memref<2x64xi32, #tpu.memory_space<vmem>>, vector<1x16xi32>,
        %get3A_244 = vector.shape_cast %get3A_243 : vector<1x16xi32> to vector<16xi32>
        %get3A_245 = arith.constant 1 : i32
        %get3A_246 = arith.index_cast %get3A_245 : i32 to index
        %get3A_247 = arith.constant 16 : index
        %get3A_248 = tpu.vector_load %arg7[%get3A_246, %get3A_247] {strides = array<i32>} : memref<2x64xi32, #tpu.memory_space<vmem>>, vector<1x16xi32>,
        %get3A_249 = vector.shape_cast %get3A_248 : vector<1x16xi32> to vector<16xi32>
        %and3A_250 = arith.constant 65535 : i32
        %and3A_251 = vector.broadcast %and3A_250 : i32 to vector<16xi32>
        %and3A_252 = arith.andi %get3A_244, %and3A_251 : vector<16xi32>
        %swap3A_253 = arith.constant 1 : i32
        %swap3A_254 = arith.index_cast %swap3A_253 : i32 to index
        %swap3A_255 = arith.constant 32 : index
        %swap3A_256 = tpu.vector_load %arg8[%swap3A_254, %swap3A_255] {strides = array<i32>} : memref<2x128xi32, #tpu.memory_space<vmem>>, vector<1x16xi32>,
        %swap3A_257 = vector.shape_cast %swap3A_256 : vector<1x16xi32> to vector<16xi32>
        %swap3A_258 = vector.shape_cast %and3A_252 : vector<16xi32> to vector<1x16xi32>
        tpu.vector_store %arg8[%swap3A_254, %swap3A_255], %swap3A_258 {strides = array<i32>} : memref<2x128xi32, #tpu.memory_space<vmem>>, vector<1x16xi32>,
        %shift_right_arithmetic3A_259 = arith.constant 16 : i32
        %shift_right_arithmetic3A_260 = vector.broadcast %shift_right_arithmetic3A_259 : i32 to vector<16xi32>
        %shift_right_arithmetic3A_261 = arith.shrsi %get3A_244, %shift_right_arithmetic3A_260 : vector<16xi32>
        %swap3A_262 = arith.constant 1 : i32
        %swap3A_263 = arith.index_cast %swap3A_262 : i32 to index
        %swap3A_264 = arith.constant 48 : index
        %swap3A_265 = tpu.vector_load %arg8[%swap3A_263, %swap3A_264] {strides = array<i32>} : memref<2x128xi32, #tpu.memory_space<vmem>>, vector<1x16xi32>,
        %swap3A_266 = vector.shape_cast %swap3A_265 : vector<1x16xi32> to vector<16xi32>
        %swap3A_267 = vector.shape_cast %shift_right_arithmetic3A_261 : vector<16xi32> to vector<1x16xi32>
        tpu.vector_store %arg8[%swap3A_263, %swap3A_264], %swap3A_267 {strides = array<i32>} : memref<2x128xi32, #tpu.memory_space<vmem>>, vector<1x16xi32>,
        %and3A_268 = arith.constant 65535 : i32
        %and3A_269 = vector.broadcast %and3A_268 : i32 to vector<16xi32>
        %and3A_270 = arith.andi %get3A_249, %and3A_269 : vector<16xi32>
        %swap3A_271 = arith.constant 1 : i32
        %swap3A_272 = arith.index_cast %swap3A_271 : i32 to index
        %swap3A_273 = arith.constant 32 : index
        %swap3A_274 = tpu.vector_load %arg9[%swap3A_272, %swap3A_273] {strides = array<i32>} : memref<2x128xi32, #tpu.memory_space<vmem>>, vector<1x16xi32>,
        %swap3A_275 = vector.shape_cast %swap3A_274 : vector<1x16xi32> to vector<16xi32>
        %swap3A_276 = vector.shape_cast %and3A_270 : vector<16xi32> to vector<1x16xi32>
        tpu.vector_store %arg9[%swap3A_272, %swap3A_273], %swap3A_276 {strides = array<i32>} : memref<2x128xi32, #tpu.memory_space<vmem>>, vector<1x16xi32>,
        %shift_right_arithmetic3A_277 = arith.constant 16 : i32
        %shift_right_arithmetic3A_278 = vector.broadcast %shift_right_arithmetic3A_277 : i32 to vector<16xi32>
        %shift_right_arithmetic3A_279 = arith.shrsi %get3A_249, %shift_right_arithmetic3A_278 : vector<16xi32>
        %swap3A_280 = arith.constant 1 : i32
        %swap3A_281 = arith.index_cast %swap3A_280 : i32 to index
        %swap3A_282 = arith.constant 48 : index
        %swap3A_283 = tpu.vector_load %arg9[%swap3A_281, %swap3A_282] {strides = array<i32>} : memref<2x128xi32, #tpu.memory_space<vmem>>, vector<1x16xi32>,
        %swap3A_284 = vector.shape_cast %swap3A_283 : vector<1x16xi32> to vector<16xi32>
        %swap3A_285 = vector.shape_cast %shift_right_arithmetic3A_279 : vector<16xi32> to vector<1x16xi32>
        tpu.vector_store %arg9[%swap3A_281, %swap3A_282], %swap3A_285 {strides = array<i32>} : memref<2x128xi32, #tpu.memory_space<vmem>>, vector<1x16xi32>,
        %get3A_286 = arith.constant 1 : i32
        %get3A_287 = arith.index_cast %get3A_286 : i32 to index
        %get3A_288 = arith.constant 32 : index
        %get3A_289 = tpu.vector_load %arg6[%get3A_287, %get3A_288] {strides = array<i32>} : memref<2x64xi32, #tpu.memory_space<vmem>>, vector<1x16xi32>,
        %get3A_290 = vector.shape_cast %get3A_289 : vector<1x16xi32> to vector<16xi32>
        %get3A_291 = arith.constant 1 : i32
        %get3A_292 = arith.index_cast %get3A_291 : i32 to index
        %get3A_293 = arith.constant 32 : index
        %get3A_294 = tpu.vector_load %arg7[%get3A_292, %get3A_293] {strides = array<i32>} : memref<2x64xi32, #tpu.memory_space<vmem>>, vector<1x16xi32>,
        %get3A_295 = vector.shape_cast %get3A_294 : vector<1x16xi32> to vector<16xi32>
        %and3A_296 = arith.constant 65535 : i32
        %and3A_297 = vector.broadcast %and3A_296 : i32 to vector<16xi32>
        %and3A_298 = arith.andi %get3A_290, %and3A_297 : vector<16xi32>
        %swap3A_299 = arith.constant 1 : i32
        %swap3A_300 = arith.index_cast %swap3A_299 : i32 to index
        %swap3A_301 = arith.constant 64 : index
        %swap3A_302 = tpu.vector_load %arg8[%swap3A_300, %swap3A_301] {strides = array<i32>} : memref<2x128xi32, #tpu.memory_space<vmem>>, vector<1x16xi32>,
        %swap3A_303 = vector.shape_cast %swap3A_302 : vector<1x16xi32> to vector<16xi32>
        %swap3A_304 = vector.shape_cast %and3A_298 : vector<16xi32> to vector<1x16xi32>
        tpu.vector_store %arg8[%swap3A_300, %swap3A_301], %swap3A_304 {strides = array<i32>} : memref<2x128xi32, #tpu.memory_space<vmem>>, vector<1x16xi32>,
        %shift_right_arithmetic3A_305 = arith.constant 16 : i32
        %shift_right_arithmetic3A_306 = vector.broadcast %shift_right_arithmetic3A_305 : i32 to vector<16xi32>
        %shift_right_arithmetic3A_307 = arith.shrsi %get3A_290, %shift_right_arithmetic3A_306 : vector<16xi32>
        %swap3A_308 = arith.constant 1 : i32
        %swap3A_309 = arith.index_cast %swap3A_308 : i32 to index
        %swap3A_310 = arith.constant 80 : index
        %swap3A_311 = tpu.vector_load %arg8[%swap3A_309, %swap3A_310] {strides = array<i32>} : memref<2x128xi32, #tpu.memory_space<vmem>>, vector<1x16xi32>,
        %swap3A_312 = vector.shape_cast %swap3A_311 : vector<1x16xi32> to vector<16xi32>
        %swap3A_313 = vector.shape_cast %shift_right_arithmetic3A_307 : vector<16xi32> to vector<1x16xi32>
        tpu.vector_store %arg8[%swap3A_309, %swap3A_310], %swap3A_313 {strides = array<i32>} : memref<2x128xi32, #tpu.memory_space<vmem>>, vector<1x16xi32>,
        %and3A_314 = arith.constant 65535 : i32
        %and3A_315 = vector.broadcast %and3A_314 : i32 to vector<16xi32>
        %and3A_316 = arith.andi %get3A_295, %and3A_315 : vector<16xi32>
        %swap3A_317 = arith.constant 1 : i32
        %swap3A_318 = arith.index_cast %swap3A_317 : i32 to index
        %swap3A_319 = arith.constant 64 : index
        %swap3A_320 = tpu.vector_load %arg9[%swap3A_318, %swap3A_319] {strides = array<i32>} : memref<2x128xi32, #tpu.memory_space<vmem>>, vector<1x16xi32>,
        %swap3A_321 = vector.shape_cast %swap3A_320 : vector<1x16xi32> to vector<16xi32>
        %swap3A_322 = vector.shape_cast %and3A_316 : vector<16xi32> to vector<1x16xi32>
        tpu.vector_store %arg9[%swap3A_318, %swap3A_319], %swap3A_322 {strides = array<i32>} : memref<2x128xi32, #tpu.memory_space<vmem>>, vector<1x16xi32>,
        %shift_right_arithmetic3A_323 = arith.constant 16 : i32
        %shift_right_arithmetic3A_324 = vector.broadcast %shift_right_arithmetic3A_323 : i32 to vector<16xi32>
        %shift_right_arithmetic3A_325 = arith.shrsi %get3A_295, %shift_right_arithmetic3A_324 : vector<16xi32>
        %swap3A_326 = arith.constant 1 : i32
        %swap3A_327 = arith.index_cast %swap3A_326 : i32 to index
        %swap3A_328 = arith.constant 80 : index
        %swap3A_329 = tpu.vector_load %arg9[%swap3A_327, %swap3A_328] {strides = array<i32>} : memref<2x128xi32, #tpu.memory_space<vmem>>, vector<1x16xi32>,
        %swap3A_330 = vector.shape_cast %swap3A_329 : vector<1x16xi32> to vector<16xi32>
        %swap3A_331 = vector.shape_cast %shift_right_arithmetic3A_325 : vector<16xi32> to vector<1x16xi32>
        tpu.vector_store %arg9[%swap3A_327, %swap3A_328], %swap3A_331 {strides = array<i32>} : memref<2x128xi32, #tpu.memory_space<vmem>>, vector<1x16xi32>,
        %get3A_332 = arith.constant 1 : i32
        %get3A_333 = arith.index_cast %get3A_332 : i32 to index
        %get3A_334 = arith.constant 48 : index
        %get3A_335 = tpu.vector_load %arg6[%get3A_333, %get3A_334] {strides = array<i32>} : memref<2x64xi32, #tpu.memory_space<vmem>>, vector<1x16xi32>,
        %get3A_336 = vector.shape_cast %get3A_335 : vector<1x16xi32> to vector<16xi32>
        %get3A_337 = arith.constant 1 : i32
        %get3A_338 = arith.index_cast %get3A_337 : i32 to index
        %get3A_339 = arith.constant 48 : index
        %get3A_340 = tpu.vector_load %arg7[%get3A_338, %get3A_339] {strides = array<i32>} : memref<2x64xi32, #tpu.memory_space<vmem>>, vector<1x16xi32>,
        %get3A_341 = vector.shape_cast %get3A_340 : vector<1x16xi32> to vector<16xi32>
        %and3A_342 = arith.constant 65535 : i32
        %and3A_343 = vector.broadcast %and3A_342 : i32 to vector<16xi32>
        %and3A_344 = arith.andi %get3A_336, %and3A_343 : vector<16xi32>
        %swap3A_345 = arith.constant 1 : i32
        %swap3A_346 = arith.index_cast %swap3A_345 : i32 to index
        %swap3A_347 = arith.constant 96 : index
        %swap3A_348 = tpu.vector_load %arg8[%swap3A_346, %swap3A_347] {strides = array<i32>} : memref<2x128xi32, #tpu.memory_space<vmem>>, vector<1x16xi32>,
        %swap3A_349 = vector.shape_cast %swap3A_348 : vector<1x16xi32> to vector<16xi32>
        %swap3A_350 = vector.shape_cast %and3A_344 : vector<16xi32> to vector<1x16xi32>
        tpu.vector_store %arg8[%swap3A_346, %swap3A_347], %swap3A_350 {strides = array<i32>} : memref<2x128xi32, #tpu.memory_space<vmem>>, vector<1x16xi32>,
        %shift_right_arithmetic3A_351 = arith.constant 16 : i32
        %shift_right_arithmetic3A_352 = vector.broadcast %shift_right_arithmetic3A_351 : i32 to vector<16xi32>
        %shift_right_arithmetic3A_353 = arith.shrsi %get3A_336, %shift_right_arithmetic3A_352 : vector<16xi32>
        %swap3A_354 = arith.constant 1 : i32
        %swap3A_355 = arith.index_cast %swap3A_354 : i32 to index
        %swap3A_356 = arith.constant 112 : index
        %swap3A_357 = tpu.vector_load %arg8[%swap3A_355, %swap3A_356] {strides = array<i32>} : memref<2x128xi32, #tpu.memory_space<vmem>>, vector<1x16xi32>,
        %swap3A_358 = vector.shape_cast %swap3A_357 : vector<1x16xi32> to vector<16xi32>
        %swap3A_359 = vector.shape_cast %shift_right_arithmetic3A_353 : vector<16xi32> to vector<1x16xi32>
        tpu.vector_store %arg8[%swap3A_355, %swap3A_356], %swap3A_359 {strides = array<i32>} : memref<2x128xi32, #tpu.memory_space<vmem>>, vector<1x16xi32>,
        %and3A_360 = arith.constant 65535 : i32
        %and3A_361 = vector.broadcast %and3A_360 : i32 to vector<16xi32>
        %and3A_362 = arith.andi %get3A_341, %and3A_361 : vector<16xi32>
        %swap3A_363 = arith.constant 1 : i32
        %swap3A_364 = arith.index_cast %swap3A_363 : i32 to index
        %swap3A_365 = arith.constant 96 : index
        %swap3A_366 = tpu.vector_load %arg9[%swap3A_364, %swap3A_365] {strides = array<i32>} : memref<2x128xi32, #tpu.memory_space<vmem>>, vector<1x16xi32>,
        %swap3A_367 = vector.shape_cast %swap3A_366 : vector<1x16xi32> to vector<16xi32>
        %swap3A_368 = vector.shape_cast %and3A_362 : vector<16xi32> to vector<1x16xi32>
        tpu.vector_store %arg9[%swap3A_364, %swap3A_365], %swap3A_368 {strides = array<i32>} : memref<2x128xi32, #tpu.memory_space<vmem>>, vector<1x16xi32>,
        %shift_right_arithmetic3A_369 = arith.constant 16 : i32
        %shift_right_arithmetic3A_370 = vector.broadcast %shift_right_arithmetic3A_369 : i32 to vector<16xi32>
        %shift_right_arithmetic3A_371 = arith.shrsi %get3A_341, %shift_right_arithmetic3A_370 : vector<16xi32>
        %swap3A_372 = arith.constant 1 : i32
        %swap3A_373 = arith.index_cast %swap3A_372 : i32 to index
        %swap3A_374 = arith.constant 112 : index
        %swap3A_375 = tpu.vector_load %arg9[%swap3A_373, %swap3A_374] {strides = array<i32>} : memref<2x128xi32, #tpu.memory_space<vmem>>, vector<1x16xi32>,
        %swap3A_376 = vector.shape_cast %swap3A_375 : vector<1x16xi32> to vector<16xi32>
        %swap3A_377 = vector.shape_cast %shift_right_arithmetic3A_371 : vector<16xi32> to vector<1x16xi32>
        tpu.vector_store %arg9[%swap3A_373, %swap3A_374], %swap3A_377 {strides = array<i32>} : memref<2x128xi32, #tpu.memory_space<vmem>>, vector<1x16xi32>,
        %dma_start3A = arith.constant 1 : i32
        %dma_start3A_378 = arith.constant 1 : i32
        %dma_start3A_379 = arith.constant 1 : i32
        %dma_start3A_380 = arith.constant 0 : i32
        %dma_start3A_381 = arith.constant 0 : i32
        %dma_start3A_382 = tpu.memref_slice %arg10[%dma_start3A_378, %dma_start3A_380, %dma_start3A_381] : memref<2x128x128xf32, #tpu.memory_space<vmem>> -> memref<1x128x128xf32, #tpu.memory_space<vmem>>
        %dma_start3A_383 = tpu.memref_squeeze %dma_start3A_382 : memref<1x128x128xf32, #tpu.memory_space<vmem>> -> memref<128x128xf32, #tpu.memory_space<vmem>>
        %dma_start3A_384 = arith.constant 0 : i32
        %dma_start3A_385 = tpu.memref_slice %arg8[%dma_start3A, %dma_start3A_384] : memref<2x128xi32, #tpu.memory_space<vmem>> -> memref<1x128xi32, #tpu.memory_space<vmem>>
        %dma_start3A_386 = tpu.memref_squeeze %dma_start3A_385 : memref<1x128xi32, #tpu.memory_space<vmem>> -> memref<128xi32, #tpu.memory_space<vmem>>
        %dma_start3A_387 = arith.constant 0 : i32
        %dma_start3A_388 = arith.constant 0 : i32
        %dma_start3A_389 = tpu.memref_slice %arg3[%dma_start3A_387, %dma_start3A_388] : memref<10000x128xf32, #tpu.memory_space<hbm>> -> memref<10000x128xf32, #tpu.memory_space<hbm>>
        %dma_start3A_390 = tpu.memref_slice %arg12[%dma_start3A_379] : memref<2x!tpu.dma_semaphore, #tpu.memory_space<semaphore_mem>> -> memref<1x!tpu.dma_semaphore, #tpu.memory_space<semaphore_mem>>
        %dma_start3A_391 = tpu.memref_squeeze %dma_start3A_390 : memref<1x!tpu.dma_semaphore, #tpu.memory_space<semaphore_mem>> -> memref<!tpu.dma_semaphore, #tpu.memory_space<semaphore_mem>>
        tpu.enqueue_indirect_dma source(%dma_start3A_389 : memref<10000x128xf32, #tpu.memory_space<hbm>>) target(%dma_start3A_383 : memref<128x128xf32, #tpu.memory_space<vmem>>) offsets(%dma_start3A_386 : memref<128xi32, #tpu.memory_space<vmem>>) semaphore(%dma_start3A_391 : memref<!tpu.dma_semaphore, #tpu.memory_space<semaphore_mem>>)
      } else {
      }
      %add3A_121 = arith.constant 2 : i32
      %add3A_122 = arith.addi %mul3A_113, %add3A_121 : i32
      %lt3A_123 = arith.cmpi slt, %add3A_122, %select_n3A : i32
      %convert_element_type3A_124 = arith.extui %lt3A_123 : i1 to i32
      %cond3A_125 = arith.constant 0 : i32
      %cond3A_126 = arith.cmpi ne, %convert_element_type3A_124, %cond3A_125 : i32
      scf.if %cond3A_126 {
        %add3A_160 = arith.constant 2 : i32
        %add3A_161 = arith.addi %mul3A_113, %add3A_160 : i32
        %mul3A_162 = arith.constant 32 : i32
        %mul3A_163 = arith.muli %add3A_161, %mul3A_162 : i32
        %add3A_164 = arith.addi %mul3A_163, %add3A : i32
        %mul3A_165 = arith.constant 64 : i32
        %mul3A_166 = arith.muli %add3A_164, %mul3A_165 : i32
        %dma_start3A = arith.constant 0 : i32
        %dma_start3A_167 = arith.constant 0 : i32
        %dma_start3A_168 = arith.constant 0 : i32
        %dma_start3A_169 = arith.constant 0 : i32
        %dma_start3A_170 = tpu.memref_slice %arg6[%dma_start3A_167, %dma_start3A_169] : memref<2x64xi32, #tpu.memory_space<vmem>> -> memref<1x64xi32, #tpu.memory_space<vmem>>
        %dma_start3A_171 = tpu.memref_squeeze %dma_start3A_170 : memref<1x64xi32, #tpu.memory_space<vmem>> -> memref<64xi32, #tpu.memory_space<vmem>>
        %dma_start3A_172 = tpu.memref_slice %arg2[%dma_start3A, %mul3A_166] : memref<2x160000xi32, #tpu.memory_space<hbm>> -> memref<1x64xi32, #tpu.memory_space<hbm>>
        %dma_start3A_173 = tpu.memref_squeeze %dma_start3A_172 : memref<1x64xi32, #tpu.memory_space<hbm>> -> memref<64xi32, #tpu.memory_space<hbm>>
        %dma_start3A_174 = tpu.memref_slice %arg13[%dma_start3A_168] : memref<2x!tpu.dma_semaphore, #tpu.memory_space<semaphore_mem>> -> memref<1x!tpu.dma_semaphore, #tpu.memory_space<semaphore_mem>>
        %dma_start3A_175 = tpu.memref_squeeze %dma_start3A_174 : memref<1x!tpu.dma_semaphore, #tpu.memory_space<semaphore_mem>> -> memref<!tpu.dma_semaphore, #tpu.memory_space<semaphore_mem>>
        %dma_start3A_176 = arith.constant 0 : i32
        %dma_start3A_177 = tpu.memref_slice %arg6[%dma_start3A_167, %dma_start3A_176] : memref<2x64xi32, #tpu.memory_space<vmem>> -> memref<1x64xi32, #tpu.memory_space<vmem>>
        %dma_start3A_178 = tpu.memref_squeeze %dma_start3A_177 : memref<1x64xi32, #tpu.memory_space<vmem>> -> memref<64xi32, #tpu.memory_space<vmem>>
        %dma_start3A_179 = tpu.memref_slice %arg2[%dma_start3A, %mul3A_166] : memref<2x160000xi32, #tpu.memory_space<hbm>> -> memref<1x64xi32, #tpu.memory_space<hbm>>
        %dma_start3A_180 = tpu.memref_squeeze %dma_start3A_179 : memref<1x64xi32, #tpu.memory_space<hbm>> -> memref<64xi32, #tpu.memory_space<hbm>>
        tpu.enqueue_dma source(%dma_start3A_180 : memref<64xi32, #tpu.memory_space<hbm>>) target(%dma_start3A_178 : memref<64xi32, #tpu.memory_space<vmem>>) target_semaphore(%dma_start3A_175 : memref<!tpu.dma_semaphore, #tpu.memory_space<semaphore_mem>>)
        %mul3A_181 = arith.constant 64 : i32
        %mul3A_182 = arith.muli %add3A_164, %mul3A_181 : i32
        %dma_start3A_183 = arith.constant 1 : i32
        %dma_start3A_184 = arith.constant 0 : i32
        %dma_start3A_185 = arith.constant 0 : i32
        %dma_start3A_186 = arith.constant 0 : i32
        %dma_start3A_187 = tpu.memref_slice %arg7[%dma_start3A_184, %dma_start3A_186] : memref<2x64xi32, #tpu.memory_space<vmem>> -> memref<1x64xi32, #tpu.memory_space<vmem>>
        %dma_start3A_188 = tpu.memref_squeeze %dma_start3A_187 : memref<1x64xi32, #tpu.memory_space<vmem>> -> memref<64xi32, #tpu.memory_space<vmem>>
        %dma_start3A_189 = tpu.memref_slice %arg2[%dma_start3A_183, %mul3A_182] : memref<2x160000xi32, #tpu.memory_space<hbm>> -> memref<1x64xi32, #tpu.memory_space<hbm>>
        %dma_start3A_190 = tpu.memref_squeeze %dma_start3A_189 : memref<1x64xi32, #tpu.memory_space<hbm>> -> memref<64xi32, #tpu.memory_space<hbm>>
        %dma_start3A_191 = tpu.memref_slice %arg13[%dma_start3A_185] : memref<2x!tpu.dma_semaphore, #tpu.memory_space<semaphore_mem>> -> memref<1x!tpu.dma_semaphore, #tpu.memory_space<semaphore_mem>>
        %dma_start3A_192 = tpu.memref_squeeze %dma_start3A_191 : memref<1x!tpu.dma_semaphore, #tpu.memory_space<semaphore_mem>> -> memref<!tpu.dma_semaphore, #tpu.memory_space<semaphore_mem>>
        %dma_start3A_193 = arith.constant 0 : i32
        %dma_start3A_194 = tpu.memref_slice %arg7[%dma_start3A_184, %dma_start3A_193] : memref<2x64xi32, #tpu.memory_space<vmem>> -> memref<1x64xi32, #tpu.memory_space<vmem>>
        %dma_start3A_195 = tpu.memref_squeeze %dma_start3A_194 : memref<1x64xi32, #tpu.memory_space<vmem>> -> memref<64xi32, #tpu.memory_space<vmem>>
        %dma_start3A_196 = tpu.memref_slice %arg2[%dma_start3A_183, %mul3A_182] : memref<2x160000xi32, #tpu.memory_space<hbm>> -> memref<1x64xi32, #tpu.memory_space<hbm>>
        %dma_start3A_197 = tpu.memref_squeeze %dma_start3A_196 : memref<1x64xi32, #tpu.memory_space<hbm>> -> memref<64xi32, #tpu.memory_space<hbm>>
        tpu.enqueue_dma source(%dma_start3A_197 : memref<64xi32, #tpu.memory_space<hbm>>) target(%dma_start3A_195 : memref<64xi32, #tpu.memory_space<vmem>>) target_semaphore(%dma_start3A_192 : memref<!tpu.dma_semaphore, #tpu.memory_space<semaphore_mem>>)
      } else {
      }
      %dma_wait3A = arith.constant 0 : i32
      %dma_wait3A_127 = arith.constant 0 : i32
      %dma_wait3A_128 = arith.constant 0 : i32
      %dma_wait3A_129 = arith.constant 0 : i32
      %dma_wait3A_130 = arith.constant 0 : i32
      %dma_wait3A_131 = tpu.memref_slice %arg10[%dma_wait3A_127, %dma_wait3A_129, %dma_wait3A_130] : memref<2x128x128xf32, #tpu.memory_space<vmem>> -> memref<1x128x128xf32, #tpu.memory_space<vmem>>
      %dma_wait3A_132 = tpu.memref_squeeze %dma_wait3A_131 : memref<1x128x128xf32, #tpu.memory_space<vmem>> -> memref<128x128xf32, #tpu.memory_space<vmem>>
      %dma_wait3A_133 = arith.constant 0 : i32
      %dma_wait3A_134 = tpu.memref_slice %arg8[%dma_wait3A, %dma_wait3A_133] : memref<2x128xi32, #tpu.memory_space<vmem>> -> memref<1x128xi32, #tpu.memory_space<vmem>>
      %dma_wait3A_135 = tpu.memref_squeeze %dma_wait3A_134 : memref<1x128xi32, #tpu.memory_space<vmem>> -> memref<128xi32, #tpu.memory_space<vmem>>
      %dma_wait3A_136 = arith.constant 0 : i32
      %dma_wait3A_137 = arith.constant 0 : i32
      %dma_wait3A_138 = tpu.memref_slice %arg3[%dma_wait3A_136, %dma_wait3A_137] : memref<10000x128xf32, #tpu.memory_space<hbm>> -> memref<10000x128xf32, #tpu.memory_space<hbm>>
      %dma_wait3A_139 = tpu.memref_slice %arg12[%dma_wait3A_128] : memref<2x!tpu.dma_semaphore, #tpu.memory_space<semaphore_mem>> -> memref<1x!tpu.dma_semaphore, #tpu.memory_space<semaphore_mem>>
      %dma_wait3A_140 = tpu.memref_squeeze %dma_wait3A_139 : memref<1x!tpu.dma_semaphore, #tpu.memory_space<semaphore_mem>> -> memref<!tpu.dma_semaphore, #tpu.memory_space<semaphore_mem>>
      tpu.wait_indirect_dma semaphore(%dma_wait3A_140 : memref<!tpu.dma_semaphore, #tpu.memory_space<semaphore_mem>>) src(%dma_wait3A_138 : memref<10000x128xf32, #tpu.memory_space<hbm>>) dst(%dma_wait3A_132 : memref<128x128xf32, #tpu.memory_space<vmem>>)
      %run_scoped3A_141 = arith.constant 0 : i32
      %run_scoped3A_142 = arith.constant 0 : i32
      "tpu.region"() ({
        %run_scoped3A_160 = tpu.sem_alloc : memref<!tpu.dma_semaphore, #tpu.memory_space<semaphore_mem>>
        %dma_start3A = arith.constant 0 : i32
        %dma_start3A_161 = arith.constant 0 : i32
        %dma_start3A_162 = tpu.memref_slice %arg10[%run_scoped3A_141, %dma_start3A, %dma_start3A_161] : memref<2x128x128xf32, #tpu.memory_space<vmem>> -> memref<1x128x128xf32, #tpu.memory_space<vmem>>
        %dma_start3A_163 = tpu.memref_squeeze %dma_start3A_162 : memref<1x128x128xf32, #tpu.memory_space<vmem>> -> memref<128x128xf32, #tpu.memory_space<vmem>>
        %dma_start3A_164 = arith.constant 0 : i32
        %dma_start3A_165 = tpu.memref_slice %arg9[%run_scoped3A_142, %dma_start3A_164] : memref<2x128xi32, #tpu.memory_space<vmem>> -> memref<1x128xi32, #tpu.memory_space<vmem>>
        %dma_start3A_166 = tpu.memref_squeeze %dma_start3A_165 : memref<1x128xi32, #tpu.memory_space<vmem>> -> memref<128xi32, #tpu.memory_space<vmem>>
        %dma_start3A_167 = arith.constant 0 : i32
        %dma_start3A_168 = arith.constant 0 : i32
        %dma_start3A_169 = tpu.memref_slice %arg11[%dma_start3A_167, %dma_start3A_168] : memref<10112x128xf32, #tpu.memory_space<vmem_shared>> -> memref<10112x128xf32, #tpu.memory_space<vmem_shared>>
        tpu.enqueue_indirect_dma source(%dma_start3A_163 : memref<128x128xf32, #tpu.memory_space<vmem>>) target(%dma_start3A_169 : memref<10112x128xf32, #tpu.memory_space<vmem_shared>>) offsets(%dma_start3A_166 : memref<128xi32, #tpu.memory_space<vmem>>) semaphore(%run_scoped3A_160 : memref<!tpu.dma_semaphore, #tpu.memory_space<semaphore_mem>>) {add = true}
        %dma_wait3A_170 = arith.constant 0 : i32
        %dma_wait3A_171 = arith.constant 0 : i32
        %dma_wait3A_172 = tpu.memref_slice %arg10[%run_scoped3A_141, %dma_wait3A_170, %dma_wait3A_171] : memref<2x128x128xf32, #tpu.memory_space<vmem>> -> memref<1x128x128xf32, #tpu.memory_space<vmem>>
        %dma_wait3A_173 = tpu.memref_squeeze %dma_wait3A_172 : memref<1x128x128xf32, #tpu.memory_space<vmem>> -> memref<128x128xf32, #tpu.memory_space<vmem>>
        %dma_wait3A_174 = arith.constant 0 : i32
        %dma_wait3A_175 = tpu.memref_slice %arg9[%run_scoped3A_142, %dma_wait3A_174] : memref<2x128xi32, #tpu.memory_space<vmem>> -> memref<1x128xi32, #tpu.memory_space<vmem>>
        %dma_wait3A_176 = tpu.memref_squeeze %dma_wait3A_175 : memref<1x128xi32, #tpu.memory_space<vmem>> -> memref<128xi32, #tpu.memory_space<vmem>>
        %dma_wait3A_177 = arith.constant 0 : i32
        %dma_wait3A_178 = arith.constant 0 : i32
        %dma_wait3A_179 = tpu.memref_slice %arg11[%dma_wait3A_177, %dma_wait3A_178] : memref<10112x128xf32, #tpu.memory_space<vmem_shared>> -> memref<10112x128xf32, #tpu.memory_space<vmem_shared>>
        tpu.wait_indirect_dma semaphore(%run_scoped3A_160 : memref<!tpu.dma_semaphore, #tpu.memory_space<semaphore_mem>>) src(%dma_wait3A_173 : memref<128x128xf32, #tpu.memory_space<vmem>>) dst(%dma_wait3A_179 : memref<10112x128xf32, #tpu.memory_space<vmem_shared>>)
        tpu.yield
      }) : () -> ()
      %add3A_143 = arith.constant 2 : i32
      %add3A_144 = arith.addi %mul3A_113, %add3A_143 : i32
      %lt3A_145 = arith.cmpi slt, %add3A_144, %select_n3A : i32
      %convert_element_type3A_146 = arith.extui %lt3A_145 : i1 to i32
      %cond3A_147 = arith.constant 0 : i32
      %cond3A_148 = arith.cmpi ne, %convert_element_type3A_146, %cond3A_147 : i32
      scf.if %cond3A_148 {
        %add3A_160 = arith.constant 2 : i32
        %add3A_161 = arith.addi %mul3A_113, %add3A_160 : i32
        %mul3A_162 = arith.constant 32 : i32
        %mul3A_163 = arith.muli %add3A_161, %mul3A_162 : i32
        %add3A_164 = arith.addi %mul3A_163, %add3A : i32
        %mul3A_165 = arith.constant 64 : i32
        %mul3A_166 = arith.muli %add3A_164, %mul3A_165 : i32
        %dma_wait3A_167 = arith.constant 0 : i32
        %dma_wait3A_168 = arith.constant 0 : i32
        %dma_wait3A_169 = arith.constant 0 : i32
        %dma_wait3A_170 = arith.constant 0 : i32
        %dma_wait3A_171 = tpu.memref_slice %arg6[%dma_wait3A_168, %dma_wait3A_170] : memref<2x64xi32, #tpu.memory_space<vmem>> -> memref<1x64xi32, #tpu.memory_space<vmem>>
        %dma_wait3A_172 = tpu.memref_squeeze %dma_wait3A_171 : memref<1x64xi32, #tpu.memory_space<vmem>> -> memref<64xi32, #tpu.memory_space<vmem>>
        %dma_wait3A_173 = tpu.memref_slice %arg2[%dma_wait3A_167, %mul3A_166] : memref<2x160000xi32, #tpu.memory_space<hbm>> -> memref<1x64xi32, #tpu.memory_space<hbm>>
        %dma_wait3A_174 = tpu.memref_squeeze %dma_wait3A_173 : memref<1x64xi32, #tpu.memory_space<hbm>> -> memref<64xi32, #tpu.memory_space<hbm>>
        %dma_wait3A_175 = tpu.memref_slice %arg13[%dma_wait3A_169] : memref<2x!tpu.dma_semaphore, #tpu.memory_space<semaphore_mem>> -> memref<1x!tpu.dma_semaphore, #tpu.memory_space<semaphore_mem>>
        %dma_wait3A_176 = tpu.memref_squeeze %dma_wait3A_175 : memref<1x!tpu.dma_semaphore, #tpu.memory_space<semaphore_mem>> -> memref<!tpu.dma_semaphore, #tpu.memory_space<semaphore_mem>>
        %dma_wait3A_177 = arith.constant 0 : i32
        %dma_wait3A_178 = tpu.memref_slice %arg6[%dma_wait3A_168, %dma_wait3A_177] : memref<2x64xi32, #tpu.memory_space<vmem>> -> memref<1x64xi32, #tpu.memory_space<vmem>>
        %dma_wait3A_179 = tpu.memref_squeeze %dma_wait3A_178 : memref<1x64xi32, #tpu.memory_space<vmem>> -> memref<64xi32, #tpu.memory_space<vmem>>
        %dma_wait3A_180 = tpu.memref_slice %arg2[%dma_wait3A_167, %mul3A_166] : memref<2x160000xi32, #tpu.memory_space<hbm>> -> memref<1x64xi32, #tpu.memory_space<hbm>>
        %dma_wait3A_181 = tpu.memref_squeeze %dma_wait3A_180 : memref<1x64xi32, #tpu.memory_space<hbm>> -> memref<64xi32, #tpu.memory_space<hbm>>
        tpu.wait_dma2 semaphore(%dma_wait3A_176 : memref<!tpu.dma_semaphore, #tpu.memory_space<semaphore_mem>>) src(%dma_wait3A_181 : memref<64xi32, #tpu.memory_space<hbm>>) dst(%dma_wait3A_179 : memref<64xi32, #tpu.memory_space<vmem>>)
        %mul3A_182 = arith.constant 64 : i32
        %mul3A_183 = arith.muli %add3A_164, %mul3A_182 : i32
        %dma_wait3A_184 = arith.constant 1 : i32
        %dma_wait3A_185 = arith.constant 0 : i32
        %dma_wait3A_186 = arith.constant 0 : i32
        %dma_wait3A_187 = arith.constant 0 : i32
        %dma_wait3A_188 = tpu.memref_slice %arg7[%dma_wait3A_185, %dma_wait3A_187] : memref<2x64xi32, #tpu.memory_space<vmem>> -> memref<1x64xi32, #tpu.memory_space<vmem>>
        %dma_wait3A_189 = tpu.memref_squeeze %dma_wait3A_188 : memref<1x64xi32, #tpu.memory_space<vmem>> -> memref<64xi32, #tpu.memory_space<vmem>>
        %dma_wait3A_190 = tpu.memref_slice %arg2[%dma_wait3A_184, %mul3A_183] : memref<2x160000xi32, #tpu.memory_space<hbm>> -> memref<1x64xi32, #tpu.memory_space<hbm>>
        %dma_wait3A_191 = tpu.memref_squeeze %dma_wait3A_190 : memref<1x64xi32, #tpu.memory_space<hbm>> -> memref<64xi32, #tpu.memory_space<hbm>>
        %dma_wait3A_192 = tpu.memref_slice %arg13[%dma_wait3A_186] : memref<2x!tpu.dma_semaphore, #tpu.memory_space<semaphore_mem>> -> memref<1x!tpu.dma_semaphore, #tpu.memory_space<semaphore_mem>>
        %dma_wait3A_193 = tpu.memref_squeeze %dma_wait3A_192 : memref<1x!tpu.dma_semaphore, #tpu.memory_space<semaphore_mem>> -> memref<!tpu.dma_semaphore, #tpu.memory_space<semaphore_mem>>
        %dma_wait3A_194 = arith.constant 0 : i32
        %dma_wait3A_195 = tpu.memref_slice %arg7[%dma_wait3A_185, %dma_wait3A_194] : memref<2x64xi32, #tpu.memory_space<vmem>> -> memref<1x64xi32, #tpu.memory_space<vmem>>
        %dma_wait3A_196 = tpu.memref_squeeze %dma_wait3A_195 : memref<1x64xi32, #tpu.memory_space<vmem>> -> memref<64xi32, #tpu.memory_space<vmem>>
        %dma_wait3A_197 = tpu.memref_slice %arg2[%dma_wait3A_184, %mul3A_183] : memref<2x160000xi32, #tpu.memory_space<hbm>> -> memref<1x64xi32, #tpu.memory_space<hbm>>
        %dma_wait3A_198 = tpu.memref_squeeze %dma_wait3A_197 : memref<1x64xi32, #tpu.memory_space<hbm>> -> memref<64xi32, #tpu.memory_space<hbm>>
        tpu.wait_dma2 semaphore(%dma_wait3A_193 : memref<!tpu.dma_semaphore, #tpu.memory_space<semaphore_mem>>) src(%dma_wait3A_198 : memref<64xi32, #tpu.memory_space<hbm>>) dst(%dma_wait3A_196 : memref<64xi32, #tpu.memory_space<vmem>>)
        %get3A = arith.constant 0 : i32
        %get3A_199 = arith.index_cast %get3A : i32 to index
        %get3A_200 = arith.constant 0 : index
        %get3A_201 = tpu.vector_load %arg6[%get3A_199, %get3A_200] {strides = array<i32>} : memref<2x64xi32, #tpu.memory_space<vmem>>, vector<1x16xi32>,
        %get3A_202 = vector.shape_cast %get3A_201 : vector<1x16xi32> to vector<16xi32>
        %get3A_203 = arith.constant 0 : i32
        %get3A_204 = arith.index_cast %get3A_203 : i32 to index
        %get3A_205 = arith.constant 0 : index
        %get3A_206 = tpu.vector_load %arg7[%get3A_204, %get3A_205] {strides = array<i32>} : memref<2x64xi32, #tpu.memory_space<vmem>>, vector<1x16xi32>,
        %get3A_207 = vector.shape_cast %get3A_206 : vector<1x16xi32> to vector<16xi32>
        %and3A_208 = arith.constant 65535 : i32
        %and3A_209 = vector.broadcast %and3A_208 : i32 to vector<16xi32>
        %and3A_210 = arith.andi %get3A_202, %and3A_209 : vector<16xi32>
        %swap3A = arith.constant 0 : i32
        %swap3A_211 = arith.index_cast %swap3A : i32 to index
        %swap3A_212 = arith.constant 0 : index
        %swap3A_213 = tpu.vector_load %arg8[%swap3A_211, %swap3A_212] {strides = array<i32>} : memref<2x128xi32, #tpu.memory_space<vmem>>, vector<1x16xi32>,
        %swap3A_214 = vector.shape_cast %swap3A_213 : vector<1x16xi32> to vector<16xi32>
        %swap3A_215 = vector.shape_cast %and3A_210 : vector<16xi32> to vector<1x16xi32>
        tpu.vector_store %arg8[%swap3A_211, %swap3A_212], %swap3A_215 {strides = array<i32>} : memref<2x128xi32, #tpu.memory_space<vmem>>, vector<1x16xi32>,
        %shift_right_arithmetic3A = arith.constant 16 : i32
        %shift_right_arithmetic3A_216 = vector.broadcast %shift_right_arithmetic3A : i32 to vector<16xi32>
        %shift_right_arithmetic3A_217 = arith.shrsi %get3A_202, %shift_right_arithmetic3A_216 : vector<16xi32>
        %swap3A_218 = arith.constant 0 : i32
        %swap3A_219 = arith.index_cast %swap3A_218 : i32 to index
        %swap3A_220 = arith.constant 16 : index
        %swap3A_221 = tpu.vector_load %arg8[%swap3A_219, %swap3A_220] {strides = array<i32>} : memref<2x128xi32, #tpu.memory_space<vmem>>, vector<1x16xi32>,
        %swap3A_222 = vector.shape_cast %swap3A_221 : vector<1x16xi32> to vector<16xi32>
        %swap3A_223 = vector.shape_cast %shift_right_arithmetic3A_217 : vector<16xi32> to vector<1x16xi32>
        tpu.vector_store %arg8[%swap3A_219, %swap3A_220], %swap3A_223 {strides = array<i32>} : memref<2x128xi32, #tpu.memory_space<vmem>>, vector<1x16xi32>,
        %and3A_224 = arith.constant 65535 : i32
        %and3A_225 = vector.broadcast %and3A_224 : i32 to vector<16xi32>
        %and3A_226 = arith.andi %get3A_207, %and3A_225 : vector<16xi32>
        %swap3A_227 = arith.constant 0 : i32
        %swap3A_228 = arith.index_cast %swap3A_227 : i32 to index
        %swap3A_229 = arith.constant 0 : index
        %swap3A_230 = tpu.vector_load %arg9[%swap3A_228, %swap3A_229] {strides = array<i32>} : memref<2x128xi32, #tpu.memory_space<vmem>>, vector<1x16xi32>,
        %swap3A_231 = vector.shape_cast %swap3A_230 : vector<1x16xi32> to vector<16xi32>
        %swap3A_232 = vector.shape_cast %and3A_226 : vector<16xi32> to vector<1x16xi32>
        tpu.vector_store %arg9[%swap3A_228, %swap3A_229], %swap3A_232 {strides = array<i32>} : memref<2x128xi32, #tpu.memory_space<vmem>>, vector<1x16xi32>,
        %shift_right_arithmetic3A_233 = arith.constant 16 : i32
        %shift_right_arithmetic3A_234 = vector.broadcast %shift_right_arithmetic3A_233 : i32 to vector<16xi32>
        %shift_right_arithmetic3A_235 = arith.shrsi %get3A_207, %shift_right_arithmetic3A_234 : vector<16xi32>
        %swap3A_236 = arith.constant 0 : i32
        %swap3A_237 = arith.index_cast %swap3A_236 : i32 to index
        %swap3A_238 = arith.constant 16 : index
        %swap3A_239 = tpu.vector_load %arg9[%swap3A_237, %swap3A_238] {strides = array<i32>} : memref<2x128xi32, #tpu.memory_space<vmem>>, vector<1x16xi32>,
        %swap3A_240 = vector.shape_cast %swap3A_239 : vector<1x16xi32> to vector<16xi32>
        %swap3A_241 = vector.shape_cast %shift_right_arithmetic3A_235 : vector<16xi32> to vector<1x16xi32>
        tpu.vector_store %arg9[%swap3A_237, %swap3A_238], %swap3A_241 {strides = array<i32>} : memref<2x128xi32, #tpu.memory_space<vmem>>, vector<1x16xi32>,
        %get3A_242 = arith.constant 0 : i32
        %get3A_243 = arith.index_cast %get3A_242 : i32 to index
        %get3A_244 = arith.constant 16 : index
        %get3A_245 = tpu.vector_load %arg6[%get3A_243, %get3A_244] {strides = array<i32>} : memref<2x64xi32, #tpu.memory_space<vmem>>, vector<1x16xi32>,
        %get3A_246 = vector.shape_cast %get3A_245 : vector<1x16xi32> to vector<16xi32>
        %get3A_247 = arith.constant 0 : i32
        %get3A_248 = arith.index_cast %get3A_247 : i32 to index
        %get3A_249 = arith.constant 16 : index
        %get3A_250 = tpu.vector_load %arg7[%get3A_248, %get3A_249] {strides = array<i32>} : memref<2x64xi32, #tpu.memory_space<vmem>>, vector<1x16xi32>,
        %get3A_251 = vector.shape_cast %get3A_250 : vector<1x16xi32> to vector<16xi32>
        %and3A_252 = arith.constant 65535 : i32
        %and3A_253 = vector.broadcast %and3A_252 : i32 to vector<16xi32>
        %and3A_254 = arith.andi %get3A_246, %and3A_253 : vector<16xi32>
        %swap3A_255 = arith.constant 0 : i32
        %swap3A_256 = arith.index_cast %swap3A_255 : i32 to index
        %swap3A_257 = arith.constant 32 : index
        %swap3A_258 = tpu.vector_load %arg8[%swap3A_256, %swap3A_257] {strides = array<i32>} : memref<2x128xi32, #tpu.memory_space<vmem>>, vector<1x16xi32>,
        %swap3A_259 = vector.shape_cast %swap3A_258 : vector<1x16xi32> to vector<16xi32>
        %swap3A_260 = vector.shape_cast %and3A_254 : vector<16xi32> to vector<1x16xi32>
        tpu.vector_store %arg8[%swap3A_256, %swap3A_257], %swap3A_260 {strides = array<i32>} : memref<2x128xi32, #tpu.memory_space<vmem>>, vector<1x16xi32>,
        %shift_right_arithmetic3A_261 = arith.constant 16 : i32
        %shift_right_arithmetic3A_262 = vector.broadcast %shift_right_arithmetic3A_261 : i32 to vector<16xi32>
        %shift_right_arithmetic3A_263 = arith.shrsi %get3A_246, %shift_right_arithmetic3A_262 : vector<16xi32>
        %swap3A_264 = arith.constant 0 : i32
        %swap3A_265 = arith.index_cast %swap3A_264 : i32 to index
        %swap3A_266 = arith.constant 48 : index
        %swap3A_267 = tpu.vector_load %arg8[%swap3A_265, %swap3A_266] {strides = array<i32>} : memref<2x128xi32, #tpu.memory_space<vmem>>, vector<1x16xi32>,
        %swap3A_268 = vector.shape_cast %swap3A_267 : vector<1x16xi32> to vector<16xi32>
        %swap3A_269 = vector.shape_cast %shift_right_arithmetic3A_263 : vector<16xi32> to vector<1x16xi32>
        tpu.vector_store %arg8[%swap3A_265, %swap3A_266], %swap3A_269 {strides = array<i32>} : memref<2x128xi32, #tpu.memory_space<vmem>>, vector<1x16xi32>,
        %and3A_270 = arith.constant 65535 : i32
        %and3A_271 = vector.broadcast %and3A_270 : i32 to vector<16xi32>
        %and3A_272 = arith.andi %get3A_251, %and3A_271 : vector<16xi32>
        %swap3A_273 = arith.constant 0 : i32
        %swap3A_274 = arith.index_cast %swap3A_273 : i32 to index
        %swap3A_275 = arith.constant 32 : index
        %swap3A_276 = tpu.vector_load %arg9[%swap3A_274, %swap3A_275] {strides = array<i32>} : memref<2x128xi32, #tpu.memory_space<vmem>>, vector<1x16xi32>,
        %swap3A_277 = vector.shape_cast %swap3A_276 : vector<1x16xi32> to vector<16xi32>
        %swap3A_278 = vector.shape_cast %and3A_272 : vector<16xi32> to vector<1x16xi32>
        tpu.vector_store %arg9[%swap3A_274, %swap3A_275], %swap3A_278 {strides = array<i32>} : memref<2x128xi32, #tpu.memory_space<vmem>>, vector<1x16xi32>,
        %shift_right_arithmetic3A_279 = arith.constant 16 : i32
        %shift_right_arithmetic3A_280 = vector.broadcast %shift_right_arithmetic3A_279 : i32 to vector<16xi32>
        %shift_right_arithmetic3A_281 = arith.shrsi %get3A_251, %shift_right_arithmetic3A_280 : vector<16xi32>
        %swap3A_282 = arith.constant 0 : i32
        %swap3A_283 = arith.index_cast %swap3A_282 : i32 to index
        %swap3A_284 = arith.constant 48 : index
        %swap3A_285 = tpu.vector_load %arg9[%swap3A_283, %swap3A_284] {strides = array<i32>} : memref<2x128xi32, #tpu.memory_space<vmem>>, vector<1x16xi32>,
        %swap3A_286 = vector.shape_cast %swap3A_285 : vector<1x16xi32> to vector<16xi32>
        %swap3A_287 = vector.shape_cast %shift_right_arithmetic3A_281 : vector<16xi32> to vector<1x16xi32>
        tpu.vector_store %arg9[%swap3A_283, %swap3A_284], %swap3A_287 {strides = array<i32>} : memref<2x128xi32, #tpu.memory_space<vmem>>, vector<1x16xi32>,
        %get3A_288 = arith.constant 0 : i32
        %get3A_289 = arith.index_cast %get3A_288 : i32 to index
        %get3A_290 = arith.constant 32 : index
        %get3A_291 = tpu.vector_load %arg6[%get3A_289, %get3A_290] {strides = array<i32>} : memref<2x64xi32, #tpu.memory_space<vmem>>, vector<1x16xi32>,
        %get3A_292 = vector.shape_cast %get3A_291 : vector<1x16xi32> to vector<16xi32>
        %get3A_293 = arith.constant 0 : i32
        %get3A_294 = arith.index_cast %get3A_293 : i32 to index
        %get3A_295 = arith.constant 32 : index
        %get3A_296 = tpu.vector_load %arg7[%get3A_294, %get3A_295] {strides = array<i32>} : memref<2x64xi32, #tpu.memory_space<vmem>>, vector<1x16xi32>,
        %get3A_297 = vector.shape_cast %get3A_296 : vector<1x16xi32> to vector<16xi32>
        %and3A_298 = arith.constant 65535 : i32
        %and3A_299 = vector.broadcast %and3A_298 : i32 to vector<16xi32>
        %and3A_300 = arith.andi %get3A_292, %and3A_299 : vector<16xi32>
        %swap3A_301 = arith.constant 0 : i32
        %swap3A_302 = arith.index_cast %swap3A_301 : i32 to index
        %swap3A_303 = arith.constant 64 : index
        %swap3A_304 = tpu.vector_load %arg8[%swap3A_302, %swap3A_303] {strides = array<i32>} : memref<2x128xi32, #tpu.memory_space<vmem>>, vector<1x16xi32>,
        %swap3A_305 = vector.shape_cast %swap3A_304 : vector<1x16xi32> to vector<16xi32>
        %swap3A_306 = vector.shape_cast %and3A_300 : vector<16xi32> to vector<1x16xi32>
        tpu.vector_store %arg8[%swap3A_302, %swap3A_303], %swap3A_306 {strides = array<i32>} : memref<2x128xi32, #tpu.memory_space<vmem>>, vector<1x16xi32>,
        %shift_right_arithmetic3A_307 = arith.constant 16 : i32
        %shift_right_arithmetic3A_308 = vector.broadcast %shift_right_arithmetic3A_307 : i32 to vector<16xi32>
        %shift_right_arithmetic3A_309 = arith.shrsi %get3A_292, %shift_right_arithmetic3A_308 : vector<16xi32>
        %swap3A_310 = arith.constant 0 : i32
        %swap3A_311 = arith.index_cast %swap3A_310 : i32 to index
        %swap3A_312 = arith.constant 80 : index
        %swap3A_313 = tpu.vector_load %arg8[%swap3A_311, %swap3A_312] {strides = array<i32>} : memref<2x128xi32, #tpu.memory_space<vmem>>, vector<1x16xi32>,
        %swap3A_314 = vector.shape_cast %swap3A_313 : vector<1x16xi32> to vector<16xi32>
        %swap3A_315 = vector.shape_cast %shift_right_arithmetic3A_309 : vector<16xi32> to vector<1x16xi32>
        tpu.vector_store %arg8[%swap3A_311, %swap3A_312], %swap3A_315 {strides = array<i32>} : memref<2x128xi32, #tpu.memory_space<vmem>>, vector<1x16xi32>,
        %and3A_316 = arith.constant 65535 : i32
        %and3A_317 = vector.broadcast %and3A_316 : i32 to vector<16xi32>
        %and3A_318 = arith.andi %get3A_297, %and3A_317 : vector<16xi32>
        %swap3A_319 = arith.constant 0 : i32
        %swap3A_320 = arith.index_cast %swap3A_319 : i32 to index
        %swap3A_321 = arith.constant 64 : index
        %swap3A_322 = tpu.vector_load %arg9[%swap3A_320, %swap3A_321] {strides = array<i32>} : memref<2x128xi32, #tpu.memory_space<vmem>>, vector<1x16xi32>,
        %swap3A_323 = vector.shape_cast %swap3A_322 : vector<1x16xi32> to vector<16xi32>
        %swap3A_324 = vector.shape_cast %and3A_318 : vector<16xi32> to vector<1x16xi32>
        tpu.vector_store %arg9[%swap3A_320, %swap3A_321], %swap3A_324 {strides = array<i32>} : memref<2x128xi32, #tpu.memory_space<vmem>>, vector<1x16xi32>,
        %shift_right_arithmetic3A_325 = arith.constant 16 : i32
        %shift_right_arithmetic3A_326 = vector.broadcast %shift_right_arithmetic3A_325 : i32 to vector<16xi32>
        %shift_right_arithmetic3A_327 = arith.shrsi %get3A_297, %shift_right_arithmetic3A_326 : vector<16xi32>
        %swap3A_328 = arith.constant 0 : i32
        %swap3A_329 = arith.index_cast %swap3A_328 : i32 to index
        %swap3A_330 = arith.constant 80 : index
        %swap3A_331 = tpu.vector_load %arg9[%swap3A_329, %swap3A_330] {strides = array<i32>} : memref<2x128xi32, #tpu.memory_space<vmem>>, vector<1x16xi32>,
        %swap3A_332 = vector.shape_cast %swap3A_331 : vector<1x16xi32> to vector<16xi32>
        %swap3A_333 = vector.shape_cast %shift_right_arithmetic3A_327 : vector<16xi32> to vector<1x16xi32>
        tpu.vector_store %arg9[%swap3A_329, %swap3A_330], %swap3A_333 {strides = array<i32>} : memref<2x128xi32, #tpu.memory_space<vmem>>, vector<1x16xi32>,
        %get3A_334 = arith.constant 0 : i32
        %get3A_335 = arith.index_cast %get3A_334 : i32 to index
        %get3A_336 = arith.constant 48 : index
        %get3A_337 = tpu.vector_load %arg6[%get3A_335, %get3A_336] {strides = array<i32>} : memref<2x64xi32, #tpu.memory_space<vmem>>, vector<1x16xi32>,
        %get3A_338 = vector.shape_cast %get3A_337 : vector<1x16xi32> to vector<16xi32>
        %get3A_339 = arith.constant 0 : i32
        %get3A_340 = arith.index_cast %get3A_339 : i32 to index
        %get3A_341 = arith.constant 48 : index
        %get3A_342 = tpu.vector_load %arg7[%get3A_340, %get3A_341] {strides = array<i32>} : memref<2x64xi32, #tpu.memory_space<vmem>>, vector<1x16xi32>,
        %get3A_343 = vector.shape_cast %get3A_342 : vector<1x16xi32> to vector<16xi32>
        %and3A_344 = arith.constant 65535 : i32
        %and3A_345 = vector.broadcast %and3A_344 : i32 to vector<16xi32>
        %and3A_346 = arith.andi %get3A_338, %and3A_345 : vector<16xi32>
        %swap3A_347 = arith.constant 0 : i32
        %swap3A_348 = arith.index_cast %swap3A_347 : i32 to index
        %swap3A_349 = arith.constant 96 : index
        %swap3A_350 = tpu.vector_load %arg8[%swap3A_348, %swap3A_349] {strides = array<i32>} : memref<2x128xi32, #tpu.memory_space<vmem>>, vector<1x16xi32>,
        %swap3A_351 = vector.shape_cast %swap3A_350 : vector<1x16xi32> to vector<16xi32>
        %swap3A_352 = vector.shape_cast %and3A_346 : vector<16xi32> to vector<1x16xi32>
        tpu.vector_store %arg8[%swap3A_348, %swap3A_349], %swap3A_352 {strides = array<i32>} : memref<2x128xi32, #tpu.memory_space<vmem>>, vector<1x16xi32>,
        %shift_right_arithmetic3A_353 = arith.constant 16 : i32
        %shift_right_arithmetic3A_354 = vector.broadcast %shift_right_arithmetic3A_353 : i32 to vector<16xi32>
        %shift_right_arithmetic3A_355 = arith.shrsi %get3A_338, %shift_right_arithmetic3A_354 : vector<16xi32>
        %swap3A_356 = arith.constant 0 : i32
        %swap3A_357 = arith.index_cast %swap3A_356 : i32 to index
        %swap3A_358 = arith.constant 112 : index
        %swap3A_359 = tpu.vector_load %arg8[%swap3A_357, %swap3A_358] {strides = array<i32>} : memref<2x128xi32, #tpu.memory_space<vmem>>, vector<1x16xi32>,
        %swap3A_360 = vector.shape_cast %swap3A_359 : vector<1x16xi32> to vector<16xi32>
        %swap3A_361 = vector.shape_cast %shift_right_arithmetic3A_355 : vector<16xi32> to vector<1x16xi32>
        tpu.vector_store %arg8[%swap3A_357, %swap3A_358], %swap3A_361 {strides = array<i32>} : memref<2x128xi32, #tpu.memory_space<vmem>>, vector<1x16xi32>,
        %and3A_362 = arith.constant 65535 : i32
        %and3A_363 = vector.broadcast %and3A_362 : i32 to vector<16xi32>
        %and3A_364 = arith.andi %get3A_343, %and3A_363 : vector<16xi32>
        %swap3A_365 = arith.constant 0 : i32
        %swap3A_366 = arith.index_cast %swap3A_365 : i32 to index
        %swap3A_367 = arith.constant 96 : index
        %swap3A_368 = tpu.vector_load %arg9[%swap3A_366, %swap3A_367] {strides = array<i32>} : memref<2x128xi32, #tpu.memory_space<vmem>>, vector<1x16xi32>,
        %swap3A_369 = vector.shape_cast %swap3A_368 : vector<1x16xi32> to vector<16xi32>
        %swap3A_370 = vector.shape_cast %and3A_364 : vector<16xi32> to vector<1x16xi32>
        tpu.vector_store %arg9[%swap3A_366, %swap3A_367], %swap3A_370 {strides = array<i32>} : memref<2x128xi32, #tpu.memory_space<vmem>>, vector<1x16xi32>,
        %shift_right_arithmetic3A_371 = arith.constant 16 : i32
        %shift_right_arithmetic3A_372 = vector.broadcast %shift_right_arithmetic3A_371 : i32 to vector<16xi32>
        %shift_right_arithmetic3A_373 = arith.shrsi %get3A_343, %shift_right_arithmetic3A_372 : vector<16xi32>
        %swap3A_374 = arith.constant 0 : i32
        %swap3A_375 = arith.index_cast %swap3A_374 : i32 to index
        %swap3A_376 = arith.constant 112 : index
        %swap3A_377 = tpu.vector_load %arg9[%swap3A_375, %swap3A_376] {strides = array<i32>} : memref<2x128xi32, #tpu.memory_space<vmem>>, vector<1x16xi32>,
        %swap3A_378 = vector.shape_cast %swap3A_377 : vector<1x16xi32> to vector<16xi32>
        %swap3A_379 = vector.shape_cast %shift_right_arithmetic3A_373 : vector<16xi32> to vector<1x16xi32>
        tpu.vector_store %arg9[%swap3A_375, %swap3A_376], %swap3A_379 {strides = array<i32>} : memref<2x128xi32, #tpu.memory_space<vmem>>, vector<1x16xi32>,
        %dma_start3A = arith.constant 0 : i32
        %dma_start3A_380 = arith.constant 0 : i32
        %dma_start3A_381 = arith.constant 0 : i32
        %dma_start3A_382 = arith.constant 0 : i32
        %dma_start3A_383 = arith.constant 0 : i32
        %dma_start3A_384 = tpu.memref_slice %arg10[%dma_start3A_380, %dma_start3A_382, %dma_start3A_383] : memref<2x128x128xf32, #tpu.memory_space<vmem>> -> memref<1x128x128xf32, #tpu.memory_space<vmem>>
        %dma_start3A_385 = tpu.memref_squeeze %dma_start3A_384 : memref<1x128x128xf32, #tpu.memory_space<vmem>> -> memref<128x128xf32, #tpu.memory_space<vmem>>
        %dma_start3A_386 = arith.constant 0 : i32
        %dma_start3A_387 = tpu.memref_slice %arg8[%dma_start3A, %dma_start3A_386] : memref<2x128xi32, #tpu.memory_space<vmem>> -> memref<1x128xi32, #tpu.memory_space<vmem>>
        %dma_start3A_388 = tpu.memref_squeeze %dma_start3A_387 : memref<1x128xi32, #tpu.memory_space<vmem>> -> memref<128xi32, #tpu.memory_space<vmem>>
        %dma_start3A_389 = arith.constant 0 : i32
        %dma_start3A_390 = arith.constant 0 : i32
        %dma_start3A_391 = tpu.memref_slice %arg3[%dma_start3A_389, %dma_start3A_390] : memref<10000x128xf32, #tpu.memory_space<hbm>> -> memref<10000x128xf32, #tpu.memory_space<hbm>>
        %dma_start3A_392 = tpu.memref_slice %arg12[%dma_start3A_381] : memref<2x!tpu.dma_semaphore, #tpu.memory_space<semaphore_mem>> -> memref<1x!tpu.dma_semaphore, #tpu.memory_space<semaphore_mem>>
        %dma_start3A_393 = tpu.memref_squeeze %dma_start3A_392 : memref<1x!tpu.dma_semaphore, #tpu.memory_space<semaphore_mem>> -> memref<!tpu.dma_semaphore, #tpu.memory_space<semaphore_mem>>
        tpu.enqueue_indirect_dma source(%dma_start3A_391 : memref<10000x128xf32, #tpu.memory_space<hbm>>) target(%dma_start3A_385 : memref<128x128xf32, #tpu.memory_space<vmem>>) offsets(%dma_start3A_388 : memref<128xi32, #tpu.memory_space<vmem>>) semaphore(%dma_start3A_393 : memref<!tpu.dma_semaphore, #tpu.memory_space<semaphore_mem>>)
      } else {
      }
      %add3A_149 = arith.constant 2 : i32
      %add3A_150 = arith.addi %add3A_117, %add3A_149 : i32
      %lt3A_151 = arith.cmpi slt, %add3A_150, %select_n3A : i32
      %convert_element_type3A_152 = arith.extui %lt3A_151 : i1 to i32
      %cond3A_153 = arith.constant 0 : i32
      %cond3A_154 = arith.cmpi ne, %convert_element_type3A_152, %cond3A_153 : i32
      scf.if %cond3A_154 {
        %add3A_160 = arith.constant 2 : i32
        %add3A_161 = arith.addi %add3A_117, %add3A_160 : i32
        %mul3A_162 = arith.constant 32 : i32
        %mul3A_163 = arith.muli %add3A_161, %mul3A_162 : i32
        %add3A_164 = arith.addi %mul3A_163, %add3A : i32
        %mul3A_165 = arith.constant 64 : i32
        %mul3A_166 = arith.muli %add3A_164, %mul3A_165 : i32
        %dma_start3A = arith.constant 0 : i32
        %dma_start3A_167 = arith.constant 1 : i32
        %dma_start3A_168 = arith.constant 1 : i32
        %dma_start3A_169 = arith.constant 0 : i32
        %dma_start3A_170 = tpu.memref_slice %arg6[%dma_start3A_167, %dma_start3A_169] : memref<2x64xi32, #tpu.memory_space<vmem>> -> memref<1x64xi32, #tpu.memory_space<vmem>>
        %dma_start3A_171 = tpu.memref_squeeze %dma_start3A_170 : memref<1x64xi32, #tpu.memory_space<vmem>> -> memref<64xi32, #tpu.memory_space<vmem>>
        %dma_start3A_172 = tpu.memref_slice %arg2[%dma_start3A, %mul3A_166] : memref<2x160000xi32, #tpu.memory_space<hbm>> -> memref<1x64xi32, #tpu.memory_space<hbm>>
        %dma_start3A_173 = tpu.memref_squeeze %dma_start3A_172 : memref<1x64xi32, #tpu.memory_space<hbm>> -> memref<64xi32, #tpu.memory_space<hbm>>
        %dma_start3A_174 = tpu.memref_slice %arg13[%dma_start3A_168] : memref<2x!tpu.dma_semaphore, #tpu.memory_space<semaphore_mem>> -> memref<1x!tpu.dma_semaphore, #tpu.memory_space<semaphore_mem>>
        %dma_start3A_175 = tpu.memref_squeeze %dma_start3A_174 : memref<1x!tpu.dma_semaphore, #tpu.memory_space<semaphore_mem>> -> memref<!tpu.dma_semaphore, #tpu.memory_space<semaphore_mem>>
        %dma_start3A_176 = arith.constant 0 : i32
        %dma_start3A_177 = tpu.memref_slice %arg6[%dma_start3A_167, %dma_start3A_176] : memref<2x64xi32, #tpu.memory_space<vmem>> -> memref<1x64xi32, #tpu.memory_space<vmem>>
        %dma_start3A_178 = tpu.memref_squeeze %dma_start3A_177 : memref<1x64xi32, #tpu.memory_space<vmem>> -> memref<64xi32, #tpu.memory_space<vmem>>
        %dma_start3A_179 = tpu.memref_slice %arg2[%dma_start3A, %mul3A_166] : memref<2x160000xi32, #tpu.memory_space<hbm>> -> memref<1x64xi32, #tpu.memory_space<hbm>>
        %dma_start3A_180 = tpu.memref_squeeze %dma_start3A_179 : memref<1x64xi32, #tpu.memory_space<hbm>> -> memref<64xi32, #tpu.memory_space<hbm>>
        tpu.enqueue_dma source(%dma_start3A_180 : memref<64xi32, #tpu.memory_space<hbm>>) target(%dma_start3A_178 : memref<64xi32, #tpu.memory_space<vmem>>) target_semaphore(%dma_start3A_175 : memref<!tpu.dma_semaphore, #tpu.memory_space<semaphore_mem>>)
        %mul3A_181 = arith.constant 64 : i32
        %mul3A_182 = arith.muli %add3A_164, %mul3A_181 : i32
        %dma_start3A_183 = arith.constant 1 : i32
        %dma_start3A_184 = arith.constant 1 : i32
        %dma_start3A_185 = arith.constant 1 : i32
        %dma_start3A_186 = arith.constant 0 : i32
        %dma_start3A_187 = tpu.memref_slice %arg7[%dma_start3A_184, %dma_start3A_186] : memref<2x64xi32, #tpu.memory_space<vmem>> -> memref<1x64xi32, #tpu.memory_space<vmem>>
        %dma_start3A_188 = tpu.memref_squeeze %dma_start3A_187 : memref<1x64xi32, #tpu.memory_space<vmem>> -> memref<64xi32, #tpu.memory_space<vmem>>
        %dma_start3A_189 = tpu.memref_slice %arg2[%dma_start3A_183, %mul3A_182] : memref<2x160000xi32, #tpu.memory_space<hbm>> -> memref<1x64xi32, #tpu.memory_space<hbm>>
        %dma_start3A_190 = tpu.memref_squeeze %dma_start3A_189 : memref<1x64xi32, #tpu.memory_space<hbm>> -> memref<64xi32, #tpu.memory_space<hbm>>
        %dma_start3A_191 = tpu.memref_slice %arg13[%dma_start3A_185] : memref<2x!tpu.dma_semaphore, #tpu.memory_space<semaphore_mem>> -> memref<1x!tpu.dma_semaphore, #tpu.memory_space<semaphore_mem>>
        %dma_start3A_192 = tpu.memref_squeeze %dma_start3A_191 : memref<1x!tpu.dma_semaphore, #tpu.memory_space<semaphore_mem>> -> memref<!tpu.dma_semaphore, #tpu.memory_space<semaphore_mem>>
        %dma_start3A_193 = arith.constant 0 : i32
        %dma_start3A_194 = tpu.memref_slice %arg7[%dma_start3A_184, %dma_start3A_193] : memref<2x64xi32, #tpu.memory_space<vmem>> -> memref<1x64xi32, #tpu.memory_space<vmem>>
        %dma_start3A_195 = tpu.memref_squeeze %dma_start3A_194 : memref<1x64xi32, #tpu.memory_space<vmem>> -> memref<64xi32, #tpu.memory_space<vmem>>
        %dma_start3A_196 = tpu.memref_slice %arg2[%dma_start3A_183, %mul3A_182] : memref<2x160000xi32, #tpu.memory_space<hbm>> -> memref<1x64xi32, #tpu.memory_space<hbm>>
        %dma_start3A_197 = tpu.memref_squeeze %dma_start3A_196 : memref<1x64xi32, #tpu.memory_space<hbm>> -> memref<64xi32, #tpu.memory_space<hbm>>
        tpu.enqueue_dma source(%dma_start3A_197 : memref<64xi32, #tpu.memory_space<hbm>>) target(%dma_start3A_195 : memref<64xi32, #tpu.memory_space<vmem>>) target_semaphore(%dma_start3A_192 : memref<!tpu.dma_semaphore, #tpu.memory_space<semaphore_mem>>)
      } else {
      }
      %lt3A_155 = arith.cmpi slt, %add3A_117, %select_n3A : i32
      %convert_element_type3A_156 = arith.extui %lt3A_155 : i1 to i32
      %cond3A_157 = arith.constant 0 : i32
      %cond3A_158 = arith.cmpi ne, %convert_element_type3A_156, %cond3A_157 : i32
      scf.if %cond3A_158 {
        %dma_wait3A_160 = arith.constant 1 : i32
        %dma_wait3A_161 = arith.constant 1 : i32
        %dma_wait3A_162 = arith.constant 1 : i32
        %dma_wait3A_163 = arith.constant 0 : i32
        %dma_wait3A_164 = arith.constant 0 : i32
        %dma_wait3A_165 = tpu.memref_slice %arg10[%dma_wait3A_161, %dma_wait3A_163, %dma_wait3A_164] : memref<2x128x128xf32, #tpu.memory_space<vmem>> -> memref<1x128x128xf32, #tpu.memory_space<vmem>>
        %dma_wait3A_166 = tpu.memref_squeeze %dma_wait3A_165 : memref<1x128x128xf32, #tpu.memory_space<vmem>> -> memref<128x128xf32, #tpu.memory_space<vmem>>
        %dma_wait3A_167 = arith.constant 0 : i32
        %dma_wait3A_168 = tpu.memref_slice %arg8[%dma_wait3A_160, %dma_wait3A_167] : memref<2x128xi32, #tpu.memory_space<vmem>> -> memref<1x128xi32, #tpu.memory_space<vmem>>
        %dma_wait3A_169 = tpu.memref_squeeze %dma_wait3A_168 : memref<1x128xi32, #tpu.memory_space<vmem>> -> memref<128xi32, #tpu.memory_space<vmem>>
        %dma_wait3A_170 = arith.constant 0 : i32
        %dma_wait3A_171 = arith.constant 0 : i32
        %dma_wait3A_172 = tpu.memref_slice %arg3[%dma_wait3A_170, %dma_wait3A_171] : memref<10000x128xf32, #tpu.memory_space<hbm>> -> memref<10000x128xf32, #tpu.memory_space<hbm>>
        %dma_wait3A_173 = tpu.memref_slice %arg12[%dma_wait3A_162] : memref<2x!tpu.dma_semaphore, #tpu.memory_space<semaphore_mem>> -> memref<1x!tpu.dma_semaphore, #tpu.memory_space<semaphore_mem>>
        %dma_wait3A_174 = tpu.memref_squeeze %dma_wait3A_173 : memref<1x!tpu.dma_semaphore, #tpu.memory_space<semaphore_mem>> -> memref<!tpu.dma_semaphore, #tpu.memory_space<semaphore_mem>>
        tpu.wait_indirect_dma semaphore(%dma_wait3A_174 : memref<!tpu.dma_semaphore, #tpu.memory_space<semaphore_mem>>) src(%dma_wait3A_172 : memref<10000x128xf32, #tpu.memory_space<hbm>>) dst(%dma_wait3A_166 : memref<128x128xf32, #tpu.memory_space<vmem>>)
        %run_scoped3A_175 = arith.constant 1 : i32
        %run_scoped3A_176 = arith.constant 1 : i32
        "tpu.region"() ({
          %run_scoped3A_177 = tpu.sem_alloc : memref<!tpu.dma_semaphore, #tpu.memory_space<semaphore_mem>>
          %dma_start3A = arith.constant 0 : i32
          %dma_start3A_178 = arith.constant 0 : i32
          %dma_start3A_179 = tpu.memref_slice %arg10[%run_scoped3A_175, %dma_start3A, %dma_start3A_178] : memref<2x128x128xf32, #tpu.memory_space<vmem>> -> memref<1x128x128xf32, #tpu.memory_space<vmem>>
          %dma_start3A_180 = tpu.memref_squeeze %dma_start3A_179 : memref<1x128x128xf32, #tpu.memory_space<vmem>> -> memref<128x128xf32, #tpu.memory_space<vmem>>
          %dma_start3A_181 = arith.constant 0 : i32
          %dma_start3A_182 = tpu.memref_slice %arg9[%run_scoped3A_176, %dma_start3A_181] : memref<2x128xi32, #tpu.memory_space<vmem>> -> memref<1x128xi32, #tpu.memory_space<vmem>>
          %dma_start3A_183 = tpu.memref_squeeze %dma_start3A_182 : memref<1x128xi32, #tpu.memory_space<vmem>> -> memref<128xi32, #tpu.memory_space<vmem>>
          %dma_start3A_184 = arith.constant 0 : i32
          %dma_start3A_185 = arith.constant 0 : i32
          %dma_start3A_186 = tpu.memref_slice %arg11[%dma_start3A_184, %dma_start3A_185] : memref<10112x128xf32, #tpu.memory_space<vmem_shared>> -> memref<10112x128xf32, #tpu.memory_space<vmem_shared>>
          tpu.enqueue_indirect_dma source(%dma_start3A_180 : memref<128x128xf32, #tpu.memory_space<vmem>>) target(%dma_start3A_186 : memref<10112x128xf32, #tpu.memory_space<vmem_shared>>) offsets(%dma_start3A_183 : memref<128xi32, #tpu.memory_space<vmem>>) semaphore(%run_scoped3A_177 : memref<!tpu.dma_semaphore, #tpu.memory_space<semaphore_mem>>) {add = true}
          %dma_wait3A_187 = arith.constant 0 : i32
          %dma_wait3A_188 = arith.constant 0 : i32
          %dma_wait3A_189 = tpu.memref_slice %arg10[%run_scoped3A_175, %dma_wait3A_187, %dma_wait3A_188] : memref<2x128x128xf32, #tpu.memory_space<vmem>> -> memref<1x128x128xf32, #tpu.memory_space<vmem>>
          %dma_wait3A_190 = tpu.memref_squeeze %dma_wait3A_189 : memref<1x128x128xf32, #tpu.memory_space<vmem>> -> memref<128x128xf32, #tpu.memory_space<vmem>>
          %dma_wait3A_191 = arith.constant 0 : i32
          %dma_wait3A_192 = tpu.memref_slice %arg9[%run_scoped3A_176, %dma_wait3A_191] : memref<2x128xi32, #tpu.memory_space<vmem>> -> memref<1x128xi32, #tpu.memory_space<vmem>>
          %dma_wait3A_193 = tpu.memref_squeeze %dma_wait3A_192 : memref<1x128xi32, #tpu.memory_space<vmem>> -> memref<128xi32, #tpu.memory_space<vmem>>
          %dma_wait3A_194 = arith.constant 0 : i32
          %dma_wait3A_195 = arith.constant 0 : i32
          %dma_wait3A_196 = tpu.memref_slice %arg11[%dma_wait3A_194, %dma_wait3A_195] : memref<10112x128xf32, #tpu.memory_space<vmem_shared>> -> memref<10112x128xf32, #tpu.memory_space<vmem_shared>>
          tpu.wait_indirect_dma semaphore(%run_scoped3A_177 : memref<!tpu.dma_semaphore, #tpu.memory_space<semaphore_mem>>) src(%dma_wait3A_190 : memref<128x128xf32, #tpu.memory_space<vmem>>) dst(%dma_wait3A_196 : memref<10112x128xf32, #tpu.memory_space<vmem_shared>>)
          tpu.yield
        }) : () -> ()
      } else {
      }
      %while3A_159 = arith.constant 0 : i32
      scf.yield %while3A_159 : i32
    }
    %while3A_87 = arith.constant 1 : i32
    %while3A_88 = scf.for %while3A_110 = %while3A_84 to %while3A_80 step %while3A_87 iter_args(%while3A_111 = %while3A_86) -> (i32)  : i32 {
      %mul3A_112 = arith.constant 2 : i32
      %mul3A_113 = arith.muli %mul3A_112, %while3A_110 : i32
      %mul3A_114 = arith.constant 2 : i32
      %mul3A_115 = arith.muli %mul3A_114, %while3A_110 : i32
      %add3A_116 = arith.constant 1 : i32
      %add3A_117 = arith.addi %mul3A_115, %add3A_116 : i32
      %lt3A = arith.cmpi slt, %add3A_117, %select_n3A : i32
      %convert_element_type3A_118 = arith.extui %lt3A : i1 to i32
      %cond3A_119 = arith.constant 0 : i32
      %cond3A_120 = arith.cmpi ne, %convert_element_type3A_118, %cond3A_119 : i32
      scf.if %cond3A_120 {
        %mul3A_160 = arith.constant 32 : i32
        %mul3A_161 = arith.muli %add3A_117, %mul3A_160 : i32
        %add3A_162 = arith.addi %mul3A_161, %add3A : i32
        %mul3A_163 = arith.constant 64 : i32
        %mul3A_164 = arith.muli %add3A_162, %mul3A_163 : i32
        %dma_wait3A_165 = arith.constant 0 : i32
        %dma_wait3A_166 = arith.constant 1 : i32
        %dma_wait3A_167 = arith.constant 1 : i32
        %dma_wait3A_168 = arith.constant 0 : i32
        %dma_wait3A_169 = tpu.memref_slice %arg6[%dma_wait3A_166, %dma_wait3A_168] : memref<2x64xi32, #tpu.memory_space<vmem>> -> memref<1x64xi32, #tpu.memory_space<vmem>>
        %dma_wait3A_170 = tpu.memref_squeeze %dma_wait3A_169 : memref<1x64xi32, #tpu.memory_space<vmem>> -> memref<64xi32, #tpu.memory_space<vmem>>
        %dma_wait3A_171 = tpu.memref_slice %arg2[%dma_wait3A_165, %mul3A_164] : memref<2x160000xi32, #tpu.memory_space<hbm>> -> memref<1x64xi32, #tpu.memory_space<hbm>>
        %dma_wait3A_172 = tpu.memref_squeeze %dma_wait3A_171 : memref<1x64xi32, #tpu.memory_space<hbm>> -> memref<64xi32, #tpu.memory_space<hbm>>
        %dma_wait3A_173 = tpu.memref_slice %arg13[%dma_wait3A_167] : memref<2x!tpu.dma_semaphore, #tpu.memory_space<semaphore_mem>> -> memref<1x!tpu.dma_semaphore, #tpu.memory_space<semaphore_mem>>
        %dma_wait3A_174 = tpu.memref_squeeze %dma_wait3A_173 : memref<1x!tpu.dma_semaphore, #tpu.memory_space<semaphore_mem>> -> memref<!tpu.dma_semaphore, #tpu.memory_space<semaphore_mem>>
        %dma_wait3A_175 = arith.constant 0 : i32
        %dma_wait3A_176 = tpu.memref_slice %arg6[%dma_wait3A_166, %dma_wait3A_175] : memref<2x64xi32, #tpu.memory_space<vmem>> -> memref<1x64xi32, #tpu.memory_space<vmem>>
        %dma_wait3A_177 = tpu.memref_squeeze %dma_wait3A_176 : memref<1x64xi32, #tpu.memory_space<vmem>> -> memref<64xi32, #tpu.memory_space<vmem>>
        %dma_wait3A_178 = tpu.memref_slice %arg2[%dma_wait3A_165, %mul3A_164] : memref<2x160000xi32, #tpu.memory_space<hbm>> -> memref<1x64xi32, #tpu.memory_space<hbm>>
        %dma_wait3A_179 = tpu.memref_squeeze %dma_wait3A_178 : memref<1x64xi32, #tpu.memory_space<hbm>> -> memref<64xi32, #tpu.memory_space<hbm>>
        tpu.wait_dma2 semaphore(%dma_wait3A_174 : memref<!tpu.dma_semaphore, #tpu.memory_space<semaphore_mem>>) src(%dma_wait3A_179 : memref<64xi32, #tpu.memory_space<hbm>>) dst(%dma_wait3A_177 : memref<64xi32, #tpu.memory_space<vmem>>)
        %mul3A_180 = arith.constant 64 : i32
        %mul3A_181 = arith.muli %add3A_162, %mul3A_180 : i32
        %dma_wait3A_182 = arith.constant 1 : i32
        %dma_wait3A_183 = arith.constant 1 : i32
        %dma_wait3A_184 = arith.constant 1 : i32
        %dma_wait3A_185 = arith.constant 0 : i32
        %dma_wait3A_186 = tpu.memref_slice %arg7[%dma_wait3A_183, %dma_wait3A_185] : memref<2x64xi32, #tpu.memory_space<vmem>> -> memref<1x64xi32, #tpu.memory_space<vmem>>
        %dma_wait3A_187 = tpu.memref_squeeze %dma_wait3A_186 : memref<1x64xi32, #tpu.memory_space<vmem>> -> memref<64xi32, #tpu.memory_space<vmem>>
        %dma_wait3A_188 = tpu.memref_slice %arg2[%dma_wait3A_182, %mul3A_181] : memref<2x160000xi32, #tpu.memory_space<hbm>> -> memref<1x64xi32, #tpu.memory_space<hbm>>
        %dma_wait3A_189 = tpu.memref_squeeze %dma_wait3A_188 : memref<1x64xi32, #tpu.memory_space<hbm>> -> memref<64xi32, #tpu.memory_space<hbm>>
        %dma_wait3A_190 = tpu.memref_slice %arg13[%dma_wait3A_184] : memref<2x!tpu.dma_semaphore, #tpu.memory_space<semaphore_mem>> -> memref<1x!tpu.dma_semaphore, #tpu.memory_space<semaphore_mem>>
        %dma_wait3A_191 = tpu.memref_squeeze %dma_wait3A_190 : memref<1x!tpu.dma_semaphore, #tpu.memory_space<semaphore_mem>> -> memref<!tpu.dma_semaphore, #tpu.memory_space<semaphore_mem>>
        %dma_wait3A_192 = arith.constant 0 : i32
        %dma_wait3A_193 = tpu.memref_slice %arg7[%dma_wait3A_183, %dma_wait3A_192] : memref<2x64xi32, #tpu.memory_space<vmem>> -> memref<1x64xi32, #tpu.memory_space<vmem>>
        %dma_wait3A_194 = tpu.memref_squeeze %dma_wait3A_193 : memref<1x64xi32, #tpu.memory_space<vmem>> -> memref<64xi32, #tpu.memory_space<vmem>>
        %dma_wait3A_195 = tpu.memref_slice %arg2[%dma_wait3A_182, %mul3A_181] : memref<2x160000xi32, #tpu.memory_space<hbm>> -> memref<1x64xi32, #tpu.memory_space<hbm>>
        %dma_wait3A_196 = tpu.memref_squeeze %dma_wait3A_195 : memref<1x64xi32, #tpu.memory_space<hbm>> -> memref<64xi32, #tpu.memory_space<hbm>>
        tpu.wait_dma2 semaphore(%dma_wait3A_191 : memref<!tpu.dma_semaphore, #tpu.memory_space<semaphore_mem>>) src(%dma_wait3A_196 : memref<64xi32, #tpu.memory_space<hbm>>) dst(%dma_wait3A_194 : memref<64xi32, #tpu.memory_space<vmem>>)
        %get3A = arith.constant 1 : i32
        %get3A_197 = arith.index_cast %get3A : i32 to index
        %get3A_198 = arith.constant 0 : index
        %get3A_199 = tpu.vector_load %arg6[%get3A_197, %get3A_198] {strides = array<i32>} : memref<2x64xi32, #tpu.memory_space<vmem>>, vector<1x16xi32>,
        %get3A_200 = vector.shape_cast %get3A_199 : vector<1x16xi32> to vector<16xi32>
        %get3A_201 = arith.constant 1 : i32
        %get3A_202 = arith.index_cast %get3A_201 : i32 to index
        %get3A_203 = arith.constant 0 : index
        %get3A_204 = tpu.vector_load %arg7[%get3A_202, %get3A_203] {strides = array<i32>} : memref<2x64xi32, #tpu.memory_space<vmem>>, vector<1x16xi32>,
        %get3A_205 = vector.shape_cast %get3A_204 : vector<1x16xi32> to vector<16xi32>
        %and3A_206 = arith.constant 65535 : i32
        %and3A_207 = vector.broadcast %and3A_206 : i32 to vector<16xi32>
        %and3A_208 = arith.andi %get3A_200, %and3A_207 : vector<16xi32>
        %swap3A = arith.constant 1 : i32
        %swap3A_209 = arith.index_cast %swap3A : i32 to index
        %swap3A_210 = arith.constant 0 : index
        %swap3A_211 = tpu.vector_load %arg8[%swap3A_209, %swap3A_210] {strides = array<i32>} : memref<2x128xi32, #tpu.memory_space<vmem>>, vector<1x16xi32>,
        %swap3A_212 = vector.shape_cast %swap3A_211 : vector<1x16xi32> to vector<16xi32>
        %swap3A_213 = vector.shape_cast %and3A_208 : vector<16xi32> to vector<1x16xi32>
        tpu.vector_store %arg8[%swap3A_209, %swap3A_210], %swap3A_213 {strides = array<i32>} : memref<2x128xi32, #tpu.memory_space<vmem>>, vector<1x16xi32>,
        %shift_right_arithmetic3A = arith.constant 16 : i32
        %shift_right_arithmetic3A_214 = vector.broadcast %shift_right_arithmetic3A : i32 to vector<16xi32>
        %shift_right_arithmetic3A_215 = arith.shrsi %get3A_200, %shift_right_arithmetic3A_214 : vector<16xi32>
        %swap3A_216 = arith.constant 1 : i32
        %swap3A_217 = arith.index_cast %swap3A_216 : i32 to index
        %swap3A_218 = arith.constant 16 : index
        %swap3A_219 = tpu.vector_load %arg8[%swap3A_217, %swap3A_218] {strides = array<i32>} : memref<2x128xi32, #tpu.memory_space<vmem>>, vector<1x16xi32>,
        %swap3A_220 = vector.shape_cast %swap3A_219 : vector<1x16xi32> to vector<16xi32>
        %swap3A_221 = vector.shape_cast %shift_right_arithmetic3A_215 : vector<16xi32> to vector<1x16xi32>
        tpu.vector_store %arg8[%swap3A_217, %swap3A_218], %swap3A_221 {strides = array<i32>} : memref<2x128xi32, #tpu.memory_space<vmem>>, vector<1x16xi32>,
        %and3A_222 = arith.constant 65535 : i32
        %and3A_223 = vector.broadcast %and3A_222 : i32 to vector<16xi32>
        %and3A_224 = arith.andi %get3A_205, %and3A_223 : vector<16xi32>
        %swap3A_225 = arith.constant 1 : i32
        %swap3A_226 = arith.index_cast %swap3A_225 : i32 to index
        %swap3A_227 = arith.constant 0 : index
        %swap3A_228 = tpu.vector_load %arg9[%swap3A_226, %swap3A_227] {strides = array<i32>} : memref<2x128xi32, #tpu.memory_space<vmem>>, vector<1x16xi32>,
        %swap3A_229 = vector.shape_cast %swap3A_228 : vector<1x16xi32> to vector<16xi32>
        %swap3A_230 = vector.shape_cast %and3A_224 : vector<16xi32> to vector<1x16xi32>
        tpu.vector_store %arg9[%swap3A_226, %swap3A_227], %swap3A_230 {strides = array<i32>} : memref<2x128xi32, #tpu.memory_space<vmem>>, vector<1x16xi32>,
        %shift_right_arithmetic3A_231 = arith.constant 16 : i32
        %shift_right_arithmetic3A_232 = vector.broadcast %shift_right_arithmetic3A_231 : i32 to vector<16xi32>
        %shift_right_arithmetic3A_233 = arith.shrsi %get3A_205, %shift_right_arithmetic3A_232 : vector<16xi32>
        %swap3A_234 = arith.constant 1 : i32
        %swap3A_235 = arith.index_cast %swap3A_234 : i32 to index
        %swap3A_236 = arith.constant 16 : index
        %swap3A_237 = tpu.vector_load %arg9[%swap3A_235, %swap3A_236] {strides = array<i32>} : memref<2x128xi32, #tpu.memory_space<vmem>>, vector<1x16xi32>,
        %swap3A_238 = vector.shape_cast %swap3A_237 : vector<1x16xi32> to vector<16xi32>
        %swap3A_239 = vector.shape_cast %shift_right_arithmetic3A_233 : vector<16xi32> to vector<1x16xi32>
        tpu.vector_store %arg9[%swap3A_235, %swap3A_236], %swap3A_239 {strides = array<i32>} : memref<2x128xi32, #tpu.memory_space<vmem>>, vector<1x16xi32>,
        %get3A_240 = arith.constant 1 : i32
        %get3A_241 = arith.index_cast %get3A_240 : i32 to index
        %get3A_242 = arith.constant 16 : index
        %get3A_243 = tpu.vector_load %arg6[%get3A_241, %get3A_242] {strides = array<i32>} : memref<2x64xi32, #tpu.memory_space<vmem>>, vector<1x16xi32>,
        %get3A_244 = vector.shape_cast %get3A_243 : vector<1x16xi32> to vector<16xi32>
        %get3A_245 = arith.constant 1 : i32
        %get3A_246 = arith.index_cast %get3A_245 : i32 to index
        %get3A_247 = arith.constant 16 : index
        %get3A_248 = tpu.vector_load %arg7[%get3A_246, %get3A_247] {strides = array<i32>} : memref<2x64xi32, #tpu.memory_space<vmem>>, vector<1x16xi32>,
        %get3A_249 = vector.shape_cast %get3A_248 : vector<1x16xi32> to vector<16xi32>
        %and3A_250 = arith.constant 65535 : i32
        %and3A_251 = vector.broadcast %and3A_250 : i32 to vector<16xi32>
        %and3A_252 = arith.andi %get3A_244, %and3A_251 : vector<16xi32>
        %swap3A_253 = arith.constant 1 : i32
        %swap3A_254 = arith.index_cast %swap3A_253 : i32 to index
        %swap3A_255 = arith.constant 32 : index
        %swap3A_256 = tpu.vector_load %arg8[%swap3A_254, %swap3A_255] {strides = array<i32>} : memref<2x128xi32, #tpu.memory_space<vmem>>, vector<1x16xi32>,
        %swap3A_257 = vector.shape_cast %swap3A_256 : vector<1x16xi32> to vector<16xi32>
        %swap3A_258 = vector.shape_cast %and3A_252 : vector<16xi32> to vector<1x16xi32>
        tpu.vector_store %arg8[%swap3A_254, %swap3A_255], %swap3A_258 {strides = array<i32>} : memref<2x128xi32, #tpu.memory_space<vmem>>, vector<1x16xi32>,
        %shift_right_arithmetic3A_259 = arith.constant 16 : i32
        %shift_right_arithmetic3A_260 = vector.broadcast %shift_right_arithmetic3A_259 : i32 to vector<16xi32>
        %shift_right_arithmetic3A_261 = arith.shrsi %get3A_244, %shift_right_arithmetic3A_260 : vector<16xi32>
        %swap3A_262 = arith.constant 1 : i32
        %swap3A_263 = arith.index_cast %swap3A_262 : i32 to index
        %swap3A_264 = arith.constant 48 : index
        %swap3A_265 = tpu.vector_load %arg8[%swap3A_263, %swap3A_264] {strides = array<i32>} : memref<2x128xi32, #tpu.memory_space<vmem>>, vector<1x16xi32>,
        %swap3A_266 = vector.shape_cast %swap3A_265 : vector<1x16xi32> to vector<16xi32>
        %swap3A_267 = vector.shape_cast %shift_right_arithmetic3A_261 : vector<16xi32> to vector<1x16xi32>
        tpu.vector_store %arg8[%swap3A_263, %swap3A_264], %swap3A_267 {strides = array<i32>} : memref<2x128xi32, #tpu.memory_space<vmem>>, vector<1x16xi32>,
        %and3A_268 = arith.constant 65535 : i32
        %and3A_269 = vector.broadcast %and3A_268 : i32 to vector<16xi32>
        %and3A_270 = arith.andi %get3A_249, %and3A_269 : vector<16xi32>
        %swap3A_271 = arith.constant 1 : i32
        %swap3A_272 = arith.index_cast %swap3A_271 : i32 to index
        %swap3A_273 = arith.constant 32 : index
        %swap3A_274 = tpu.vector_load %arg9[%swap3A_272, %swap3A_273] {strides = array<i32>} : memref<2x128xi32, #tpu.memory_space<vmem>>, vector<1x16xi32>,
        %swap3A_275 = vector.shape_cast %swap3A_274 : vector<1x16xi32> to vector<16xi32>
        %swap3A_276 = vector.shape_cast %and3A_270 : vector<16xi32> to vector<1x16xi32>
        tpu.vector_store %arg9[%swap3A_272, %swap3A_273], %swap3A_276 {strides = array<i32>} : memref<2x128xi32, #tpu.memory_space<vmem>>, vector<1x16xi32>,
        %shift_right_arithmetic3A_277 = arith.constant 16 : i32
        %shift_right_arithmetic3A_278 = vector.broadcast %shift_right_arithmetic3A_277 : i32 to vector<16xi32>
        %shift_right_arithmetic3A_279 = arith.shrsi %get3A_249, %shift_right_arithmetic3A_278 : vector<16xi32>
        %swap3A_280 = arith.constant 1 : i32
        %swap3A_281 = arith.index_cast %swap3A_280 : i32 to index
        %swap3A_282 = arith.constant 48 : index
        %swap3A_283 = tpu.vector_load %arg9[%swap3A_281, %swap3A_282] {strides = array<i32>} : memref<2x128xi32, #tpu.memory_space<vmem>>, vector<1x16xi32>,
        %swap3A_284 = vector.shape_cast %swap3A_283 : vector<1x16xi32> to vector<16xi32>
        %swap3A_285 = vector.shape_cast %shift_right_arithmetic3A_279 : vector<16xi32> to vector<1x16xi32>
        tpu.vector_store %arg9[%swap3A_281, %swap3A_282], %swap3A_285 {strides = array<i32>} : memref<2x128xi32, #tpu.memory_space<vmem>>, vector<1x16xi32>,
        %get3A_286 = arith.constant 1 : i32
        %get3A_287 = arith.index_cast %get3A_286 : i32 to index
        %get3A_288 = arith.constant 32 : index
        %get3A_289 = tpu.vector_load %arg6[%get3A_287, %get3A_288] {strides = array<i32>} : memref<2x64xi32, #tpu.memory_space<vmem>>, vector<1x16xi32>,
        %get3A_290 = vector.shape_cast %get3A_289 : vector<1x16xi32> to vector<16xi32>
        %get3A_291 = arith.constant 1 : i32
        %get3A_292 = arith.index_cast %get3A_291 : i32 to index
        %get3A_293 = arith.constant 32 : index
        %get3A_294 = tpu.vector_load %arg7[%get3A_292, %get3A_293] {strides = array<i32>} : memref<2x64xi32, #tpu.memory_space<vmem>>, vector<1x16xi32>,
        %get3A_295 = vector.shape_cast %get3A_294 : vector<1x16xi32> to vector<16xi32>
        %and3A_296 = arith.constant 65535 : i32
        %and3A_297 = vector.broadcast %and3A_296 : i32 to vector<16xi32>
        %and3A_298 = arith.andi %get3A_290, %and3A_297 : vector<16xi32>
        %swap3A_299 = arith.constant 1 : i32
        %swap3A_300 = arith.index_cast %swap3A_299 : i32 to index
        %swap3A_301 = arith.constant 64 : index
        %swap3A_302 = tpu.vector_load %arg8[%swap3A_300, %swap3A_301] {strides = array<i32>} : memref<2x128xi32, #tpu.memory_space<vmem>>, vector<1x16xi32>,
        %swap3A_303 = vector.shape_cast %swap3A_302 : vector<1x16xi32> to vector<16xi32>
        %swap3A_304 = vector.shape_cast %and3A_298 : vector<16xi32> to vector<1x16xi32>
        tpu.vector_store %arg8[%swap3A_300, %swap3A_301], %swap3A_304 {strides = array<i32>} : memref<2x128xi32, #tpu.memory_space<vmem>>, vector<1x16xi32>,
        %shift_right_arithmetic3A_305 = arith.constant 16 : i32
        %shift_right_arithmetic3A_306 = vector.broadcast %shift_right_arithmetic3A_305 : i32 to vector<16xi32>
        %shift_right_arithmetic3A_307 = arith.shrsi %get3A_290, %shift_right_arithmetic3A_306 : vector<16xi32>
        %swap3A_308 = arith.constant 1 : i32
        %swap3A_309 = arith.index_cast %swap3A_308 : i32 to index
        %swap3A_310 = arith.constant 80 : index
        %swap3A_311 = tpu.vector_load %arg8[%swap3A_309, %swap3A_310] {strides = array<i32>} : memref<2x128xi32, #tpu.memory_space<vmem>>, vector<1x16xi32>,
        %swap3A_312 = vector.shape_cast %swap3A_311 : vector<1x16xi32> to vector<16xi32>
        %swap3A_313 = vector.shape_cast %shift_right_arithmetic3A_307 : vector<16xi32> to vector<1x16xi32>
        tpu.vector_store %arg8[%swap3A_309, %swap3A_310], %swap3A_313 {strides = array<i32>} : memref<2x128xi32, #tpu.memory_space<vmem>>, vector<1x16xi32>,
        %and3A_314 = arith.constant 65535 : i32
        %and3A_315 = vector.broadcast %and3A_314 : i32 to vector<16xi32>
        %and3A_316 = arith.andi %get3A_295, %and3A_315 : vector<16xi32>
        %swap3A_317 = arith.constant 1 : i32
        %swap3A_318 = arith.index_cast %swap3A_317 : i32 to index
        %swap3A_319 = arith.constant 64 : index
        %swap3A_320 = tpu.vector_load %arg9[%swap3A_318, %swap3A_319] {strides = array<i32>} : memref<2x128xi32, #tpu.memory_space<vmem>>, vector<1x16xi32>,
        %swap3A_321 = vector.shape_cast %swap3A_320 : vector<1x16xi32> to vector<16xi32>
        %swap3A_322 = vector.shape_cast %and3A_316 : vector<16xi32> to vector<1x16xi32>
        tpu.vector_store %arg9[%swap3A_318, %swap3A_319], %swap3A_322 {strides = array<i32>} : memref<2x128xi32, #tpu.memory_space<vmem>>, vector<1x16xi32>,
        %shift_right_arithmetic3A_323 = arith.constant 16 : i32
        %shift_right_arithmetic3A_324 = vector.broadcast %shift_right_arithmetic3A_323 : i32 to vector<16xi32>
        %shift_right_arithmetic3A_325 = arith.shrsi %get3A_295, %shift_right_arithmetic3A_324 : vector<16xi32>
        %swap3A_326 = arith.constant 1 : i32
        %swap3A_327 = arith.index_cast %swap3A_326 : i32 to index
        %swap3A_328 = arith.constant 80 : index
        %swap3A_329 = tpu.vector_load %arg9[%swap3A_327, %swap3A_328] {strides = array<i32>} : memref<2x128xi32, #tpu.memory_space<vmem>>, vector<1x16xi32>,
        %swap3A_330 = vector.shape_cast %swap3A_329 : vector<1x16xi32> to vector<16xi32>
        %swap3A_331 = vector.shape_cast %shift_right_arithmetic3A_325 : vector<16xi32> to vector<1x16xi32>
        tpu.vector_store %arg9[%swap3A_327, %swap3A_328], %swap3A_331 {strides = array<i32>} : memref<2x128xi32, #tpu.memory_space<vmem>>, vector<1x16xi32>,
        %get3A_332 = arith.constant 1 : i32
        %get3A_333 = arith.index_cast %get3A_332 : i32 to index
        %get3A_334 = arith.constant 48 : index
        %get3A_335 = tpu.vector_load %arg6[%get3A_333, %get3A_334] {strides = array<i32>} : memref<2x64xi32, #tpu.memory_space<vmem>>, vector<1x16xi32>,
        %get3A_336 = vector.shape_cast %get3A_335 : vector<1x16xi32> to vector<16xi32>
        %get3A_337 = arith.constant 1 : i32
        %get3A_338 = arith.index_cast %get3A_337 : i32 to index
        %get3A_339 = arith.constant 48 : index
        %get3A_340 = tpu.vector_load %arg7[%get3A_338, %get3A_339] {strides = array<i32>} : memref<2x64xi32, #tpu.memory_space<vmem>>, vector<1x16xi32>,
        %get3A_341 = vector.shape_cast %get3A_340 : vector<1x16xi32> to vector<16xi32>
        %and3A_342 = arith.constant 65535 : i32
        %and3A_343 = vector.broadcast %and3A_342 : i32 to vector<16xi32>
        %and3A_344 = arith.andi %get3A_336, %and3A_343 : vector<16xi32>
        %swap3A_345 = arith.constant 1 : i32
        %swap3A_346 = arith.index_cast %swap3A_345 : i32 to index
        %swap3A_347 = arith.constant 96 : index
        %swap3A_348 = tpu.vector_load %arg8[%swap3A_346, %swap3A_347] {strides = array<i32>} : memref<2x128xi32, #tpu.memory_space<vmem>>, vector<1x16xi32>,
        %swap3A_349 = vector.shape_cast %swap3A_348 : vector<1x16xi32> to vector<16xi32>
        %swap3A_350 = vector.shape_cast %and3A_344 : vector<16xi32> to vector<1x16xi32>
        tpu.vector_store %arg8[%swap3A_346, %swap3A_347], %swap3A_350 {strides = array<i32>} : memref<2x128xi32, #tpu.memory_space<vmem>>, vector<1x16xi32>,
        %shift_right_arithmetic3A_351 = arith.constant 16 : i32
        %shift_right_arithmetic3A_352 = vector.broadcast %shift_right_arithmetic3A_351 : i32 to vector<16xi32>
        %shift_right_arithmetic3A_353 = arith.shrsi %get3A_336, %shift_right_arithmetic3A_352 : vector<16xi32>
        %swap3A_354 = arith.constant 1 : i32
        %swap3A_355 = arith.index_cast %swap3A_354 : i32 to index
        %swap3A_356 = arith.constant 112 : index
        %swap3A_357 = tpu.vector_load %arg8[%swap3A_355, %swap3A_356] {strides = array<i32>} : memref<2x128xi32, #tpu.memory_space<vmem>>, vector<1x16xi32>,
        %swap3A_358 = vector.shape_cast %swap3A_357 : vector<1x16xi32> to vector<16xi32>
        %swap3A_359 = vector.shape_cast %shift_right_arithmetic3A_353 : vector<16xi32> to vector<1x16xi32>
        tpu.vector_store %arg8[%swap3A_355, %swap3A_356], %swap3A_359 {strides = array<i32>} : memref<2x128xi32, #tpu.memory_space<vmem>>, vector<1x16xi32>,
        %and3A_360 = arith.constant 65535 : i32
        %and3A_361 = vector.broadcast %and3A_360 : i32 to vector<16xi32>
        %and3A_362 = arith.andi %get3A_341, %and3A_361 : vector<16xi32>
        %swap3A_363 = arith.constant 1 : i32
        %swap3A_364 = arith.index_cast %swap3A_363 : i32 to index
        %swap3A_365 = arith.constant 96 : index
        %swap3A_366 = tpu.vector_load %arg9[%swap3A_364, %swap3A_365] {strides = array<i32>} : memref<2x128xi32, #tpu.memory_space<vmem>>, vector<1x16xi32>,
        %swap3A_367 = vector.shape_cast %swap3A_366 : vector<1x16xi32> to vector<16xi32>
        %swap3A_368 = vector.shape_cast %and3A_362 : vector<16xi32> to vector<1x16xi32>
        tpu.vector_store %arg9[%swap3A_364, %swap3A_365], %swap3A_368 {strides = array<i32>} : memref<2x128xi32, #tpu.memory_space<vmem>>, vector<1x16xi32>,
        %shift_right_arithmetic3A_369 = arith.constant 16 : i32
        %shift_right_arithmetic3A_370 = vector.broadcast %shift_right_arithmetic3A_369 : i32 to vector<16xi32>
        %shift_right_arithmetic3A_371 = arith.shrsi %get3A_341, %shift_right_arithmetic3A_370 : vector<16xi32>
        %swap3A_372 = arith.constant 1 : i32
        %swap3A_373 = arith.index_cast %swap3A_372 : i32 to index
        %swap3A_374 = arith.constant 112 : index
        %swap3A_375 = tpu.vector_load %arg9[%swap3A_373, %swap3A_374] {strides = array<i32>} : memref<2x128xi32, #tpu.memory_space<vmem>>, vector<1x16xi32>,
        %swap3A_376 = vector.shape_cast %swap3A_375 : vector<1x16xi32> to vector<16xi32>
        %swap3A_377 = vector.shape_cast %shift_right_arithmetic3A_371 : vector<16xi32> to vector<1x16xi32>
        tpu.vector_store %arg9[%swap3A_373, %swap3A_374], %swap3A_377 {strides = array<i32>} : memref<2x128xi32, #tpu.memory_space<vmem>>, vector<1x16xi32>,
        %dma_start3A = arith.constant 1 : i32
        %dma_start3A_378 = arith.constant 1 : i32
        %dma_start3A_379 = arith.constant 1 : i32
        %dma_start3A_380 = arith.constant 0 : i32
        %dma_start3A_381 = arith.constant 0 : i32
        %dma_start3A_382 = tpu.memref_slice %arg10[%dma_start3A_378, %dma_start3A_380, %dma_start3A_381] : memref<2x128x128xf32, #tpu.memory_space<vmem>> -> memref<1x128x128xf32, #tpu.memory_space<vmem>>
        %dma_start3A_383 = tpu.memref_squeeze %dma_start3A_382 : memref<1x128x128xf32, #tpu.memory_space<vmem>> -> memref<128x128xf32, #tpu.memory_space<vmem>>
        %dma_start3A_384 = arith.constant 0 : i32
        %dma_start3A_385 = tpu.memref_slice %arg8[%dma_start3A, %dma_start3A_384] : memref<2x128xi32, #tpu.memory_space<vmem>> -> memref<1x128xi32, #tpu.memory_space<vmem>>
        %dma_start3A_386 = tpu.memref_squeeze %dma_start3A_385 : memref<1x128xi32, #tpu.memory_space<vmem>> -> memref<128xi32, #tpu.memory_space<vmem>>
        %dma_start3A_387 = arith.constant 0 : i32
        %dma_start3A_388 = arith.constant 0 : i32
        %dma_start3A_389 = tpu.memref_slice %arg3[%dma_start3A_387, %dma_start3A_388] : memref<10000x128xf32, #tpu.memory_space<hbm>> -> memref<10000x128xf32, #tpu.memory_space<hbm>>
        %dma_start3A_390 = tpu.memref_slice %arg12[%dma_start3A_379] : memref<2x!tpu.dma_semaphore, #tpu.memory_space<semaphore_mem>> -> memref<1x!tpu.dma_semaphore, #tpu.memory_space<semaphore_mem>>
        %dma_start3A_391 = tpu.memref_squeeze %dma_start3A_390 : memref<1x!tpu.dma_semaphore, #tpu.memory_space<semaphore_mem>> -> memref<!tpu.dma_semaphore, #tpu.memory_space<semaphore_mem>>
        tpu.enqueue_indirect_dma source(%dma_start3A_389 : memref<10000x128xf32, #tpu.memory_space<hbm>>) target(%dma_start3A_383 : memref<128x128xf32, #tpu.memory_space<vmem>>) offsets(%dma_start3A_386 : memref<128xi32, #tpu.memory_space<vmem>>) semaphore(%dma_start3A_391 : memref<!tpu.dma_semaphore, #tpu.memory_space<semaphore_mem>>)
      } else {
      }
      %add3A_121 = arith.constant 2 : i32
      %add3A_122 = arith.addi %mul3A_113, %add3A_121 : i32
      %lt3A_123 = arith.cmpi slt, %add3A_122, %select_n3A : i32
      %convert_element_type3A_124 = arith.extui %lt3A_123 : i1 to i32
      %cond3A_125 = arith.constant 0 : i32
      %cond3A_126 = arith.cmpi ne, %convert_element_type3A_124, %cond3A_125 : i32
      scf.if %cond3A_126 {
        %add3A_160 = arith.constant 2 : i32
        %add3A_161 = arith.addi %mul3A_113, %add3A_160 : i32
        %mul3A_162 = arith.constant 32 : i32
        %mul3A_163 = arith.muli %add3A_161, %mul3A_162 : i32
        %add3A_164 = arith.addi %mul3A_163, %add3A : i32
        %mul3A_165 = arith.constant 64 : i32
        %mul3A_166 = arith.muli %add3A_164, %mul3A_165 : i32
        %dma_start3A = arith.constant 0 : i32
        %dma_start3A_167 = arith.constant 0 : i32
        %dma_start3A_168 = arith.constant 0 : i32
        %dma_start3A_169 = arith.constant 0 : i32
        %dma_start3A_170 = tpu.memref_slice %arg6[%dma_start3A_167, %dma_start3A_169] : memref<2x64xi32, #tpu.memory_space<vmem>> -> memref<1x64xi32, #tpu.memory_space<vmem>>
        %dma_start3A_171 = tpu.memref_squeeze %dma_start3A_170 : memref<1x64xi32, #tpu.memory_space<vmem>> -> memref<64xi32, #tpu.memory_space<vmem>>
        %dma_start3A_172 = tpu.memref_slice %arg2[%dma_start3A, %mul3A_166] : memref<2x160000xi32, #tpu.memory_space<hbm>> -> memref<1x64xi32, #tpu.memory_space<hbm>>
        %dma_start3A_173 = tpu.memref_squeeze %dma_start3A_172 : memref<1x64xi32, #tpu.memory_space<hbm>> -> memref<64xi32, #tpu.memory_space<hbm>>
        %dma_start3A_174 = tpu.memref_slice %arg13[%dma_start3A_168] : memref<2x!tpu.dma_semaphore, #tpu.memory_space<semaphore_mem>> -> memref<1x!tpu.dma_semaphore, #tpu.memory_space<semaphore_mem>>
        %dma_start3A_175 = tpu.memref_squeeze %dma_start3A_174 : memref<1x!tpu.dma_semaphore, #tpu.memory_space<semaphore_mem>> -> memref<!tpu.dma_semaphore, #tpu.memory_space<semaphore_mem>>
        %dma_start3A_176 = arith.constant 0 : i32
        %dma_start3A_177 = tpu.memref_slice %arg6[%dma_start3A_167, %dma_start3A_176] : memref<2x64xi32, #tpu.memory_space<vmem>> -> memref<1x64xi32, #tpu.memory_space<vmem>>
        %dma_start3A_178 = tpu.memref_squeeze %dma_start3A_177 : memref<1x64xi32, #tpu.memory_space<vmem>> -> memref<64xi32, #tpu.memory_space<vmem>>
        %dma_start3A_179 = tpu.memref_slice %arg2[%dma_start3A, %mul3A_166] : memref<2x160000xi32, #tpu.memory_space<hbm>> -> memref<1x64xi32, #tpu.memory_space<hbm>>
        %dma_start3A_180 = tpu.memref_squeeze %dma_start3A_179 : memref<1x64xi32, #tpu.memory_space<hbm>> -> memref<64xi32, #tpu.memory_space<hbm>>
        tpu.enqueue_dma source(%dma_start3A_180 : memref<64xi32, #tpu.memory_space<hbm>>) target(%dma_start3A_178 : memref<64xi32, #tpu.memory_space<vmem>>) target_semaphore(%dma_start3A_175 : memref<!tpu.dma_semaphore, #tpu.memory_space<semaphore_mem>>)
        %mul3A_181 = arith.constant 64 : i32
        %mul3A_182 = arith.muli %add3A_164, %mul3A_181 : i32
        %dma_start3A_183 = arith.constant 1 : i32
        %dma_start3A_184 = arith.constant 0 : i32
        %dma_start3A_185 = arith.constant 0 : i32
        %dma_start3A_186 = arith.constant 0 : i32
        %dma_start3A_187 = tpu.memref_slice %arg7[%dma_start3A_184, %dma_start3A_186] : memref<2x64xi32, #tpu.memory_space<vmem>> -> memref<1x64xi32, #tpu.memory_space<vmem>>
        %dma_start3A_188 = tpu.memref_squeeze %dma_start3A_187 : memref<1x64xi32, #tpu.memory_space<vmem>> -> memref<64xi32, #tpu.memory_space<vmem>>
        %dma_start3A_189 = tpu.memref_slice %arg2[%dma_start3A_183, %mul3A_182] : memref<2x160000xi32, #tpu.memory_space<hbm>> -> memref<1x64xi32, #tpu.memory_space<hbm>>
        %dma_start3A_190 = tpu.memref_squeeze %dma_start3A_189 : memref<1x64xi32, #tpu.memory_space<hbm>> -> memref<64xi32, #tpu.memory_space<hbm>>
        %dma_start3A_191 = tpu.memref_slice %arg13[%dma_start3A_185] : memref<2x!tpu.dma_semaphore, #tpu.memory_space<semaphore_mem>> -> memref<1x!tpu.dma_semaphore, #tpu.memory_space<semaphore_mem>>
        %dma_start3A_192 = tpu.memref_squeeze %dma_start3A_191 : memref<1x!tpu.dma_semaphore, #tpu.memory_space<semaphore_mem>> -> memref<!tpu.dma_semaphore, #tpu.memory_space<semaphore_mem>>
        %dma_start3A_193 = arith.constant 0 : i32
        %dma_start3A_194 = tpu.memref_slice %arg7[%dma_start3A_184, %dma_start3A_193] : memref<2x64xi32, #tpu.memory_space<vmem>> -> memref<1x64xi32, #tpu.memory_space<vmem>>
        %dma_start3A_195 = tpu.memref_squeeze %dma_start3A_194 : memref<1x64xi32, #tpu.memory_space<vmem>> -> memref<64xi32, #tpu.memory_space<vmem>>
        %dma_start3A_196 = tpu.memref_slice %arg2[%dma_start3A_183, %mul3A_182] : memref<2x160000xi32, #tpu.memory_space<hbm>> -> memref<1x64xi32, #tpu.memory_space<hbm>>
        %dma_start3A_197 = tpu.memref_squeeze %dma_start3A_196 : memref<1x64xi32, #tpu.memory_space<hbm>> -> memref<64xi32, #tpu.memory_space<hbm>>
        tpu.enqueue_dma source(%dma_start3A_197 : memref<64xi32, #tpu.memory_space<hbm>>) target(%dma_start3A_195 : memref<64xi32, #tpu.memory_space<vmem>>) target_semaphore(%dma_start3A_192 : memref<!tpu.dma_semaphore, #tpu.memory_space<semaphore_mem>>)
      } else {
      }
      %dma_wait3A = arith.constant 0 : i32
      %dma_wait3A_127 = arith.constant 0 : i32
      %dma_wait3A_128 = arith.constant 0 : i32
      %dma_wait3A_129 = arith.constant 0 : i32
      %dma_wait3A_130 = arith.constant 0 : i32
      %dma_wait3A_131 = tpu.memref_slice %arg10[%dma_wait3A_127, %dma_wait3A_129, %dma_wait3A_130] : memref<2x128x128xf32, #tpu.memory_space<vmem>> -> memref<1x128x128xf32, #tpu.memory_space<vmem>>
      %dma_wait3A_132 = tpu.memref_squeeze %dma_wait3A_131 : memref<1x128x128xf32, #tpu.memory_space<vmem>> -> memref<128x128xf32, #tpu.memory_space<vmem>>
      %dma_wait3A_133 = arith.constant 0 : i32
      %dma_wait3A_134 = tpu.memref_slice %arg8[%dma_wait3A, %dma_wait3A_133] : memref<2x128xi32, #tpu.memory_space<vmem>> -> memref<1x128xi32, #tpu.memory_space<vmem>>
      %dma_wait3A_135 = tpu.memref_squeeze %dma_wait3A_134 : memref<1x128xi32, #tpu.memory_space<vmem>> -> memref<128xi32, #tpu.memory_space<vmem>>
      %dma_wait3A_136 = arith.constant 0 : i32
      %dma_wait3A_137 = arith.constant 0 : i32
      %dma_wait3A_138 = tpu.memref_slice %arg3[%dma_wait3A_136, %dma_wait3A_137] : memref<10000x128xf32, #tpu.memory_space<hbm>> -> memref<10000x128xf32, #tpu.memory_space<hbm>>
      %dma_wait3A_139 = tpu.memref_slice %arg12[%dma_wait3A_128] : memref<2x!tpu.dma_semaphore, #tpu.memory_space<semaphore_mem>> -> memref<1x!tpu.dma_semaphore, #tpu.memory_space<semaphore_mem>>
      %dma_wait3A_140 = tpu.memref_squeeze %dma_wait3A_139 : memref<1x!tpu.dma_semaphore, #tpu.memory_space<semaphore_mem>> -> memref<!tpu.dma_semaphore, #tpu.memory_space<semaphore_mem>>
      tpu.wait_indirect_dma semaphore(%dma_wait3A_140 : memref<!tpu.dma_semaphore, #tpu.memory_space<semaphore_mem>>) src(%dma_wait3A_138 : memref<10000x128xf32, #tpu.memory_space<hbm>>) dst(%dma_wait3A_132 : memref<128x128xf32, #tpu.memory_space<vmem>>)
      %run_scoped3A_141 = arith.constant 0 : i32
      %run_scoped3A_142 = arith.constant 0 : i32
      "tpu.region"() ({
        %run_scoped3A_160 = tpu.sem_alloc : memref<!tpu.dma_semaphore, #tpu.memory_space<semaphore_mem>>
        %dma_start3A = arith.constant 0 : i32
        %dma_start3A_161 = arith.constant 0 : i32
        %dma_start3A_162 = tpu.memref_slice %arg10[%run_scoped3A_141, %dma_start3A, %dma_start3A_161] : memref<2x128x128xf32, #tpu.memory_space<vmem>> -> memref<1x128x128xf32, #tpu.memory_space<vmem>>
        %dma_start3A_163 = tpu.memref_squeeze %dma_start3A_162 : memref<1x128x128xf32, #tpu.memory_space<vmem>> -> memref<128x128xf32, #tpu.memory_space<vmem>>
        %dma_start3A_164 = arith.constant 0 : i32
        %dma_start3A_165 = tpu.memref_slice %arg9[%run_scoped3A_142, %dma_start3A_164] : memref<2x128xi32, #tpu.memory_space<vmem>> -> memref<1x128xi32, #tpu.memory_space<vmem>>
        %dma_start3A_166 = tpu.memref_squeeze %dma_start3A_165 : memref<1x128xi32, #tpu.memory_space<vmem>> -> memref<128xi32, #tpu.memory_space<vmem>>
        %dma_start3A_167 = arith.constant 0 : i32
        %dma_start3A_168 = arith.constant 0 : i32
        %dma_start3A_169 = tpu.memref_slice %arg11[%dma_start3A_167, %dma_start3A_168] : memref<10112x128xf32, #tpu.memory_space<vmem_shared>> -> memref<10112x128xf32, #tpu.memory_space<vmem_shared>>
        tpu.enqueue_indirect_dma source(%dma_start3A_163 : memref<128x128xf32, #tpu.memory_space<vmem>>) target(%dma_start3A_169 : memref<10112x128xf32, #tpu.memory_space<vmem_shared>>) offsets(%dma_start3A_166 : memref<128xi32, #tpu.memory_space<vmem>>) semaphore(%run_scoped3A_160 : memref<!tpu.dma_semaphore, #tpu.memory_space<semaphore_mem>>) {add = true}
        %dma_wait3A_170 = arith.constant 0 : i32
        %dma_wait3A_171 = arith.constant 0 : i32
        %dma_wait3A_172 = tpu.memref_slice %arg10[%run_scoped3A_141, %dma_wait3A_170, %dma_wait3A_171] : memref<2x128x128xf32, #tpu.memory_space<vmem>> -> memref<1x128x128xf32, #tpu.memory_space<vmem>>
        %dma_wait3A_173 = tpu.memref_squeeze %dma_wait3A_172 : memref<1x128x128xf32, #tpu.memory_space<vmem>> -> memref<128x128xf32, #tpu.memory_space<vmem>>
        %dma_wait3A_174 = arith.constant 0 : i32
        %dma_wait3A_175 = tpu.memref_slice %arg9[%run_scoped3A_142, %dma_wait3A_174] : memref<2x128xi32, #tpu.memory_space<vmem>> -> memref<1x128xi32, #tpu.memory_space<vmem>>
        %dma_wait3A_176 = tpu.memref_squeeze %dma_wait3A_175 : memref<1x128xi32, #tpu.memory_space<vmem>> -> memref<128xi32, #tpu.memory_space<vmem>>
        %dma_wait3A_177 = arith.constant 0 : i32
        %dma_wait3A_178 = arith.constant 0 : i32
        %dma_wait3A_179 = tpu.memref_slice %arg11[%dma_wait3A_177, %dma_wait3A_178] : memref<10112x128xf32, #tpu.memory_space<vmem_shared>> -> memref<10112x128xf32, #tpu.memory_space<vmem_shared>>
        tpu.wait_indirect_dma semaphore(%run_scoped3A_160 : memref<!tpu.dma_semaphore, #tpu.memory_space<semaphore_mem>>) src(%dma_wait3A_173 : memref<128x128xf32, #tpu.memory_space<vmem>>) dst(%dma_wait3A_179 : memref<10112x128xf32, #tpu.memory_space<vmem_shared>>)
        tpu.yield
      }) : () -> ()
      %add3A_143 = arith.constant 2 : i32
      %add3A_144 = arith.addi %mul3A_113, %add3A_143 : i32
      %lt3A_145 = arith.cmpi slt, %add3A_144, %select_n3A : i32
      %convert_element_type3A_146 = arith.extui %lt3A_145 : i1 to i32
      %cond3A_147 = arith.constant 0 : i32
      %cond3A_148 = arith.cmpi ne, %convert_element_type3A_146, %cond3A_147 : i32
      scf.if %cond3A_148 {
        %add3A_160 = arith.constant 2 : i32
        %add3A_161 = arith.addi %mul3A_113, %add3A_160 : i32
        %mul3A_162 = arith.constant 32 : i32
        %mul3A_163 = arith.muli %add3A_161, %mul3A_162 : i32
        %add3A_164 = arith.addi %mul3A_163, %add3A : i32
        %mul3A_165 = arith.constant 64 : i32
        %mul3A_166 = arith.muli %add3A_164, %mul3A_165 : i32
        %dma_wait3A_167 = arith.constant 0 : i32
        %dma_wait3A_168 = arith.constant 0 : i32
        %dma_wait3A_169 = arith.constant 0 : i32
        %dma_wait3A_170 = arith.constant 0 : i32
        %dma_wait3A_171 = tpu.memref_slice %arg6[%dma_wait3A_168, %dma_wait3A_170] : memref<2x64xi32, #tpu.memory_space<vmem>> -> memref<1x64xi32, #tpu.memory_space<vmem>>
        %dma_wait3A_172 = tpu.memref_squeeze %dma_wait3A_171 : memref<1x64xi32, #tpu.memory_space<vmem>> -> memref<64xi32, #tpu.memory_space<vmem>>
        %dma_wait3A_173 = tpu.memref_slice %arg2[%dma_wait3A_167, %mul3A_166] : memref<2x160000xi32, #tpu.memory_space<hbm>> -> memref<1x64xi32, #tpu.memory_space<hbm>>
        %dma_wait3A_174 = tpu.memref_squeeze %dma_wait3A_173 : memref<1x64xi32, #tpu.memory_space<hbm>> -> memref<64xi32, #tpu.memory_space<hbm>>
        %dma_wait3A_175 = tpu.memref_slice %arg13[%dma_wait3A_169] : memref<2x!tpu.dma_semaphore, #tpu.memory_space<semaphore_mem>> -> memref<1x!tpu.dma_semaphore, #tpu.memory_space<semaphore_mem>>
        %dma_wait3A_176 = tpu.memref_squeeze %dma_wait3A_175 : memref<1x!tpu.dma_semaphore, #tpu.memory_space<semaphore_mem>> -> memref<!tpu.dma_semaphore, #tpu.memory_space<semaphore_mem>>
        %dma_wait3A_177 = arith.constant 0 : i32
        %dma_wait3A_178 = tpu.memref_slice %arg6[%dma_wait3A_168, %dma_wait3A_177] : memref<2x64xi32, #tpu.memory_space<vmem>> -> memref<1x64xi32, #tpu.memory_space<vmem>>
        %dma_wait3A_179 = tpu.memref_squeeze %dma_wait3A_178 : memref<1x64xi32, #tpu.memory_space<vmem>> -> memref<64xi32, #tpu.memory_space<vmem>>
        %dma_wait3A_180 = tpu.memref_slice %arg2[%dma_wait3A_167, %mul3A_166] : memref<2x160000xi32, #tpu.memory_space<hbm>> -> memref<1x64xi32, #tpu.memory_space<hbm>>
        %dma_wait3A_181 = tpu.memref_squeeze %dma_wait3A_180 : memref<1x64xi32, #tpu.memory_space<hbm>> -> memref<64xi32, #tpu.memory_space<hbm>>
        tpu.wait_dma2 semaphore(%dma_wait3A_176 : memref<!tpu.dma_semaphore, #tpu.memory_space<semaphore_mem>>) src(%dma_wait3A_181 : memref<64xi32, #tpu.memory_space<hbm>>) dst(%dma_wait3A_179 : memref<64xi32, #tpu.memory_space<vmem>>)
        %mul3A_182 = arith.constant 64 : i32
        %mul3A_183 = arith.muli %add3A_164, %mul3A_182 : i32
        %dma_wait3A_184 = arith.constant 1 : i32
        %dma_wait3A_185 = arith.constant 0 : i32
        %dma_wait3A_186 = arith.constant 0 : i32
        %dma_wait3A_187 = arith.constant 0 : i32
        %dma_wait3A_188 = tpu.memref_slice %arg7[%dma_wait3A_185, %dma_wait3A_187] : memref<2x64xi32, #tpu.memory_space<vmem>> -> memref<1x64xi32, #tpu.memory_space<vmem>>
        %dma_wait3A_189 = tpu.memref_squeeze %dma_wait3A_188 : memref<1x64xi32, #tpu.memory_space<vmem>> -> memref<64xi32, #tpu.memory_space<vmem>>
        %dma_wait3A_190 = tpu.memref_slice %arg2[%dma_wait3A_184, %mul3A_183] : memref<2x160000xi32, #tpu.memory_space<hbm>> -> memref<1x64xi32, #tpu.memory_space<hbm>>
        %dma_wait3A_191 = tpu.memref_squeeze %dma_wait3A_190 : memref<1x64xi32, #tpu.memory_space<hbm>> -> memref<64xi32, #tpu.memory_space<hbm>>
        %dma_wait3A_192 = tpu.memref_slice %arg13[%dma_wait3A_186] : memref<2x!tpu.dma_semaphore, #tpu.memory_space<semaphore_mem>> -> memref<1x!tpu.dma_semaphore, #tpu.memory_space<semaphore_mem>>
        %dma_wait3A_193 = tpu.memref_squeeze %dma_wait3A_192 : memref<1x!tpu.dma_semaphore, #tpu.memory_space<semaphore_mem>> -> memref<!tpu.dma_semaphore, #tpu.memory_space<semaphore_mem>>
        %dma_wait3A_194 = arith.constant 0 : i32
        %dma_wait3A_195 = tpu.memref_slice %arg7[%dma_wait3A_185, %dma_wait3A_194] : memref<2x64xi32, #tpu.memory_space<vmem>> -> memref<1x64xi32, #tpu.memory_space<vmem>>
        %dma_wait3A_196 = tpu.memref_squeeze %dma_wait3A_195 : memref<1x64xi32, #tpu.memory_space<vmem>> -> memref<64xi32, #tpu.memory_space<vmem>>
        %dma_wait3A_197 = tpu.memref_slice %arg2[%dma_wait3A_184, %mul3A_183] : memref<2x160000xi32, #tpu.memory_space<hbm>> -> memref<1x64xi32, #tpu.memory_space<hbm>>
        %dma_wait3A_198 = tpu.memref_squeeze %dma_wait3A_197 : memref<1x64xi32, #tpu.memory_space<hbm>> -> memref<64xi32, #tpu.memory_space<hbm>>
        tpu.wait_dma2 semaphore(%dma_wait3A_193 : memref<!tpu.dma_semaphore, #tpu.memory_space<semaphore_mem>>) src(%dma_wait3A_198 : memref<64xi32, #tpu.memory_space<hbm>>) dst(%dma_wait3A_196 : memref<64xi32, #tpu.memory_space<vmem>>)
        %get3A = arith.constant 0 : i32
        %get3A_199 = arith.index_cast %get3A : i32 to index
        %get3A_200 = arith.constant 0 : index
        %get3A_201 = tpu.vector_load %arg6[%get3A_199, %get3A_200] {strides = array<i32>} : memref<2x64xi32, #tpu.memory_space<vmem>>, vector<1x16xi32>,
        %get3A_202 = vector.shape_cast %get3A_201 : vector<1x16xi32> to vector<16xi32>
        %get3A_203 = arith.constant 0 : i32
        %get3A_204 = arith.index_cast %get3A_203 : i32 to index
        %get3A_205 = arith.constant 0 : index
        %get3A_206 = tpu.vector_load %arg7[%get3A_204, %get3A_205] {strides = array<i32>} : memref<2x64xi32, #tpu.memory_space<vmem>>, vector<1x16xi32>,
        %get3A_207 = vector.shape_cast %get3A_206 : vector<1x16xi32> to vector<16xi32>
        %and3A_208 = arith.constant 65535 : i32
        %and3A_209 = vector.broadcast %and3A_208 : i32 to vector<16xi32>
        %and3A_210 = arith.andi %get3A_202, %and3A_209 : vector<16xi32>
        %swap3A = arith.constant 0 : i32
        %swap3A_211 = arith.index_cast %swap3A : i32 to index
        %swap3A_212 = arith.constant 0 : index
        %swap3A_213 = tpu.vector_load %arg8[%swap3A_211, %swap3A_212] {strides = array<i32>} : memref<2x128xi32, #tpu.memory_space<vmem>>, vector<1x16xi32>,
        %swap3A_214 = vector.shape_cast %swap3A_213 : vector<1x16xi32> to vector<16xi32>
        %swap3A_215 = vector.shape_cast %and3A_210 : vector<16xi32> to vector<1x16xi32>
        tpu.vector_store %arg8[%swap3A_211, %swap3A_212], %swap3A_215 {strides = array<i32>} : memref<2x128xi32, #tpu.memory_space<vmem>>, vector<1x16xi32>,
        %shift_right_arithmetic3A = arith.constant 16 : i32
        %shift_right_arithmetic3A_216 = vector.broadcast %shift_right_arithmetic3A : i32 to vector<16xi32>
        %shift_right_arithmetic3A_217 = arith.shrsi %get3A_202, %shift_right_arithmetic3A_216 : vector<16xi32>
        %swap3A_218 = arith.constant 0 : i32
        %swap3A_219 = arith.index_cast %swap3A_218 : i32 to index
        %swap3A_220 = arith.constant 16 : index
        %swap3A_221 = tpu.vector_load %arg8[%swap3A_219, %swap3A_220] {strides = array<i32>} : memref<2x128xi32, #tpu.memory_space<vmem>>, vector<1x16xi32>,
        %swap3A_222 = vector.shape_cast %swap3A_221 : vector<1x16xi32> to vector<16xi32>
        %swap3A_223 = vector.shape_cast %shift_right_arithmetic3A_217 : vector<16xi32> to vector<1x16xi32>
        tpu.vector_store %arg8[%swap3A_219, %swap3A_220], %swap3A_223 {strides = array<i32>} : memref<2x128xi32, #tpu.memory_space<vmem>>, vector<1x16xi32>,
        %and3A_224 = arith.constant 65535 : i32
        %and3A_225 = vector.broadcast %and3A_224 : i32 to vector<16xi32>
        %and3A_226 = arith.andi %get3A_207, %and3A_225 : vector<16xi32>
        %swap3A_227 = arith.constant 0 : i32
        %swap3A_228 = arith.index_cast %swap3A_227 : i32 to index
        %swap3A_229 = arith.constant 0 : index
        %swap3A_230 = tpu.vector_load %arg9[%swap3A_228, %swap3A_229] {strides = array<i32>} : memref<2x128xi32, #tpu.memory_space<vmem>>, vector<1x16xi32>,
        %swap3A_231 = vector.shape_cast %swap3A_230 : vector<1x16xi32> to vector<16xi32>
        %swap3A_232 = vector.shape_cast %and3A_226 : vector<16xi32> to vector<1x16xi32>
        tpu.vector_store %arg9[%swap3A_228, %swap3A_229], %swap3A_232 {strides = array<i32>} : memref<2x128xi32, #tpu.memory_space<vmem>>, vector<1x16xi32>,
        %shift_right_arithmetic3A_233 = arith.constant 16 : i32
        %shift_right_arithmetic3A_234 = vector.broadcast %shift_right_arithmetic3A_233 : i32 to vector<16xi32>
        %shift_right_arithmetic3A_235 = arith.shrsi %get3A_207, %shift_right_arithmetic3A_234 : vector<16xi32>
        %swap3A_236 = arith.constant 0 : i32
        %swap3A_237 = arith.index_cast %swap3A_236 : i32 to index
        %swap3A_238 = arith.constant 16 : index
        %swap3A_239 = tpu.vector_load %arg9[%swap3A_237, %swap3A_238] {strides = array<i32>} : memref<2x128xi32, #tpu.memory_space<vmem>>, vector<1x16xi32>,
        %swap3A_240 = vector.shape_cast %swap3A_239 : vector<1x16xi32> to vector<16xi32>
        %swap3A_241 = vector.shape_cast %shift_right_arithmetic3A_235 : vector<16xi32> to vector<1x16xi32>
        tpu.vector_store %arg9[%swap3A_237, %swap3A_238], %swap3A_241 {strides = array<i32>} : memref<2x128xi32, #tpu.memory_space<vmem>>, vector<1x16xi32>,
        %get3A_242 = arith.constant 0 : i32
        %get3A_243 = arith.index_cast %get3A_242 : i32 to index
        %get3A_244 = arith.constant 16 : index
        %get3A_245 = tpu.vector_load %arg6[%get3A_243, %get3A_244] {strides = array<i32>} : memref<2x64xi32, #tpu.memory_space<vmem>>, vector<1x16xi32>,
        %get3A_246 = vector.shape_cast %get3A_245 : vector<1x16xi32> to vector<16xi32>
        %get3A_247 = arith.constant 0 : i32
        %get3A_248 = arith.index_cast %get3A_247 : i32 to index
        %get3A_249 = arith.constant 16 : index
        %get3A_250 = tpu.vector_load %arg7[%get3A_248, %get3A_249] {strides = array<i32>} : memref<2x64xi32, #tpu.memory_space<vmem>>, vector<1x16xi32>,
        %get3A_251 = vector.shape_cast %get3A_250 : vector<1x16xi32> to vector<16xi32>
        %and3A_252 = arith.constant 65535 : i32
        %and3A_253 = vector.broadcast %and3A_252 : i32 to vector<16xi32>
        %and3A_254 = arith.andi %get3A_246, %and3A_253 : vector<16xi32>
        %swap3A_255 = arith.constant 0 : i32
        %swap3A_256 = arith.index_cast %swap3A_255 : i32 to index
        %swap3A_257 = arith.constant 32 : index
        %swap3A_258 = tpu.vector_load %arg8[%swap3A_256, %swap3A_257] {strides = array<i32>} : memref<2x128xi32, #tpu.memory_space<vmem>>, vector<1x16xi32>,
        %swap3A_259 = vector.shape_cast %swap3A_258 : vector<1x16xi32> to vector<16xi32>
        %swap3A_260 = vector.shape_cast %and3A_254 : vector<16xi32> to vector<1x16xi32>
        tpu.vector_store %arg8[%swap3A_256, %swap3A_257], %swap3A_260 {strides = array<i32>} : memref<2x128xi32, #tpu.memory_space<vmem>>, vector<1x16xi32>,
        %shift_right_arithmetic3A_261 = arith.constant 16 : i32
        %shift_right_arithmetic3A_262 = vector.broadcast %shift_right_arithmetic3A_261 : i32 to vector<16xi32>
        %shift_right_arithmetic3A_263 = arith.shrsi %get3A_246, %shift_right_arithmetic3A_262 : vector<16xi32>
        %swap3A_264 = arith.constant 0 : i32
        %swap3A_265 = arith.index_cast %swap3A_264 : i32 to index
        %swap3A_266 = arith.constant 48 : index
        %swap3A_267 = tpu.vector_load %arg8[%swap3A_265, %swap3A_266] {strides = array<i32>} : memref<2x128xi32, #tpu.memory_space<vmem>>, vector<1x16xi32>,
        %swap3A_268 = vector.shape_cast %swap3A_267 : vector<1x16xi32> to vector<16xi32>
        %swap3A_269 = vector.shape_cast %shift_right_arithmetic3A_263 : vector<16xi32> to vector<1x16xi32>
        tpu.vector_store %arg8[%swap3A_265, %swap3A_266], %swap3A_269 {strides = array<i32>} : memref<2x128xi32, #tpu.memory_space<vmem>>, vector<1x16xi32>,
        %and3A_270 = arith.constant 65535 : i32
        %and3A_271 = vector.broadcast %and3A_270 : i32 to vector<16xi32>
        %and3A_272 = arith.andi %get3A_251, %and3A_271 : vector<16xi32>
        %swap3A_273 = arith.constant 0 : i32
        %swap3A_274 = arith.index_cast %swap3A_273 : i32 to index
        %swap3A_275 = arith.constant 32 : index
        %swap3A_276 = tpu.vector_load %arg9[%swap3A_274, %swap3A_275] {strides = array<i32>} : memref<2x128xi32, #tpu.memory_space<vmem>>, vector<1x16xi32>,
        %swap3A_277 = vector.shape_cast %swap3A_276 : vector<1x16xi32> to vector<16xi32>
        %swap3A_278 = vector.shape_cast %and3A_272 : vector<16xi32> to vector<1x16xi32>
        tpu.vector_store %arg9[%swap3A_274, %swap3A_275], %swap3A_278 {strides = array<i32>} : memref<2x128xi32, #tpu.memory_space<vmem>>, vector<1x16xi32>,
        %shift_right_arithmetic3A_279 = arith.constant 16 : i32
        %shift_right_arithmetic3A_280 = vector.broadcast %shift_right_arithmetic3A_279 : i32 to vector<16xi32>
        %shift_right_arithmetic3A_281 = arith.shrsi %get3A_251, %shift_right_arithmetic3A_280 : vector<16xi32>
        %swap3A_282 = arith.constant 0 : i32
        %swap3A_283 = arith.index_cast %swap3A_282 : i32 to index
        %swap3A_284 = arith.constant 48 : index
        %swap3A_285 = tpu.vector_load %arg9[%swap3A_283, %swap3A_284] {strides = array<i32>} : memref<2x128xi32, #tpu.memory_space<vmem>>, vector<1x16xi32>,
        %swap3A_286 = vector.shape_cast %swap3A_285 : vector<1x16xi32> to vector<16xi32>
        %swap3A_287 = vector.shape_cast %shift_right_arithmetic3A_281 : vector<16xi32> to vector<1x16xi32>
        tpu.vector_store %arg9[%swap3A_283, %swap3A_284], %swap3A_287 {strides = array<i32>} : memref<2x128xi32, #tpu.memory_space<vmem>>, vector<1x16xi32>,
        %get3A_288 = arith.constant 0 : i32
        %get3A_289 = arith.index_cast %get3A_288 : i32 to index
        %get3A_290 = arith.constant 32 : index
        %get3A_291 = tpu.vector_load %arg6[%get3A_289, %get3A_290] {strides = array<i32>} : memref<2x64xi32, #tpu.memory_space<vmem>>, vector<1x16xi32>,
        %get3A_292 = vector.shape_cast %get3A_291 : vector<1x16xi32> to vector<16xi32>
        %get3A_293 = arith.constant 0 : i32
        %get3A_294 = arith.index_cast %get3A_293 : i32 to index
        %get3A_295 = arith.constant 32 : index
        %get3A_296 = tpu.vector_load %arg7[%get3A_294, %get3A_295] {strides = array<i32>} : memref<2x64xi32, #tpu.memory_space<vmem>>, vector<1x16xi32>,
        %get3A_297 = vector.shape_cast %get3A_296 : vector<1x16xi32> to vector<16xi32>
        %and3A_298 = arith.constant 65535 : i32
        %and3A_299 = vector.broadcast %and3A_298 : i32 to vector<16xi32>
        %and3A_300 = arith.andi %get3A_292, %and3A_299 : vector<16xi32>
        %swap3A_301 = arith.constant 0 : i32
        %swap3A_302 = arith.index_cast %swap3A_301 : i32 to index
        %swap3A_303 = arith.constant 64 : index
        %swap3A_304 = tpu.vector_load %arg8[%swap3A_302, %swap3A_303] {strides = array<i32>} : memref<2x128xi32, #tpu.memory_space<vmem>>, vector<1x16xi32>,
        %swap3A_305 = vector.shape_cast %swap3A_304 : vector<1x16xi32> to vector<16xi32>
        %swap3A_306 = vector.shape_cast %and3A_300 : vector<16xi32> to vector<1x16xi32>
        tpu.vector_store %arg8[%swap3A_302, %swap3A_303], %swap3A_306 {strides = array<i32>} : memref<2x128xi32, #tpu.memory_space<vmem>>, vector<1x16xi32>,
        %shift_right_arithmetic3A_307 = arith.constant 16 : i32
        %shift_right_arithmetic3A_308 = vector.broadcast %shift_right_arithmetic3A_307 : i32 to vector<16xi32>
        %shift_right_arithmetic3A_309 = arith.shrsi %get3A_292, %shift_right_arithmetic3A_308 : vector<16xi32>
        %swap3A_310 = arith.constant 0 : i32
        %swap3A_311 = arith.index_cast %swap3A_310 : i32 to index
        %swap3A_312 = arith.constant 80 : index
        %swap3A_313 = tpu.vector_load %arg8[%swap3A_311, %swap3A_312] {strides = array<i32>} : memref<2x128xi32, #tpu.memory_space<vmem>>, vector<1x16xi32>,
        %swap3A_314 = vector.shape_cast %swap3A_313 : vector<1x16xi32> to vector<16xi32>
        %swap3A_315 = vector.shape_cast %shift_right_arithmetic3A_309 : vector<16xi32> to vector<1x16xi32>
        tpu.vector_store %arg8[%swap3A_311, %swap3A_312], %swap3A_315 {strides = array<i32>} : memref<2x128xi32, #tpu.memory_space<vmem>>, vector<1x16xi32>,
        %and3A_316 = arith.constant 65535 : i32
        %and3A_317 = vector.broadcast %and3A_316 : i32 to vector<16xi32>
        %and3A_318 = arith.andi %get3A_297, %and3A_317 : vector<16xi32>
        %swap3A_319 = arith.constant 0 : i32
        %swap3A_320 = arith.index_cast %swap3A_319 : i32 to index
        %swap3A_321 = arith.constant 64 : index
        %swap3A_322 = tpu.vector_load %arg9[%swap3A_320, %swap3A_321] {strides = array<i32>} : memref<2x128xi32, #tpu.memory_space<vmem>>, vector<1x16xi32>,
        %swap3A_323 = vector.shape_cast %swap3A_322 : vector<1x16xi32> to vector<16xi32>
        %swap3A_324 = vector.shape_cast %and3A_318 : vector<16xi32> to vector<1x16xi32>
        tpu.vector_store %arg9[%swap3A_320, %swap3A_321], %swap3A_324 {strides = array<i32>} : memref<2x128xi32, #tpu.memory_space<vmem>>, vector<1x16xi32>,
        %shift_right_arithmetic3A_325 = arith.constant 16 : i32
        %shift_right_arithmetic3A_326 = vector.broadcast %shift_right_arithmetic3A_325 : i32 to vector<16xi32>
        %shift_right_arithmetic3A_327 = arith.shrsi %get3A_297, %shift_right_arithmetic3A_326 : vector<16xi32>
        %swap3A_328 = arith.constant 0 : i32
        %swap3A_329 = arith.index_cast %swap3A_328 : i32 to index
        %swap3A_330 = arith.constant 80 : index
        %swap3A_331 = tpu.vector_load %arg9[%swap3A_329, %swap3A_330] {strides = array<i32>} : memref<2x128xi32, #tpu.memory_space<vmem>>, vector<1x16xi32>,
        %swap3A_332 = vector.shape_cast %swap3A_331 : vector<1x16xi32> to vector<16xi32>
        %swap3A_333 = vector.shape_cast %shift_right_arithmetic3A_327 : vector<16xi32> to vector<1x16xi32>
        tpu.vector_store %arg9[%swap3A_329, %swap3A_330], %swap3A_333 {strides = array<i32>} : memref<2x128xi32, #tpu.memory_space<vmem>>, vector<1x16xi32>,
        %get3A_334 = arith.constant 0 : i32
        %get3A_335 = arith.index_cast %get3A_334 : i32 to index
        %get3A_336 = arith.constant 48 : index
        %get3A_337 = tpu.vector_load %arg6[%get3A_335, %get3A_336] {strides = array<i32>} : memref<2x64xi32, #tpu.memory_space<vmem>>, vector<1x16xi32>,
        %get3A_338 = vector.shape_cast %get3A_337 : vector<1x16xi32> to vector<16xi32>
        %get3A_339 = arith.constant 0 : i32
        %get3A_340 = arith.index_cast %get3A_339 : i32 to index
        %get3A_341 = arith.constant 48 : index
        %get3A_342 = tpu.vector_load %arg7[%get3A_340, %get3A_341] {strides = array<i32>} : memref<2x64xi32, #tpu.memory_space<vmem>>, vector<1x16xi32>,
        %get3A_343 = vector.shape_cast %get3A_342 : vector<1x16xi32> to vector<16xi32>
        %and3A_344 = arith.constant 65535 : i32
        %and3A_345 = vector.broadcast %and3A_344 : i32 to vector<16xi32>
        %and3A_346 = arith.andi %get3A_338, %and3A_345 : vector<16xi32>
        %swap3A_347 = arith.constant 0 : i32
        %swap3A_348 = arith.index_cast %swap3A_347 : i32 to index
        %swap3A_349 = arith.constant 96 : index
        %swap3A_350 = tpu.vector_load %arg8[%swap3A_348, %swap3A_349] {strides = array<i32>} : memref<2x128xi32, #tpu.memory_space<vmem>>, vector<1x16xi32>,
        %swap3A_351 = vector.shape_cast %swap3A_350 : vector<1x16xi32> to vector<16xi32>
        %swap3A_352 = vector.shape_cast %and3A_346 : vector<16xi32> to vector<1x16xi32>
        tpu.vector_store %arg8[%swap3A_348, %swap3A_349], %swap3A_352 {strides = array<i32>} : memref<2x128xi32, #tpu.memory_space<vmem>>, vector<1x16xi32>,
        %shift_right_arithmetic3A_353 = arith.constant 16 : i32
        %shift_right_arithmetic3A_354 = vector.broadcast %shift_right_arithmetic3A_353 : i32 to vector<16xi32>
        %shift_right_arithmetic3A_355 = arith.shrsi %get3A_338, %shift_right_arithmetic3A_354 : vector<16xi32>
        %swap3A_356 = arith.constant 0 : i32
        %swap3A_357 = arith.index_cast %swap3A_356 : i32 to index
        %swap3A_358 = arith.constant 112 : index
        %swap3A_359 = tpu.vector_load %arg8[%swap3A_357, %swap3A_358] {strides = array<i32>} : memref<2x128xi32, #tpu.memory_space<vmem>>, vector<1x16xi32>,
        %swap3A_360 = vector.shape_cast %swap3A_359 : vector<1x16xi32> to vector<16xi32>
        %swap3A_361 = vector.shape_cast %shift_right_arithmetic3A_355 : vector<16xi32> to vector<1x16xi32>
        tpu.vector_store %arg8[%swap3A_357, %swap3A_358], %swap3A_361 {strides = array<i32>} : memref<2x128xi32, #tpu.memory_space<vmem>>, vector<1x16xi32>,
        %and3A_362 = arith.constant 65535 : i32
        %and3A_363 = vector.broadcast %and3A_362 : i32 to vector<16xi32>
        %and3A_364 = arith.andi %get3A_343, %and3A_363 : vector<16xi32>
        %swap3A_365 = arith.constant 0 : i32
        %swap3A_366 = arith.index_cast %swap3A_365 : i32 to index
        %swap3A_367 = arith.constant 96 : index
        %swap3A_368 = tpu.vector_load %arg9[%swap3A_366, %swap3A_367] {strides = array<i32>} : memref<2x128xi32, #tpu.memory_space<vmem>>, vector<1x16xi32>,
        %swap3A_369 = vector.shape_cast %swap3A_368 : vector<1x16xi32> to vector<16xi32>
        %swap3A_370 = vector.shape_cast %and3A_364 : vector<16xi32> to vector<1x16xi32>
        tpu.vector_store %arg9[%swap3A_366, %swap3A_367], %swap3A_370 {strides = array<i32>} : memref<2x128xi32, #tpu.memory_space<vmem>>, vector<1x16xi32>,
        %shift_right_arithmetic3A_371 = arith.constant 16 : i32
        %shift_right_arithmetic3A_372 = vector.broadcast %shift_right_arithmetic3A_371 : i32 to vector<16xi32>
        %shift_right_arithmetic3A_373 = arith.shrsi %get3A_343, %shift_right_arithmetic3A_372 : vector<16xi32>
        %swap3A_374 = arith.constant 0 : i32
        %swap3A_375 = arith.index_cast %swap3A_374 : i32 to index
        %swap3A_376 = arith.constant 112 : index
        %swap3A_377 = tpu.vector_load %arg9[%swap3A_375, %swap3A_376] {strides = array<i32>} : memref<2x128xi32, #tpu.memory_space<vmem>>, vector<1x16xi32>,
        %swap3A_378 = vector.shape_cast %swap3A_377 : vector<1x16xi32> to vector<16xi32>
        %swap3A_379 = vector.shape_cast %shift_right_arithmetic3A_373 : vector<16xi32> to vector<1x16xi32>
        tpu.vector_store %arg9[%swap3A_375, %swap3A_376], %swap3A_379 {strides = array<i32>} : memref<2x128xi32, #tpu.memory_space<vmem>>, vector<1x16xi32>,
        %dma_start3A = arith.constant 0 : i32
        %dma_start3A_380 = arith.constant 0 : i32
        %dma_start3A_381 = arith.constant 0 : i32
        %dma_start3A_382 = arith.constant 0 : i32
        %dma_start3A_383 = arith.constant 0 : i32
        %dma_start3A_384 = tpu.memref_slice %arg10[%dma_start3A_380, %dma_start3A_382, %dma_start3A_383] : memref<2x128x128xf32, #tpu.memory_space<vmem>> -> memref<1x128x128xf32, #tpu.memory_space<vmem>>
        %dma_start3A_385 = tpu.memref_squeeze %dma_start3A_384 : memref<1x128x128xf32, #tpu.memory_space<vmem>> -> memref<128x128xf32, #tpu.memory_space<vmem>>
        %dma_start3A_386 = arith.constant 0 : i32
        %dma_start3A_387 = tpu.memref_slice %arg8[%dma_start3A, %dma_start3A_386] : memref<2x128xi32, #tpu.memory_space<vmem>> -> memref<1x128xi32, #tpu.memory_space<vmem>>
        %dma_start3A_388 = tpu.memref_squeeze %dma_start3A_387 : memref<1x128xi32, #tpu.memory_space<vmem>> -> memref<128xi32, #tpu.memory_space<vmem>>
        %dma_start3A_389 = arith.constant 0 : i32
        %dma_start3A_390 = arith.constant 0 : i32
        %dma_start3A_391 = tpu.memref_slice %arg3[%dma_start3A_389, %dma_start3A_390] : memref<10000x128xf32, #tpu.memory_space<hbm>> -> memref<10000x128xf32, #tpu.memory_space<hbm>>
        %dma_start3A_392 = tpu.memref_slice %arg12[%dma_start3A_381] : memref<2x!tpu.dma_semaphore, #tpu.memory_space<semaphore_mem>> -> memref<1x!tpu.dma_semaphore, #tpu.memory_space<semaphore_mem>>
        %dma_start3A_393 = tpu.memref_squeeze %dma_start3A_392 : memref<1x!tpu.dma_semaphore, #tpu.memory_space<semaphore_mem>> -> memref<!tpu.dma_semaphore, #tpu.memory_space<semaphore_mem>>
        tpu.enqueue_indirect_dma source(%dma_start3A_391 : memref<10000x128xf32, #tpu.memory_space<hbm>>) target(%dma_start3A_385 : memref<128x128xf32, #tpu.memory_space<vmem>>) offsets(%dma_start3A_388 : memref<128xi32, #tpu.memory_space<vmem>>) semaphore(%dma_start3A_393 : memref<!tpu.dma_semaphore, #tpu.memory_space<semaphore_mem>>)
      } else {
      }
      %add3A_149 = arith.constant 2 : i32
      %add3A_150 = arith.addi %add3A_117, %add3A_149 : i32
      %lt3A_151 = arith.cmpi slt, %add3A_150, %select_n3A : i32
      %convert_element_type3A_152 = arith.extui %lt3A_151 : i1 to i32
      %cond3A_153 = arith.constant 0 : i32
      %cond3A_154 = arith.cmpi ne, %convert_element_type3A_152, %cond3A_153 : i32
      scf.if %cond3A_154 {
        %add3A_160 = arith.constant 2 : i32
        %add3A_161 = arith.addi %add3A_117, %add3A_160 : i32
        %mul3A_162 = arith.constant 32 : i32
        %mul3A_163 = arith.muli %add3A_161, %mul3A_162 : i32
        %add3A_164 = arith.addi %mul3A_163, %add3A : i32
        %mul3A_165 = arith.constant 64 : i32
        %mul3A_166 = arith.muli %add3A_164, %mul3A_165 : i32
        %dma_start3A = arith.constant 0 : i32
        %dma_start3A_167 = arith.constant 1 : i32
        %dma_start3A_168 = arith.constant 1 : i32
        %dma_start3A_169 = arith.constant 0 : i32
        %dma_start3A_170 = tpu.memref_slice %arg6[%dma_start3A_167, %dma_start3A_169] : memref<2x64xi32, #tpu.memory_space<vmem>> -> memref<1x64xi32, #tpu.memory_space<vmem>>
        %dma_start3A_171 = tpu.memref_squeeze %dma_start3A_170 : memref<1x64xi32, #tpu.memory_space<vmem>> -> memref<64xi32, #tpu.memory_space<vmem>>
        %dma_start3A_172 = tpu.memref_slice %arg2[%dma_start3A, %mul3A_166] : memref<2x160000xi32, #tpu.memory_space<hbm>> -> memref<1x64xi32, #tpu.memory_space<hbm>>
        %dma_start3A_173 = tpu.memref_squeeze %dma_start3A_172 : memref<1x64xi32, #tpu.memory_space<hbm>> -> memref<64xi32, #tpu.memory_space<hbm>>
        %dma_start3A_174 = tpu.memref_slice %arg13[%dma_start3A_168] : memref<2x!tpu.dma_semaphore, #tpu.memory_space<semaphore_mem>> -> memref<1x!tpu.dma_semaphore, #tpu.memory_space<semaphore_mem>>
        %dma_start3A_175 = tpu.memref_squeeze %dma_start3A_174 : memref<1x!tpu.dma_semaphore, #tpu.memory_space<semaphore_mem>> -> memref<!tpu.dma_semaphore, #tpu.memory_space<semaphore_mem>>
        %dma_start3A_176 = arith.constant 0 : i32
        %dma_start3A_177 = tpu.memref_slice %arg6[%dma_start3A_167, %dma_start3A_176] : memref<2x64xi32, #tpu.memory_space<vmem>> -> memref<1x64xi32, #tpu.memory_space<vmem>>
        %dma_start3A_178 = tpu.memref_squeeze %dma_start3A_177 : memref<1x64xi32, #tpu.memory_space<vmem>> -> memref<64xi32, #tpu.memory_space<vmem>>
        %dma_start3A_179 = tpu.memref_slice %arg2[%dma_start3A, %mul3A_166] : memref<2x160000xi32, #tpu.memory_space<hbm>> -> memref<1x64xi32, #tpu.memory_space<hbm>>
        %dma_start3A_180 = tpu.memref_squeeze %dma_start3A_179 : memref<1x64xi32, #tpu.memory_space<hbm>> -> memref<64xi32, #tpu.memory_space<hbm>>
        tpu.enqueue_dma source(%dma_start3A_180 : memref<64xi32, #tpu.memory_space<hbm>>) target(%dma_start3A_178 : memref<64xi32, #tpu.memory_space<vmem>>) target_semaphore(%dma_start3A_175 : memref<!tpu.dma_semaphore, #tpu.memory_space<semaphore_mem>>)
        %mul3A_181 = arith.constant 64 : i32
        %mul3A_182 = arith.muli %add3A_164, %mul3A_181 : i32
        %dma_start3A_183 = arith.constant 1 : i32
        %dma_start3A_184 = arith.constant 1 : i32
        %dma_start3A_185 = arith.constant 1 : i32
        %dma_start3A_186 = arith.constant 0 : i32
        %dma_start3A_187 = tpu.memref_slice %arg7[%dma_start3A_184, %dma_start3A_186] : memref<2x64xi32, #tpu.memory_space<vmem>> -> memref<1x64xi32, #tpu.memory_space<vmem>>
        %dma_start3A_188 = tpu.memref_squeeze %dma_start3A_187 : memref<1x64xi32, #tpu.memory_space<vmem>> -> memref<64xi32, #tpu.memory_space<vmem>>
        %dma_start3A_189 = tpu.memref_slice %arg2[%dma_start3A_183, %mul3A_182] : memref<2x160000xi32, #tpu.memory_space<hbm>> -> memref<1x64xi32, #tpu.memory_space<hbm>>
        %dma_start3A_190 = tpu.memref_squeeze %dma_start3A_189 : memref<1x64xi32, #tpu.memory_space<hbm>> -> memref<64xi32, #tpu.memory_space<hbm>>
        %dma_start3A_191 = tpu.memref_slice %arg13[%dma_start3A_185] : memref<2x!tpu.dma_semaphore, #tpu.memory_space<semaphore_mem>> -> memref<1x!tpu.dma_semaphore, #tpu.memory_space<semaphore_mem>>
        %dma_start3A_192 = tpu.memref_squeeze %dma_start3A_191 : memref<1x!tpu.dma_semaphore, #tpu.memory_space<semaphore_mem>> -> memref<!tpu.dma_semaphore, #tpu.memory_space<semaphore_mem>>
        %dma_start3A_193 = arith.constant 0 : i32
        %dma_start3A_194 = tpu.memref_slice %arg7[%dma_start3A_184, %dma_start3A_193] : memref<2x64xi32, #tpu.memory_space<vmem>> -> memref<1x64xi32, #tpu.memory_space<vmem>>
        %dma_start3A_195 = tpu.memref_squeeze %dma_start3A_194 : memref<1x64xi32, #tpu.memory_space<vmem>> -> memref<64xi32, #tpu.memory_space<vmem>>
        %dma_start3A_196 = tpu.memref_slice %arg2[%dma_start3A_183, %mul3A_182] : memref<2x160000xi32, #tpu.memory_space<hbm>> -> memref<1x64xi32, #tpu.memory_space<hbm>>
        %dma_start3A_197 = tpu.memref_squeeze %dma_start3A_196 : memref<1x64xi32, #tpu.memory_space<hbm>> -> memref<64xi32, #tpu.memory_space<hbm>>
        tpu.enqueue_dma source(%dma_start3A_197 : memref<64xi32, #tpu.memory_space<hbm>>) target(%dma_start3A_195 : memref<64xi32, #tpu.memory_space<vmem>>) target_semaphore(%dma_start3A_192 : memref<!tpu.dma_semaphore, #tpu.memory_space<semaphore_mem>>)
      } else {
      }
      %lt3A_155 = arith.cmpi slt, %add3A_117, %select_n3A : i32
      %convert_element_type3A_156 = arith.extui %lt3A_155 : i1 to i32
      %cond3A_157 = arith.constant 0 : i32
      %cond3A_158 = arith.cmpi ne, %convert_element_type3A_156, %cond3A_157 : i32
      scf.if %cond3A_158 {
        %dma_wait3A_160 = arith.constant 1 : i32
        %dma_wait3A_161 = arith.constant 1 : i32
        %dma_wait3A_162 = arith.constant 1 : i32
        %dma_wait3A_163 = arith.constant 0 : i32
        %dma_wait3A_164 = arith.constant 0 : i32
        %dma_wait3A_165 = tpu.memref_slice %arg10[%dma_wait3A_161, %dma_wait3A_163, %dma_wait3A_164] : memref<2x128x128xf32, #tpu.memory_space<vmem>> -> memref<1x128x128xf32, #tpu.memory_space<vmem>>
        %dma_wait3A_166 = tpu.memref_squeeze %dma_wait3A_165 : memref<1x128x128xf32, #tpu.memory_space<vmem>> -> memref<128x128xf32, #tpu.memory_space<vmem>>
        %dma_wait3A_167 = arith.constant 0 : i32
        %dma_wait3A_168 = tpu.memref_slice %arg8[%dma_wait3A_160, %dma_wait3A_167] : memref<2x128xi32, #tpu.memory_space<vmem>> -> memref<1x128xi32, #tpu.memory_space<vmem>>
        %dma_wait3A_169 = tpu.memref_squeeze %dma_wait3A_168 : memref<1x128xi32, #tpu.memory_space<vmem>> -> memref<128xi32, #tpu.memory_space<vmem>>
        %dma_wait3A_170 = arith.constant 0 : i32
        %dma_wait3A_171 = arith.constant 0 : i32
        %dma_wait3A_172 = tpu.memref_slice %arg3[%dma_wait3A_170, %dma_wait3A_171] : memref<10000x128xf32, #tpu.memory_space<hbm>> -> memref<10000x128xf32, #tpu.memory_space<hbm>>
        %dma_wait3A_173 = tpu.memref_slice %arg12[%dma_wait3A_162] : memref<2x!tpu.dma_semaphore, #tpu.memory_space<semaphore_mem>> -> memref<1x!tpu.dma_semaphore, #tpu.memory_space<semaphore_mem>>
        %dma_wait3A_174 = tpu.memref_squeeze %dma_wait3A_173 : memref<1x!tpu.dma_semaphore, #tpu.memory_space<semaphore_mem>> -> memref<!tpu.dma_semaphore, #tpu.memory_space<semaphore_mem>>
        tpu.wait_indirect_dma semaphore(%dma_wait3A_174 : memref<!tpu.dma_semaphore, #tpu.memory_space<semaphore_mem>>) src(%dma_wait3A_172 : memref<10000x128xf32, #tpu.memory_space<hbm>>) dst(%dma_wait3A_166 : memref<128x128xf32, #tpu.memory_space<vmem>>)
        %run_scoped3A_175 = arith.constant 1 : i32
        %run_scoped3A_176 = arith.constant 1 : i32
        "tpu.region"() ({
          %run_scoped3A_177 = tpu.sem_alloc : memref<!tpu.dma_semaphore, #tpu.memory_space<semaphore_mem>>
          %dma_start3A = arith.constant 0 : i32
          %dma_start3A_178 = arith.constant 0 : i32
          %dma_start3A_179 = tpu.memref_slice %arg10[%run_scoped3A_175, %dma_start3A, %dma_start3A_178] : memref<2x128x128xf32, #tpu.memory_space<vmem>> -> memref<1x128x128xf32, #tpu.memory_space<vmem>>
          %dma_start3A_180 = tpu.memref_squeeze %dma_start3A_179 : memref<1x128x128xf32, #tpu.memory_space<vmem>> -> memref<128x128xf32, #tpu.memory_space<vmem>>
          %dma_start3A_181 = arith.constant 0 : i32
          %dma_start3A_182 = tpu.memref_slice %arg9[%run_scoped3A_176, %dma_start3A_181] : memref<2x128xi32, #tpu.memory_space<vmem>> -> memref<1x128xi32, #tpu.memory_space<vmem>>
          %dma_start3A_183 = tpu.memref_squeeze %dma_start3A_182 : memref<1x128xi32, #tpu.memory_space<vmem>> -> memref<128xi32, #tpu.memory_space<vmem>>
          %dma_start3A_184 = arith.constant 0 : i32
          %dma_start3A_185 = arith.constant 0 : i32
          %dma_start3A_186 = tpu.memref_slice %arg11[%dma_start3A_184, %dma_start3A_185] : memref<10112x128xf32, #tpu.memory_space<vmem_shared>> -> memref<10112x128xf32, #tpu.memory_space<vmem_shared>>
          tpu.enqueue_indirect_dma source(%dma_start3A_180 : memref<128x128xf32, #tpu.memory_space<vmem>>) target(%dma_start3A_186 : memref<10112x128xf32, #tpu.memory_space<vmem_shared>>) offsets(%dma_start3A_183 : memref<128xi32, #tpu.memory_space<vmem>>) semaphore(%run_scoped3A_177 : memref<!tpu.dma_semaphore, #tpu.memory_space<semaphore_mem>>) {add = true}
          %dma_wait3A_187 = arith.constant 0 : i32
          %dma_wait3A_188 = arith.constant 0 : i32
          %dma_wait3A_189 = tpu.memref_slice %arg10[%run_scoped3A_175, %dma_wait3A_187, %dma_wait3A_188] : memref<2x128x128xf32, #tpu.memory_space<vmem>> -> memref<1x128x128xf32, #tpu.memory_space<vmem>>
          %dma_wait3A_190 = tpu.memref_squeeze %dma_wait3A_189 : memref<1x128x128xf32, #tpu.memory_space<vmem>> -> memref<128x128xf32, #tpu.memory_space<vmem>>
          %dma_wait3A_191 = arith.constant 0 : i32
          %dma_wait3A_192 = tpu.memref_slice %arg9[%run_scoped3A_176, %dma_wait3A_191] : memref<2x128xi32, #tpu.memory_space<vmem>> -> memref<1x128xi32, #tpu.memory_space<vmem>>
          %dma_wait3A_193 = tpu.memref_squeeze %dma_wait3A_192 : memref<1x128xi32, #tpu.memory_space<vmem>> -> memref<128xi32, #tpu.memory_space<vmem>>
          %dma_wait3A_194 = arith.constant 0 : i32
          %dma_wait3A_195 = arith.constant 0 : i32
          %dma_wait3A_196 = tpu.memref_slice %arg11[%dma_wait3A_194, %dma_wait3A_195] : memref<10112x128xf32, #tpu.memory_space<vmem_shared>> -> memref<10112x128xf32, #tpu.memory_space<vmem_shared>>
          tpu.wait_indirect_dma semaphore(%run_scoped3A_177 : memref<!tpu.dma_semaphore, #tpu.memory_space<semaphore_mem>>) src(%dma_wait3A_190 : memref<128x128xf32, #tpu.memory_space<vmem>>) dst(%dma_wait3A_196 : memref<10112x128xf32, #tpu.memory_space<vmem_shared>>)
          tpu.yield
        }) : () -> ()
      } else {
      }
      %while3A_159 = arith.constant 0 : i32
      scf.yield %while3A_159 : i32
    }
    %barrier3A_89 = arith.constant 0 : index
    tpu.barrier barrier_id(%barrier3A_89)
    %add3A_90 = arith.constant 0 : i32
    %add3A_91 = arith.addi %mul3A_2, %add3A_90 : i32
    %add3A_92 = arith.constant 0 : i32
    %add3A_93 = arith.addi %mul3A_2, %add3A_92 : i32
    "tpu.region"() ({
      %run_scoped3A_110 = tpu.sem_alloc : memref<!tpu.dma_semaphore, #tpu.memory_space<semaphore_mem>>
      %dma_start3A = arith.constant 0 : i32
      %dma_start3A_111 = tpu.memref_slice %arg5[%arg0, %add3A_93, %dma_start3A] : memref<2x10112x128xf32, #tpu.memory_space<hbm>> -> memref<1x128x128xf32, #tpu.memory_space<hbm>>
      %dma_start3A_112 = tpu.memref_squeeze %dma_start3A_111 : memref<1x128x128xf32, #tpu.memory_space<hbm>> -> memref<128x128xf32, #tpu.memory_space<hbm>>
      %dma_start3A_113 = arith.constant 0 : i32
      %dma_start3A_114 = tpu.memref_slice %arg11[%add3A_91, %dma_start3A_113] : memref<10112x128xf32, #tpu.memory_space<vmem_shared>> -> memref<128x128xf32, #tpu.memory_space<vmem_shared>>
      tpu.enqueue_dma source(%dma_start3A_114 : memref<128x128xf32, #tpu.memory_space<vmem_shared>>) target(%dma_start3A_112 : memref<128x128xf32, #tpu.memory_space<hbm>>) target_semaphore(%run_scoped3A_110 : memref<!tpu.dma_semaphore, #tpu.memory_space<semaphore_mem>>)
      %dma_wait3A = arith.constant 0 : i32
      %dma_wait3A_115 = tpu.memref_slice %arg5[%arg0, %add3A_93, %dma_wait3A] : memref<2x10112x128xf32, #tpu.memory_space<hbm>> -> memref<1x128x128xf32, #tpu.memory_space<hbm>>
      %dma_wait3A_116 = tpu.memref_squeeze %dma_wait3A_115 : memref<1x128x128xf32, #tpu.memory_space<hbm>> -> memref<128x128xf32, #tpu.memory_space<hbm>>
      %dma_wait3A_117 = arith.constant 0 : i32
      %dma_wait3A_118 = tpu.memref_slice %arg11[%add3A_91, %dma_wait3A_117] : memref<10112x128xf32, #tpu.memory_space<vmem_shared>> -> memref<128x128xf32, #tpu.memory_space<vmem_shared>>
      tpu.wait_dma2 semaphore(%run_scoped3A_110 : memref<!tpu.dma_semaphore, #tpu.memory_space<semaphore_mem>>) src(%dma_wait3A_118 : memref<128x128xf32, #tpu.memory_space<vmem_shared>>) dst(%dma_wait3A_116 : memref<128x128xf32, #tpu.memory_space<hbm>>)
      tpu.yield
    }) : () -> ()
    %add3A_94 = arith.constant 128 : i32
    %add3A_95 = arith.addi %mul3A_2, %add3A_94 : i32
    %add3A_96 = arith.constant 128 : i32
    %add3A_97 = arith.addi %mul3A_2, %add3A_96 : i32
    "tpu.region"() ({
      %run_scoped3A_110 = tpu.sem_alloc : memref<!tpu.dma_semaphore, #tpu.memory_space<semaphore_mem>>
      %dma_start3A = arith.constant 0 : i32
      %dma_start3A_111 = tpu.memref_slice %arg5[%arg0, %add3A_97, %dma_start3A] : memref<2x10112x128xf32, #tpu.memory_space<hbm>> -> memref<1x128x128xf32, #tpu.memory_space<hbm>>
      %dma_start3A_112 = tpu.memref_squeeze %dma_start3A_111 : memref<1x128x128xf32, #tpu.memory_space<hbm>> -> memref<128x128xf32, #tpu.memory_space<hbm>>
      %dma_start3A_113 = arith.constant 0 : i32
      %dma_start3A_114 = tpu.memref_slice %arg11[%add3A_95, %dma_start3A_113] : memref<10112x128xf32, #tpu.memory_space<vmem_shared>> -> memref<128x128xf32, #tpu.memory_space<vmem_shared>>
      tpu.enqueue_dma source(%dma_start3A_114 : memref<128x128xf32, #tpu.memory_space<vmem_shared>>) target(%dma_start3A_112 : memref<128x128xf32, #tpu.memory_space<hbm>>) target_semaphore(%run_scoped3A_110 : memref<!tpu.dma_semaphore, #tpu.memory_space<semaphore_mem>>)
      %dma_wait3A = arith.constant 0 : i32
      %dma_wait3A_115 = tpu.memref_slice %arg5[%arg0, %add3A_97, %dma_wait3A] : memref<2x10112x128xf32, #tpu.memory_space<hbm>> -> memref<1x128x128xf32, #tpu.memory_space<hbm>>
      %dma_wait3A_116 = tpu.memref_squeeze %dma_wait3A_115 : memref<1x128x128xf32, #tpu.memory_space<hbm>> -> memref<128x128xf32, #tpu.memory_space<hbm>>
      %dma_wait3A_117 = arith.constant 0 : i32
      %dma_wait3A_118 = tpu.memref_slice %arg11[%add3A_95, %dma_wait3A_117] : memref<10112x128xf32, #tpu.memory_space<vmem_shared>> -> memref<128x128xf32, #tpu.memory_space<vmem_shared>>
      tpu.wait_dma2 semaphore(%run_scoped3A_110 : memref<!tpu.dma_semaphore, #tpu.memory_space<semaphore_mem>>) src(%dma_wait3A_118 : memref<128x128xf32, #tpu.memory_space<vmem_shared>>) dst(%dma_wait3A_116 : memref<128x128xf32, #tpu.memory_space<hbm>>)
      tpu.yield
    }) : () -> ()
    %add3A_98 = arith.constant 256 : i32
    %add3A_99 = arith.addi %mul3A_2, %add3A_98 : i32
    %add3A_100 = arith.constant 256 : i32
    %add3A_101 = arith.addi %mul3A_2, %add3A_100 : i32
    "tpu.region"() ({
      %run_scoped3A_110 = tpu.sem_alloc : memref<!tpu.dma_semaphore, #tpu.memory_space<semaphore_mem>>
      %dma_start3A = arith.constant 0 : i32
      %dma_start3A_111 = tpu.memref_slice %arg5[%arg0, %add3A_101, %dma_start3A] : memref<2x10112x128xf32, #tpu.memory_space<hbm>> -> memref<1x128x128xf32, #tpu.memory_space<hbm>>
      %dma_start3A_112 = tpu.memref_squeeze %dma_start3A_111 : memref<1x128x128xf32, #tpu.memory_space<hbm>> -> memref<128x128xf32, #tpu.memory_space<hbm>>
      %dma_start3A_113 = arith.constant 0 : i32
      %dma_start3A_114 = tpu.memref_slice %arg11[%add3A_99, %dma_start3A_113] : memref<10112x128xf32, #tpu.memory_space<vmem_shared>> -> memref<128x128xf32, #tpu.memory_space<vmem_shared>>
      tpu.enqueue_dma source(%dma_start3A_114 : memref<128x128xf32, #tpu.memory_space<vmem_shared>>) target(%dma_start3A_112 : memref<128x128xf32, #tpu.memory_space<hbm>>) target_semaphore(%run_scoped3A_110 : memref<!tpu.dma_semaphore, #tpu.memory_space<semaphore_mem>>)
      %dma_wait3A = arith.constant 0 : i32
      %dma_wait3A_115 = tpu.memref_slice %arg5[%arg0, %add3A_101, %dma_wait3A] : memref<2x10112x128xf32, #tpu.memory_space<hbm>> -> memref<1x128x128xf32, #tpu.memory_space<hbm>>
      %dma_wait3A_116 = tpu.memref_squeeze %dma_wait3A_115 : memref<1x128x128xf32, #tpu.memory_space<hbm>> -> memref<128x128xf32, #tpu.memory_space<hbm>>
      %dma_wait3A_117 = arith.constant 0 : i32
      %dma_wait3A_118 = tpu.memref_slice %arg11[%add3A_99, %dma_wait3A_117] : memref<10112x128xf32, #tpu.memory_space<vmem_shared>> -> memref<128x128xf32, #tpu.memory_space<vmem_shared>>
      tpu.wait_dma2 semaphore(%run_scoped3A_110 : memref<!tpu.dma_semaphore, #tpu.memory_space<semaphore_mem>>) src(%dma_wait3A_118 : memref<128x128xf32, #tpu.memory_space<vmem_shared>>) dst(%dma_wait3A_116 : memref<128x128xf32, #tpu.memory_space<hbm>>)
      tpu.yield
    }) : () -> ()
    %add3A_102 = arith.constant 384 : i32
    %add3A_103 = arith.addi %mul3A_2, %add3A_102 : i32
    %add3A_104 = arith.constant 384 : i32
    %add3A_105 = arith.addi %mul3A_2, %add3A_104 : i32
    "tpu.region"() ({
      %run_scoped3A_110 = tpu.sem_alloc : memref<!tpu.dma_semaphore, #tpu.memory_space<semaphore_mem>>
      %dma_start3A = arith.constant 0 : i32
      %dma_start3A_111 = tpu.memref_slice %arg5[%arg0, %add3A_105, %dma_start3A] : memref<2x10112x128xf32, #tpu.memory_space<hbm>> -> memref<1x128x128xf32, #tpu.memory_space<hbm>>
      %dma_start3A_112 = tpu.memref_squeeze %dma_start3A_111 : memref<1x128x128xf32, #tpu.memory_space<hbm>> -> memref<128x128xf32, #tpu.memory_space<hbm>>
      %dma_start3A_113 = arith.constant 0 : i32
      %dma_start3A_114 = tpu.memref_slice %arg11[%add3A_103, %dma_start3A_113] : memref<10112x128xf32, #tpu.memory_space<vmem_shared>> -> memref<128x128xf32, #tpu.memory_space<vmem_shared>>
      tpu.enqueue_dma source(%dma_start3A_114 : memref<128x128xf32, #tpu.memory_space<vmem_shared>>) target(%dma_start3A_112 : memref<128x128xf32, #tpu.memory_space<hbm>>) target_semaphore(%run_scoped3A_110 : memref<!tpu.dma_semaphore, #tpu.memory_space<semaphore_mem>>)
      %dma_wait3A = arith.constant 0 : i32
      %dma_wait3A_115 = tpu.memref_slice %arg5[%arg0, %add3A_105, %dma_wait3A] : memref<2x10112x128xf32, #tpu.memory_space<hbm>> -> memref<1x128x128xf32, #tpu.memory_space<hbm>>
      %dma_wait3A_116 = tpu.memref_squeeze %dma_wait3A_115 : memref<1x128x128xf32, #tpu.memory_space<hbm>> -> memref<128x128xf32, #tpu.memory_space<hbm>>
      %dma_wait3A_117 = arith.constant 0 : i32
      %dma_wait3A_118 = tpu.memref_slice %arg11[%add3A_103, %dma_wait3A_117] : memref<10112x128xf32, #tpu.memory_space<vmem_shared>> -> memref<128x128xf32, #tpu.memory_space<vmem_shared>>
      tpu.wait_dma2 semaphore(%run_scoped3A_110 : memref<!tpu.dma_semaphore, #tpu.memory_space<semaphore_mem>>) src(%dma_wait3A_118 : memref<128x128xf32, #tpu.memory_space<vmem_shared>>) dst(%dma_wait3A_116 : memref<128x128xf32, #tpu.memory_space<hbm>>)
      tpu.yield
    }) : () -> ()
    %add3A_106 = arith.constant 512 : i32
    %add3A_107 = arith.addi %mul3A_2, %add3A_106 : i32
    %add3A_108 = arith.constant 512 : i32
    %add3A_109 = arith.addi %mul3A_2, %add3A_108 : i32
    "tpu.region"() ({
      %run_scoped3A_110 = tpu.sem_alloc : memref<!tpu.dma_semaphore, #tpu.memory_space<semaphore_mem>>
      %dma_start3A = arith.constant 0 : i32
      %dma_start3A_111 = tpu.memref_slice %arg5[%arg0, %add3A_109, %dma_start3A] : memref<2x10112x128xf32, #tpu.memory_space<hbm>> -> memref<1x120x128xf32, #tpu.memory_space<hbm>>
      %dma_start3A_112 = tpu.memref_squeeze %dma_start3A_111 : memref<1x120x128xf32, #tpu.memory_space<hbm>> -> memref<120x128xf32, #tpu.memory_space<hbm>>
      %dma_start3A_113 = arith.constant 0 : i32
      %dma_start3A_114 = tpu.memref_slice %arg11[%add3A_107, %dma_start3A_113] : memref<10112x128xf32, #tpu.memory_space<vmem_shared>> -> memref<120x128xf32, #tpu.memory_space<vmem_shared>>
      tpu.enqueue_dma source(%dma_start3A_114 : memref<120x128xf32, #tpu.memory_space<vmem_shared>>) target(%dma_start3A_112 : memref<120x128xf32, #tpu.memory_space<hbm>>) target_semaphore(%run_scoped3A_110 : memref<!tpu.dma_semaphore, #tpu.memory_space<semaphore_mem>>)
      %dma_wait3A = arith.constant 0 : i32
      %dma_wait3A_115 = tpu.memref_slice %arg5[%arg0, %add3A_109, %dma_wait3A] : memref<2x10112x128xf32, #tpu.memory_space<hbm>> -> memref<1x120x128xf32, #tpu.memory_space<hbm>>
      %dma_wait3A_116 = tpu.memref_squeeze %dma_wait3A_115 : memref<1x120x128xf32, #tpu.memory_space<hbm>> -> memref<120x128xf32, #tpu.memory_space<hbm>>
      %dma_wait3A_117 = arith.constant 0 : i32
      %dma_wait3A_118 = tpu.memref_slice %arg11[%add3A_107, %dma_wait3A_117] : memref<10112x128xf32, #tpu.memory_space<vmem_shared>> -> memref<120x128xf32, #tpu.memory_space<vmem_shared>>
      tpu.wait_dma2 semaphore(%run_scoped3A_110 : memref<!tpu.dma_semaphore, #tpu.memory_space<semaphore_mem>>) src(%dma_wait3A_118 : memref<120x128xf32, #tpu.memory_space<vmem_shared>>) dst(%dma_wait3A_116 : memref<120x128xf32, #tpu.memory_space<hbm>>)
      tpu.yield
    }) : () -> ()
    return
  }
}

module attributes {stable_mosaic.version = 14 : i64} {
  func.func @_tail_body(%arg0: memref<2x10112x128xf32, #tpu.memory_space<vmem>>, %arg1: memref<2x10112x128xf32, #tpu.memory_space<vmem>>, %arg2: memref<10000x128xf32, #tpu.memory_space<vmem>>, %arg3: memref<128x128xf32, #tpu.memory_space<vmem>>, %arg4: memref<1x128xf32, #tpu.memory_space<vmem>>, %arg5: memref<128x128xf32, #tpu.memory_space<vmem>>, %arg6: memref<128x6xf32, #tpu.memory_space<vmem>>, %arg7: memref<1x6xf32, #tpu.memory_space<vmem>>, %arg8: memref<10000x6xf32, #tpu.memory_space<vmem>>) attributes {dimension_semantics = [], scalar_prefetch = 0 : i64, scratch_operands = 0 : i64, tpu.core_type = #tpu.core_type<tc>} {
    %get3A = arith.constant 0 : index
    %get3A_0 = arith.constant 0 : index
    %get3A_1 = arith.constant 0 : index
    %get3A_2 = vector.load %arg0[%get3A, %get3A_0, %get3A_1] : memref<2x10112x128xf32, #tpu.memory_space<vmem>>, vector<1x10000x128xf32>
    %get3A_3 = vector.shape_cast %get3A_2 : vector<1x10000x128xf32> to vector<10000x128xf32>
    %get3A_4 = arith.constant 1 : index
    %get3A_5 = arith.constant 0 : index
    %get3A_6 = arith.constant 0 : index
    %get3A_7 = vector.load %arg0[%get3A_4, %get3A_5, %get3A_6] : memref<2x10112x128xf32, #tpu.memory_space<vmem>>, vector<1x10000x128xf32>
    %get3A_8 = vector.shape_cast %get3A_7 : vector<1x10000x128xf32> to vector<10000x128xf32>
    %add3A = arith.addf %get3A_3, %get3A_8 : vector<10000x128xf32>
    %get3A_9 = arith.constant 0 : index
    %get3A_10 = arith.constant 0 : index
    %get3A_11 = arith.constant 0 : index
    %get3A_12 = vector.load %arg1[%get3A_9, %get3A_10, %get3A_11] : memref<2x10112x128xf32, #tpu.memory_space<vmem>>, vector<1x10000x128xf32>
    %get3A_13 = vector.shape_cast %get3A_12 : vector<1x10000x128xf32> to vector<10000x128xf32>
    %get3A_14 = arith.constant 1 : index
    %get3A_15 = arith.constant 0 : index
    %get3A_16 = arith.constant 0 : index
    %get3A_17 = vector.load %arg1[%get3A_14, %get3A_15, %get3A_16] : memref<2x10112x128xf32, #tpu.memory_space<vmem>>, vector<1x10000x128xf32>
    %get3A_18 = vector.shape_cast %get3A_17 : vector<1x10000x128xf32> to vector<10000x128xf32>
    %add3A_19 = arith.addf %get3A_13, %get3A_18 : vector<10000x128xf32>
    %reduce_sum3A = arith.constant dense<0.000000e+00> : vector<10000xf32>
    %reduce_sum3A_20 = vector.multi_reduction <add>, %add3A_19, %reduce_sum3A [1] : vector<10000x128xf32> to vector<10000xf32>
    %broadcast_in_dim3A = vector.shape_cast %reduce_sum3A_20 : vector<10000xf32> to vector<10000x1xf32>
    %mul3A = arith.constant 7.812500e-03 : f32
    %mul3A_21 = vector.broadcast %mul3A : f32 to vector<10000x1xf32>
    %mul3A_22 = arith.mulf %broadcast_in_dim3A, %mul3A_21 : vector<10000x1xf32>
    %max3A = arith.constant 1.000000e+00 : f32
    %max3A_23 = vector.broadcast %max3A : f32 to vector<10000x1xf32>
    %max3A_24 = arith.maximumf %mul3A_22, %max3A_23 : vector<10000x1xf32>
    %div3A = vector.broadcast %max3A_24 : vector<10000x1xf32> to vector<10000x128xf32>
    %div3A_25 = arith.divf %add3A, %div3A : vector<10000x128xf32>
    %get3A_26 = arith.constant 0 : index
    %get3A_27 = arith.constant 0 : index
    %get3A_28 = vector.load %arg2[%get3A_26, %get3A_27] : memref<10000x128xf32, #tpu.memory_space<vmem>>, vector<10000x128xf32>
    %get3A_29 = arith.constant 0 : index
    %get3A_30 = arith.constant 0 : index
    %get3A_31 = vector.load %arg3[%get3A_29, %get3A_30] : memref<128x128xf32, #tpu.memory_space<vmem>>, vector<128x128xf32>
    %dot_general3A = arith.constant dense<0.000000e+00> : vector<10000x128xf32>
    %dot_general3A_32 = tpu.matmul %div3A_25, %get3A_31, %dot_general3A {dimension_numbers = #tpu.dot_dimension_numbers<[1], [0], [0], [1], [0, 0, 1, 1], [], []>, transpose_lhs_hint = false} : vector<10000x128xf32>, vector<128x128xf32>, vector<10000x128xf32> -> vector<10000x128xf32>
    %get3A_33 = arith.constant 0 : index
    %get3A_34 = arith.constant 0 : index
    %get3A_35 = vector.load %arg4[%get3A_33, %get3A_34] : memref<1x128xf32, #tpu.memory_space<vmem>>, vector<1x128xf32>
    %add3A_36 = vector.broadcast %get3A_35 : vector<1x128xf32> to vector<10000x128xf32>
    %add3A_37 = arith.addf %dot_general3A_32, %add3A_36 : vector<10000x128xf32>
    %get3A_38 = arith.constant 0 : index
    %get3A_39 = arith.constant 0 : index
    %get3A_40 = vector.load %arg5[%get3A_38, %get3A_39] : memref<128x128xf32, #tpu.memory_space<vmem>>, vector<128x128xf32>
    %dot_general3A_41 = arith.constant dense<0.000000e+00> : vector<10000x128xf32>
    %dot_general3A_42 = tpu.matmul %get3A_28, %get3A_40, %dot_general3A_41 {dimension_numbers = #tpu.dot_dimension_numbers<[1], [0], [0], [1], [0, 0, 1, 1], [], []>, transpose_lhs_hint = false} : vector<10000x128xf32>, vector<128x128xf32>, vector<10000x128xf32> -> vector<10000x128xf32>
    %add3A_43 = arith.addf %add3A_37, %dot_general3A_42 : vector<10000x128xf32>
    %mul3A_44 = arith.mulf %add3A_43, %add3A_43 : vector<10000x128xf32>
    %reduce_sum3A_45 = arith.constant dense<0.000000e+00> : vector<10000xf32>
    %reduce_sum3A_46 = vector.multi_reduction <add>, %mul3A_44, %reduce_sum3A_45 [1] : vector<10000x128xf32> to vector<10000xf32>
    %broadcast_in_dim3A_47 = vector.shape_cast %reduce_sum3A_46 : vector<10000xf32> to vector<10000x1xf32>
    %sqrt3A = math.sqrt %broadcast_in_dim3A_47 : vector<10000x1xf32>
    %max3A_48 = arith.constant 9.99999996E-13 : f32
    %max3A_49 = vector.broadcast %max3A_48 : f32 to vector<10000x1xf32>
    %max3A_50 = arith.maximumf %sqrt3A, %max3A_49 : vector<10000x1xf32>
    %div3A_51 = vector.broadcast %max3A_50 : vector<10000x1xf32> to vector<10000x128xf32>
    %div3A_52 = arith.divf %add3A_43, %div3A_51 : vector<10000x128xf32>
    %max3A_53 = arith.constant 0.000000e+00 : f32
    %max3A_54 = vector.broadcast %max3A_53 : f32 to vector<10000x128xf32>
    %max3A_55 = arith.maximumf %div3A_52, %max3A_54 : vector<10000x128xf32>
    %get3A_56 = arith.constant 0 : index
    %get3A_57 = arith.constant 0 : index
    %get3A_58 = vector.load %arg6[%get3A_56, %get3A_57] : memref<128x6xf32, #tpu.memory_space<vmem>>, vector<128x6xf32>
    %dot_general3A_59 = arith.constant dense<0.000000e+00> : vector<10000x6xf32>
    %dot_general3A_60 = tpu.matmul %max3A_55, %get3A_58, %dot_general3A_59 {dimension_numbers = #tpu.dot_dimension_numbers<[1], [0], [0], [1], [0, 0, 1, 1], [], []>, transpose_lhs_hint = false} : vector<10000x128xf32>, vector<128x6xf32>, vector<10000x6xf32> -> vector<10000x6xf32>
    %get3A_61 = arith.constant 0 : index
    %get3A_62 = arith.constant 0 : index
    %get3A_63 = vector.load %arg7[%get3A_61, %get3A_62] : memref<1x6xf32, #tpu.memory_space<vmem>>, vector<1x6xf32>
    %add3A_64 = vector.broadcast %get3A_63 : vector<1x6xf32> to vector<10000x6xf32>
    %add3A_65 = arith.addf %dot_general3A_60, %add3A_64 : vector<10000x6xf32>
    %swap3A = arith.constant 0 : index
    %swap3A_66 = arith.constant 0 : index
    %swap3A_67 = vector.load %arg8[%swap3A, %swap3A_66] : memref<10000x6xf32, #tpu.memory_space<vmem>>, vector<10000x6xf32>
    tpu.vector_store %arg8[%swap3A, %swap3A_66], %add3A_65 {strides = array<i32>} : memref<10000x6xf32, #tpu.memory_space<vmem>>, vector<10000x6xf32>,
    return
  }
}

module attributes {stable_mosaic.version = 14 : i64} {
  func.func @_proj_body(%arg0: memref<10000x128xf32, #tpu.memory_space<vmem>>, %arg1: memref<128x128xf32, #tpu.memory_space<vmem>>, %arg2: memref<1x128xf32, #tpu.memory_space<vmem>>, %arg3: memref<10000x128xf32, #tpu.memory_space<vmem>>) attributes {dimension_semantics = [], scalar_prefetch = 0 : i64, scratch_operands = 0 : i64, tpu.core_type = #tpu.core_type<tc>} {
    %get3A = arith.constant 0 : index
    %get3A_0 = arith.constant 0 : index
    %get3A_1 = vector.load %arg0[%get3A, %get3A_0] : memref<10000x128xf32, #tpu.memory_space<vmem>>, vector<10000x128xf32>
    %get3A_2 = arith.constant 0 : index
    %get3A_3 = arith.constant 0 : index
    %get3A_4 = vector.load %arg1[%get3A_2, %get3A_3] : memref<128x128xf32, #tpu.memory_space<vmem>>, vector<128x128xf32>
    %dot_general3A = arith.constant dense<0.000000e+00> : vector<10000x128xf32>
    %dot_general3A_5 = tpu.matmul %get3A_1, %get3A_4, %dot_general3A {dimension_numbers = #tpu.dot_dimension_numbers<[1], [0], [0], [1], [0, 0, 1, 1], [], []>, transpose_lhs_hint = false} : vector<10000x128xf32>, vector<128x128xf32>, vector<10000x128xf32> -> vector<10000x128xf32>
    %get3A_6 = arith.constant 0 : index
    %get3A_7 = arith.constant 0 : index
    %get3A_8 = vector.load %arg2[%get3A_6, %get3A_7] : memref<1x128xf32, #tpu.memory_space<vmem>>, vector<1x128xf32>
    %add3A = vector.broadcast %get3A_8 : vector<1x128xf32> to vector<10000x128xf32>
    %add3A_9 = arith.addf %dot_general3A_5, %add3A : vector<10000x128xf32>
    %max3A = arith.constant 0.000000e+00 : f32
    %max3A_10 = vector.broadcast %max3A : f32 to vector<10000x128xf32>
    %max3A_11 = arith.maximumf %add3A_9, %max3A_10 : vector<10000x128xf32>
    %swap3A = arith.constant 0 : index
    %swap3A_12 = arith.constant 0 : index
    %swap3A_13 = vector.load %arg3[%swap3A, %swap3A_12] : memref<10000x128xf32, #tpu.memory_space<vmem>>, vector<10000x128xf32>
    tpu.vector_store %arg3[%swap3A, %swap3A_12], %max3A_11 {strides = array<i32>} : memref<10000x128xf32, #tpu.memory_space<vmem>>, vector<10000x128xf32>,
    return
  }
}

module attributes {stable_mosaic.version = 14 : i64} {
  func.func @_pack_body(%arg0: memref<2x320000xi32, #tpu.memory_space<vmem>>, %arg1: memref<2x160000xi32, #tpu.memory_space<vmem>>) attributes {dimension_semantics = [], scalar_prefetch = 0 : i64, scratch_operands = 0 : i64, tpu.core_type = #tpu.core_type<tc>} {
    %get3A = arith.constant 0 : index
    %get3A_0 = arith.constant 0 : index
    %get3A_1 = vector.load %arg0[%get3A, %get3A_0] : memref<2x320000xi32, #tpu.memory_space<vmem>>, vector<2x160000xi32>
    %get3A_2 = arith.constant 0 : index
    %get3A_3 = arith.constant 160000 : index
    %get3A_4 = vector.load %arg0[%get3A_2, %get3A_3] : memref<2x320000xi32, #tpu.memory_space<vmem>>, vector<2x160000xi32>
    %shift_left3A = arith.constant 16 : i32
    %shift_left3A_5 = vector.broadcast %shift_left3A : i32 to vector<2x160000xi32>
    %shift_left3A_6 = arith.shli %get3A_4, %shift_left3A_5 : vector<2x160000xi32>
    %or3A = arith.ori %get3A_1, %shift_left3A_6 : vector<2x160000xi32>
    %swap3A = arith.constant 0 : index
    %swap3A_7 = arith.constant 0 : index
    %swap3A_8 = vector.load %arg1[%swap3A, %swap3A_7] : memref<2x160000xi32, #tpu.memory_space<vmem>>, vector<2x160000xi32>
    tpu.vector_store %arg1[%swap3A, %swap3A_7], %or3A {strides = array<i32>} : memref<2x160000xi32, #tpu.memory_space<vmem>>, vector<2x160000xi32>,
    return
  }
}

</mosaic_0001>

<sc_bundles>
// kernel: kernel.10.cloned.1.call-start
scs
__scs_entry_jumppad:
0x0: {  	(pc) =	sbr.rel $0x88, $3  }
0x1: {  	(tag) =	ssettag $0x0;
	lr =	simm.s32 $0x1  }
0x2: {  	[smem:$0x3F98] =	sst lr;
	_ =	strace $0xD0000000  }
0x3: {  	_ = 	snop  }
0x4: {  	_ = 	snop  }
0x5: {  	_ = 	snop  }
0x6: {  	_ = 	snop  }
0x7: {  	_ = 	snop  }
__scs_overlays_trampoline_lowered:
0x8: {  	[smem:$0x3FA7] =	sst s0  }
0x9: {  	[smem:$0x3FA8] =	sst s1  }
0xa: {  	[smem:$0x3FA9] =	sst s2  }
0xb: {  	[smem:$0x3FAA] =	sst s3  }
0xc: {  	[smem:$0x3FAB] =	sst s4  }
0xd: {  	[smem:$0x3FAC] =	sst s5  }
0xe: {  	[smem:$0x3FAD] =	sst s6  }
0xf: {  	[smem:$0x3FAE] =	sst s7  }
0x10: {  	[smem:$0x3FAF] =	sst s8  }
0x11: {  	[smem:$0x3FB0] =	sst s9;
	s0 =	simm.s32 @!p0 $0x0  }
0x12: {  	s1 =	sld [smem:$0x3F96];
	s0 =	simm.s32 @p0 $0x1  }
0x13: {  	[smem:$0x3FB1] =	sst s0;
	s0 =	simm.s32 @!p1 $0x0  }
0x14: {  	s2 =	sld [smem:$0x3F95];
	s0 =	simm.s32 @p1 $0x1  }
0x15: {  	[smem:$0x3FB2] =	sst s0;
	s0 =	simm.s32 @!p2 $0x0  }
0x16: {  	s3 =	sld [smem:$0x3FDB];
	s0 =	simm.s32 @p2 $0x1  }
0x17: {  	s4 =	simm.s32 $0x1BF5;
	[smem:$0x3FB4] =	sst s0  }
0x18: {  	s0 =	sld [smem:$0x3F97];
	_ =	swait.ge [sflag:s4], $0x0  }
0x19: {  	s7 =	sld [smem:$0x3F98]  }
0x1a: {  	s8 =	sadd.s32 $0xFFFFE003, lr  }
0x1b: {  	s9 =	sadd.s32 $0xFFFFFEF7, lr;
	s5 =	simm.s32 $0xFFFFFFFF;
	p2 =	slt.u32 s8, $0xFFFFF086  }
0x1c: {  	p1 =	slt.u32 s9, $0xF7A;
	s5 =	simm.s32 @!p2 $0x0  }
0x1d: {  	s5 =	simm.s32 @p1 $0x1;
	p0 =	seq.s32 s7, s2  }
0x1e: {  	s7 =	smul.u32 @!p0 $0xF7A, s2;
	p2 =	seq.s32 @!p0 s5, $0x0  }
0x1f: {  	s9 =	smul.u32 $0xF7A, s1;
	s8 =	simm.s32 @!p0 $0x1BF5;
	p2 =	por !p2, p0  }
0x20: {  	[sflag:s8] =	ssyncset.s32 @!p0 $0xFFFFF086;
	s6 =	sadd.s32 @!p0 s3, s7;
	s7 =	simm.s32 @!p0 $0x108  }
0x21: {  	s3 =	sadd.s32 s3, s9;
	s6 =	sadd.s32 @!p0 $0x88, s6;
	s7 =	simm.s32 @p2 $0x1082  }
0x22: {  	[simem:s7], [sflag:s8] =	dma.local @!p0 [hbm:s6], $0xF7A  }
0x23: {  	s9 =	sor.u32 $0xD0000000, s2;
	s6 =	simm.s32 $0x108;
	_ =	swait.ge @!p0 [sflag:s8], $0x0  }
0x24: {  	s3 =	sadd.s32 $0x88, s3;
	s6 =	simm.s32 @!p1 $0x1082;
	[sflag:s4] =	ssyncset.s32 $0xFFFFF086  }
0x25: {  	[simem:s6], [sflag:s4] =	dma.local [hbm:s3], $0xF7A  }
0x26: {  	[smem:$0x3F98] =	sst s1;
	(tag) =	ssettag s2;
	_ =	strace s9  }
0x27: {  	s1 =	sld [smem:$0x3FA8]  }
0x28: {  	s2 =	sld [smem:$0x3FA9]  }
0x29: {  	s4 =	sld [smem:$0x3FAB]  }
0x2a: {  	p0 =	seq.s32 s5, $0x0;
	s5 =	sld [smem:$0x3FAC]  }
0x2b: {  	s6 =	sld [smem:$0x3FAD]  }
0x2c: {  	s7 =	sld [smem:$0x3FAE]  }
0x2d: {  	s3 =	simm.s32 $0x108;
	s8 =	sld [smem:$0x3FAF]  }
0x2e: {  	s3 =	simm.s32 @!p0 $0x1082;
	s9 =	sld [smem:$0x3FB0]  }
0x2f: {  	lr =	sadd.s32 s0, s3;
	s0 =	sld [smem:$0x3FA7]  }
0x30: {  	s3 =	sld [smem:$0x3FAA]  }
0x31: {  	[smem:$0x3FB3] =	sst s10  }
0x32: {  	s10 =	sld [smem:$0x3FB1];
	_ =	sdelay $0x3  }
0x33: {  	p0 =	seq.s32 s10, $0x1;
	s10 =	sld [smem:$0x3FB3];
	_ =	sdelay $0x3  }
0x34: {  	[smem:$0x3FB3] =	sst s10  }
0x35: {  	s10 =	sld [smem:$0x3FB2];
	_ =	sdelay $0x3  }
0x36: {  	p1 =	seq.s32 s10, $0x1;
	s10 =	sld [smem:$0x3FB3];
	_ =	sdelay $0x3  }
0x37: {  	[smem:$0x3FB3] =	sst s10  }
0x38: {  	s10 =	sld [smem:$0x3FB4]  }
0x39: {  	_ = 	snop;
	(pc) =	sbr.ind lr, $3  }
0x3a: {  	_ = 	snop  }
0x3b: {  	_ = 	snop  }
0x3c: {  	p2 =	seq.s32 s10, $0x1;
	s10 =	sld [smem:$0x3FB3]  }
0x3d: {  	_ =	shalt  }
0x3e: {  	_ =	shalt  }
0x3f: {  	_ =	shalt  }
0x40: {  	_ =	shalt  }
0x41: {  	_ =	shalt  }
0x42: {  	_ =	shalt  }
0x43: {  	_ =	shalt  }
0x44: {  	_ =	shalt  }
0x45: {  	_ =	shalt  }
0x46: {  	_ =	shalt  }
0x47: {  	_ =	shalt  }
0x48: {  	_ =	shalt  }
0x49: {  	_ =	shalt  }
0x4a: {  	_ =	shalt  }
0x4b: {  	_ =	shalt  }
0x4c: {  	_ =	shalt  }
0x4d: {  	_ =	shalt  }
0x4e: {  	_ =	shalt  }
0x4f: {  	_ =	shalt  }
0x50: {  	_ =	shalt  }
0x51: {  	_ =	shalt  }
0x52: {  	_ =	shalt  }
0x53: {  	_ =	shalt  }
0x54: {  	_ =	shalt  }
0x55: {  	_ =	shalt  }
0x56: {  	_ =	shalt  }
0x57: {  	_ =	shalt  }
0x58: {  	_ =	shalt  }
0x59: {  	_ =	shalt  }
0x5a: {  	_ =	shalt  }
0x5b: {  	_ =	shalt  }
0x5c: {  	_ =	shalt  }
0x5d: {  	_ =	shalt  }
0x5e: {  	_ =	shalt  }
0x5f: {  	_ =	shalt  }
0x60: {  	_ =	shalt  }
0x61: {  	_ =	shalt  }
0x62: {  	_ =	shalt  }
0x63: {  	_ =	shalt  }
0x64: {  	_ =	shalt  }
0x65: {  	_ =	shalt  }
0x66: {  	_ =	shalt  }
0x67: {  	_ =	shalt  }
0x68: {  	_ =	shalt  }
0x69: {  	_ =	shalt  }
0x6a: {  	_ =	shalt  }
0x6b: {  	_ =	shalt  }
0x6c: {  	_ =	shalt  }
0x6d: {  	_ =	shalt  }
0x6e: {  	_ =	shalt  }
0x6f: {  	_ =	shalt  }
0x70: {  	_ =	shalt  }
0x71: {  	_ =	shalt  }
0x72: {  	_ =	shalt  }
0x73: {  	_ =	shalt  }
0x74: {  	_ =	shalt  }
0x75: {  	_ =	shalt  }
0x76: {  	_ =	shalt  }
0x77: {  	_ =	shalt  }
0x78: {  	_ =	shalt  }
0x79: {  	_ =	shalt  }
0x7a: {  	_ =	shalt  }
0x7b: {  	_ =	shalt  }
0x7c: {  	_ =	shalt  }
0x7d: {  	_ =	shalt  }
0x7e: {  	_ =	shalt  }
0x7f: {  	_ =	shalt  }
0x80: {  	_ =	shalt  }
0x81: {  	_ =	shalt  }
0x82: {  	_ =	shalt  }
0x83: {  	_ =	shalt  }
0x84: {  	_ =	shalt  }
0x85: {  	_ =	shalt  }
0x86: {  	_ =	shalt  }
0x87: {  	_ =	shalt  }
.Lfunc_end0:
.L_simem_size_0:
called_computation.1_lowered:
.L_overlay_start_0:
0x88: {  	s2 =	sld [smem:$0x3FD9]  }
0x89: {  	s3 =	sld [smem:$0x3FFE];
	_ =	sdelay $0x1  }
0x8a: {  	s1 =	srdreg.scid  }
0x8b: {  	s0 =	sand.u32 $0x1, s1  }
0x8c: {  	s16 =	sshll.u32 s0, $0xA;
	s2 =	sadd.s32 s3, s2  }
0x8d: {  	s2 =	sadd.s32 s2, s16  }
0x8e: {  	[smem:$0x3FBF] =	sst s2  }
0x8f: {  	_ = 	snop  }
0x90: {  	(tm) =	ssettm $0x1  }
0x91: {  	s17 =	sld [smem:$0x3FFB];
	_ =	sdelay $0x3  }
0x92: {  	_ =	strace s17  }
0x93: {  	s2 =	sld [smem:$0x3FFC];
	_ =	sdelay $0x3  }
0x94: {  	_ =	strace s2  }
0x95: {  	s2 =	sld [smem:$0x3FFD];
	_ =	sdelay $0x3  }
0x96: {  	_ =	strace s2  }
0x97: {  	_ =	strace $0x8FFFFFFF  }
0x98: {  	s18 =	sld [smem:$0x3FDB];
	_ =	sdelay $0x1  }
0x99: {  	s19 =	simm.s32 $_scs_section_size  }
0x9a: {  	s4 =	simm.s32 $_size__tile_overlayer_lowered;
	s5 =	simm.s32 $_tile_overlayer_lowered  }
0x9b: {  	s22 =	simm.s32 $0x1BFF;
	s21 =	sshll.u32 s5, $0x1;
	s2 =	sadd.s32 s19, s18  }
0x9c: {  	s6 =	simm.s32 $0x0;
	s20 =	sshll.u32 s4, $0x1;
	s4 =	sadd.s32 s21, s2  }
0x9d: {  	[timem:s6], [sflag:s22] =	dma.local [hbm:s4], s20  }
0x9e: {  	_ =	swait.ge [sflag:s22], s20  }
0x9f: {  	s3 =	ssub.s32 $0x0, s20;
	[sflag:s22] =	ssyncset.done $0x0  }
0xa0: {  	[sflag:s22] =	ssyncadd.s32 s3;
	_ =	sdelay $0x1  }
0xa1: {  	s23 =	simm.s32 $0x1B8B  }
0xa2: {  	_ =	swait.ge [sflag:s23], $0x1  }
0xa3: {  	[sflag:s23] =	ssyncset.done $0x0  }
0xa4: {  	s25 =	simm.s32 $0x1B8E;
	s24 =	sld [smem:$0x3FFE];
	[sflag:s23] =	ssyncadd.s32 $0xFFFFFFFF  }
0xa5: {  	s26 =	simm.s32 $execute0_lowered;
	[smem:$0x3FD2] =	sst s25  }
0xa6: {  	s4 =	sshll.u32 s26, $0x1;
	_ =	strace $0x80000049;
	[dreg:$0x1] =	wrdreg $0xFFFFFFFF  }
0xa7: {  	s28 =	simm.s32 $_size_execute0_lowered;
	s2 =	sadd.s32 s2, s4;
	[dreg:$0x0] =	wrdreg $0x0  }
0xa8: {  	s4 =	sshll.u32 s28, $0x1;
	[dreg:$0x2] =	wrdreg s2  }
0xa9: {  	[dreg:$0x3] =	wrdreg s4  }
0xaa: {  	[dreg:$0x4] =	wrdreg $0xC0  }
0xab: {  	_ =	task [dreg:s6], $0x5FFFF  }
0xac: {  	[dreg:$0x1] =	wrdreg $0xFFFFFFFF  }
0xad: {  	[dreg:$0x0] =	wrdreg $0x60  }
0xae: {  	[dreg:$0x2] =	wrdreg s24  }
0xaf: {  	[dreg:$0x3] =	wrdreg $0x84000  }
0xb0: {  	[dreg:$0x4] =	wrdreg $0x9  }
0xb1: {  	_ =	task.clear_ibuf [dreg:s6], $0x5FFFF;
	_ =	strace $0x90000049  }
0xb2: {  	s29 =	simm.s32 $0x9;
	_ =	strace $0x8000004B  }
0xb3: {  	_ =	swait.ge [sflag:s29], $0x1  }
0xb4: {  	[sflag:s29] =	ssyncadd.s32 $0xFFFFFFFF  }
0xb5: {  	_ =	strace $0x9000004B  }
0xb6: {  	_ =	sfence  }
0xb7: {  	s30 =	sld [smem:$0x0];
	_ =	sdelay $0x2  }
0xb8: {  	s31 =	sshll.u32 s1, $0xD;
	s1 =	sshrl.u32 s1, $0x2  }
0xb9: {  	s3 =	sand.u32 $0x4000, s31;
	s1 =	sadd.s32 s1, s30  }
0xba: {  	s0 =	sor.u32 s3, s0;
	s1 =	sshll.u32 s1, $0x11  }
0xbb: {  	s0 =	sor.u32 s1, s0  }
0xbc: {  	s0 =	sadd.s32 $0x8F2B, s0  }
0xbd: {  	[sflag:s0] =	ssyncadd.remote.s32 $0x1  }
0xbe: {  	_ =	sfence.sel $0xFFFF  }
0xbf: {  	[dreg:$0x0] =	wrdreg $0xFFFFFFFF;
	(pc) =	sbr.abs _section_cstart, $3  }
0xc0: {  	[dreg:$0x1] =	wrdreg $0xFFFFFFFF  }
0xc1: {  	_ =	task.clear_ibuf [dreg:s6], $0x2FFFF;
	_ =	strace $0x9FFFFFFF  }
0xc2: {  	(tm) =	ssettm $0x7FFFFFFF  }
0xc3: {  	_ =	shalt  }
tec
execute0_lowered:
.L_overlay_start_1:
0x0: {  	(tag) =	ssettag $0x1  }
0x1: {  	s0 =	rddreg [dreg:$0x0]  }
0x2: {  	s1 =	rddreg [dreg:$0x1]  }
0x3: {  	s2 =	simm.s32 $0x0;
	s3 =	srdreg.scid;
	s23 =	stileid.u32  }
0x4: {  	s28 =	simm.s32 $0x400;
	s29 =	simm.s32 $0x5;
	s30 =	simm.s32 $0x100  }
0x5: {  	s31 =	simm.s32 $0x3;
	[smem:$0x7FF] =	sst s2;
	s4 =	sadd.s32 $0x2600, s0  }
0x6: {  	s5 =	sadd.s32 $0x5B400, s0;
	s3 =	sand.u32 $0x1, s3;
	s8 =	smul.u32 $0x4F000, s23  }
0x7: {  	s14 =	smul.u32 $0x13C00, s23;
	s0 =	sadd.s32 $0x82600, s0;
	s25 =	sshll.u32 s23, $0x7  }
0x8: {  	_ =	strace $0x8000004A;
	s6 =	ssub.s32 $0x2, s3;
	s7 =	sshll.u32 s3, $0x4  }
0x9: {  	s21 =	smul.u32 $0x13C000, s3;
	s24 =	sshll.u32 s3, $0xB;
	s3 =	simm.s32 $0x200  }
0xa: {  	s9 =	sshrl.u32 s6, $0x1;
	s10 =	sor.u32 s23, s7;
	s13 =	sshrl.u32 s8, $0x2  }
0xb: {  	s16 =	sadd.s32 $0x4000, s14;
	s17 =	sadd.s32 $0x8000, s14;
	s18 =	sadd.s32 $0xC000, s14  }
0xc: {  	s19 =	sadd.s32 $0x10000, s14;
	s15 =	ssub.s32 s6, s9;
	s12 =	ssub.s32 $0x9E3, s10  }
0xd: {  	s7 =	sadd.s32 s13, s1;
	s8 =	sadd.s32 s16, s1;
	s9 =	sadd.s32 s17, s1  }
0xe: {  	s11 =	sadd.s32 s18, s1;
	s10 =	sshll.u32 s10, $0x7;
	s14 =	sadd.s32 s14, s21  }
0xf: {  	s16 =	sadd.s32 s21, s16;
	s17 =	sadd.s32 s21, s17;
	s18 =	sadd.s32 s21, s18  }
0x10: {  	s6 =	sshrl.u32 s12, $0x5;
	s12 =	sshll.u32 s23, $0x6;
	s13 =	sand.u32 $0xF00, s10  }
0x11: {  	s14 =	sshrl.u32 s14, $0x3;
	s16 =	sshrl.u32 s16, $0x3;
	s17 =	sshrl.u32 s17, $0x3  }
0x12: {  	s23 =	smax.u32 s15, $0x1;
	s15 =	simm.s32 $0x300;
	[dreg:$0x3] =	wrdreg s12  }
0x13: {  	s12 =	sand.u32 $0x40, s12;
	s14 =	sadd.s32 s0, s14;
	s26 =	sadd.s32 $0x1, s6  }
0x14: {  	s10 =	sor.u32 s12, s10;
	s20 =	sor.u32 s12, s13;
	s13 =	sadd.s32 s19, s1  }
0x15: {  	s19 =	sadd.s32 s21, s19;
	[dreg:$0x7] =	wrdreg s14;
	s14 =	sadd.s32 s0, s16  }
0x16: {  	s16 =	simm.s32 $0x6;
	s10 =	sshrl.u32 s10, $0x3;
	s20 =	sshrl.u32 s20, $0x3  }
0x17: {  	[dreg:$0x8] =	wrdreg s14;
	s14 =	sadd.s32 s0, s17;
	s17 =	simm.s32 $0x0  }
0x18: {  	s22 =	sor.u32 $0x10, s10;
	s20 =	sadd.s32 s4, s20;
	[dreg:$0x9] =	wrdreg s14  }
0x19: {  	s10 =	sor.u32 $0x210, s10;
	s22 =	sadd.s32 s4, s22;
	[dreg:$0x4] =	wrdreg s20  }
0x1a: {  	s20 =	sadd.s32 $0x200, s20;
	s10 =	sadd.s32 s4, s10;
	[dreg:$0x5] =	wrdreg s22  }
.Ltmp0:
0x1b: {  	[dreg:$0x6] =	wrdreg s20;
	s20 =	sshrl.u32 s18, $0x3;
	(pc) =	sbr.rel .LBB2_1-.Ltmp0, $4  }
0x1c: {  	s22 =	sshrl.u32 s19, $0x3;
	[dreg:$0xc] =	wrdreg s10;
	s21 =	sadd.s32 s0, s20  }
0x1d: {  	s10 =	simm.s32 $0x1;
	s0 =	sadd.s32 s0, s22;
	[dreg:$0xa] =	wrdreg s21  }
0x1e: {  	[dreg:$0xb] =	wrdreg s0;
	s0 =	sor.u32 s25, s24;
	s24 =	sand.u32 $0x5E, s26  }
0x1f: {  	v0 =	vimm.f32 $0.0e+00;
	s26 =	sadd.s32 $0xFFFFFFFF, s6;
	s18 =	sor.u32 $0x2000, s0;
	s0 =	simm.s32 $0x80  }
.LBB2_8:
0x20: {  	[bflag:$0x0] =	sbarrier.arrive $0xFFFF  }
0x21: {  	s14 =	rddreg [dreg:$0x3]  }
0x22: {  	s19 =	sshrl.u32 s7, $0x3;
	s20 =	rddreg [dreg:$0x7];
	s14 =	sor.u32 $0x1C05, s14  }
0x23: {  	[hbm:s20], [sflag:s14] =	dma.local [spmem:s19], $0x800  }
0x24: {  	_ =	swait.ge [sflag:s29], $0x800  }
0x25: {  	[sflag:s29] =	ssyncset.done $0x0  }
0x26: {  	s20 =	sshrl.u32 s8, $0x3;
	s21 =	rddreg [dreg:$0x8];
	[sflag:s29] =	ssyncadd.s32 $0xFFFFF800  }
0x27: {  	[hbm:s21], [sflag:s14] =	dma.local [spmem:s20], $0x800  }
0x28: {  	_ =	swait.ge [sflag:s29], $0x800  }
0x29: {  	[sflag:s29] =	ssyncset.done $0x0  }
0x2a: {  	s22 =	sshrl.u32 s9, $0x3;
	s25 =	rddreg [dreg:$0x9];
	[sflag:s29] =	ssyncadd.s32 $0xFFFFF800  }
0x2b: {  	[hbm:s25], [sflag:s14] =	dma.local [spmem:s22], $0x800  }
0x2c: {  	_ =	swait.ge [sflag:s29], $0x800  }
0x2d: {  	[sflag:s29] =	ssyncset.done $0x0  }
0x2e: {  	s20 =	sshrl.u32 s11, $0x3;
	s21 =	rddreg [dreg:$0xa];
	[sflag:s29] =	ssyncadd.s32 $0xFFFFF800  }
0x2f: {  	[hbm:s21], [sflag:s14] =	dma.local [spmem:s20], $0x800  }
0x30: {  	s17 =	sadd.s32 $0x1, s17;
	_ =	swait.ge [sflag:s29], $0x800  }
0x31: {  	p0 =	sne.s32 s17, s23;
	s22 =	sshrl.u32 s13, $0x3;
	[sflag:s29] =	ssyncset.done $0x0  }
.Ltmp1:
0x32: {  	s25 =	rddreg [dreg:$0xb];
	[sflag:s29] =	ssyncadd.s32 $0xFFFFF800;
	(pc) =	sbr.rel @!p0 .LBB2_9-.Ltmp1, $4  }
0x33: {  	[hbm:s25], [sflag:s14] =	dma.local [spmem:s22], $0x780  }
0x34: {  	_ =	swait.ge [sflag:s29], $0x780  }
0x35: {  	[sflag:s29] =	ssyncset.done $0x0  }
0x36: {  	[sflag:s29] =	ssyncadd.s32 $0xFFFFF880  }
.LBB2_1:
0x37: {  	s14 =	simm.s32 $0x0;
	s19 =	simm.s32 $0x200  }
.LBB2_2:
0x38: {  	p0 =	sne.s32 s19, $0xFE00;
	[tilespmem:s14+$0x470] =	vst v0  }
0x39: {  	[tilespmem:s14+$0x400] =	vst v0  }
0x3a: {  	[tilespmem:s14+$0x410] =	vst v0  }
.Ltmp2:
0x3b: {  	[tilespmem:s14+$0x420] =	vst v0;
	(pc) =	sbr.rel @p0 .LBB2_2-.Ltmp2, $4  }
0x3c: {  	[tilespmem:s14+$0x430] =	vst v0  }
0x3d: {  	[tilespmem:s14+$0x440] =	vst v0  }
0x3e: {  	[tilespmem:s14+$0x450] =	vst v0  }
0x3f: {  	[tilespmem:s14+$0x460] =	vst v0;
	s14 =	sshra.s32 s19, $0x2;
	s19 =	sadd.s32 $0x200, s19  }
0x40: {  	[tilespmem:s14+$0x470] =	vst v0  }
0x41: {  	[tilespmem:s14+$0x400] =	vst v0  }
0x42: {  	[tilespmem:s14+$0x410] =	vst v0  }
0x43: {  	[tilespmem:s14+$0x420] =	vst v0  }
0x44: {  	[tilespmem:s14+$0x430] =	vst v0  }
0x45: {  	[tilespmem:s14+$0x440] =	vst v0  }
0x46: {  	[tilespmem:s14+$0x450] =	vst v0  }
0x47: {  	[tilespmem:s14+$0x460] =	vst v0  }
0x48: {  	[spmem:s7] =	stream.linear.scatter [tilespmem:s28], [sflag:$0x5], $0x4000, $0x38;
	[tilespmem:$0x1C000] =	vst v63  }
0x49: {  	_ =	swait.ge [sflag:s29], $0x4000  }
0x4a: {  	[sflag:s29] =	ssyncset.done $0x0  }
0x4b: {  	[sflag:s29] =	ssyncadd.s32 $0xFFFFC000  }
0x4c: {  	[spmem:s8] =	stream.linear.scatter [tilespmem:s28], [sflag:$0x5], $0x4000, $0x38;
	[tilespmem:$0x1C000] =	vst v63  }
0x4d: {  	_ =	swait.ge [sflag:s29], $0x4000  }
0x4e: {  	[sflag:s29] =	ssyncset.done $0x0  }
0x4f: {  	[sflag:s29] =	ssyncadd.s32 $0xFFFFC000  }
0x50: {  	[spmem:s9] =	stream.linear.scatter [tilespmem:s28], [sflag:$0x5], $0x4000, $0x38;
	[tilespmem:$0x1C000] =	vst v63  }
0x51: {  	_ =	swait.ge [sflag:s29], $0x4000  }
0x52: {  	[sflag:s29] =	ssyncset.done $0x0  }
0x53: {  	[sflag:s29] =	ssyncadd.s32 $0xFFFFC000  }
0x54: {  	[spmem:s11] =	stream.linear.scatter [tilespmem:s28], [sflag:$0x5], $0x4000, $0x38;
	[tilespmem:$0x1C000] =	vst v63  }
0x55: {  	_ =	swait.ge [sflag:s29], $0x4000  }
0x56: {  	[sflag:s29] =	ssyncset.done $0x0  }
0x57: {  	[sflag:s29] =	ssyncadd.s32 $0xFFFFC000  }
0x58: {  	[spmem:s13] =	stream.linear.scatter [tilespmem:s28], [sflag:$0x5], $0x3C00, $0x38;
	[tilespmem:$0x1C000] =	vst v63  }
0x59: {  	_ =	swait.ge [sflag:s29], $0x3C00  }
0x5a: {  	[sflag:s29] =	ssyncset.done $0x0  }
0x5b: {  	[sflag:s29] =	ssyncadd.s32 $0xFFFFC400  }
0x5c: {  	[bflag:$0x0] =	sbarrier.arrive $0xFFFF  }
0x5d: {  	s19 =	simm.s32 $0x0;
	s20 =	rddreg [dreg:$0x4]  }
0x5e: {  	[tilespmem:s19], [sflag:$0x3] =	stream.linear.gather [hbm4b:s20+s19], $0x40, $0x38;
	[tilespmem:$0x1C000] =	vst v63  }
0x5f: {  	s21 =	rddreg [dreg:$0x5]  }
0x60: {  	[tilespmem:s30], [sflag:$0x3] =	stream.linear.gather [hbm4b:s21+s19], $0x40, $0x38;
	[tilespmem:$0x1C000] =	vst v63  }
0x61: {  	_ =	swait.ge [sflag:s31], $0x40  }
0x62: {  	[sflag:s31] =	ssyncset.done $0x0  }
0x63: {  	[sflag:s31] =	ssyncadd.s32 $0xFFFFFFC0  }
0x64: {  	_ =	swait.ge [sflag:s31], $0x40  }
0x65: {  	[sflag:s31] =	ssyncset.done $0x0  }
0x66: {  	[sflag:s31] =	ssyncadd.s32 $0xFFFFFFC0  }
0x67: {  	v1 =	vld [tilespmem:$0x0];
	_ =	sdelay $0x1  }
0x68: {  	v2 =	vld [tilespmem:$0x100];
	_ =	sdelay $0x1  }
0x69: {  	v3 =	vld [tilespmem:$0x10]  }
0x6a: {  	v4 =	vand.u32 $0xFFFF, v1  }
0x6b: {  	v62 =	vld [tilespmem:$0x110];
	v1 =	vshra.s32 v1, $0x10;
	[tilespmem:$0x200] =	vst v4  }
0x6c: {  	[tilespmem:$0x210] =	vst v1;
	v1 =	vand.u32 $0xFFFF, v2  }
0x6d: {  	[tilespmem:$0x300] =	vst v1;
	v1 =	vshra.s32 v2, $0x10;
	v2 =	vld [tilespmem:$0x20]  }
0x6e: {  	[tilespmem:$0x310] =	vst v1;
	v1 =	vand.u32 $0xFFFF, v3  }
0x6f: {  	[tilespmem:$0x220] =	vst v1;
	v1 =	vshra.s32 v3, $0x10;
	v3 =	vld [tilespmem:$0x120]  }
0x70: {  	[tilespmem:$0x230] =	vst v1;
	v1 =	vand.u32 $0xFFFF, v62  }
0x71: {  	v63 =	vld [tilespmem:$0x30];
	[tilespmem:$0x320] =	vst v1;
	v1 =	vshra.s32 v62, $0x10  }
0x72: {  	[tilespmem:$0x330] =	vst v1;
	v1 =	vand.u32 $0xFFFF, v2  }
0x73: {  	[tilespmem:$0x240] =	vst v1;
	v1 =	vshra.s32 v2, $0x10;
	v2 =	vld [tilespmem:$0x130]  }
0x74: {  	[tilespmem:$0x250] =	vst v1;
	v1 =	vand.u32 $0xFFFF, v3  }
0x75: {  	[tilespmem:$0x340] =	vst v1;
	v1 =	vshra.s32 v3, $0x10  }
0x76: {  	[tilespmem:$0x350] =	vst v1;
	v1 =	vand.u32 $0xFFFF, v63  }
0x77: {  	[tilespmem:$0x260] =	vst v1;
	v1 =	vshra.s32 v63, $0x10  }
0x78: {  	[tilespmem:$0x270] =	vst v1;
	v1 =	vand.u32 $0xFFFF, v2  }
0x79: {  	[tilespmem:$0x360] =	vst v1;
	v1 =	vshra.s32 v2, $0x10  }
0x7a: {  	[tilespmem:$0x370] =	vst v1  }
0x7b: {  	[tilespmem:s28], [sflag:$0x1] =	stream.indirect.gather [hbm4b:s5+s0], $0x80, s3, s0, $0xb8;
	[tilespmem:$0x1C000] =	vst v63  }
.Ltmp3:
0x7c: {  	s22 =	rddreg [dreg:$0x6];
	(pc) =	sbr.rel .LBB2_4-.Ltmp3, $4  }
0x7d: {  	[tilespmem:s0], [sflag:$0x4] =	stream.linear.gather [hbm4b:s22+s19], $0x40, $0x38;
	[tilespmem:$0x1C000] =	vst v63  }
0x7e: {  	s20 =	simm.s32 $0x180;
	s25 =	rddreg [dreg:$0xc]  }
0x7f: {  	[tilespmem:s20], [sflag:$0x4] =	stream.linear.gather [hbm4b:s25+s19], $0x40, $0x38;
	[tilespmem:$0x1C000] =	vst v63  }
0x80: {  	s25 =	smov.u32 s18  }
.LBB2_6:
0x81: {  	_ =	swait.ge [sflag:s10], $0x4000  }
0x82: {  	[sflag:s10] =	ssyncset.done $0x0  }
0x83: {  	[sflag:s10] =	ssyncadd.s32 $0xFFFFC000  }
0x84: {  	[spmem:s1] =	stream.indirect.scatter.add.f32 [tilespmem:s28], [sflag:$0x6], $0x80, s15, s0, $0xb8;
	[tilespmem:$0x1C000] =	vst v63  }
0x85: {  	_ =	swait.ge [sflag:s16], $0x4000  }
0x86: {  	[sflag:s16] =	ssyncset.done $0x0  }
0x87: {  	[sflag:s16] =	ssyncadd.s32 $0xFFFFC000  }
.LBB2_7:
0x88: {  	s19 =	sadd.s32 $0x3, s19  }
0x89: {  	p1 =	sge.u32 s19, s6  }
0x8a: {  	s19 =	sadd.s32 @!p1 $0x1000, s25  }
0x8b: {  	s20 =	sand.u32 @!p1 $0x7FFFFF00, s19  }
0x8c: {  	s19 =	sadd.s32 @!p1 s12, s19;
	s20 =	sor.u32 @!p1 s12, s20  }
0x8d: {  	s21 =	simm.s32 @!p1 $0x0;
	s19 =	sshrl.u32 @!p1 s19, $0x3;
	s20 =	sshrl.u32 @!p1 s20, $0x3  }
0x8e: {  	s22 =	simm.s32 @!p1 $0x80;
	s19 =	sor.u32 @!p1 $0x10, s19;
	s20 =	sadd.s32 @!p1 s4, s20  }
0x8f: {  	[tilespmem:s22], [sflag:$0x4] =	stream.linear.gather @!p1 [hbm4b:s20+s21], $0x40, $0x38;
	[tilespmem:$0x1C000] =	vst v63  }
0x90: {  	s19 =	sadd.s32 @!p1 s4, s19;
	s20 =	simm.s32 @!p1 $0x180  }
0x91: {  	[tilespmem:s20], [sflag:$0x4] =	stream.linear.gather @!p1 [hbm4b:s19+s21], $0x40, $0x38;
	[tilespmem:$0x1C000] =	vst v63  }
0x92: {  	s19 =	simm.s32 @!p0 $0x2  }
0x93: {  	_ =	swait.ge @!p0 [sflag:s19], $0x4000  }
0x94: {  	s20 =	simm.s32 @!p0 $0x380;
	s21 =	simm.s32 @!p0 $0x4400;
	[sflag:s19] =	ssyncset.done @!p0 $0x0  }
0x95: {  	p1 =	sne.s32 s24, s14;
	[sflag:s19] =	ssyncadd.s32 @!p0 $0xFFFFC000;
	s19 =	simm.s32 @!p0 $0x80  }
0x96: {  	[spmem:s1] =	stream.indirect.scatter.add.f32 @!p0 [tilespmem:s21], [sflag:$0x5], $0x80, s20, s19, $0xb8;
	[tilespmem:$0x1C000] =	vst v63  }
.Ltmp4:
0x97: {  	_ = 	snop;
	(pc) =	sbr.rel @!p1 .LBB2_8-.Ltmp4, $4  }
0x98: {  	s19 =	simm.s32 @!p0 $0x5  }
0x99: {  	_ =	swait.ge @!p0 [sflag:s19], $0x4000  }
0x9a: {  	[sflag:s19] =	ssyncset.done @!p0 $0x0  }
0x9b: {  	s25 =	sadd.s32 $0x2000, s25;
	[sflag:s19] =	ssyncadd.s32 @!p0 $0xFFFFC000;
	s19 =	smov.u32 s14  }
.LBB2_4:
0x9c: {  	p0 =	sge.u32 s19, s26  }
0x9d: {  	s14 =	simm.s32 @!p0 $0x4  }
0x9e: {  	_ =	swait.ge @!p0 [sflag:s14], $0x40  }
0x9f: {  	[sflag:s14] =	ssyncset.done @!p0 $0x0  }
0xa0: {  	[sflag:s14] =	ssyncadd.s32 @!p0 $0xFFFFFFC0  }
0xa1: {  	_ =	swait.ge @!p0 [sflag:s14], $0x40  }
0xa2: {  	[sflag:s14] =	ssyncset.done @!p0 $0x0  }
0xa3: {  	[sflag:s14] =	ssyncadd.s32 @!p0 $0xFFFFFFC0  }
0xa4: {  	v1 =	vld @!p0 [tilespmem:$0x80];
	_ =	sdelay $0x1  }
0xa5: {  	v2 =	vld @!p0 [tilespmem:$0x180];
	_ =	sdelay $0x1  }
0xa6: {  	v3 =	vld @!p0 [tilespmem:$0x90]  }
0xa7: {  	v4 =	vand.u32 @!p0 $0xFFFF, v1  }
0xa8: {  	v1 =	vshra.s32 @!p0 v1, $0x10;
	[tilespmem:$0x280] =	vst @!p0 v4;
	v4 =	vld @!p0 [tilespmem:$0x190]  }
0xa9: {  	[tilespmem:$0x290] =	vst @!p0 v1;
	v1 =	vand.u32 @!p0 $0xFFFF, v2  }
0xaa: {  	[tilespmem:$0x380] =	vst @!p0 v1;
	v1 =	vshra.s32 @!p0 v2, $0x10;
	v2 =	vld @!p0 [tilespmem:$0xA0]  }
0xab: {  	[tilespmem:$0x390] =	vst @!p0 v1;
	v1 =	vand.u32 @!p0 $0xFFFF, v3  }
0xac: {  	[tilespmem:$0x2A0] =	vst @!p0 v1;
	v1 =	vshra.s32 @!p0 v3, $0x10;
	v3 =	vld @!p0 [tilespmem:$0x1A0]  }
0xad: {  	[tilespmem:$0x2B0] =	vst @!p0 v1;
	v1 =	vand.u32 @!p0 $0xFFFF, v4  }
0xae: {  	[tilespmem:$0x3A0] =	vst @!p0 v1;
	v1 =	vshra.s32 @!p0 v4, $0x10;
	v4 =	vld @!p0 [tilespmem:$0xB0]  }
0xaf: {  	[tilespmem:$0x3B0] =	vst @!p0 v1;
	v1 =	vand.u32 @!p0 $0xFFFF, v2  }
0xb0: {  	[tilespmem:$0x2C0] =	vst @!p0 v1;
	v1 =	vshra.s32 @!p0 v2, $0x10;
	v2 =	vld @!p0 [tilespmem:$0x1B0]  }
0xb1: {  	[tilespmem:$0x2D0] =	vst @!p0 v1;
	v1 =	vand.u32 @!p0 $0xFFFF, v3  }
0xb2: {  	[tilespmem:$0x3C0] =	vst @!p0 v1;
	v1 =	vshra.s32 @!p0 v3, $0x10  }
0xb3: {  	[tilespmem:$0x3D0] =	vst @!p0 v1;
	v1 =	vand.u32 @!p0 $0xFFFF, v4  }
0xb4: {  	[tilespmem:$0x2E0] =	vst @!p0 v1;
	v1 =	vshra.s32 @!p0 v4, $0x10  }
0xb5: {  	[tilespmem:$0x2F0] =	vst @!p0 v1;
	v1 =	vand.u32 @!p0 $0xFFFF, v2  }
0xb6: {  	[tilespmem:$0x3E0] =	vst @!p0 v1;
	v1 =	vshra.s32 @!p0 v2, $0x10  }
0xb7: {  	s20 =	simm.s32 @!p0 $0x280;
	s21 =	simm.s32 @!p0 $0x4400;
	s14 =	simm.s32 @!p0 $0x80;
	[tilespmem:$0x3F0] =	vst @!p0 v1  }
0xb8: {  	[tilespmem:s21], [sflag:$0x2] =	stream.indirect.gather @!p0 [hbm4b:s5+s14], $0x80, s20, s14, $0xb8;
	[tilespmem:$0x1C000] =	vst v63  }
0xb9: {  	s14 =	sadd.s32 $0x2, s19  }
0xba: {  	p1 =	sge.u32 s14, s6  }
.Ltmp5:
0xbb: {  	_ = 	snop;
	(pc) =	sbr.rel @p1 .LBB2_6-.Ltmp5, $1  }
0xbc: {  	_ =	sdelay $0x3  }
0xbd: {  	s20 =	sand.u32 $0x7FFFEF00, s25  }
0xbe: {  	s20 =	sor.u32 s12, s20  }
0xbf: {  	s20 =	sshrl.u32 s20, $0x3  }
0xc0: {  	s22 =	sadd.s32 s25, s12;
	s20 =	sadd.s32 s4, s20  }
0xc1: {  	[tilespmem:s2], [sflag:$0x3] =	stream.linear.gather [hbm4b:s20+s2], $0x40, $0x38;
	[tilespmem:$0x1C000] =	vst v63  }
0xc2: {  	s20 =	sshrl.u32 s22, $0x3  }
0xc3: {  	s20 =	sor.u32 $0x10, s20  }
0xc4: {  	s20 =	sadd.s32 s4, s20  }
0xc5: {  	[tilespmem:s30], [sflag:$0x3] =	stream.linear.gather [hbm4b:s20+s2], $0x40, $0x38;
	[tilespmem:$0x1C000] =	vst v63  }
0xc6: {  	_ =	swait.ge [sflag:s10], $0x4000  }
0xc7: {  	[sflag:s10] =	ssyncset.done $0x0  }
0xc8: {  	[sflag:s10] =	ssyncadd.s32 $0xFFFFC000  }
0xc9: {  	[spmem:s1] =	stream.indirect.scatter.add.f32 [tilespmem:s28], [sflag:$0x6], $0x80, s15, s0, $0xb8;
	[tilespmem:$0x1C000] =	vst v63  }
0xca: {  	_ =	swait.ge [sflag:s16], $0x4000  }
0xcb: {  	[sflag:s16] =	ssyncset.done $0x0  }
0xcc: {  	[sflag:s16] =	ssyncadd.s32 $0xFFFFC000  }
0xcd: {  	_ =	swait.ge [sflag:s31], $0x40  }
0xce: {  	[sflag:s31] =	ssyncset.done $0x0  }
0xcf: {  	[sflag:s31] =	ssyncadd.s32 $0xFFFFFFC0  }
0xd0: {  	_ =	swait.ge [sflag:s31], $0x40  }
0xd1: {  	[sflag:s31] =	ssyncset.done $0x0  }
0xd2: {  	[sflag:s31] =	ssyncadd.s32 $0xFFFFFFC0  }
0xd3: {  	v1 =	vld [tilespmem:$0x0];
	_ =	sdelay $0x1  }
0xd4: {  	v2 =	vld [tilespmem:$0x100];
	_ =	sdelay $0x1  }
0xd5: {  	v3 =	vld [tilespmem:$0x10]  }
0xd6: {  	v4 =	vand.u32 $0xFFFF, v1  }
0xd7: {  	v62 =	vld [tilespmem:$0x110];
	v1 =	vshra.s32 v1, $0x10;
	[tilespmem:$0x200] =	vst v4  }
0xd8: {  	[tilespmem:$0x210] =	vst v1;
	v1 =	vand.u32 $0xFFFF, v2  }
0xd9: {  	[tilespmem:$0x300] =	vst v1;
	v1 =	vshra.s32 v2, $0x10;
	v2 =	vld [tilespmem:$0x20]  }
0xda: {  	[tilespmem:$0x310] =	vst v1;
	v1 =	vand.u32 $0xFFFF, v3  }
0xdb: {  	[tilespmem:$0x220] =	vst v1;
	v1 =	vshra.s32 v3, $0x10;
	v3 =	vld [tilespmem:$0x120]  }
0xdc: {  	[tilespmem:$0x230] =	vst v1;
	v1 =	vand.u32 $0xFFFF, v62  }
0xdd: {  	v63 =	vld [tilespmem:$0x30];
	[tilespmem:$0x320] =	vst v1;
	v1 =	vshra.s32 v62, $0x10  }
0xde: {  	[tilespmem:$0x330] =	vst v1;
	v1 =	vand.u32 $0xFFFF, v2  }
0xdf: {  	[tilespmem:$0x240] =	vst v1;
	v1 =	vshra.s32 v2, $0x10;
	v2 =	vld [tilespmem:$0x130]  }
0xe0: {  	[tilespmem:$0x250] =	vst v1;
	v1 =	vand.u32 $0xFFFF, v3  }
0xe1: {  	[tilespmem:$0x340] =	vst v1;
	v1 =	vshra.s32 v3, $0x10  }
0xe2: {  	[tilespmem:$0x350] =	vst v1;
	v1 =	vand.u32 $0xFFFF, v63  }
.Ltmp6:
0xe3: {  	[tilespmem:$0x260] =	vst v1;
	v1 =	vshra.s32 v63, $0x10;
	(pc) =	sbr.rel .LBB2_7-.Ltmp6, $4  }
0xe4: {  	[tilespmem:$0x270] =	vst v1;
	v1 =	vand.u32 $0xFFFF, v2  }
0xe5: {  	[tilespmem:$0x360] =	vst v1;
	v1 =	vshra.s32 v2, $0x10  }
0xe6: {  	[tilespmem:$0x370] =	vst v1  }
0xe7: {  	[tilespmem:s28], [sflag:$0x1] =	stream.indirect.gather [hbm4b:s5+s0], $0x80, s3, s0, $0xb8;
	[tilespmem:$0x1C000] =	vst v63  }
.LBB2_9:
0xe8: {  	_ =	sfence.sel $0x180000  }
0xe9: {  	[bflag:$0x0] =	sbarrier.arrive $0xFFFF  }
0xea: {  	_ =	strace $0x9000004A  }
0xeb: {  	s0 =	stileid.u32;
	[bflag:$0x2] =	sbarrier.arrive $0xFFFF  }
0xec: {  	p0 =	sne.s32 s0, $0x0;
	s0 =	rddreg [dreg:$0x2]  }
0xed: {  	s0 =	sadd.s32 @!p0 $0x100000, s0  }
0xee: {  	[sflag:s0] =	ssyncadd.tile.s32 @!p0 $0x1;
	_ =	shalt  }
.Lfunc_end2:
_tile_overlayer_lowered:
.L_overlay_start_2:
0xef: {  	(tag) =	ssettag $0x2  }
0xf0: {  	s0 =	rddreg [dreg:$0x0];
	s2 =	stileid.u32  }
0xf1: {  	s1 =	rddreg [dreg:$0x1];
	p0 =	sne.s32 s2, $0x0  }
0xf2: {  	s3 =	rddreg [dreg:$0x2];
	[bflag:$0x3] =	sbarrier.arrive $0xFFFF;
	s2 =	simm.s32 @!p0 $0x1C05  }
0xf3: {  	[timem:s3], [sflag:s2] =	dma.local @!p0 [hbm:s0], s1  }
0xf4: {  	s0 =	simm.s32 @!p0 $0x5  }
0xf5: {  	_ =	swait.ge @!p0 [sflag:s0], s1  }
0xf6: {  	s1 =	ssub.s32 @!p0 $0x0, s1;
	[sflag:s0] =	ssyncset.done @!p0 $0x0  }
0xf7: {  	[sflag:s0] =	ssyncadd.s32 @!p0 s1  }
0xf8: {  	[bflag:$0x3] =	sbarrier.arrive $0xFFFF  }
0xf9: {  	_ =	shalt  }

// kernel: kernel.7.cloned.1.call-start
scs
__scs_entry_jumppad:
0x0: {  	(pc) =	sbr.rel $0x88, $3  }
0x1: {  	(tag) =	ssettag $0x0;
	lr =	simm.s32 $0x1  }
0x2: {  	[smem:$0x3F98] =	sst lr;
	_ =	strace $0xD0000000  }
0x3: {  	_ = 	snop  }
0x4: {  	_ = 	snop  }
0x5: {  	_ = 	snop  }
0x6: {  	_ = 	snop  }
0x7: {  	_ = 	snop  }
__scs_overlays_trampoline_lowered:
0x8: {  	[smem:$0x3FA7] =	sst s0  }
0x9: {  	[smem:$0x3FA8] =	sst s1  }
0xa: {  	[smem:$0x3FA9] =	sst s2  }
0xb: {  	[smem:$0x3FAA] =	sst s3  }
0xc: {  	[smem:$0x3FAB] =	sst s4  }
0xd: {  	[smem:$0x3FAC] =	sst s5  }
0xe: {  	[smem:$0x3FAD] =	sst s6  }
0xf: {  	[smem:$0x3FAE] =	sst s7  }
0x10: {  	[smem:$0x3FAF] =	sst s8  }
0x11: {  	[smem:$0x3FB0] =	sst s9;
	s0 =	simm.s32 @!p0 $0x0  }
0x12: {  	s1 =	sld [smem:$0x3F96];
	s0 =	simm.s32 @p0 $0x1  }
0x13: {  	[smem:$0x3FB1] =	sst s0;
	s0 =	simm.s32 @!p1 $0x0  }
0x14: {  	s2 =	sld [smem:$0x3F95];
	s0 =	simm.s32 @p1 $0x1  }
0x15: {  	[smem:$0x3FB2] =	sst s0;
	s0 =	simm.s32 @!p2 $0x0  }
0x16: {  	s3 =	sld [smem:$0x3FDB];
	s0 =	simm.s32 @p2 $0x1  }
0x17: {  	s4 =	simm.s32 $0x1BF5;
	[smem:$0x3FB4] =	sst s0  }
0x18: {  	s0 =	sld [smem:$0x3F97];
	_ =	swait.ge [sflag:s4], $0x0  }
0x19: {  	s7 =	sld [smem:$0x3F98]  }
0x1a: {  	s8 =	sadd.s32 $0xFFFFE003, lr  }
0x1b: {  	s9 =	sadd.s32 $0xFFFFFEF7, lr;
	s5 =	simm.s32 $0xFFFFFFFF;
	p2 =	slt.u32 s8, $0xFFFFF086  }
0x1c: {  	p1 =	slt.u32 s9, $0xF7A;
	s5 =	simm.s32 @!p2 $0x0  }
0x1d: {  	s5 =	simm.s32 @p1 $0x1;
	p0 =	seq.s32 s7, s2  }
0x1e: {  	s7 =	smul.u32 @!p0 $0xF7A, s2;
	p2 =	seq.s32 @!p0 s5, $0x0  }
0x1f: {  	s9 =	smul.u32 $0xF7A, s1;
	s8 =	simm.s32 @!p0 $0x1BF5;
	p2 =	por !p2, p0  }
0x20: {  	[sflag:s8] =	ssyncset.s32 @!p0 $0xFFFFF086;
	s6 =	sadd.s32 @!p0 s3, s7;
	s7 =	simm.s32 @!p0 $0x108  }
0x21: {  	s3 =	sadd.s32 s3, s9;
	s6 =	sadd.s32 @!p0 $0x88, s6;
	s7 =	simm.s32 @p2 $0x1082  }
0x22: {  	[simem:s7], [sflag:s8] =	dma.local @!p0 [hbm:s6], $0xF7A  }
0x23: {  	s9 =	sor.u32 $0xD0000000, s2;
	s6 =	simm.s32 $0x108;
	_ =	swait.ge @!p0 [sflag:s8], $0x0  }
0x24: {  	s3 =	sadd.s32 $0x88, s3;
	s6 =	simm.s32 @!p1 $0x1082;
	[sflag:s4] =	ssyncset.s32 $0xFFFFF086  }
0x25: {  	[simem:s6], [sflag:s4] =	dma.local [hbm:s3], $0xF7A  }
0x26: {  	[smem:$0x3F98] =	sst s1;
	(tag) =	ssettag s2;
	_ =	strace s9  }
0x27: {  	s1 =	sld [smem:$0x3FA8]  }
0x28: {  	s2 =	sld [smem:$0x3FA9]  }
0x29: {  	s4 =	sld [smem:$0x3FAB]  }
0x2a: {  	p0 =	seq.s32 s5, $0x0;
	s5 =	sld [smem:$0x3FAC]  }
0x2b: {  	s6 =	sld [smem:$0x3FAD]  }
0x2c: {  	s7 =	sld [smem:$0x3FAE]  }
0x2d: {  	s3 =	simm.s32 $0x108;
	s8 =	sld [smem:$0x3FAF]  }
0x2e: {  	s3 =	simm.s32 @!p0 $0x1082;
	s9 =	sld [smem:$0x3FB0]  }
0x2f: {  	lr =	sadd.s32 s0, s3;
	s0 =	sld [smem:$0x3FA7]  }
0x30: {  	s3 =	sld [smem:$0x3FAA]  }
0x31: {  	[smem:$0x3FB3] =	sst s10  }
0x32: {  	s10 =	sld [smem:$0x3FB1];
	_ =	sdelay $0x3  }
0x33: {  	p0 =	seq.s32 s10, $0x1;
	s10 =	sld [smem:$0x3FB3];
	_ =	sdelay $0x3  }
0x34: {  	[smem:$0x3FB3] =	sst s10  }
0x35: {  	s10 =	sld [smem:$0x3FB2];
	_ =	sdelay $0x3  }
0x36: {  	p1 =	seq.s32 s10, $0x1;
	s10 =	sld [smem:$0x3FB3];
	_ =	sdelay $0x3  }
0x37: {  	[smem:$0x3FB3] =	sst s10  }
0x38: {  	s10 =	sld [smem:$0x3FB4]  }
0x39: {  	_ = 	snop;
	(pc) =	sbr.ind lr, $3  }
0x3a: {  	_ = 	snop  }
0x3b: {  	_ = 	snop  }
0x3c: {  	p2 =	seq.s32 s10, $0x1;
	s10 =	sld [smem:$0x3FB3]  }
0x3d: {  	_ =	shalt  }
0x3e: {  	_ =	shalt  }
0x3f: {  	_ =	shalt  }
0x40: {  	_ =	shalt  }
0x41: {  	_ =	shalt  }
0x42: {  	_ =	shalt  }
0x43: {  	_ =	shalt  }
0x44: {  	_ =	shalt  }
0x45: {  	_ =	shalt  }
0x46: {  	_ =	shalt  }
0x47: {  	_ =	shalt  }
0x48: {  	_ =	shalt  }
0x49: {  	_ =	shalt  }
0x4a: {  	_ =	shalt  }
0x4b: {  	_ =	shalt  }
0x4c: {  	_ =	shalt  }
0x4d: {  	_ =	shalt  }
0x4e: {  	_ =	shalt  }
0x4f: {  	_ =	shalt  }
0x50: {  	_ =	shalt  }
0x51: {  	_ =	shalt  }
0x52: {  	_ =	shalt  }
0x53: {  	_ =	shalt  }
0x54: {  	_ =	shalt  }
0x55: {  	_ =	shalt  }
0x56: {  	_ =	shalt  }
0x57: {  	_ =	shalt  }
0x58: {  	_ =	shalt  }
0x59: {  	_ =	shalt  }
0x5a: {  	_ =	shalt  }
0x5b: {  	_ =	shalt  }
0x5c: {  	_ =	shalt  }
0x5d: {  	_ =	shalt  }
0x5e: {  	_ =	shalt  }
0x5f: {  	_ =	shalt  }
0x60: {  	_ =	shalt  }
0x61: {  	_ =	shalt  }
0x62: {  	_ =	shalt  }
0x63: {  	_ =	shalt  }
0x64: {  	_ =	shalt  }
0x65: {  	_ =	shalt  }
0x66: {  	_ =	shalt  }
0x67: {  	_ =	shalt  }
0x68: {  	_ =	shalt  }
0x69: {  	_ =	shalt  }
0x6a: {  	_ =	shalt  }
0x6b: {  	_ =	shalt  }
0x6c: {  	_ =	shalt  }
0x6d: {  	_ =	shalt  }
0x6e: {  	_ =	shalt  }
0x6f: {  	_ =	shalt  }
0x70: {  	_ =	shalt  }
0x71: {  	_ =	shalt  }
0x72: {  	_ =	shalt  }
0x73: {  	_ =	shalt  }
0x74: {  	_ =	shalt  }
0x75: {  	_ =	shalt  }
0x76: {  	_ =	shalt  }
0x77: {  	_ =	shalt  }
0x78: {  	_ =	shalt  }
0x79: {  	_ =	shalt  }
0x7a: {  	_ =	shalt  }
0x7b: {  	_ =	shalt  }
0x7c: {  	_ =	shalt  }
0x7d: {  	_ =	shalt  }
0x7e: {  	_ =	shalt  }
0x7f: {  	_ =	shalt  }
0x80: {  	_ =	shalt  }
0x81: {  	_ =	shalt  }
0x82: {  	_ =	shalt  }
0x83: {  	_ =	shalt  }
0x84: {  	_ =	shalt  }
0x85: {  	_ =	shalt  }
0x86: {  	_ =	shalt  }
0x87: {  	_ =	shalt  }
.Lfunc_end0:
.L_simem_size_0:
called_computation_lowered:
.L_overlay_start_0:
0x88: {  	s2 =	sld [smem:$0x3FD9]  }
0x89: {  	s3 =	sld [smem:$0x3FFE];
	_ =	sdelay $0x1  }
0x8a: {  	s1 =	srdreg.scid  }
0x8b: {  	s0 =	sand.u32 $0x1, s1  }
0x8c: {  	s16 =	sshll.u32 s0, $0xA;
	s2 =	sadd.s32 s3, s2  }
0x8d: {  	s2 =	sadd.s32 s2, s16  }
0x8e: {  	[smem:$0x3FBF] =	sst s2  }
0x8f: {  	_ = 	snop  }
0x90: {  	(tm) =	ssettm $0x1  }
0x91: {  	s17 =	sld [smem:$0x3FFB];
	_ =	sdelay $0x3  }
0x92: {  	_ =	strace s17  }
0x93: {  	s2 =	sld [smem:$0x3FFC];
	_ =	sdelay $0x3  }
0x94: {  	_ =	strace s2  }
0x95: {  	s2 =	sld [smem:$0x3FFD];
	_ =	sdelay $0x3  }
0x96: {  	_ =	strace s2  }
0x97: {  	_ =	strace $0x8FFFFFFF  }
0x98: {  	s18 =	sld [smem:$0x3FDB];
	_ =	sdelay $0x1  }
0x99: {  	s19 =	simm.s32 $_scs_section_size  }
0x9a: {  	s4 =	simm.s32 $_size__tile_overlayer_lowered;
	s5 =	simm.s32 $_tile_overlayer_lowered  }
0x9b: {  	s22 =	simm.s32 $0x1BFF;
	s21 =	sshll.u32 s5, $0x1;
	s2 =	sadd.s32 s19, s18  }
0x9c: {  	s6 =	simm.s32 $0x0;
	s20 =	sshll.u32 s4, $0x1;
	s4 =	sadd.s32 s21, s2  }
0x9d: {  	[timem:s6], [sflag:s22] =	dma.local [hbm:s4], s20  }
0x9e: {  	_ =	swait.ge [sflag:s22], s20  }
0x9f: {  	s3 =	ssub.s32 $0x0, s20;
	[sflag:s22] =	ssyncset.done $0x0  }
0xa0: {  	[sflag:s22] =	ssyncadd.s32 s3;
	_ =	sdelay $0x1  }
0xa1: {  	s23 =	simm.s32 $0x1B8B  }
0xa2: {  	_ =	swait.ge [sflag:s23], $0x1  }
0xa3: {  	[sflag:s23] =	ssyncset.done $0x0  }
0xa4: {  	s25 =	simm.s32 $0x1B8E;
	s24 =	sld [smem:$0x3FFE];
	[sflag:s23] =	ssyncadd.s32 $0xFFFFFFFF  }
0xa5: {  	s26 =	simm.s32 $execute0_lowered;
	[smem:$0x3FD2] =	sst s25  }
0xa6: {  	s4 =	sshll.u32 s26, $0x1;
	_ =	strace $0x80000046;
	[dreg:$0x1] =	wrdreg $0xFFFFFFFF  }
0xa7: {  	s28 =	simm.s32 $_size_execute0_lowered;
	s2 =	sadd.s32 s2, s4;
	[dreg:$0x0] =	wrdreg $0x0  }
0xa8: {  	s4 =	sshll.u32 s28, $0x1;
	[dreg:$0x2] =	wrdreg s2  }
0xa9: {  	[dreg:$0x3] =	wrdreg s4  }
0xaa: {  	[dreg:$0x4] =	wrdreg $0xC0  }
0xab: {  	_ =	task [dreg:s6], $0x5FFFF  }
0xac: {  	[dreg:$0x1] =	wrdreg $0xFFFFFFFF  }
0xad: {  	[dreg:$0x0] =	wrdreg $0x60  }
0xae: {  	[dreg:$0x2] =	wrdreg s24  }
0xaf: {  	[dreg:$0x3] =	wrdreg $0x82000  }
0xb0: {  	[dreg:$0x4] =	wrdreg $0x9  }
0xb1: {  	_ =	task.clear_ibuf [dreg:s6], $0x5FFFF;
	_ =	strace $0x90000046  }
0xb2: {  	s29 =	simm.s32 $0x9;
	_ =	strace $0x80000048  }
0xb3: {  	_ =	swait.ge [sflag:s29], $0x1  }
0xb4: {  	[sflag:s29] =	ssyncadd.s32 $0xFFFFFFFF  }
0xb5: {  	_ =	strace $0x90000048  }
0xb6: {  	_ =	sfence  }
0xb7: {  	s30 =	sld [smem:$0x0];
	_ =	sdelay $0x2  }
0xb8: {  	s31 =	sshll.u32 s1, $0xD;
	s1 =	sshrl.u32 s1, $0x2  }
0xb9: {  	s3 =	sand.u32 $0x4000, s31;
	s1 =	sadd.s32 s1, s30  }
0xba: {  	s0 =	sor.u32 s3, s0;
	s1 =	sshll.u32 s1, $0x11  }
0xbb: {  	s0 =	sor.u32 s1, s0  }
0xbc: {  	s0 =	sadd.s32 $0x8F2B, s0  }
0xbd: {  	[sflag:s0] =	ssyncadd.remote.s32 $0x1  }
0xbe: {  	_ =	sfence.sel $0xFFFF  }
0xbf: {  	[dreg:$0x0] =	wrdreg $0xFFFFFFFF;
	(pc) =	sbr.abs _section_cstart, $3  }
0xc0: {  	[dreg:$0x1] =	wrdreg $0xFFFFFFFF  }
0xc1: {  	_ =	task.clear_ibuf [dreg:s6], $0x2FFFF;
	_ =	strace $0x9FFFFFFF  }
0xc2: {  	(tm) =	ssettm $0x7FFFFFFF  }
0xc3: {  	_ =	shalt  }
tec
execute0_lowered:
.L_overlay_start_1:
0x0: {  	(tag) =	ssettag $0x1  }
0x1: {  	s0 =	rddreg [dreg:$0x0]  }
0x2: {  	s1 =	rddreg [dreg:$0x1]  }
0x3: {  	s2 =	simm.s32 $0x0;
	s5 =	srdreg.scid;
	s3 =	stileid.u32  }
0x4: {  	[smem:$0x7FF] =	sst s2;
	s4 =	sadd.s32 $0x2600, s0;
	s7 =	smul.u32 $0x4F000, s3  }
0x5: {  	s16 =	sand.u32 $0x1, s5;
	s11 =	smul.u32 $0x13C00, s3;
	s0 =	sadd.s32 $0xC400, s0  }
0x6: {  	s25 =	sshll.u32 s3, $0x6;
	s22 =	sshll.u32 s3, $0x7;
	_ =	strace $0x80000047  }
0x7: {  	s5 =	ssub.s32 $0x2, s16;
	s6 =	sshll.u32 s16, $0x4;
	[dreg:$0x3] =	wrdreg s25  }
0x8: {  	s19 =	sand.u32 $0x40, s25;
	s20 =	smul.u32 $0x13C000, s16;
	s28 =	sshll.u32 s16, $0xB  }
0x9: {  	s8 =	sshrl.u32 s5, $0x1;
	s9 =	sor.u32 s3, s6;
	s24 =	sshrl.u32 s7, $0x2  }
0xa: {  	s14 =	sadd.s32 $0x4000, s11;
	s15 =	sadd.s32 $0x8000, s11;
	s17 =	sadd.s32 $0xC000, s11  }
0xb: {  	s21 =	sadd.s32 $0x10000, s11;
	s30 =	sor.u32 s22, s28;
	s22 =	simm.s32 $0x3  }
0xc: {  	s18 =	ssub.s32 s5, s8;
	s23 =	ssub.s32 $0x9E3, s9;
	s6 =	sadd.s32 s24, s1  }
0xd: {  	s7 =	sadd.s32 s14, s1;
	s9 =	sshll.u32 s9, $0x7;
	s10 =	sadd.s32 s17, s1  }
0xe: {  	s13 =	sadd.s32 s11, s20;
	s11 =	sadd.s32 s21, s1;
	s14 =	sadd.s32 s20, s14  }
0xf: {  	s17 =	sadd.s32 s20, s17;
	s5 =	sshrl.u32 s23, $0x5;
	s12 =	sor.u32 s19, s9  }
0x10: {  	s9 =	sadd.s32 s15, s1;
	s13 =	sshrl.u32 s13, $0x3;
	s15 =	sadd.s32 s20, s15  }
0x11: {  	s14 =	sshrl.u32 s14, $0x3;
	s17 =	sshrl.u32 s17, $0x3;
	s20 =	sadd.s32 s20, s21  }
0x12: {  	s18 =	smax.u32 s18, $0x1;
	s21 =	simm.s32 $0x4200;
	s23 =	simm.s32 $0x1  }
0x13: {  	s12 =	sshrl.u32 s12, $0x3;
	s13 =	sadd.s32 s0, s13;
	s15 =	sshrl.u32 s15, $0x3  }
0x14: {  	s14 =	sadd.s32 s0, s14;
	s16 =	sadd.s32 s0, s17;
	s29 =	sshrl.u32 s20, $0x3  }
0x15: {  	s31 =	sadd.s32 $0x1, s5;
	s20 =	sor.u32 s19, s30;
	s12 =	sor.u32 $0x10, s12  }
0x16: {  	s15 =	sadd.s32 s0, s15;
	s17 =	sadd.s32 s0, s29;
	s26 =	sadd.s32 s4, s12  }
0x17: {  	v0 =	vimm.f32 $1.000000000e+00;
	v1 =	vimm.f32 $0.0e+00;
	s19 =	sand.u32 $0x5E, s31;
	s20 =	sor.u32 $0x1000, s20;
	[dreg:$0x4] =	wrdreg s26  }
.LBB2_1:
0x18: {  	s0 =	simm.s32 $0x0;
	s24 =	simm.s32 $0x200  }
.LBB2_2:
0x19: {  	p0 =	sne.s32 s24, $0xFE00;
	[tilespmem:s0+$0x4270] =	vst v1  }
0x1a: {  	[tilespmem:s0+$0x200] =	vst v0  }
0x1b: {  	[tilespmem:s0+$0x4200] =	vst v1  }
0x1c: {  	[tilespmem:s0+$0x210] =	vst v0  }
0x1d: {  	[tilespmem:s0+$0x4210] =	vst v1  }
0x1e: {  	[tilespmem:s0+$0x220] =	vst v0  }
0x1f: {  	[tilespmem:s0+$0x4220] =	vst v1  }
0x20: {  	[tilespmem:s0+$0x230] =	vst v0  }
0x21: {  	[tilespmem:s0+$0x4230] =	vst v1  }
0x22: {  	[tilespmem:s0+$0x240] =	vst v0  }
0x23: {  	[tilespmem:s0+$0x4240] =	vst v1  }
.Ltmp0:
0x24: {  	[tilespmem:s0+$0x250] =	vst v0;
	(pc) =	sbr.rel @p0 .LBB2_2-.Ltmp0, $4  }
0x25: {  	[tilespmem:s0+$0x4250] =	vst v1  }
0x26: {  	[tilespmem:s0+$0x260] =	vst v0  }
0x27: {  	[tilespmem:s0+$0x4260] =	vst v1  }
0x28: {  	[tilespmem:s0+$0x270] =	vst v0;
	s0 =	sshra.s32 s24, $0x2;
	s24 =	sadd.s32 $0x200, s24  }
0x29: {  	[tilespmem:s0+$0x4270] =	vst v1  }
0x2a: {  	[tilespmem:s0+$0x200] =	vst v0  }
0x2b: {  	[tilespmem:s0+$0x4200] =	vst v1  }
0x2c: {  	[tilespmem:s0+$0x210] =	vst v0  }
0x2d: {  	[tilespmem:s0+$0x4210] =	vst v1  }
0x2e: {  	[tilespmem:s0+$0x220] =	vst v0  }
0x2f: {  	[tilespmem:s0+$0x4220] =	vst v1  }
0x30: {  	[tilespmem:s0+$0x230] =	vst v0  }
0x31: {  	[tilespmem:s0+$0x4230] =	vst v1  }
0x32: {  	[tilespmem:s0+$0x240] =	vst v0  }
0x33: {  	[tilespmem:s0+$0x4240] =	vst v1  }
0x34: {  	[tilespmem:s0+$0x250] =	vst v0  }
0x35: {  	[tilespmem:s0+$0x4250] =	vst v1  }
0x36: {  	[tilespmem:s0+$0x260] =	vst v0  }
0x37: {  	[tilespmem:s0+$0x4260] =	vst v1  }
0x38: {  	[tilespmem:s0+$0x270] =	vst v0  }
0x39: {  	[spmem:s6] =	stream.linear.scatter [tilespmem:s21], [sflag:$0x3], $0x4000, $0x38;
	[tilespmem:$0x1BE00] =	vst v63  }
0x3a: {  	_ =	swait.ge [sflag:s22], $0x4000  }
0x3b: {  	[sflag:s22] =	ssyncset.done $0x0  }
0x3c: {  	[sflag:s22] =	ssyncadd.s32 $0xFFFFC000  }
0x3d: {  	[spmem:s7] =	stream.linear.scatter [tilespmem:s21], [sflag:$0x3], $0x4000, $0x38;
	[tilespmem:$0x1BE00] =	vst v63  }
0x3e: {  	_ =	swait.ge [sflag:s22], $0x4000  }
0x3f: {  	[sflag:s22] =	ssyncset.done $0x0  }
0x40: {  	[sflag:s22] =	ssyncadd.s32 $0xFFFFC000  }
0x41: {  	[spmem:s9] =	stream.linear.scatter [tilespmem:s21], [sflag:$0x3], $0x4000, $0x38;
	[tilespmem:$0x1BE00] =	vst v63  }
0x42: {  	_ =	swait.ge [sflag:s22], $0x4000  }
0x43: {  	[sflag:s22] =	ssyncset.done $0x0  }
0x44: {  	[sflag:s22] =	ssyncadd.s32 $0xFFFFC000  }
0x45: {  	[spmem:s10] =	stream.linear.scatter [tilespmem:s21], [sflag:$0x3], $0x4000, $0x38;
	[tilespmem:$0x1BE00] =	vst v63  }
0x46: {  	_ =	swait.ge [sflag:s22], $0x4000  }
0x47: {  	[sflag:s22] =	ssyncset.done $0x0  }
0x48: {  	[sflag:s22] =	ssyncadd.s32 $0xFFFFC000  }
0x49: {  	[spmem:s11] =	stream.linear.scatter [tilespmem:s21], [sflag:$0x3], $0x3C00, $0x38;
	[tilespmem:$0x1BE00] =	vst v63  }
0x4a: {  	_ =	swait.ge [sflag:s22], $0x3C00  }
0x4b: {  	[sflag:s22] =	ssyncset.done $0x0  }
0x4c: {  	[sflag:s22] =	ssyncadd.s32 $0xFFFFC400  }
0x4d: {  	[bflag:$0x0] =	sbarrier.arrive $0xFFFF  }
0x4e: {  	s26 =	simm.s32 $0x0;
	s3 =	rddreg [dreg:$0x4]  }
0x4f: {  	[tilespmem:s26], [sflag:$0x1] =	stream.linear.gather [hbm4b:s3+s26], $0x40, $0x38;
	[tilespmem:$0x1BE00] =	vst v63  }
0x50: {  	_ =	swait.ge [sflag:s23], $0x40  }
0x51: {  	[sflag:s23] =	ssyncset.done $0x0  }
0x52: {  	[sflag:s23] =	ssyncadd.s32 $0xFFFFFFC0  }
0x53: {  	v2 =	vld [tilespmem:$0x10];
	_ =	sdelay $0x3  }
0x54: {  	p1 =	sle.u32 s5, $0x1;
	v3 =	vld [tilespmem:$0x0]  }
0x55: {  	p2 =	sne.s32 s19, $0x2;
	p0 =	sle.u32 @!p1 s5, $0x2;
	v6 =	vld [tilespmem:$0x30];
	v4 =	vand.u32 $0xFFFF, v2;
	v2 =	vshra.s32 v2, $0x10  }
.Ltmp1:
0x56: {  	s29 =	smov.u32 s20;
	p0 =	por p0, p1;
	[tilespmem:$0x130] =	vst v2;
	v2 =	vld [tilespmem:$0x20];
	(pc) =	sbr.rel @!p2 .LBB2_5-.Ltmp1, $4  }
0x57: {  	s0 =	sshrl.u32 @!p1 s20, $0x3;
	s30 =	simm.s32 @!p1 $0x0;
	s24 =	sadd.s32 @!p0 $0x1000, s20  }
0x58: {  	s25 =	simm.s32 @!p1 $0x80;
	s0 =	sor.u32 @!p1 $0x10, s0;
	s24 =	sshrl.u32 @!p0 s24, $0x3  }
0x59: {  	s31 =	sadd.s32 @!p1 s4, s0;
	s0 =	sor.u32 @!p0 $0x10, s24;
	s24 =	simm.s32 @!p1 $0x3;
	v7 =	vand.u32 $0xFFFF, v3;
	[tilespmem:$0x120] =	vst v4  }
0x5a: {  	p1 =	por p1, p1;
	s28 =	sadd.s32 @!p0 s4, s0;
	s26 =	simm.s32 $0x2;
	v5 =	vshra.s32 v3, $0x10;
	v3 =	vshra.s32 v6, $0x10;
	v4 =	vand.u32 $0xFFFF, v6;
	[tilespmem:$0x100] =	vst v7  }
.LBB2_4:
0x5b: {  	[tilespmem:$0x110] =	vst v5;
	v5 =	vand.u32 $0xFFFF, v2;
	v2 =	vshra.s32 v2, $0x10;
	s29 =	sadd.s32 $0x2000, s29;
	s0 =	smov.u32 s26;
	s26 =	sadd.s32 $0x2, s26  }
0x5c: {  	p2 =	sne.s32 s19, s26;
	[tilespmem:$0x160] =	vst v4  }
0x5d: {  	[tilespmem:$0x170] =	vst v3  }
0x5e: {  	[tilespmem:$0x150] =	vst v2  }
0x5f: {  	s3 =	simm.s32 @p1 $0x80;
	s8 =	simm.s32 @p1 $0x100;
	s12 =	simm.s32 @p1 $0x200;
	[tilespmem:$0x140] =	vst v5  }
0x60: {  	[spmem:s1] =	stream.indirect.scatter.add.f32 @p1 [tilespmem:s12], [sflag:$0x4], $0x80, s8, s3, $0xb8;
	[tilespmem:$0x1BE00] =	vst v63  }
0x61: {  	_ = 	snop  }
0x62: {  	[tilespmem:s25], [sflag:$0x2] =	stream.linear.gather @!p1 [hbm4b:s31+s30], $0x40, $0x38;
	[tilespmem:$0x1BE00] =	vst v63  }
0x63: {  	s3 =	simm.s32 @!p1 $0x100;
	s8 =	simm.s32 @!p1 $0x200;
	s12 =	simm.s32 @!p1 $0x4  }
0x64: {  	[spmem:s1] =	stream.indirect.scatter.add.f32 @!p1 [tilespmem:s8], [sflag:$0x4], $0x80, s3, s25, $0xb8;
	[tilespmem:$0x1BE00] =	vst v63  }
0x65: {  	_ =	swait.ge @!p1 [sflag:s12], $0x4000  }
0x66: {  	[sflag:s12] =	ssyncset.done @!p1 $0x0  }
0x67: {  	s3 =	simm.s32 @!p1 $0x2;
	[sflag:s12] =	ssyncadd.s32 @!p1 $0xFFFFC000  }
0x68: {  	_ =	swait.ge @!p1 [sflag:s3], $0x40  }
0x69: {  	[sflag:s3] =	ssyncset.done @!p1 $0x0  }
0x6a: {  	[sflag:s3] =	ssyncadd.s32 @!p1 $0xFFFFFFC0  }
0x6b: {  	v2 =	vld @!p1 [tilespmem:$0x80]  }
0x6c: {  	v3 =	vld @!p1 [tilespmem:$0x90]  }
0x6d: {  	v4 =	vld @!p1 [tilespmem:$0xA0]  }
0x6e: {  	v5 =	vld @!p1 [tilespmem:$0xB0];
	_ =	sdelay $0x1  }
0x6f: {  	v6 =	vand.u32 @!p1 $0xFFFF, v2;
	v2 =	vshra.s32 @!p1 v2, $0x10  }
0x70: {  	[tilespmem:$0x180] =	vst @!p1 v6;
	v6 =	vand.u32 @!p1 $0xFFFF, v3;
	v3 =	vshra.s32 @!p1 v3, $0x10  }
0x71: {  	[tilespmem:$0x1A0] =	vst @!p1 v6;
	v6 =	vand.u32 @!p1 $0xFFFF, v4;
	v4 =	vshra.s32 @!p1 v4, $0x10  }
0x72: {  	[tilespmem:$0x1B0] =	vst @!p1 v3;
	v3 =	vand.u32 @!p1 $0xFFFF, v5;
	v5 =	vshra.s32 @!p1 v5, $0x10  }
0x73: {  	[tilespmem:$0x1E0] =	vst @!p1 v3  }
0x74: {  	[tilespmem:$0x1C0] =	vst @!p1 v6  }
0x75: {  	[tilespmem:$0x1F0] =	vst @!p1 v5  }
0x76: {  	[tilespmem:$0x190] =	vst @!p1 v2  }
0x77: {  	s12 =	simm.s32 @!p0 $0x0;
	s3 =	sadd.s32 $0x1, s0;
	[tilespmem:$0x1D0] =	vst @!p1 v4  }
0x78: {  	[tilespmem:s12], [sflag:$0x1] =	stream.linear.gather @!p0 [hbm4b:s28+s12], $0x40, $0x38;
	[tilespmem:$0x1BE00] =	vst v63  }
0x79: {  	s24 =	simm.s32 @p1 $0x4;
	p3 =	sge.u32 s3, s5;
	s3 =	simm.s32 @!p1 $0x180  }
0x7a: {  	[spmem:s1] =	stream.indirect.scatter.add.f32 @!p1 [tilespmem:s8], [sflag:$0x3], $0x80, s3, s25, $0xb8;
	[tilespmem:$0x1BE00] =	vst v63  }
0x7b: {  	s0 =	sadd.s32 @!p3 $0x2, s0;
	s3 =	sshrl.u32 @!p3 s29, $0x3;
	_ =	swait.ge [sflag:s24], $0x4000  }
0x7c: {  	p0 =	sge.u32 @!p3 s0, s5;
	s3 =	sor.u32 @!p3 $0x10, s3;
	[sflag:s24] =	ssyncset.done $0x0  }
0x7d: {  	s30 =	simm.s32 @!p3 $0x0;
	s25 =	simm.s32 @!p3 $0x80;
	[sflag:s24] =	ssyncadd.s32 $0xFFFFC000  }
0x7e: {  	p0 =	por p0, p3;
	s31 =	sadd.s32 @!p3 s4, s3;
	_ =	swait.ge [sflag:s23], $0x40  }
0x7f: {  	s0 =	sadd.s32 @!p0 $0x1000, s29;
	s24 =	simm.s32 @!p3 $0x3;
	[sflag:s23] =	ssyncset.done $0x0  }
0x80: {  	p1 =	por p3, p3;
	s0 =	sshrl.u32 @!p0 s0, $0x3;
	[sflag:s23] =	ssyncadd.s32 $0xFFFFFFC0  }
0x81: {  	s0 =	sor.u32 @!p0 $0x10, s0;
	v3 =	vld [tilespmem:$0x10]  }
0x82: {  	s28 =	sadd.s32 @!p0 s4, s0;
	v4 =	vld [tilespmem:$0x0]  }
0x83: {  	v6 =	vld [tilespmem:$0x30];
	_ =	sdelay $0x1  }
.Ltmp2:
0x84: {  	v2 =	vld [tilespmem:$0x20];
	(pc) =	sbr.rel @p2 .LBB2_4-.Ltmp2, $4  }
0x85: {  	v5 =	vand.u32 $0xFFFF, v3  }
0x86: {  	v3 =	vshra.s32 v3, $0x10;
	v7 =	vand.u32 $0xFFFF, v4;
	[tilespmem:$0x120] =	vst v5  }
0x87: {  	v5 =	vshra.s32 v4, $0x10;
	[tilespmem:$0x130] =	vst v3;
	v4 =	vand.u32 $0xFFFF, v6;
	v3 =	vshra.s32 v6, $0x10  }
0x88: {  	[tilespmem:$0x100] =	vst v7  }
.LBB2_5:
0x89: {  	[tilespmem:$0x110] =	vst v5  }
0x8a: {  	[tilespmem:$0x160] =	vst v4  }
0x8b: {  	v63 =	vshra.s32 v2, $0x10;
	[tilespmem:$0x170] =	vst v3  }
0x8c: {  	v2 =	vand.u32 $0xFFFF, v2;
	[tilespmem:$0x150] =	vst v63  }
0x8d: {  	s0 =	simm.s32 @p1 $0x80;
	s3 =	simm.s32 @p1 $0x100;
	s8 =	simm.s32 @p1 $0x200;
	[tilespmem:$0x140] =	vst v2  }
0x8e: {  	[spmem:s1] =	stream.indirect.scatter.add.f32 @p1 [tilespmem:s8], [sflag:$0x4], $0x80, s3, s0, $0xb8;
	[tilespmem:$0x1BE00] =	vst v63  }
0x8f: {  	_ = 	snop  }
0x90: {  	[tilespmem:s25], [sflag:$0x2] =	stream.linear.gather @!p1 [hbm4b:s31+s30], $0x40, $0x38;
	[tilespmem:$0x1BE00] =	vst v63  }
0x91: {  	s0 =	simm.s32 @!p1 $0x100;
	s3 =	simm.s32 @!p1 $0x200;
	s8 =	simm.s32 @!p1 $0x4  }
0x92: {  	[spmem:s1] =	stream.indirect.scatter.add.f32 @!p1 [tilespmem:s3], [sflag:$0x4], $0x80, s0, s25, $0xb8;
	[tilespmem:$0x1BE00] =	vst v63  }
0x93: {  	_ =	swait.ge @!p1 [sflag:s8], $0x4000  }
0x94: {  	[sflag:s8] =	ssyncset.done @!p1 $0x0  }
0x95: {  	s0 =	simm.s32 @!p1 $0x2;
	[sflag:s8] =	ssyncadd.s32 @!p1 $0xFFFFC000  }
0x96: {  	_ =	swait.ge @!p1 [sflag:s0], $0x40  }
0x97: {  	[sflag:s0] =	ssyncset.done @!p1 $0x0  }
0x98: {  	[sflag:s0] =	ssyncadd.s32 @!p1 $0xFFFFFFC0  }
0x99: {  	v2 =	vld @!p1 [tilespmem:$0x80];
	_ =	sdelay $0x1  }
0x9a: {  	v3 =	vld @!p1 [tilespmem:$0x90];
	_ =	sdelay $0x1  }
0x9b: {  	v4 =	vld @!p1 [tilespmem:$0xB0]  }
0x9c: {  	v5 =	vld @!p1 [tilespmem:$0xA0];
	v6 =	vand.u32 @!p1 $0xFFFF, v2  }
0x9d: {  	v2 =	vshra.s32 @!p1 v2, $0x10;
	[tilespmem:$0x180] =	vst @!p1 v6  }
0x9e: {  	v6 =	vand.u32 @!p1 $0xFFFF, v3;
	[tilespmem:$0x190] =	vst @!p1 v2  }
0x9f: {  	v3 =	vshra.s32 @!p1 v3, $0x10;
	[tilespmem:$0x1A0] =	vst @!p1 v6  }
0xa0: {  	[tilespmem:$0x1B0] =	vst @!p1 v3;
	v3 =	vand.u32 @!p1 $0xFFFF, v4  }
0xa1: {  	v6 =	vand.u32 @!p1 $0xFFFF, v5;
	[tilespmem:$0x1E0] =	vst @!p1 v3  }
0xa2: {  	v3 =	vshra.s32 @!p1 v4, $0x10;
	[tilespmem:$0x1C0] =	vst @!p1 v6  }
0xa3: {  	[tilespmem:$0x1F0] =	vst @!p1 v3;
	v3 =	vshra.s32 @!p1 v5, $0x10  }
0xa4: {  	s0 =	simm.s32 @!p0 $0x0;
	[tilespmem:$0x1D0] =	vst @!p1 v3  }
0xa5: {  	[tilespmem:s0], [sflag:$0x1] =	stream.linear.gather @!p0 [hbm4b:s28+s0], $0x40, $0x38;
	[tilespmem:$0x1BE00] =	vst v63  }
0xa6: {  	s24 =	simm.s32 @p1 $0x4;
	s0 =	simm.s32 @!p1 $0x180  }
0xa7: {  	[spmem:s1] =	stream.indirect.scatter.add.f32 @!p1 [tilespmem:s3], [sflag:$0x3], $0x80, s0, s25, $0xb8;
	[tilespmem:$0x1BE00] =	vst v63  }
0xa8: {  	_ =	swait.ge [sflag:s24], $0x4000  }
0xa9: {  	[sflag:s24] =	ssyncset.done $0x0  }
0xaa: {  	[sflag:s24] =	ssyncadd.s32 $0xFFFFC000  }
0xab: {  	[bflag:$0x0] =	sbarrier.arrive $0xFFFF  }
0xac: {  	s25 =	rddreg [dreg:$0x3]  }
0xad: {  	s26 =	sshrl.u32 s6, $0x3;
	s0 =	sor.u32 $0x1C03, s25  }
0xae: {  	[hbm:s13], [sflag:s0] =	dma.local [spmem:s26], $0x800  }
0xaf: {  	_ =	swait.ge [sflag:s22], $0x800  }
0xb0: {  	[sflag:s22] =	ssyncset.done $0x0  }
0xb1: {  	s28 =	sshrl.u32 s7, $0x3;
	[sflag:s22] =	ssyncadd.s32 $0xFFFFF800  }
0xb2: {  	[hbm:s14], [sflag:s0] =	dma.local [spmem:s28], $0x800  }
0xb3: {  	_ =	swait.ge [sflag:s22], $0x800  }
0xb4: {  	[sflag:s22] =	ssyncset.done $0x0  }
0xb5: {  	s29 =	sshrl.u32 s9, $0x3;
	[sflag:s22] =	ssyncadd.s32 $0xFFFFF800  }
0xb6: {  	[hbm:s15], [sflag:s0] =	dma.local [spmem:s29], $0x800  }
0xb7: {  	_ =	swait.ge [sflag:s22], $0x800  }
0xb8: {  	[sflag:s22] =	ssyncset.done $0x0  }
0xb9: {  	s30 =	sshrl.u32 s10, $0x3;
	[sflag:s22] =	ssyncadd.s32 $0xFFFFF800  }
0xba: {  	[hbm:s16], [sflag:s0] =	dma.local [spmem:s30], $0x800  }
0xbb: {  	s2 =	sadd.s32 $0x1, s2;
	_ =	swait.ge [sflag:s22], $0x800  }
0xbc: {  	p0 =	sne.s32 s2, s18;
	[sflag:s22] =	ssyncset.done $0x0  }
.Ltmp3:
0xbd: {  	s31 =	sshrl.u32 s11, $0x3;
	[sflag:s22] =	ssyncadd.s32 $0xFFFFF800;
	(pc) =	sbr.rel @p0 .LBB2_1-.Ltmp3, $4  }
0xbe: {  	[hbm:s17], [sflag:s0] =	dma.local [spmem:s31], $0x780  }
0xbf: {  	_ =	swait.ge [sflag:s22], $0x780  }
0xc0: {  	[sflag:s22] =	ssyncset.done $0x0  }
0xc1: {  	[sflag:s22] =	ssyncadd.s32 $0xFFFFF880  }
0xc2: {  	_ =	sfence.sel $0x180000  }
0xc3: {  	[bflag:$0x0] =	sbarrier.arrive $0xFFFF  }
0xc4: {  	_ =	strace $0x90000047  }
0xc5: {  	s0 =	stileid.u32;
	[bflag:$0x2] =	sbarrier.arrive $0xFFFF  }
0xc6: {  	p0 =	sne.s32 s0, $0x0;
	s0 =	rddreg [dreg:$0x2]  }
0xc7: {  	s0 =	sadd.s32 @!p0 $0x100000, s0  }
0xc8: {  	[sflag:s0] =	ssyncadd.tile.s32 @!p0 $0x1;
	_ =	shalt  }
.Lfunc_end2:
_tile_overlayer_lowered:
.L_overlay_start_2:
0xc9: {  	(tag) =	ssettag $0x2  }
0xca: {  	s0 =	rddreg [dreg:$0x0];
	s2 =	stileid.u32  }
0xcb: {  	s1 =	rddreg [dreg:$0x1];
	p0 =	sne.s32 s2, $0x0  }
0xcc: {  	s3 =	rddreg [dreg:$0x2];
	[bflag:$0x3] =	sbarrier.arrive $0xFFFF;
	s2 =	simm.s32 @!p0 $0x1C03  }
0xcd: {  	[timem:s3], [sflag:s2] =	dma.local @!p0 [hbm:s0], s1  }
0xce: {  	s0 =	simm.s32 @!p0 $0x3  }
0xcf: {  	_ =	swait.ge @!p0 [sflag:s0], s1  }
0xd0: {  	s1 =	ssub.s32 @!p0 $0x0, s1;
	[sflag:s0] =	ssyncset.done @!p0 $0x0  }
0xd1: {  	[sflag:s0] =	ssyncadd.s32 @!p0 s1  }
0xd2: {  	[bflag:$0x3] =	sbarrier.arrive $0xFFFF  }
0xd3: {  	_ =	shalt  }

</sc_bundles>
